<compile_context>
chip_gen: v7x
topology: tpu7x:2x2x1
jax: 0.10.2.dev20260603
libtpu: 0.0.44.dev20260713+nightly
codegen_flags: <defaults>
</compile_context>

<pallas_src>
import functools

import jax
import jax.numpy as jnp
from jax import lax
from jax.experimental import pallas as pl
from jax.experimental.pallas import tpu as pltpu
from jax.experimental.pallas import tpu_sc as plsc

N = 3200000
M = 100000
MP = 100352
NB = N // 128
NW = 32
CH = 64
SL = MP // 16

_mesh = plsc.VectorSubcoreMesh(core_axis_name="c", subcore_axis_name="s")
_params = pltpu.CompilerParams(use_tc_tiling_on_sc=False, needs_layout_passes=False)
_f32 = jnp.float32
_i32 = jnp.int32


def _worker_range(w):
    lo = (w * NB) // NW
    hi = ((w + 1) * NB) // NW
    return lo, hi


@functools.partial(
    pl.kernel,
    out_type=jax.ShapeDtypeStruct((2, MP, 8), _f32),
    mesh=_mesh,
    compiler_params=_params,
    scratch_types=[
        pltpu.VMEM_SHARED((MP, 8), _f32),
        pltpu.VMEM((CH, 1, 128), _i32),
        pltpu.VMEM((CH * 128,), _f32),
        pltpu.VMEM((CH * 128,), _f32),
        pltpu.VMEM((CH * 128,), _f32),
        pltpu.VMEM((128, 8), _f32),
        pltpu.VMEM((128, 8), _f32),
        pltpu.VMEM((128, 8), _f32),
        pltpu.VMEM((128, 8), _f32),
        pltpu.SemaphoreType.DMA,
        pltpu.SemaphoreType.DMA,
        pltpu.SemaphoreType.DMA,
        pltpu.SemaphoreType.DMA,
    ],
)
def _k_partials(xs, ys, zs, ids3, zeros8,
                pout, acc, ids_v, xs_v, ys_v, zs_v,
                vals_a, vals_b, vals_c, vals_d, sa, sb, sc_, sd):
    c = lax.axis_index("c")
    s = lax.axis_index("s")
    w = c * 16 + s

    zsl = pl.ds(s * SL, SL)
    pltpu.sync_copy(zeros8.at[zsl], acc.at[zsl])
    plsc.subcore_barrier()

    lane = lax.iota(_i32, 16)
    c0 = jnp.zeros((16,), _i32)
    c1 = jnp.ones((16,), _i32)
    c2 = jnp.full((16,), 2, _i32)
    c3 = jnp.full((16,), 3, _i32)
    onesv = jnp.ones((16,), _f32)

    lo, hi = _worker_range(w)
    nf = (hi - lo) // CH

    for vals_v in (vals_a, vals_b, vals_c, vals_d):
        for t in range(8):
            plsc.store_scatter(vals_v, [lane + 16 * t, c3], onesv)

    def build(j, vals_v):
        abase = j * 128
        for t in range(8):
            iv = lane + 16 * t
            sl = pl.ds(abase + 16 * t, 16)
            plsc.store_scatter(vals_v, [iv, c0], xs_v[sl])
            plsc.store_scatter(vals_v, [iv, c1], ys_v[sl])
            plsc.store_scatter(vals_v, [iv, c2], zs_v[sl])

    def chunk(k, _):
        base = lo + k * CH
        asl = pl.ds(base * 128, CH * 128)
        pltpu.sync_copy(ids3.at[pl.ds(base, CH)], ids_v)
        pltpu.sync_copy(xs.at[asl], xs_v)
        pltpu.sync_copy(ys.at[asl], ys_v)
        pltpu.sync_copy(zs.at[asl], zs_v)

        def blk(p, _):
            for jo, vals_v, sem in ((0, vals_a, sa), (1, vals_b, sb),
                                    (2, vals_c, sc_), (3, vals_d, sd)):
                j = 4 * p + jo

                @pl.when(p > 0)
                def _():
                    pltpu.make_async_copy(
                        vals_v, acc.at[ids_v.at[j, 0]], sem).wait()

                build(j, vals_v)
                pltpu.async_copy(vals_v, acc.at[ids_v.at[j, 0]], sem, add=True)
            return 0

        lax.fori_loop(0, CH // 4, blk, 0)
        pltpu.make_async_copy(vals_a, acc.at[ids_v.at[CH - 4, 0]], sa).wait()
        pltpu.make_async_copy(vals_b, acc.at[ids_v.at[CH - 3, 0]], sb).wait()
        pltpu.make_async_copy(vals_c, acc.at[ids_v.at[CH - 2, 0]], sc_).wait()
        pltpu.make_async_copy(vals_d, acc.at[ids_v.at[CH - 1, 0]], sd).wait()
        return 0

    lax.fori_loop(0, nf, chunk, 0)

    tl = lo + nf * CH

    def tblk(j, _):
        bsl = pl.ds((tl + j) * 128, 128)
        sl0 = pl.ds(0, 128)
        pltpu.sync_copy(ids3.at[pl.ds(tl + j, 1)], ids_v.at[pl.ds(0, 1)])
        pltpu.sync_copy(xs.at[bsl], xs_v.at[sl0])
        pltpu.sync_copy(ys.at[bsl], ys_v.at[sl0])
        pltpu.sync_copy(zs.at[bsl], zs_v.at[sl0])
        build(0, vals_a)
        pltpu.sync_copy(vals_a, acc.at[ids_v.at[0, 0]], add=True)
        return 0

    lax.fori_loop(0, hi - tl, tblk, 0)

    plsc.subcore_barrier()
    pltpu.sync_copy(acc.at[zsl], pout.at[c, zsl])


W = 2048


@functools.partial(
    pl.kernel,
    out_type=(
        jax.ShapeDtypeStruct((N,), _f32),
        jax.ShapeDtypeStruct((N,), _f32),
        jax.ShapeDtypeStruct((N,), _f32),
    ),
    mesh=_mesh,
    compiler_params=_params,
    scratch_types=[
        pltpu.VMEM((CH, 1, 128), _i32),
        pltpu.VMEM((CH * 128,), _f32),
        pltpu.VMEM((CH * 128,), _f32),
        pltpu.VMEM((CH * 128,), _f32),
        pltpu.VMEM((CH * 128,), _f32),
        pltpu.VMEM((CH * 128,), _f32),
        pltpu.VMEM((CH * 128,), _f32),
        pltpu.VMEM((W, 8), _f32),
        pltpu.VMEM((W, 8), _f32),
        pltpu.VMEM((128, 8), _f32),
        pltpu.VMEM((128, 8), _f32),
        pltpu.SemaphoreType.DMA,
        pltpu.SemaphoreType.DMA,
    ],
)
def _k_center(xs, ys, zs, ids3, part8, ox, oy, oz,
              ids_v, xs_v, ys_v, zs_v, ox_v, oy_v, oz_v,
              pa, pb, mra, mrb, sa, sb):
    c = lax.axis_index("c")
    s = lax.axis_index("s")
    w = c * 16 + s

    lane = lax.iota(_i32, 16)
    c0 = jnp.zeros((16,), _i32)
    c1 = jnp.ones((16,), _i32)
    c2 = jnp.full((16,), 2, _i32)
    c3 = jnp.full((16,), 3, _i32)
    pr2 = lane // 8
    pcol = lane - 8 * pr2

    lo, hi = _worker_range(w)
    nc = (hi - lo + CH - 1) // CH

    def chunk(k, _):
        base = jnp.minimum(lo + k * CH, hi - CH)
        asl = pl.ds(base * 128, CH * 128)
        pltpu.sync_copy(ids3.at[pl.ds(base, CH)], ids_v)
        pltpu.sync_copy(xs.at[asl], xs_v)
        pltpu.sync_copy(ys.at[asl], ys_v)
        pltpu.sync_copy(zs.at[asl], zs_v)

        start = jnp.minimum(ids_v[0, 0, pl.ds(0, 16)][0], MP - W)
        need = ids_v[CH - 1, 0, pl.ds(112, 16)][15] - start + 1

        @pl.when(need <= W)
        def _fast():
            psl = pl.ds(start, W)
            pltpu.sync_copy(part8.at[0, psl, :], pa)
            pltpu.sync_copy(part8.at[1, psl, :], pb)

            def comb(t, _):
                rows = pr2 + 2 * t
                v = (plsc.load_gather(pa, [rows, pcol])
                     + plsc.load_gather(pb, [rows, pcol]))
                plsc.store_scatter(pa, [rows, pcol], v)
                cnt = plsc.load_gather(pa, [rows, c3])
                plsc.store_scatter(pa, [rows, pcol], v / jnp.maximum(cnt, 1.0))
                return 0

            lax.fori_loop(0, (need + 1) // 2, comb, 0)

            def blk(j, _):
                abase = j * 128
                for t in range(8):
                    sl = pl.ds(abase + t * 16, 16)
                    rel = ids_v[j, 0, pl.ds(16 * t, 16)] - start
                    ox_v[sl] = xs_v[sl] - plsc.load_gather(pa, [rel, c0])
                    oy_v[sl] = ys_v[sl] - plsc.load_gather(pa, [rel, c1])
                    oz_v[sl] = zs_v[sl] - plsc.load_gather(pa, [rel, c2])
                return 0

            lax.fori_loop(0, CH, blk, 0)

        @pl.when(need > W)
        def _slow():
            def blk(j, _):
                da = pltpu.async_copy(part8.at[0].at[ids_v.at[j, 0]], mra, sa)
                db = pltpu.async_copy(part8.at[1].at[ids_v.at[j, 0]], mrb, sb)
                da.wait()
                db.wait()
                abase = j * 128
                for t in range(8):
                    sl = pl.ds(abase + t * 16, 16)
                    iv = lane + 16 * t
                    cnt = (plsc.load_gather(mra, [iv, c3])
                           + plsc.load_gather(mrb, [iv, c3]))
                    inv = 1.0 / jnp.maximum(cnt, 1.0)
                    mxv = (plsc.load_gather(mra, [iv, c0])
                           + plsc.load_gather(mrb, [iv, c0])) * inv
                    myv = (plsc.load_gather(mra, [iv, c1])
                           + plsc.load_gather(mrb, [iv, c1])) * inv
                    mzv = (plsc.load_gather(mra, [iv, c2])
                           + plsc.load_gather(mrb, [iv, c2])) * inv
                    ox_v[sl] = xs_v[sl] - mxv
                    oy_v[sl] = ys_v[sl] - myv
                    oz_v[sl] = zs_v[sl] - mzv
                return 0

            lax.fori_loop(0, CH, blk, 0)

        pltpu.sync_copy(ox_v, ox.at[asl])
        pltpu.sync_copy(oy_v, oy.at[asl])
        pltpu.sync_copy(oz_v, oz.at[asl])
        return 0

    lax.fori_loop(0, nc, chunk, 0)


def kernel(atoms_x, graph_batch):
    xs = atoms_x[:, 0]
    ys = atoms_x[:, 1]
    zs = atoms_x[:, 2]
    ids3 = graph_batch.reshape(NB, 1, 128)
    zeros8 = jnp.zeros((MP, 8), _f32)

    partial = _k_partials(xs, ys, zs, ids3, zeros8)
    ox, oy, oz = _k_center(xs, ys, zs, ids3, partial)
    return jnp.stack([ox, oy, oz], axis=1)

# --- scband reference (transcript-rebuilt; emitter-appended) ---
"""Pipeline reference for scband-normalizer-module-84361747628501 (READ-ONLY COPY).

The authoritative reference and input builder live on the scoring server;
editing this copy changes nothing except your own understanding.
"""

import jax, jax.numpy as jnp
import numpy as np

N = 3200000
NUM_MOLS = 100000

def setup_inputs(seed: int = 0) -> dict:
    key = jax.random.key(seed)
    k1, k2 = jax.random.split(key)
    atoms_x = jax.random.normal(k1, (N, 3), dtype=jnp.float32)
    graph_batch = jnp.sort(jax.random.randint(k2, (N,), 0, NUM_MOLS, dtype=jnp.int32))
    return {"atoms_x": atoms_x, "graph_batch": graph_batch}

def reference(atoms_x, graph_batch):
    # center=True path: per-molecule mean subtraction (vectorized segment reduce,
    # mathematically identical to the per-molecule python loop in the torch code)
    num_mols = NUM_MOLS
    sums = jax.ops.segment_sum(atoms_x, graph_batch, num_segments=num_mols)
    counts = jax.ops.segment_sum(jnp.ones((atoms_x.shape[0],), dtype=atoms_x.dtype), graph_batch, num_segments=num_mols)
    means = sums / jnp.clip(counts, 1.0)[:, None]
    centered = atoms_x - means[graph_batch]
    return centered

if __name__ == "__main__":
    import jax
    _d = setup_inputs()
    print(jax.jit(kernel)(*tuple(_d.values())))

</pallas_src>

<mosaic_0001>
#map = affine_map<(d0, d1) -> (0)>
#map1 = affine_map<(d0, d1) -> (0, 0, 0)>
#map2 = affine_map<(d0, d1) -> (0, 0)>
module attributes {stable_mosaic.version = 14 : i64} {
  func.func @_k_partials(%arg0: i32, %arg1: i32, %arg2: memref<3200000xf32, #tpu.memory_space<hbm>>, %arg3: memref<3200000xf32, #tpu.memory_space<hbm>>, %arg4: memref<3200000xf32, #tpu.memory_space<hbm>>, %arg5: memref<25000x1x128xi32, #tpu.memory_space<hbm>>, %arg6: memref<100352x8xf32, #tpu.memory_space<hbm>>, %arg7: memref<2x100352x8xf32, #tpu.memory_space<hbm>>, %arg8: memref<100352x8xf32, #tpu.memory_space<vmem_shared>>, %arg9: memref<64x1x128xi32, #tpu.memory_space<vmem>>, %arg10: memref<8192xf32, #tpu.memory_space<vmem>>, %arg11: memref<8192xf32, #tpu.memory_space<vmem>>, %arg12: memref<8192xf32, #tpu.memory_space<vmem>>, %arg13: memref<128x8xf32, #tpu.memory_space<vmem>>, %arg14: memref<128x8xf32, #tpu.memory_space<vmem>>, %arg15: memref<128x8xf32, #tpu.memory_space<vmem>>, %arg16: memref<128x8xf32, #tpu.memory_space<vmem>>, %arg17: memref<!tpu.dma_semaphore, #tpu.memory_space<semaphore_mem>>, %arg18: memref<!tpu.dma_semaphore, #tpu.memory_space<semaphore_mem>>, %arg19: memref<!tpu.dma_semaphore, #tpu.memory_space<semaphore_mem>>, %arg20: memref<!tpu.dma_semaphore, #tpu.memory_space<semaphore_mem>>) attributes {dimension_semantics = [#tpu.dimension_semantics<core_parallel>, #tpu.dimension_semantics<subcore_parallel>], iteration_bounds = array<i64: 2, 16>, scalar_prefetch = 0 : i64, scratch_operands = 13 : i64, tpu.core_type = #tpu.core_type<sc_vector_subcore>, window_params = [{transform_indices = #map}, {transform_indices = #map}, {transform_indices = #map}, {transform_indices = #map1}, {transform_indices = #map2}, {transform_indices = #map1}]} {
    %mul3A = arith.constant 16 : i32
    %mul3A_0 = arith.muli %arg0, %mul3A : i32
    %add3A = arith.addi %mul3A_0, %arg1 : i32
    %mul3A_1 = arith.constant 6272 : i32
    %mul3A_2 = arith.muli %arg1, %mul3A_1 : i32
    "tpu.region"() ({
      %run_scoped3A = tpu.sem_alloc : memref<!tpu.dma_semaphore, #tpu.memory_space<semaphore_mem>>
      %dma_start3A = arith.constant 0 : i32
      %dma_start3A_207 = tpu.memref_slice %arg8[%mul3A_2, %dma_start3A] : memref<100352x8xf32, #tpu.memory_space<vmem_shared>> -> memref<6272x8xf32, #tpu.memory_space<vmem_shared>>
      %dma_start3A_208 = arith.constant 0 : i32
      %dma_start3A_209 = tpu.memref_slice %arg6[%mul3A_2, %dma_start3A_208] : memref<100352x8xf32, #tpu.memory_space<hbm>> -> memref<6272x8xf32, #tpu.memory_space<hbm>>
      tpu.enqueue_dma source(%dma_start3A_209 : memref<6272x8xf32, #tpu.memory_space<hbm>>) target(%dma_start3A_207 : memref<6272x8xf32, #tpu.memory_space<vmem_shared>>) target_semaphore(%run_scoped3A : memref<!tpu.dma_semaphore, #tpu.memory_space<semaphore_mem>>)
      %dma_wait3A = arith.constant 0 : i32
      %dma_wait3A_210 = tpu.memref_slice %arg8[%mul3A_2, %dma_wait3A] : memref<100352x8xf32, #tpu.memory_space<vmem_shared>> -> memref<6272x8xf32, #tpu.memory_space<vmem_shared>>
      %dma_wait3A_211 = arith.constant 0 : i32
      %dma_wait3A_212 = tpu.memref_slice %arg6[%mul3A_2, %dma_wait3A_211] : memref<100352x8xf32, #tpu.memory_space<hbm>> -> memref<6272x8xf32, #tpu.memory_space<hbm>>
      tpu.wait_dma2 semaphore(%run_scoped3A : memref<!tpu.dma_semaphore, #tpu.memory_space<semaphore_mem>>) src(%dma_wait3A_212 : memref<6272x8xf32, #tpu.memory_space<hbm>>) dst(%dma_wait3A_210 : memref<6272x8xf32, #tpu.memory_space<vmem_shared>>)
      tpu.yield
    }) : () -> ()
    %barrier3A = arith.constant 0 : index
    tpu.barrier barrier_id(%barrier3A)
    %iota3A = tpu.iota {dimensions = array<i32: 0>} : vector<16xi32>
    %broadcast_in_dim3A = arith.constant 0 : i32
    %broadcast_in_dim3A_3 = vector.broadcast %broadcast_in_dim3A : i32 to vector<16xi32>
    %broadcast_in_dim3A_4 = arith.constant 1 : i32
    %broadcast_in_dim3A_5 = vector.broadcast %broadcast_in_dim3A_4 : i32 to vector<16xi32>
    %broadcast_in_dim3A_6 = arith.constant 2 : i32
    %broadcast_in_dim3A_7 = vector.broadcast %broadcast_in_dim3A_6 : i32 to vector<16xi32>
    %broadcast_in_dim3A_8 = arith.constant 3 : i32
    %broadcast_in_dim3A_9 = vector.broadcast %broadcast_in_dim3A_8 : i32 to vector<16xi32>
    %broadcast_in_dim3A_10 = arith.constant 1.000000e+00 : f32
    %broadcast_in_dim3A_11 = vector.broadcast %broadcast_in_dim3A_10 : f32 to vector<16xf32>
    %mul3A_12 = arith.constant 25000 : i32
    %mul3A_13 = arith.muli %add3A, %mul3A_12 : i32
    %jit3A = arith.constant 32 : i32
    %div3A = arith.divsi %mul3A_13, %jit3A : i32
    %sign3A = arith.constant 0 : i32
    %sign3A_14 = arith.cmpi sgt, %mul3A_13, %sign3A : i32
    %sign3A_15 = arith.extui %sign3A_14 : i1 to i32
    %sign3A_16 = arith.constant 0 : i32
    %sign3A_17 = arith.cmpi slt, %mul3A_13, %sign3A_16 : i32
    %sign3A_18 = arith.extui %sign3A_17 : i1 to i32
    %sign3A_19 = arith.subi %sign3A_15, %sign3A_18 : i32
    %sign3A_20 = arith.constant 0 : i32
    %sign3A_21 = arith.cmpi sgt, %jit3A, %sign3A_20 : i32
    %sign3A_22 = arith.extui %sign3A_21 : i1 to i32
    %sign3A_23 = arith.constant 0 : i32
    %sign3A_24 = arith.cmpi slt, %jit3A, %sign3A_23 : i32
    %sign3A_25 = arith.extui %sign3A_24 : i1 to i32
    %sign3A_26 = arith.subi %sign3A_22, %sign3A_25 : i32
    %ne3A = arith.cmpi ne, %sign3A_19, %sign3A_26 : i32
    %rem3A = arith.remsi %mul3A_13, %jit3A : i32
    %ne3A_27 = arith.constant 0 : i32
    %ne3A_28 = arith.cmpi ne, %rem3A, %ne3A_27 : i32
    %and3A = arith.andi %ne3A, %ne3A_28 : i1
    %sub3A = arith.constant 1 : i32
    %sub3A_29 = arith.subi %div3A, %sub3A : i32
    %select_n3A = arith.select %and3A, %sub3A_29, %div3A : i32
    %add3A_30 = arith.constant 1 : i32
    %add3A_31 = arith.addi %add3A, %add3A_30 : i32
    %mul3A_32 = arith.constant 25000 : i32
    %mul3A_33 = arith.muli %add3A_31, %mul3A_32 : i32
    %jit3A_34 = arith.constant 32 : i32
    %div3A_35 = arith.divsi %mul3A_33, %jit3A_34 : i32
    %sign3A_36 = arith.constant 0 : i32
    %sign3A_37 = arith.cmpi sgt, %mul3A_33, %sign3A_36 : i32
    %sign3A_38 = arith.extui %sign3A_37 : i1 to i32
    %sign3A_39 = arith.constant 0 : i32
    %sign3A_40 = arith.cmpi slt, %mul3A_33, %sign3A_39 : i32
    %sign3A_41 = arith.extui %sign3A_40 : i1 to i32
    %sign3A_42 = arith.subi %sign3A_38, %sign3A_41 : i32
    %sign3A_43 = arith.constant 0 : i32
    %sign3A_44 = arith.cmpi sgt, %jit3A_34, %sign3A_43 : i32
    %sign3A_45 = arith.extui %sign3A_44 : i1 to i32
    %sign3A_46 = arith.constant 0 : i32
    %sign3A_47 = arith.cmpi slt, %jit3A_34, %sign3A_46 : i32
    %sign3A_48 = arith.extui %sign3A_47 : i1 to i32
    %sign3A_49 = arith.subi %sign3A_45, %sign3A_48 : i32
    %ne3A_50 = arith.cmpi ne, %sign3A_42, %sign3A_49 : i32
    %rem3A_51 = arith.remsi %mul3A_33, %jit3A_34 : i32
    %ne3A_52 = arith.constant 0 : i32
    %ne3A_53 = arith.cmpi ne, %rem3A_51, %ne3A_52 : i32
    %and3A_54 = arith.andi %ne3A_50, %ne3A_53 : i1
    %sub3A_55 = arith.constant 1 : i32
    %sub3A_56 = arith.subi %div3A_35, %sub3A_55 : i32
    %select_n3A_57 = arith.select %and3A_54, %sub3A_56, %div3A_35 : i32
    %sub3A_58 = arith.subi %select_n3A_57, %select_n3A : i32
    %jit3A_59 = arith.constant 64 : i32
    %div3A_60 = arith.divsi %sub3A_58, %jit3A_59 : i32
    %sign3A_61 = arith.constant 0 : i32
    %sign3A_62 = arith.cmpi sgt, %sub3A_58, %sign3A_61 : i32
    %sign3A_63 = arith.extui %sign3A_62 : i1 to i32
    %sign3A_64 = arith.constant 0 : i32
    %sign3A_65 = arith.cmpi slt, %sub3A_58, %sign3A_64 : i32
    %sign3A_66 = arith.extui %sign3A_65 : i1 to i32
    %sign3A_67 = arith.subi %sign3A_63, %sign3A_66 : i32
    %sign3A_68 = arith.constant 0 : i32
    %sign3A_69 = arith.cmpi sgt, %jit3A_59, %sign3A_68 : i32
    %sign3A_70 = arith.extui %sign3A_69 : i1 to i32
    %sign3A_71 = arith.constant 0 : i32
    %sign3A_72 = arith.cmpi slt, %jit3A_59, %sign3A_71 : i32
    %sign3A_73 = arith.extui %sign3A_72 : i1 to i32
    %sign3A_74 = arith.subi %sign3A_70, %sign3A_73 : i32
    %ne3A_75 = arith.cmpi ne, %sign3A_67, %sign3A_74 : i32
    %rem3A_76 = arith.remsi %sub3A_58, %jit3A_59 : i32
    %ne3A_77 = arith.constant 0 : i32
    %ne3A_78 = arith.cmpi ne, %rem3A_76, %ne3A_77 : i32
    %and3A_79 = arith.andi %ne3A_75, %ne3A_78 : i1
    %sub3A_80 = arith.constant 1 : i32
    %sub3A_81 = arith.subi %div3A_60, %sub3A_80 : i32
    %select_n3A_82 = arith.select %and3A_79, %sub3A_81, %div3A_60 : i32
    %add3A_83 = arith.constant 0 : i32
    %add3A_84 = vector.broadcast %add3A_83 : i32 to vector<16xi32>
    %add3A_85 = arith.addi %iota3A, %add3A_84 : vector<16xi32>
    tpu.vector_store_idx %arg13[%add3A_85, %broadcast_in_dim3A_9], %broadcast_in_dim3A_11 : memref<128x8xf32, #tpu.memory_space<vmem>>[vector<16xi32>, vector<16xi32>], vector<16xf32>,
    %add3A_86 = arith.constant 16 : i32
    %add3A_87 = vector.broadcast %add3A_86 : i32 to vector<16xi32>
    %add3A_88 = arith.addi %iota3A, %add3A_87 : vector<16xi32>
    tpu.vector_store_idx %arg13[%add3A_88, %broadcast_in_dim3A_9], %broadcast_in_dim3A_11 : memref<128x8xf32, #tpu.memory_space<vmem>>[vector<16xi32>, vector<16xi32>], vector<16xf32>,
    %add3A_89 = arith.constant 32 : i32
    %add3A_90 = vector.broadcast %add3A_89 : i32 to vector<16xi32>
    %add3A_91 = arith.addi %iota3A, %add3A_90 : vector<16xi32>
    tpu.vector_store_idx %arg13[%add3A_91, %broadcast_in_dim3A_9], %broadcast_in_dim3A_11 : memref<128x8xf32, #tpu.memory_space<vmem>>[vector<16xi32>, vector<16xi32>], vector<16xf32>,
    %add3A_92 = arith.constant 48 : i32
    %add3A_93 = vector.broadcast %add3A_92 : i32 to vector<16xi32>
    %add3A_94 = arith.addi %iota3A, %add3A_93 : vector<16xi32>
    tpu.vector_store_idx %arg13[%add3A_94, %broadcast_in_dim3A_9], %broadcast_in_dim3A_11 : memref<128x8xf32, #tpu.memory_space<vmem>>[vector<16xi32>, vector<16xi32>], vector<16xf32>,
    %add3A_95 = arith.constant 64 : i32
    %add3A_96 = vector.broadcast %add3A_95 : i32 to vector<16xi32>
    %add3A_97 = arith.addi %iota3A, %add3A_96 : vector<16xi32>
    tpu.vector_store_idx %arg13[%add3A_97, %broadcast_in_dim3A_9], %broadcast_in_dim3A_11 : memref<128x8xf32, #tpu.memory_space<vmem>>[vector<16xi32>, vector<16xi32>], vector<16xf32>,
    %add3A_98 = arith.constant 80 : i32
    %add3A_99 = vector.broadcast %add3A_98 : i32 to vector<16xi32>
    %add3A_100 = arith.addi %iota3A, %add3A_99 : vector<16xi32>
    tpu.vector_store_idx %arg13[%add3A_100, %broadcast_in_dim3A_9], %broadcast_in_dim3A_11 : memref<128x8xf32, #tpu.memory_space<vmem>>[vector<16xi32>, vector<16xi32>], vector<16xf32>,
    %add3A_101 = arith.constant 96 : i32
    %add3A_102 = vector.broadcast %add3A_101 : i32 to vector<16xi32>
    %add3A_103 = arith.addi %iota3A, %add3A_102 : vector<16xi32>
    tpu.vector_store_idx %arg13[%add3A_103, %broadcast_in_dim3A_9], %broadcast_in_dim3A_11 : memref<128x8xf32, #tpu.memory_space<vmem>>[vector<16xi32>, vector<16xi32>], vector<16xf32>,
    %add3A_104 = arith.constant 112 : i32
    %add3A_105 = vector.broadcast %add3A_104 : i32 to vector<16xi32>
    %add3A_106 = arith.addi %iota3A, %add3A_105 : vector<16xi32>
    tpu.vector_store_idx %arg13[%add3A_106, %broadcast_in_dim3A_9], %broadcast_in_dim3A_11 : memref<128x8xf32, #tpu.memory_space<vmem>>[vector<16xi32>, vector<16xi32>], vector<16xf32>,
    %add3A_107 = arith.constant 0 : i32
    %add3A_108 = vector.broadcast %add3A_107 : i32 to vector<16xi32>
    %add3A_109 = arith.addi %iota3A, %add3A_108 : vector<16xi32>
    tpu.vector_store_idx %arg14[%add3A_109, %broadcast_in_dim3A_9], %broadcast_in_dim3A_11 : memref<128x8xf32, #tpu.memory_space<vmem>>[vector<16xi32>, vector<16xi32>], vector<16xf32>,
    %add3A_110 = arith.constant 16 : i32
    %add3A_111 = vector.broadcast %add3A_110 : i32 to vector<16xi32>
    %add3A_112 = arith.addi %iota3A, %add3A_111 : vector<16xi32>
    tpu.vector_store_idx %arg14[%add3A_112, %broadcast_in_dim3A_9], %broadcast_in_dim3A_11 : memref<128x8xf32, #tpu.memory_space<vmem>>[vector<16xi32>, vector<16xi32>], vector<16xf32>,
    %add3A_113 = arith.constant 32 : i32
    %add3A_114 = vector.broadcast %add3A_113 : i32 to vector<16xi32>
    %add3A_115 = arith.addi %iota3A, %add3A_114 : vector<16xi32>
    tpu.vector_store_idx %arg14[%add3A_115, %broadcast_in_dim3A_9], %broadcast_in_dim3A_11 : memref<128x8xf32, #tpu.memory_space<vmem>>[vector<16xi32>, vector<16xi32>], vector<16xf32>,
    %add3A_116 = arith.constant 48 : i32
    %add3A_117 = vector.broadcast %add3A_116 : i32 to vector<16xi32>
    %add3A_118 = arith.addi %iota3A, %add3A_117 : vector<16xi32>
    tpu.vector_store_idx %arg14[%add3A_118, %broadcast_in_dim3A_9], %broadcast_in_dim3A_11 : memref<128x8xf32, #tpu.memory_space<vmem>>[vector<16xi32>, vector<16xi32>], vector<16xf32>,
    %add3A_119 = arith.constant 64 : i32
    %add3A_120 = vector.broadcast %add3A_119 : i32 to vector<16xi32>
    %add3A_121 = arith.addi %iota3A, %add3A_120 : vector<16xi32>
    tpu.vector_store_idx %arg14[%add3A_121, %broadcast_in_dim3A_9], %broadcast_in_dim3A_11 : memref<128x8xf32, #tpu.memory_space<vmem>>[vector<16xi32>, vector<16xi32>], vector<16xf32>,
    %add3A_122 = arith.constant 80 : i32
    %add3A_123 = vector.broadcast %add3A_122 : i32 to vector<16xi32>
    %add3A_124 = arith.addi %iota3A, %add3A_123 : vector<16xi32>
    tpu.vector_store_idx %arg14[%add3A_124, %broadcast_in_dim3A_9], %broadcast_in_dim3A_11 : memref<128x8xf32, #tpu.memory_space<vmem>>[vector<16xi32>, vector<16xi32>], vector<16xf32>,
    %add3A_125 = arith.constant 96 : i32
    %add3A_126 = vector.broadcast %add3A_125 : i32 to vector<16xi32>
    %add3A_127 = arith.addi %iota3A, %add3A_126 : vector<16xi32>
    tpu.vector_store_idx %arg14[%add3A_127, %broadcast_in_dim3A_9], %broadcast_in_dim3A_11 : memref<128x8xf32, #tpu.memory_space<vmem>>[vector<16xi32>, vector<16xi32>], vector<16xf32>,
    %add3A_128 = arith.constant 112 : i32
    %add3A_129 = vector.broadcast %add3A_128 : i32 to vector<16xi32>
    %add3A_130 = arith.addi %iota3A, %add3A_129 : vector<16xi32>
    tpu.vector_store_idx %arg14[%add3A_130, %broadcast_in_dim3A_9], %broadcast_in_dim3A_11 : memref<128x8xf32, #tpu.memory_space<vmem>>[vector<16xi32>, vector<16xi32>], vector<16xf32>,
    %add3A_131 = arith.constant 0 : i32
    %add3A_132 = vector.broadcast %add3A_131 : i32 to vector<16xi32>
    %add3A_133 = arith.addi %iota3A, %add3A_132 : vector<16xi32>
    tpu.vector_store_idx %arg15[%add3A_133, %broadcast_in_dim3A_9], %broadcast_in_dim3A_11 : memref<128x8xf32, #tpu.memory_space<vmem>>[vector<16xi32>, vector<16xi32>], vector<16xf32>,
    %add3A_134 = arith.constant 16 : i32
    %add3A_135 = vector.broadcast %add3A_134 : i32 to vector<16xi32>
    %add3A_136 = arith.addi %iota3A, %add3A_135 : vector<16xi32>
    tpu.vector_store_idx %arg15[%add3A_136, %broadcast_in_dim3A_9], %broadcast_in_dim3A_11 : memref<128x8xf32, #tpu.memory_space<vmem>>[vector<16xi32>, vector<16xi32>], vector<16xf32>,
    %add3A_137 = arith.constant 32 : i32
    %add3A_138 = vector.broadcast %add3A_137 : i32 to vector<16xi32>
    %add3A_139 = arith.addi %iota3A, %add3A_138 : vector<16xi32>
    tpu.vector_store_idx %arg15[%add3A_139, %broadcast_in_dim3A_9], %broadcast_in_dim3A_11 : memref<128x8xf32, #tpu.memory_space<vmem>>[vector<16xi32>, vector<16xi32>], vector<16xf32>,
    %add3A_140 = arith.constant 48 : i32
    %add3A_141 = vector.broadcast %add3A_140 : i32 to vector<16xi32>
    %add3A_142 = arith.addi %iota3A, %add3A_141 : vector<16xi32>
    tpu.vector_store_idx %arg15[%add3A_142, %broadcast_in_dim3A_9], %broadcast_in_dim3A_11 : memref<128x8xf32, #tpu.memory_space<vmem>>[vector<16xi32>, vector<16xi32>], vector<16xf32>,
    %add3A_143 = arith.constant 64 : i32
    %add3A_144 = vector.broadcast %add3A_143 : i32 to vector<16xi32>
    %add3A_145 = arith.addi %iota3A, %add3A_144 : vector<16xi32>
    tpu.vector_store_idx %arg15[%add3A_145, %broadcast_in_dim3A_9], %broadcast_in_dim3A_11 : memref<128x8xf32, #tpu.memory_space<vmem>>[vector<16xi32>, vector<16xi32>], vector<16xf32>,
    %add3A_146 = arith.constant 80 : i32
    %add3A_147 = vector.broadcast %add3A_146 : i32 to vector<16xi32>
    %add3A_148 = arith.addi %iota3A, %add3A_147 : vector<16xi32>
    tpu.vector_store_idx %arg15[%add3A_148, %broadcast_in_dim3A_9], %broadcast_in_dim3A_11 : memref<128x8xf32, #tpu.memory_space<vmem>>[vector<16xi32>, vector<16xi32>], vector<16xf32>,
    %add3A_149 = arith.constant 96 : i32
    %add3A_150 = vector.broadcast %add3A_149 : i32 to vector<16xi32>
    %add3A_151 = arith.addi %iota3A, %add3A_150 : vector<16xi32>
    tpu.vector_store_idx %arg15[%add3A_151, %broadcast_in_dim3A_9], %broadcast_in_dim3A_11 : memref<128x8xf32, #tpu.memory_space<vmem>>[vector<16xi32>, vector<16xi32>], vector<16xf32>,
    %add3A_152 = arith.constant 112 : i32
    %add3A_153 = vector.broadcast %add3A_152 : i32 to vector<16xi32>
    %add3A_154 = arith.addi %iota3A, %add3A_153 : vector<16xi32>
    tpu.vector_store_idx %arg15[%add3A_154, %broadcast_in_dim3A_9], %broadcast_in_dim3A_11 : memref<128x8xf32, #tpu.memory_space<vmem>>[vector<16xi32>, vector<16xi32>], vector<16xf32>,
    %add3A_155 = arith.constant 0 : i32
    %add3A_156 = vector.broadcast %add3A_155 : i32 to vector<16xi32>
    %add3A_157 = arith.addi %iota3A, %add3A_156 : vector<16xi32>
    tpu.vector_store_idx %arg16[%add3A_157, %broadcast_in_dim3A_9], %broadcast_in_dim3A_11 : memref<128x8xf32, #tpu.memory_space<vmem>>[vector<16xi32>, vector<16xi32>], vector<16xf32>,
    %add3A_158 = arith.constant 16 : i32
    %add3A_159 = vector.broadcast %add3A_158 : i32 to vector<16xi32>
    %add3A_160 = arith.addi %iota3A, %add3A_159 : vector<16xi32>
    tpu.vector_store_idx %arg16[%add3A_160, %broadcast_in_dim3A_9], %broadcast_in_dim3A_11 : memref<128x8xf32, #tpu.memory_space<vmem>>[vector<16xi32>, vector<16xi32>], vector<16xf32>,
    %add3A_161 = arith.constant 32 : i32
    %add3A_162 = vector.broadcast %add3A_161 : i32 to vector<16xi32>
    %add3A_163 = arith.addi %iota3A, %add3A_162 : vector<16xi32>
    tpu.vector_store_idx %arg16[%add3A_163, %broadcast_in_dim3A_9], %broadcast_in_dim3A_11 : memref<128x8xf32, #tpu.memory_space<vmem>>[vector<16xi32>, vector<16xi32>], vector<16xf32>,
    %add3A_164 = arith.constant 48 : i32
    %add3A_165 = vector.broadcast %add3A_164 : i32 to vector<16xi32>
    %add3A_166 = arith.addi %iota3A, %add3A_165 : vector<16xi32>
    tpu.vector_store_idx %arg16[%add3A_166, %broadcast_in_dim3A_9], %broadcast_in_dim3A_11 : memref<128x8xf32, #tpu.memory_space<vmem>>[vector<16xi32>, vector<16xi32>], vector<16xf32>,
    %add3A_167 = arith.constant 64 : i32
    %add3A_168 = vector.broadcast %add3A_167 : i32 to vector<16xi32>
    %add3A_169 = arith.addi %iota3A, %add3A_168 : vector<16xi32>
    tpu.vector_store_idx %arg16[%add3A_169, %broadcast_in_dim3A_9], %broadcast_in_dim3A_11 : memref<128x8xf32, #tpu.memory_space<vmem>>[vector<16xi32>, vector<16xi32>], vector<16xf32>,
    %add3A_170 = arith.constant 80 : i32
    %add3A_171 = vector.broadcast %add3A_170 : i32 to vector<16xi32>
    %add3A_172 = arith.addi %iota3A, %add3A_171 : vector<16xi32>
    tpu.vector_store_idx %arg16[%add3A_172, %broadcast_in_dim3A_9], %broadcast_in_dim3A_11 : memref<128x8xf32, #tpu.memory_space<vmem>>[vector<16xi32>, vector<16xi32>], vector<16xf32>,
    %add3A_173 = arith.constant 96 : i32
    %add3A_174 = vector.broadcast %add3A_173 : i32 to vector<16xi32>
    %add3A_175 = arith.addi %iota3A, %add3A_174 : vector<16xi32>
    tpu.vector_store_idx %arg16[%add3A_175, %broadcast_in_dim3A_9], %broadcast_in_dim3A_11 : memref<128x8xf32, #tpu.memory_space<vmem>>[vector<16xi32>, vector<16xi32>], vector<16xf32>,
    %add3A_176 = arith.constant 112 : i32
    %add3A_177 = vector.broadcast %add3A_176 : i32 to vector<16xi32>
    %add3A_178 = arith.addi %iota3A, %add3A_177 : vector<16xi32>
    tpu.vector_store_idx %arg16[%add3A_178, %broadcast_in_dim3A_9], %broadcast_in_dim3A_11 : memref<128x8xf32, #tpu.memory_space<vmem>>[vector<16xi32>, vector<16xi32>], vector<16xf32>,
    %while3A = arith.constant 0 : i32
    %while3A_179 = arith.constant 0 : i32
    %while3A_180 = arith.subi %select_n3A_82, %while3A : i32
    %while3A_181 = arith.addi %while3A, %while3A_180 : i32
    %while3A_182 = arith.constant 1 : i32
    %while3A_183 = arith.divsi %while3A_180, %while3A_182 : i32
    %while3A_184 = arith.muli %while3A_183, %while3A_182 : i32
    %while3A_185 = arith.addi %while3A, %while3A_184 : i32
    %while3A_186 = arith.constant 1 : i32
    %while3A_187 = scf.for %while3A_207 = %while3A to %while3A_185 step %while3A_186 iter_args(%while3A_208 = %while3A_179) -> (i32)  : i32 {
      %mul3A_209 = arith.constant 64 : i32
      %mul3A_210 = arith.muli %while3A_207, %mul3A_209 : i32
      %add3A_211 = arith.addi %select_n3A, %mul3A_210 : i32
      %mul3A_212 = arith.constant 128 : i32
      %mul3A_213 = arith.muli %add3A_211, %mul3A_212 : i32
      "tpu.region"() ({
        %run_scoped3A = tpu.sem_alloc : memref<!tpu.dma_semaphore, #tpu.memory_space<semaphore_mem>>
        %dma_start3A = arith.constant 0 : i32
        %dma_start3A_252 = arith.constant 0 : i32
        %dma_start3A_253 = tpu.memref_slice %arg5[%add3A_211, %dma_start3A, %dma_start3A_252] : memref<25000x1x128xi32, #tpu.memory_space<hbm>> -> memref<64x1x128xi32, #tpu.memory_space<hbm>>
        %dma_start3A_254 = arith.constant 0 : i32
        %dma_start3A_255 = arith.constant 0 : i32
        %dma_start3A_256 = tpu.memref_slice %arg5[%add3A_211, %dma_start3A_254, %dma_start3A_255] : memref<25000x1x128xi32, #tpu.memory_space<hbm>> -> memref<64x1x128xi32, #tpu.memory_space<hbm>>
        tpu.enqueue_dma source(%dma_start3A_256 : memref<64x1x128xi32, #tpu.memory_space<hbm>>) target(%arg9 : memref<64x1x128xi32, #tpu.memory_space<vmem>>) target_semaphore(%run_scoped3A : memref<!tpu.dma_semaphore, #tpu.memory_space<semaphore_mem>>)
        %dma_wait3A_257 = arith.constant 0 : i32
        %dma_wait3A_258 = arith.constant 0 : i32
        %dma_wait3A_259 = tpu.memref_slice %arg5[%add3A_211, %dma_wait3A_257, %dma_wait3A_258] : memref<25000x1x128xi32, #tpu.memory_space<hbm>> -> memref<64x1x128xi32, #tpu.memory_space<hbm>>
        %dma_wait3A_260 = arith.constant 0 : i32
        %dma_wait3A_261 = arith.constant 0 : i32
        %dma_wait3A_262 = tpu.memref_slice %arg5[%add3A_211, %dma_wait3A_260, %dma_wait3A_261] : memref<25000x1x128xi32, #tpu.memory_space<hbm>> -> memref<64x1x128xi32, #tpu.memory_space<hbm>>
        tpu.wait_dma2 semaphore(%run_scoped3A : memref<!tpu.dma_semaphore, #tpu.memory_space<semaphore_mem>>) src(%dma_wait3A_262 : memref<64x1x128xi32, #tpu.memory_space<hbm>>) dst(%arg9 : memref<64x1x128xi32, #tpu.memory_space<vmem>>)
        tpu.yield
      }) : () -> ()
      "tpu.region"() ({
        %run_scoped3A = tpu.sem_alloc : memref<!tpu.dma_semaphore, #tpu.memory_space<semaphore_mem>>
        %dma_start3A = tpu.memref_slice %arg2[%mul3A_213] : memref<3200000xf32, #tpu.memory_space<hbm>> -> memref<8192xf32, #tpu.memory_space<hbm>>
        %dma_start3A_252 = tpu.memref_slice %arg2[%mul3A_213] : memref<3200000xf32, #tpu.memory_space<hbm>> -> memref<8192xf32, #tpu.memory_space<hbm>>
        tpu.enqueue_dma source(%dma_start3A_252 : memref<8192xf32, #tpu.memory_space<hbm>>) target(%arg10 : memref<8192xf32, #tpu.memory_space<vmem>>) target_semaphore(%run_scoped3A : memref<!tpu.dma_semaphore, #tpu.memory_space<semaphore_mem>>)
        %dma_wait3A_253 = tpu.memref_slice %arg2[%mul3A_213] : memref<3200000xf32, #tpu.memory_space<hbm>> -> memref<8192xf32, #tpu.memory_space<hbm>>
        %dma_wait3A_254 = tpu.memref_slice %arg2[%mul3A_213] : memref<3200000xf32, #tpu.memory_space<hbm>> -> memref<8192xf32, #tpu.memory_space<hbm>>
        tpu.wait_dma2 semaphore(%run_scoped3A : memref<!tpu.dma_semaphore, #tpu.memory_space<semaphore_mem>>) src(%dma_wait3A_254 : memref<8192xf32, #tpu.memory_space<hbm>>) dst(%arg10 : memref<8192xf32, #tpu.memory_space<vmem>>)
        tpu.yield
      }) : () -> ()
      "tpu.region"() ({
        %run_scoped3A = tpu.sem_alloc : memref<!tpu.dma_semaphore, #tpu.memory_space<semaphore_mem>>
        %dma_start3A = tpu.memref_slice %arg3[%mul3A_213] : memref<3200000xf32, #tpu.memory_space<hbm>> -> memref<8192xf32, #tpu.memory_space<hbm>>
        %dma_start3A_252 = tpu.memref_slice %arg3[%mul3A_213] : memref<3200000xf32, #tpu.memory_space<hbm>> -> memref<8192xf32, #tpu.memory_space<hbm>>
        tpu.enqueue_dma source(%dma_start3A_252 : memref<8192xf32, #tpu.memory_space<hbm>>) target(%arg11 : memref<8192xf32, #tpu.memory_space<vmem>>) target_semaphore(%run_scoped3A : memref<!tpu.dma_semaphore, #tpu.memory_space<semaphore_mem>>)
        %dma_wait3A_253 = tpu.memref_slice %arg3[%mul3A_213] : memref<3200000xf32, #tpu.memory_space<hbm>> -> memref<8192xf32, #tpu.memory_space<hbm>>
        %dma_wait3A_254 = tpu.memref_slice %arg3[%mul3A_213] : memref<3200000xf32, #tpu.memory_space<hbm>> -> memref<8192xf32, #tpu.memory_space<hbm>>
        tpu.wait_dma2 semaphore(%run_scoped3A : memref<!tpu.dma_semaphore, #tpu.memory_space<semaphore_mem>>) src(%dma_wait3A_254 : memref<8192xf32, #tpu.memory_space<hbm>>) dst(%arg11 : memref<8192xf32, #tpu.memory_space<vmem>>)
        tpu.yield
      }) : () -> ()
      "tpu.region"() ({
        %run_scoped3A = tpu.sem_alloc : memref<!tpu.dma_semaphore, #tpu.memory_space<semaphore_mem>>
        %dma_start3A = tpu.memref_slice %arg4[%mul3A_213] : memref<3200000xf32, #tpu.memory_space<hbm>> -> memref<8192xf32, #tpu.memory_space<hbm>>
        %dma_start3A_252 = tpu.memref_slice %arg4[%mul3A_213] : memref<3200000xf32, #tpu.memory_space<hbm>> -> memref<8192xf32, #tpu.memory_space<hbm>>
        tpu.enqueue_dma source(%dma_start3A_252 : memref<8192xf32, #tpu.memory_space<hbm>>) target(%arg12 : memref<8192xf32, #tpu.memory_space<vmem>>) target_semaphore(%run_scoped3A : memref<!tpu.dma_semaphore, #tpu.memory_space<semaphore_mem>>)
        %dma_wait3A_253 = tpu.memref_slice %arg4[%mul3A_213] : memref<3200000xf32, #tpu.memory_space<hbm>> -> memref<8192xf32, #tpu.memory_space<hbm>>
        %dma_wait3A_254 = tpu.memref_slice %arg4[%mul3A_213] : memref<3200000xf32, #tpu.memory_space<hbm>> -> memref<8192xf32, #tpu.memory_space<hbm>>
        tpu.wait_dma2 semaphore(%run_scoped3A : memref<!tpu.dma_semaphore, #tpu.memory_space<semaphore_mem>>) src(%dma_wait3A_254 : memref<8192xf32, #tpu.memory_space<hbm>>) dst(%arg12 : memref<8192xf32, #tpu.memory_space<vmem>>)
        tpu.yield
      }) : () -> ()
      %scan3A = arith.constant 0 : i32
      %scan3A_214 = arith.constant 0 : i32
      %scan3A_215 = arith.constant 16 : i32
      %scan3A_216 = arith.addi %scan3A_214, %scan3A_215 : i32
      %scan3A_217 = arith.constant 1 : i32
      %scan3A_218 = scf.for %scan3A_252 = %scan3A_214 to %scan3A_216 step %scan3A_217 iter_args(%scan3A_253 = %scan3A) -> (i32)  : i32 {
        %mul3A_254 = arith.constant 4 : i32
        %mul3A_255 = arith.muli %mul3A_254, %scan3A_252 : i32
        %add3A_256 = arith.constant 0 : i32
        %add3A_257 = arith.addi %mul3A_255, %add3A_256 : i32
        %gt3A = arith.constant 0 : i32
        %gt3A_258 = arith.cmpi sgt, %scan3A_252, %gt3A : i32
        %convert_element_type3A = arith.extui %gt3A_258 : i1 to i32
        %cond3A = arith.constant 0 : i32
        %cond3A_259 = arith.cmpi ne, %convert_element_type3A, %cond3A : i32
        scf.if %cond3A_259 {
          %dma_wait3A_674 = arith.constant 0 : i32
          %dma_wait3A_675 = arith.constant 0 : i32
          %dma_wait3A_676 = tpu.memref_slice %arg9[%add3A_257, %dma_wait3A_674, %dma_wait3A_675] : memref<64x1x128xi32, #tpu.memory_space<vmem>> -> memref<1x1x128xi32, #tpu.memory_space<vmem>>
          %dma_wait3A_677 = tpu.memref_squeeze %dma_wait3A_676 : memref<1x1x128xi32, #tpu.memory_space<vmem>> -> memref<128xi32, #tpu.memory_space<vmem>>
          %dma_wait3A_678 = arith.constant 0 : i32
          %dma_wait3A_679 = arith.constant 0 : i32
          %dma_wait3A_680 = tpu.memref_slice %arg8[%dma_wait3A_678, %dma_wait3A_679] : memref<100352x8xf32, #tpu.memory_space<vmem_shared>> -> memref<100352x8xf32, #tpu.memory_space<vmem_shared>>
          tpu.wait_indirect_dma semaphore(%arg17 : memref<!tpu.dma_semaphore, #tpu.memory_space<semaphore_mem>>) src(%arg13 : memref<128x8xf32, #tpu.memory_space<vmem>>) dst(%dma_wait3A_680 : memref<100352x8xf32, #tpu.memory_space<vmem_shared>>)
        } else {
        }
        %mul3A_260 = arith.constant 128 : i32
        %mul3A_261 = arith.muli %add3A_257, %mul3A_260 : i32
        %add3A_262 = arith.constant 0 : i32
        %add3A_263 = vector.broadcast %add3A_262 : i32 to vector<16xi32>
        %add3A_264 = arith.addi %iota3A, %add3A_263 : vector<16xi32>
        %add3A_265 = arith.constant 0 : i32
        %add3A_266 = arith.addi %mul3A_261, %add3A_265 : i32
        %get3A = arith.index_cast %add3A_266 : i32 to index
        %get3A_267 = tpu.vector_load %arg10[%get3A] {strides = array<i32>} : memref<8192xf32, #tpu.memory_space<vmem>>, vector<16xf32>,
        tpu.vector_store_idx %arg13[%add3A_264, %broadcast_in_dim3A_3], %get3A_267 : memref<128x8xf32, #tpu.memory_space<vmem>>[vector<16xi32>, vector<16xi32>], vector<16xf32>,
        %get3A_268 = arith.index_cast %add3A_266 : i32 to index
        %get3A_269 = tpu.vector_load %arg11[%get3A_268] {strides = array<i32>} : memref<8192xf32, #tpu.memory_space<vmem>>, vector<16xf32>,
        tpu.vector_store_idx %arg13[%add3A_264, %broadcast_in_dim3A_5], %get3A_269 : memref<128x8xf32, #tpu.memory_space<vmem>>[vector<16xi32>, vector<16xi32>], vector<16xf32>,
        %get3A_270 = arith.index_cast %add3A_266 : i32 to index
        %get3A_271 = tpu.vector_load %arg12[%get3A_270] {strides = array<i32>} : memref<8192xf32, #tpu.memory_space<vmem>>, vector<16xf32>,
        tpu.vector_store_idx %arg13[%add3A_264, %broadcast_in_dim3A_7], %get3A_271 : memref<128x8xf32, #tpu.memory_space<vmem>>[vector<16xi32>, vector<16xi32>], vector<16xf32>,
        %add3A_272 = arith.constant 16 : i32
        %add3A_273 = vector.broadcast %add3A_272 : i32 to vector<16xi32>
        %add3A_274 = arith.addi %iota3A, %add3A_273 : vector<16xi32>
        %add3A_275 = arith.constant 16 : i32
        %add3A_276 = arith.addi %mul3A_261, %add3A_275 : i32
        %get3A_277 = arith.index_cast %add3A_276 : i32 to index
        %get3A_278 = tpu.vector_load %arg10[%get3A_277] {strides = array<i32>} : memref<8192xf32, #tpu.memory_space<vmem>>, vector<16xf32>,
        tpu.vector_store_idx %arg13[%add3A_274, %broadcast_in_dim3A_3], %get3A_278 : memref<128x8xf32, #tpu.memory_space<vmem>>[vector<16xi32>, vector<16xi32>], vector<16xf32>,
        %get3A_279 = arith.index_cast %add3A_276 : i32 to index
        %get3A_280 = tpu.vector_load %arg11[%get3A_279] {strides = array<i32>} : memref<8192xf32, #tpu.memory_space<vmem>>, vector<16xf32>,
        tpu.vector_store_idx %arg13[%add3A_274, %broadcast_in_dim3A_5], %get3A_280 : memref<128x8xf32, #tpu.memory_space<vmem>>[vector<16xi32>, vector<16xi32>], vector<16xf32>,
        %get3A_281 = arith.index_cast %add3A_276 : i32 to index
        %get3A_282 = tpu.vector_load %arg12[%get3A_281] {strides = array<i32>} : memref<8192xf32, #tpu.memory_space<vmem>>, vector<16xf32>,
        tpu.vector_store_idx %arg13[%add3A_274, %broadcast_in_dim3A_7], %get3A_282 : memref<128x8xf32, #tpu.memory_space<vmem>>[vector<16xi32>, vector<16xi32>], vector<16xf32>,
        %add3A_283 = arith.constant 32 : i32
        %add3A_284 = vector.broadcast %add3A_283 : i32 to vector<16xi32>
        %add3A_285 = arith.addi %iota3A, %add3A_284 : vector<16xi32>
        %add3A_286 = arith.constant 32 : i32
        %add3A_287 = arith.addi %mul3A_261, %add3A_286 : i32
        %get3A_288 = arith.index_cast %add3A_287 : i32 to index
        %get3A_289 = tpu.vector_load %arg10[%get3A_288] {strides = array<i32>} : memref<8192xf32, #tpu.memory_space<vmem>>, vector<16xf32>,
        tpu.vector_store_idx %arg13[%add3A_285, %broadcast_in_dim3A_3], %get3A_289 : memref<128x8xf32, #tpu.memory_space<vmem>>[vector<16xi32>, vector<16xi32>], vector<16xf32>,
        %get3A_290 = arith.index_cast %add3A_287 : i32 to index
        %get3A_291 = tpu.vector_load %arg11[%get3A_290] {strides = array<i32>} : memref<8192xf32, #tpu.memory_space<vmem>>, vector<16xf32>,
        tpu.vector_store_idx %arg13[%add3A_285, %broadcast_in_dim3A_5], %get3A_291 : memref<128x8xf32, #tpu.memory_space<vmem>>[vector<16xi32>, vector<16xi32>], vector<16xf32>,
        %get3A_292 = arith.index_cast %add3A_287 : i32 to index
        %get3A_293 = tpu.vector_load %arg12[%get3A_292] {strides = array<i32>} : memref<8192xf32, #tpu.memory_space<vmem>>, vector<16xf32>,
        tpu.vector_store_idx %arg13[%add3A_285, %broadcast_in_dim3A_7], %get3A_293 : memref<128x8xf32, #tpu.memory_space<vmem>>[vector<16xi32>, vector<16xi32>], vector<16xf32>,
        %add3A_294 = arith.constant 48 : i32
        %add3A_295 = vector.broadcast %add3A_294 : i32 to vector<16xi32>
        %add3A_296 = arith.addi %iota3A, %add3A_295 : vector<16xi32>
        %add3A_297 = arith.constant 48 : i32
        %add3A_298 = arith.addi %mul3A_261, %add3A_297 : i32
        %get3A_299 = arith.index_cast %add3A_298 : i32 to index
        %get3A_300 = tpu.vector_load %arg10[%get3A_299] {strides = array<i32>} : memref<8192xf32, #tpu.memory_space<vmem>>, vector<16xf32>,
        tpu.vector_store_idx %arg13[%add3A_296, %broadcast_in_dim3A_3], %get3A_300 : memref<128x8xf32, #tpu.memory_space<vmem>>[vector<16xi32>, vector<16xi32>], vector<16xf32>,
        %get3A_301 = arith.index_cast %add3A_298 : i32 to index
        %get3A_302 = tpu.vector_load %arg11[%get3A_301] {strides = array<i32>} : memref<8192xf32, #tpu.memory_space<vmem>>, vector<16xf32>,
        tpu.vector_store_idx %arg13[%add3A_296, %broadcast_in_dim3A_5], %get3A_302 : memref<128x8xf32, #tpu.memory_space<vmem>>[vector<16xi32>, vector<16xi32>], vector<16xf32>,
        %get3A_303 = arith.index_cast %add3A_298 : i32 to index
        %get3A_304 = tpu.vector_load %arg12[%get3A_303] {strides = array<i32>} : memref<8192xf32, #tpu.memory_space<vmem>>, vector<16xf32>,
        tpu.vector_store_idx %arg13[%add3A_296, %broadcast_in_dim3A_7], %get3A_304 : memref<128x8xf32, #tpu.memory_space<vmem>>[vector<16xi32>, vector<16xi32>], vector<16xf32>,
        %add3A_305 = arith.constant 64 : i32
        %add3A_306 = vector.broadcast %add3A_305 : i32 to vector<16xi32>
        %add3A_307 = arith.addi %iota3A, %add3A_306 : vector<16xi32>
        %add3A_308 = arith.constant 64 : i32
        %add3A_309 = arith.addi %mul3A_261, %add3A_308 : i32
        %get3A_310 = arith.index_cast %add3A_309 : i32 to index
        %get3A_311 = tpu.vector_load %arg10[%get3A_310] {strides = array<i32>} : memref<8192xf32, #tpu.memory_space<vmem>>, vector<16xf32>,
        tpu.vector_store_idx %arg13[%add3A_307, %broadcast_in_dim3A_3], %get3A_311 : memref<128x8xf32, #tpu.memory_space<vmem>>[vector<16xi32>, vector<16xi32>], vector<16xf32>,
        %get3A_312 = arith.index_cast %add3A_309 : i32 to index
        %get3A_313 = tpu.vector_load %arg11[%get3A_312] {strides = array<i32>} : memref<8192xf32, #tpu.memory_space<vmem>>, vector<16xf32>,
        tpu.vector_store_idx %arg13[%add3A_307, %broadcast_in_dim3A_5], %get3A_313 : memref<128x8xf32, #tpu.memory_space<vmem>>[vector<16xi32>, vector<16xi32>], vector<16xf32>,
        %get3A_314 = arith.index_cast %add3A_309 : i32 to index
        %get3A_315 = tpu.vector_load %arg12[%get3A_314] {strides = array<i32>} : memref<8192xf32, #tpu.memory_space<vmem>>, vector<16xf32>,
        tpu.vector_store_idx %arg13[%add3A_307, %broadcast_in_dim3A_7], %get3A_315 : memref<128x8xf32, #tpu.memory_space<vmem>>[vector<16xi32>, vector<16xi32>], vector<16xf32>,
        %add3A_316 = arith.constant 80 : i32
        %add3A_317 = vector.broadcast %add3A_316 : i32 to vector<16xi32>
        %add3A_318 = arith.addi %iota3A, %add3A_317 : vector<16xi32>
        %add3A_319 = arith.constant 80 : i32
        %add3A_320 = arith.addi %mul3A_261, %add3A_319 : i32
        %get3A_321 = arith.index_cast %add3A_320 : i32 to index
        %get3A_322 = tpu.vector_load %arg10[%get3A_321] {strides = array<i32>} : memref<8192xf32, #tpu.memory_space<vmem>>, vector<16xf32>,
        tpu.vector_store_idx %arg13[%add3A_318, %broadcast_in_dim3A_3], %get3A_322 : memref<128x8xf32, #tpu.memory_space<vmem>>[vector<16xi32>, vector<16xi32>], vector<16xf32>,
        %get3A_323 = arith.index_cast %add3A_320 : i32 to index
        %get3A_324 = tpu.vector_load %arg11[%get3A_323] {strides = array<i32>} : memref<8192xf32, #tpu.memory_space<vmem>>, vector<16xf32>,
        tpu.vector_store_idx %arg13[%add3A_318, %broadcast_in_dim3A_5], %get3A_324 : memref<128x8xf32, #tpu.memory_space<vmem>>[vector<16xi32>, vector<16xi32>], vector<16xf32>,
        %get3A_325 = arith.index_cast %add3A_320 : i32 to index
        %get3A_326 = tpu.vector_load %arg12[%get3A_325] {strides = array<i32>} : memref<8192xf32, #tpu.memory_space<vmem>>, vector<16xf32>,
        tpu.vector_store_idx %arg13[%add3A_318, %broadcast_in_dim3A_7], %get3A_326 : memref<128x8xf32, #tpu.memory_space<vmem>>[vector<16xi32>, vector<16xi32>], vector<16xf32>,
        %add3A_327 = arith.constant 96 : i32
        %add3A_328 = vector.broadcast %add3A_327 : i32 to vector<16xi32>
        %add3A_329 = arith.addi %iota3A, %add3A_328 : vector<16xi32>
        %add3A_330 = arith.constant 96 : i32
        %add3A_331 = arith.addi %mul3A_261, %add3A_330 : i32
        %get3A_332 = arith.index_cast %add3A_331 : i32 to index
        %get3A_333 = tpu.vector_load %arg10[%get3A_332] {strides = array<i32>} : memref<8192xf32, #tpu.memory_space<vmem>>, vector<16xf32>,
        tpu.vector_store_idx %arg13[%add3A_329, %broadcast_in_dim3A_3], %get3A_333 : memref<128x8xf32, #tpu.memory_space<vmem>>[vector<16xi32>, vector<16xi32>], vector<16xf32>,
        %get3A_334 = arith.index_cast %add3A_331 : i32 to index
        %get3A_335 = tpu.vector_load %arg11[%get3A_334] {strides = array<i32>} : memref<8192xf32, #tpu.memory_space<vmem>>, vector<16xf32>,
        tpu.vector_store_idx %arg13[%add3A_329, %broadcast_in_dim3A_5], %get3A_335 : memref<128x8xf32, #tpu.memory_space<vmem>>[vector<16xi32>, vector<16xi32>], vector<16xf32>,
        %get3A_336 = arith.index_cast %add3A_331 : i32 to index
        %get3A_337 = tpu.vector_load %arg12[%get3A_336] {strides = array<i32>} : memref<8192xf32, #tpu.memory_space<vmem>>, vector<16xf32>,
        tpu.vector_store_idx %arg13[%add3A_329, %broadcast_in_dim3A_7], %get3A_337 : memref<128x8xf32, #tpu.memory_space<vmem>>[vector<16xi32>, vector<16xi32>], vector<16xf32>,
        %add3A_338 = arith.constant 112 : i32
        %add3A_339 = vector.broadcast %add3A_338 : i32 to vector<16xi32>
        %add3A_340 = arith.addi %iota3A, %add3A_339 : vector<16xi32>
        %add3A_341 = arith.constant 112 : i32
        %add3A_342 = arith.addi %mul3A_261, %add3A_341 : i32
        %get3A_343 = arith.index_cast %add3A_342 : i32 to index
        %get3A_344 = tpu.vector_load %arg10[%get3A_343] {strides = array<i32>} : memref<8192xf32, #tpu.memory_space<vmem>>, vector<16xf32>,
        tpu.vector_store_idx %arg13[%add3A_340, %broadcast_in_dim3A_3], %get3A_344 : memref<128x8xf32, #tpu.memory_space<vmem>>[vector<16xi32>, vector<16xi32>], vector<16xf32>,
        %get3A_345 = arith.index_cast %add3A_342 : i32 to index
        %get3A_346 = tpu.vector_load %arg11[%get3A_345] {strides = array<i32>} : memref<8192xf32, #tpu.memory_space<vmem>>, vector<16xf32>,
        tpu.vector_store_idx %arg13[%add3A_340, %broadcast_in_dim3A_5], %get3A_346 : memref<128x8xf32, #tpu.memory_space<vmem>>[vector<16xi32>, vector<16xi32>], vector<16xf32>,
        %get3A_347 = arith.index_cast %add3A_342 : i32 to index
        %get3A_348 = tpu.vector_load %arg12[%get3A_347] {strides = array<i32>} : memref<8192xf32, #tpu.memory_space<vmem>>, vector<16xf32>,
        tpu.vector_store_idx %arg13[%add3A_340, %broadcast_in_dim3A_7], %get3A_348 : memref<128x8xf32, #tpu.memory_space<vmem>>[vector<16xi32>, vector<16xi32>], vector<16xf32>,
        %dma_start3A = arith.constant 0 : i32
        %dma_start3A_349 = arith.constant 0 : i32
        %dma_start3A_350 = tpu.memref_slice %arg9[%add3A_257, %dma_start3A, %dma_start3A_349] : memref<64x1x128xi32, #tpu.memory_space<vmem>> -> memref<1x1x128xi32, #tpu.memory_space<vmem>>
        %dma_start3A_351 = tpu.memref_squeeze %dma_start3A_350 : memref<1x1x128xi32, #tpu.memory_space<vmem>> -> memref<128xi32, #tpu.memory_space<vmem>>
        %dma_start3A_352 = arith.constant 0 : i32
        %dma_start3A_353 = arith.constant 0 : i32
        %dma_start3A_354 = tpu.memref_slice %arg8[%dma_start3A_352, %dma_start3A_353] : memref<100352x8xf32, #tpu.memory_space<vmem_shared>> -> memref<100352x8xf32, #tpu.memory_space<vmem_shared>>
        tpu.enqueue_indirect_dma source(%arg13 : memref<128x8xf32, #tpu.memory_space<vmem>>) target(%dma_start3A_354 : memref<100352x8xf32, #tpu.memory_space<vmem_shared>>) offsets(%dma_start3A_351 : memref<128xi32, #tpu.memory_space<vmem>>) semaphore(%arg17 : memref<!tpu.dma_semaphore, #tpu.memory_space<semaphore_mem>>) {add = true}
        %mul3A_355 = arith.constant 4 : i32
        %mul3A_356 = arith.muli %mul3A_355, %scan3A_252 : i32
        %add3A_357 = arith.constant 1 : i32
        %add3A_358 = arith.addi %mul3A_356, %add3A_357 : i32
        %gt3A_359 = arith.constant 0 : i32
        %gt3A_360 = arith.cmpi sgt, %scan3A_252, %gt3A_359 : i32
        %convert_element_type3A_361 = arith.extui %gt3A_360 : i1 to i32
        %cond3A_362 = arith.constant 0 : i32
        %cond3A_363 = arith.cmpi ne, %convert_element_type3A_361, %cond3A_362 : i32
        scf.if %cond3A_363 {
          %dma_wait3A_674 = arith.constant 0 : i32
          %dma_wait3A_675 = arith.constant 0 : i32
          %dma_wait3A_676 = tpu.memref_slice %arg9[%add3A_358, %dma_wait3A_674, %dma_wait3A_675] : memref<64x1x128xi32, #tpu.memory_space<vmem>> -> memref<1x1x128xi32, #tpu.memory_space<vmem>>
          %dma_wait3A_677 = tpu.memref_squeeze %dma_wait3A_676 : memref<1x1x128xi32, #tpu.memory_space<vmem>> -> memref<128xi32, #tpu.memory_space<vmem>>
          %dma_wait3A_678 = arith.constant 0 : i32
          %dma_wait3A_679 = arith.constant 0 : i32
          %dma_wait3A_680 = tpu.memref_slice %arg8[%dma_wait3A_678, %dma_wait3A_679] : memref<100352x8xf32, #tpu.memory_space<vmem_shared>> -> memref<100352x8xf32, #tpu.memory_space<vmem_shared>>
          tpu.wait_indirect_dma semaphore(%arg18 : memref<!tpu.dma_semaphore, #tpu.memory_space<semaphore_mem>>) src(%arg14 : memref<128x8xf32, #tpu.memory_space<vmem>>) dst(%dma_wait3A_680 : memref<100352x8xf32, #tpu.memory_space<vmem_shared>>)
        } else {
        }
        %mul3A_364 = arith.constant 128 : i32
        %mul3A_365 = arith.muli %add3A_358, %mul3A_364 : i32
        %add3A_366 = arith.constant 0 : i32
        %add3A_367 = vector.broadcast %add3A_366 : i32 to vector<16xi32>
        %add3A_368 = arith.addi %iota3A, %add3A_367 : vector<16xi32>
        %add3A_369 = arith.constant 0 : i32
        %add3A_370 = arith.addi %mul3A_365, %add3A_369 : i32
        %get3A_371 = arith.index_cast %add3A_370 : i32 to index
        %get3A_372 = tpu.vector_load %arg10[%get3A_371] {strides = array<i32>} : memref<8192xf32, #tpu.memory_space<vmem>>, vector<16xf32>,
        tpu.vector_store_idx %arg14[%add3A_368, %broadcast_in_dim3A_3], %get3A_372 : memref<128x8xf32, #tpu.memory_space<vmem>>[vector<16xi32>, vector<16xi32>], vector<16xf32>,
        %get3A_373 = arith.index_cast %add3A_370 : i32 to index
        %get3A_374 = tpu.vector_load %arg11[%get3A_373] {strides = array<i32>} : memref<8192xf32, #tpu.memory_space<vmem>>, vector<16xf32>,
        tpu.vector_store_idx %arg14[%add3A_368, %broadcast_in_dim3A_5], %get3A_374 : memref<128x8xf32, #tpu.memory_space<vmem>>[vector<16xi32>, vector<16xi32>], vector<16xf32>,
        %get3A_375 = arith.index_cast %add3A_370 : i32 to index
        %get3A_376 = tpu.vector_load %arg12[%get3A_375] {strides = array<i32>} : memref<8192xf32, #tpu.memory_space<vmem>>, vector<16xf32>,
        tpu.vector_store_idx %arg14[%add3A_368, %broadcast_in_dim3A_7], %get3A_376 : memref<128x8xf32, #tpu.memory_space<vmem>>[vector<16xi32>, vector<16xi32>], vector<16xf32>,
        %add3A_377 = arith.constant 16 : i32
        %add3A_378 = vector.broadcast %add3A_377 : i32 to vector<16xi32>
        %add3A_379 = arith.addi %iota3A, %add3A_378 : vector<16xi32>
        %add3A_380 = arith.constant 16 : i32
        %add3A_381 = arith.addi %mul3A_365, %add3A_380 : i32
        %get3A_382 = arith.index_cast %add3A_381 : i32 to index
        %get3A_383 = tpu.vector_load %arg10[%get3A_382] {strides = array<i32>} : memref<8192xf32, #tpu.memory_space<vmem>>, vector<16xf32>,
        tpu.vector_store_idx %arg14[%add3A_379, %broadcast_in_dim3A_3], %get3A_383 : memref<128x8xf32, #tpu.memory_space<vmem>>[vector<16xi32>, vector<16xi32>], vector<16xf32>,
        %get3A_384 = arith.index_cast %add3A_381 : i32 to index
        %get3A_385 = tpu.vector_load %arg11[%get3A_384] {strides = array<i32>} : memref<8192xf32, #tpu.memory_space<vmem>>, vector<16xf32>,
        tpu.vector_store_idx %arg14[%add3A_379, %broadcast_in_dim3A_5], %get3A_385 : memref<128x8xf32, #tpu.memory_space<vmem>>[vector<16xi32>, vector<16xi32>], vector<16xf32>,
        %get3A_386 = arith.index_cast %add3A_381 : i32 to index
        %get3A_387 = tpu.vector_load %arg12[%get3A_386] {strides = array<i32>} : memref<8192xf32, #tpu.memory_space<vmem>>, vector<16xf32>,
        tpu.vector_store_idx %arg14[%add3A_379, %broadcast_in_dim3A_7], %get3A_387 : memref<128x8xf32, #tpu.memory_space<vmem>>[vector<16xi32>, vector<16xi32>], vector<16xf32>,
        %add3A_388 = arith.constant 32 : i32
        %add3A_389 = vector.broadcast %add3A_388 : i32 to vector<16xi32>
        %add3A_390 = arith.addi %iota3A, %add3A_389 : vector<16xi32>
        %add3A_391 = arith.constant 32 : i32
        %add3A_392 = arith.addi %mul3A_365, %add3A_391 : i32
        %get3A_393 = arith.index_cast %add3A_392 : i32 to index
        %get3A_394 = tpu.vector_load %arg10[%get3A_393] {strides = array<i32>} : memref<8192xf32, #tpu.memory_space<vmem>>, vector<16xf32>,
        tpu.vector_store_idx %arg14[%add3A_390, %broadcast_in_dim3A_3], %get3A_394 : memref<128x8xf32, #tpu.memory_space<vmem>>[vector<16xi32>, vector<16xi32>], vector<16xf32>,
        %get3A_395 = arith.index_cast %add3A_392 : i32 to index
        %get3A_396 = tpu.vector_load %arg11[%get3A_395] {strides = array<i32>} : memref<8192xf32, #tpu.memory_space<vmem>>, vector<16xf32>,
        tpu.vector_store_idx %arg14[%add3A_390, %broadcast_in_dim3A_5], %get3A_396 : memref<128x8xf32, #tpu.memory_space<vmem>>[vector<16xi32>, vector<16xi32>], vector<16xf32>,
        %get3A_397 = arith.index_cast %add3A_392 : i32 to index
        %get3A_398 = tpu.vector_load %arg12[%get3A_397] {strides = array<i32>} : memref<8192xf32, #tpu.memory_space<vmem>>, vector<16xf32>,
        tpu.vector_store_idx %arg14[%add3A_390, %broadcast_in_dim3A_7], %get3A_398 : memref<128x8xf32, #tpu.memory_space<vmem>>[vector<16xi32>, vector<16xi32>], vector<16xf32>,
        %add3A_399 = arith.constant 48 : i32
        %add3A_400 = vector.broadcast %add3A_399 : i32 to vector<16xi32>
        %add3A_401 = arith.addi %iota3A, %add3A_400 : vector<16xi32>
        %add3A_402 = arith.constant 48 : i32
        %add3A_403 = arith.addi %mul3A_365, %add3A_402 : i32
        %get3A_404 = arith.index_cast %add3A_403 : i32 to index
        %get3A_405 = tpu.vector_load %arg10[%get3A_404] {strides = array<i32>} : memref<8192xf32, #tpu.memory_space<vmem>>, vector<16xf32>,
        tpu.vector_store_idx %arg14[%add3A_401, %broadcast_in_dim3A_3], %get3A_405 : memref<128x8xf32, #tpu.memory_space<vmem>>[vector<16xi32>, vector<16xi32>], vector<16xf32>,
        %get3A_406 = arith.index_cast %add3A_403 : i32 to index
        %get3A_407 = tpu.vector_load %arg11[%get3A_406] {strides = array<i32>} : memref<8192xf32, #tpu.memory_space<vmem>>, vector<16xf32>,
        tpu.vector_store_idx %arg14[%add3A_401, %broadcast_in_dim3A_5], %get3A_407 : memref<128x8xf32, #tpu.memory_space<vmem>>[vector<16xi32>, vector<16xi32>], vector<16xf32>,
        %get3A_408 = arith.index_cast %add3A_403 : i32 to index
        %get3A_409 = tpu.vector_load %arg12[%get3A_408] {strides = array<i32>} : memref<8192xf32, #tpu.memory_space<vmem>>, vector<16xf32>,
        tpu.vector_store_idx %arg14[%add3A_401, %broadcast_in_dim3A_7], %get3A_409 : memref<128x8xf32, #tpu.memory_space<vmem>>[vector<16xi32>, vector<16xi32>], vector<16xf32>,
        %add3A_410 = arith.constant 64 : i32
        %add3A_411 = vector.broadcast %add3A_410 : i32 to vector<16xi32>
        %add3A_412 = arith.addi %iota3A, %add3A_411 : vector<16xi32>
        %add3A_413 = arith.constant 64 : i32
        %add3A_414 = arith.addi %mul3A_365, %add3A_413 : i32
        %get3A_415 = arith.index_cast %add3A_414 : i32 to index
        %get3A_416 = tpu.vector_load %arg10[%get3A_415] {strides = array<i32>} : memref<8192xf32, #tpu.memory_space<vmem>>, vector<16xf32>,
        tpu.vector_store_idx %arg14[%add3A_412, %broadcast_in_dim3A_3], %get3A_416 : memref<128x8xf32, #tpu.memory_space<vmem>>[vector<16xi32>, vector<16xi32>], vector<16xf32>,
        %get3A_417 = arith.index_cast %add3A_414 : i32 to index
        %get3A_418 = tpu.vector_load %arg11[%get3A_417] {strides = array<i32>} : memref<8192xf32, #tpu.memory_space<vmem>>, vector<16xf32>,
        tpu.vector_store_idx %arg14[%add3A_412, %broadcast_in_dim3A_5], %get3A_418 : memref<128x8xf32, #tpu.memory_space<vmem>>[vector<16xi32>, vector<16xi32>], vector<16xf32>,
        %get3A_419 = arith.index_cast %add3A_414 : i32 to index
        %get3A_420 = tpu.vector_load %arg12[%get3A_419] {strides = array<i32>} : memref<8192xf32, #tpu.memory_space<vmem>>, vector<16xf32>,
        tpu.vector_store_idx %arg14[%add3A_412, %broadcast_in_dim3A_7], %get3A_420 : memref<128x8xf32, #tpu.memory_space<vmem>>[vector<16xi32>, vector<16xi32>], vector<16xf32>,
        %add3A_421 = arith.constant 80 : i32
        %add3A_422 = vector.broadcast %add3A_421 : i32 to vector<16xi32>
        %add3A_423 = arith.addi %iota3A, %add3A_422 : vector<16xi32>
        %add3A_424 = arith.constant 80 : i32
        %add3A_425 = arith.addi %mul3A_365, %add3A_424 : i32
        %get3A_426 = arith.index_cast %add3A_425 : i32 to index
        %get3A_427 = tpu.vector_load %arg10[%get3A_426] {strides = array<i32>} : memref<8192xf32, #tpu.memory_space<vmem>>, vector<16xf32>,
        tpu.vector_store_idx %arg14[%add3A_423, %broadcast_in_dim3A_3], %get3A_427 : memref<128x8xf32, #tpu.memory_space<vmem>>[vector<16xi32>, vector<16xi32>], vector<16xf32>,
        %get3A_428 = arith.index_cast %add3A_425 : i32 to index
        %get3A_429 = tpu.vector_load %arg11[%get3A_428] {strides = array<i32>} : memref<8192xf32, #tpu.memory_space<vmem>>, vector<16xf32>,
        tpu.vector_store_idx %arg14[%add3A_423, %broadcast_in_dim3A_5], %get3A_429 : memref<128x8xf32, #tpu.memory_space<vmem>>[vector<16xi32>, vector<16xi32>], vector<16xf32>,
        %get3A_430 = arith.index_cast %add3A_425 : i32 to index
        %get3A_431 = tpu.vector_load %arg12[%get3A_430] {strides = array<i32>} : memref<8192xf32, #tpu.memory_space<vmem>>, vector<16xf32>,
        tpu.vector_store_idx %arg14[%add3A_423, %broadcast_in_dim3A_7], %get3A_431 : memref<128x8xf32, #tpu.memory_space<vmem>>[vector<16xi32>, vector<16xi32>], vector<16xf32>,
        %add3A_432 = arith.constant 96 : i32
        %add3A_433 = vector.broadcast %add3A_432 : i32 to vector<16xi32>
        %add3A_434 = arith.addi %iota3A, %add3A_433 : vector<16xi32>
        %add3A_435 = arith.constant 96 : i32
        %add3A_436 = arith.addi %mul3A_365, %add3A_435 : i32
        %get3A_437 = arith.index_cast %add3A_436 : i32 to index
        %get3A_438 = tpu.vector_load %arg10[%get3A_437] {strides = array<i32>} : memref<8192xf32, #tpu.memory_space<vmem>>, vector<16xf32>,
        tpu.vector_store_idx %arg14[%add3A_434, %broadcast_in_dim3A_3], %get3A_438 : memref<128x8xf32, #tpu.memory_space<vmem>>[vector<16xi32>, vector<16xi32>], vector<16xf32>,
        %get3A_439 = arith.index_cast %add3A_436 : i32 to index
        %get3A_440 = tpu.vector_load %arg11[%get3A_439] {strides = array<i32>} : memref<8192xf32, #tpu.memory_space<vmem>>, vector<16xf32>,
        tpu.vector_store_idx %arg14[%add3A_434, %broadcast_in_dim3A_5], %get3A_440 : memref<128x8xf32, #tpu.memory_space<vmem>>[vector<16xi32>, vector<16xi32>], vector<16xf32>,
        %get3A_441 = arith.index_cast %add3A_436 : i32 to index
        %get3A_442 = tpu.vector_load %arg12[%get3A_441] {strides = array<i32>} : memref<8192xf32, #tpu.memory_space<vmem>>, vector<16xf32>,
        tpu.vector_store_idx %arg14[%add3A_434, %broadcast_in_dim3A_7], %get3A_442 : memref<128x8xf32, #tpu.memory_space<vmem>>[vector<16xi32>, vector<16xi32>], vector<16xf32>,
        %add3A_443 = arith.constant 112 : i32
        %add3A_444 = vector.broadcast %add3A_443 : i32 to vector<16xi32>
        %add3A_445 = arith.addi %iota3A, %add3A_444 : vector<16xi32>
        %add3A_446 = arith.constant 112 : i32
        %add3A_447 = arith.addi %mul3A_365, %add3A_446 : i32
        %get3A_448 = arith.index_cast %add3A_447 : i32 to index
        %get3A_449 = tpu.vector_load %arg10[%get3A_448] {strides = array<i32>} : memref<8192xf32, #tpu.memory_space<vmem>>, vector<16xf32>,
        tpu.vector_store_idx %arg14[%add3A_445, %broadcast_in_dim3A_3], %get3A_449 : memref<128x8xf32, #tpu.memory_space<vmem>>[vector<16xi32>, vector<16xi32>], vector<16xf32>,
        %get3A_450 = arith.index_cast %add3A_447 : i32 to index
        %get3A_451 = tpu.vector_load %arg11[%get3A_450] {strides = array<i32>} : memref<8192xf32, #tpu.memory_space<vmem>>, vector<16xf32>,
        tpu.vector_store_idx %arg14[%add3A_445, %broadcast_in_dim3A_5], %get3A_451 : memref<128x8xf32, #tpu.memory_space<vmem>>[vector<16xi32>, vector<16xi32>], vector<16xf32>,
        %get3A_452 = arith.index_cast %add3A_447 : i32 to index
        %get3A_453 = tpu.vector_load %arg12[%get3A_452] {strides = array<i32>} : memref<8192xf32, #tpu.memory_space<vmem>>, vector<16xf32>,
        tpu.vector_store_idx %arg14[%add3A_445, %broadcast_in_dim3A_7], %get3A_453 : memref<128x8xf32, #tpu.memory_space<vmem>>[vector<16xi32>, vector<16xi32>], vector<16xf32>,
        %dma_start3A_454 = arith.constant 0 : i32
        %dma_start3A_455 = arith.constant 0 : i32
        %dma_start3A_456 = tpu.memref_slice %arg9[%add3A_358, %dma_start3A_454, %dma_start3A_455] : memref<64x1x128xi32, #tpu.memory_space<vmem>> -> memref<1x1x128xi32, #tpu.memory_space<vmem>>
        %dma_start3A_457 = tpu.memref_squeeze %dma_start3A_456 : memref<1x1x128xi32, #tpu.memory_space<vmem>> -> memref<128xi32, #tpu.memory_space<vmem>>
        %dma_start3A_458 = arith.constant 0 : i32
        %dma_start3A_459 = arith.constant 0 : i32
        %dma_start3A_460 = tpu.memref_slice %arg8[%dma_start3A_458, %dma_start3A_459] : memref<100352x8xf32, #tpu.memory_space<vmem_shared>> -> memref<100352x8xf32, #tpu.memory_space<vmem_shared>>
        tpu.enqueue_indirect_dma source(%arg14 : memref<128x8xf32, #tpu.memory_space<vmem>>) target(%dma_start3A_460 : memref<100352x8xf32, #tpu.memory_space<vmem_shared>>) offsets(%dma_start3A_457 : memref<128xi32, #tpu.memory_space<vmem>>) semaphore(%arg18 : memref<!tpu.dma_semaphore, #tpu.memory_space<semaphore_mem>>) {add = true}
        %mul3A_461 = arith.constant 4 : i32
        %mul3A_462 = arith.muli %mul3A_461, %scan3A_252 : i32
        %add3A_463 = arith.constant 2 : i32
        %add3A_464 = arith.addi %mul3A_462, %add3A_463 : i32
        %gt3A_465 = arith.constant 0 : i32
        %gt3A_466 = arith.cmpi sgt, %scan3A_252, %gt3A_465 : i32
        %convert_element_type3A_467 = arith.extui %gt3A_466 : i1 to i32
        %cond3A_468 = arith.constant 0 : i32
        %cond3A_469 = arith.cmpi ne, %convert_element_type3A_467, %cond3A_468 : i32
        scf.if %cond3A_469 {
          %dma_wait3A_674 = arith.constant 0 : i32
          %dma_wait3A_675 = arith.constant 0 : i32
          %dma_wait3A_676 = tpu.memref_slice %arg9[%add3A_464, %dma_wait3A_674, %dma_wait3A_675] : memref<64x1x128xi32, #tpu.memory_space<vmem>> -> memref<1x1x128xi32, #tpu.memory_space<vmem>>
          %dma_wait3A_677 = tpu.memref_squeeze %dma_wait3A_676 : memref<1x1x128xi32, #tpu.memory_space<vmem>> -> memref<128xi32, #tpu.memory_space<vmem>>
          %dma_wait3A_678 = arith.constant 0 : i32
          %dma_wait3A_679 = arith.constant 0 : i32
          %dma_wait3A_680 = tpu.memref_slice %arg8[%dma_wait3A_678, %dma_wait3A_679] : memref<100352x8xf32, #tpu.memory_space<vmem_shared>> -> memref<100352x8xf32, #tpu.memory_space<vmem_shared>>
          tpu.wait_indirect_dma semaphore(%arg19 : memref<!tpu.dma_semaphore, #tpu.memory_space<semaphore_mem>>) src(%arg15 : memref<128x8xf32, #tpu.memory_space<vmem>>) dst(%dma_wait3A_680 : memref<100352x8xf32, #tpu.memory_space<vmem_shared>>)
        } else {
        }
        %mul3A_470 = arith.constant 128 : i32
        %mul3A_471 = arith.muli %add3A_464, %mul3A_470 : i32
        %add3A_472 = arith.constant 0 : i32
        %add3A_473 = vector.broadcast %add3A_472 : i32 to vector<16xi32>
        %add3A_474 = arith.addi %iota3A, %add3A_473 : vector<16xi32>
        %add3A_475 = arith.constant 0 : i32
        %add3A_476 = arith.addi %mul3A_471, %add3A_475 : i32
        %get3A_477 = arith.index_cast %add3A_476 : i32 to index
        %get3A_478 = tpu.vector_load %arg10[%get3A_477] {strides = array<i32>} : memref<8192xf32, #tpu.memory_space<vmem>>, vector<16xf32>,
        tpu.vector_store_idx %arg15[%add3A_474, %broadcast_in_dim3A_3], %get3A_478 : memref<128x8xf32, #tpu.memory_space<vmem>>[vector<16xi32>, vector<16xi32>], vector<16xf32>,
        %get3A_479 = arith.index_cast %add3A_476 : i32 to index
        %get3A_480 = tpu.vector_load %arg11[%get3A_479] {strides = array<i32>} : memref<8192xf32, #tpu.memory_space<vmem>>, vector<16xf32>,
        tpu.vector_store_idx %arg15[%add3A_474, %broadcast_in_dim3A_5], %get3A_480 : memref<128x8xf32, #tpu.memory_space<vmem>>[vector<16xi32>, vector<16xi32>], vector<16xf32>,
        %get3A_481 = arith.index_cast %add3A_476 : i32 to index
        %get3A_482 = tpu.vector_load %arg12[%get3A_481] {strides = array<i32>} : memref<8192xf32, #tpu.memory_space<vmem>>, vector<16xf32>,
        tpu.vector_store_idx %arg15[%add3A_474, %broadcast_in_dim3A_7], %get3A_482 : memref<128x8xf32, #tpu.memory_space<vmem>>[vector<16xi32>, vector<16xi32>], vector<16xf32>,
        %add3A_483 = arith.constant 16 : i32
        %add3A_484 = vector.broadcast %add3A_483 : i32 to vector<16xi32>
        %add3A_485 = arith.addi %iota3A, %add3A_484 : vector<16xi32>
        %add3A_486 = arith.constant 16 : i32
        %add3A_487 = arith.addi %mul3A_471, %add3A_486 : i32
        %get3A_488 = arith.index_cast %add3A_487 : i32 to index
        %get3A_489 = tpu.vector_load %arg10[%get3A_488] {strides = array<i32>} : memref<8192xf32, #tpu.memory_space<vmem>>, vector<16xf32>,
        tpu.vector_store_idx %arg15[%add3A_485, %broadcast_in_dim3A_3], %get3A_489 : memref<128x8xf32, #tpu.memory_space<vmem>>[vector<16xi32>, vector<16xi32>], vector<16xf32>,
        %get3A_490 = arith.index_cast %add3A_487 : i32 to index
        %get3A_491 = tpu.vector_load %arg11[%get3A_490] {strides = array<i32>} : memref<8192xf32, #tpu.memory_space<vmem>>, vector<16xf32>,
        tpu.vector_store_idx %arg15[%add3A_485, %broadcast_in_dim3A_5], %get3A_491 : memref<128x8xf32, #tpu.memory_space<vmem>>[vector<16xi32>, vector<16xi32>], vector<16xf32>,
        %get3A_492 = arith.index_cast %add3A_487 : i32 to index
        %get3A_493 = tpu.vector_load %arg12[%get3A_492] {strides = array<i32>} : memref<8192xf32, #tpu.memory_space<vmem>>, vector<16xf32>,
        tpu.vector_store_idx %arg15[%add3A_485, %broadcast_in_dim3A_7], %get3A_493 : memref<128x8xf32, #tpu.memory_space<vmem>>[vector<16xi32>, vector<16xi32>], vector<16xf32>,
        %add3A_494 = arith.constant 32 : i32
        %add3A_495 = vector.broadcast %add3A_494 : i32 to vector<16xi32>
        %add3A_496 = arith.addi %iota3A, %add3A_495 : vector<16xi32>
        %add3A_497 = arith.constant 32 : i32
        %add3A_498 = arith.addi %mul3A_471, %add3A_497 : i32
        %get3A_499 = arith.index_cast %add3A_498 : i32 to index
        %get3A_500 = tpu.vector_load %arg10[%get3A_499] {strides = array<i32>} : memref<8192xf32, #tpu.memory_space<vmem>>, vector<16xf32>,
        tpu.vector_store_idx %arg15[%add3A_496, %broadcast_in_dim3A_3], %get3A_500 : memref<128x8xf32, #tpu.memory_space<vmem>>[vector<16xi32>, vector<16xi32>], vector<16xf32>,
        %get3A_501 = arith.index_cast %add3A_498 : i32 to index
        %get3A_502 = tpu.vector_load %arg11[%get3A_501] {strides = array<i32>} : memref<8192xf32, #tpu.memory_space<vmem>>, vector<16xf32>,
        tpu.vector_store_idx %arg15[%add3A_496, %broadcast_in_dim3A_5], %get3A_502 : memref<128x8xf32, #tpu.memory_space<vmem>>[vector<16xi32>, vector<16xi32>], vector<16xf32>,
        %get3A_503 = arith.index_cast %add3A_498 : i32 to index
        %get3A_504 = tpu.vector_load %arg12[%get3A_503] {strides = array<i32>} : memref<8192xf32, #tpu.memory_space<vmem>>, vector<16xf32>,
        tpu.vector_store_idx %arg15[%add3A_496, %broadcast_in_dim3A_7], %get3A_504 : memref<128x8xf32, #tpu.memory_space<vmem>>[vector<16xi32>, vector<16xi32>], vector<16xf32>,
        %add3A_505 = arith.constant 48 : i32
        %add3A_506 = vector.broadcast %add3A_505 : i32 to vector<16xi32>
        %add3A_507 = arith.addi %iota3A, %add3A_506 : vector<16xi32>
        %add3A_508 = arith.constant 48 : i32
        %add3A_509 = arith.addi %mul3A_471, %add3A_508 : i32
        %get3A_510 = arith.index_cast %add3A_509 : i32 to index
        %get3A_511 = tpu.vector_load %arg10[%get3A_510] {strides = array<i32>} : memref<8192xf32, #tpu.memory_space<vmem>>, vector<16xf32>,
        tpu.vector_store_idx %arg15[%add3A_507, %broadcast_in_dim3A_3], %get3A_511 : memref<128x8xf32, #tpu.memory_space<vmem>>[vector<16xi32>, vector<16xi32>], vector<16xf32>,
        %get3A_512 = arith.index_cast %add3A_509 : i32 to index
        %get3A_513 = tpu.vector_load %arg11[%get3A_512] {strides = array<i32>} : memref<8192xf32, #tpu.memory_space<vmem>>, vector<16xf32>,
        tpu.vector_store_idx %arg15[%add3A_507, %broadcast_in_dim3A_5], %get3A_513 : memref<128x8xf32, #tpu.memory_space<vmem>>[vector<16xi32>, vector<16xi32>], vector<16xf32>,
        %get3A_514 = arith.index_cast %add3A_509 : i32 to index
        %get3A_515 = tpu.vector_load %arg12[%get3A_514] {strides = array<i32>} : memref<8192xf32, #tpu.memory_space<vmem>>, vector<16xf32>,
        tpu.vector_store_idx %arg15[%add3A_507, %broadcast_in_dim3A_7], %get3A_515 : memref<128x8xf32, #tpu.memory_space<vmem>>[vector<16xi32>, vector<16xi32>], vector<16xf32>,
        %add3A_516 = arith.constant 64 : i32
        %add3A_517 = vector.broadcast %add3A_516 : i32 to vector<16xi32>
        %add3A_518 = arith.addi %iota3A, %add3A_517 : vector<16xi32>
        %add3A_519 = arith.constant 64 : i32
        %add3A_520 = arith.addi %mul3A_471, %add3A_519 : i32
        %get3A_521 = arith.index_cast %add3A_520 : i32 to index
        %get3A_522 = tpu.vector_load %arg10[%get3A_521] {strides = array<i32>} : memref<8192xf32, #tpu.memory_space<vmem>>, vector<16xf32>,
        tpu.vector_store_idx %arg15[%add3A_518, %broadcast_in_dim3A_3], %get3A_522 : memref<128x8xf32, #tpu.memory_space<vmem>>[vector<16xi32>, vector<16xi32>], vector<16xf32>,
        %get3A_523 = arith.index_cast %add3A_520 : i32 to index
        %get3A_524 = tpu.vector_load %arg11[%get3A_523] {strides = array<i32>} : memref<8192xf32, #tpu.memory_space<vmem>>, vector<16xf32>,
        tpu.vector_store_idx %arg15[%add3A_518, %broadcast_in_dim3A_5], %get3A_524 : memref<128x8xf32, #tpu.memory_space<vmem>>[vector<16xi32>, vector<16xi32>], vector<16xf32>,
        %get3A_525 = arith.index_cast %add3A_520 : i32 to index
        %get3A_526 = tpu.vector_load %arg12[%get3A_525] {strides = array<i32>} : memref<8192xf32, #tpu.memory_space<vmem>>, vector<16xf32>,
        tpu.vector_store_idx %arg15[%add3A_518, %broadcast_in_dim3A_7], %get3A_526 : memref<128x8xf32, #tpu.memory_space<vmem>>[vector<16xi32>, vector<16xi32>], vector<16xf32>,
        %add3A_527 = arith.constant 80 : i32
        %add3A_528 = vector.broadcast %add3A_527 : i32 to vector<16xi32>
        %add3A_529 = arith.addi %iota3A, %add3A_528 : vector<16xi32>
        %add3A_530 = arith.constant 80 : i32
        %add3A_531 = arith.addi %mul3A_471, %add3A_530 : i32
        %get3A_532 = arith.index_cast %add3A_531 : i32 to index
        %get3A_533 = tpu.vector_load %arg10[%get3A_532] {strides = array<i32>} : memref<8192xf32, #tpu.memory_space<vmem>>, vector<16xf32>,
        tpu.vector_store_idx %arg15[%add3A_529, %broadcast_in_dim3A_3], %get3A_533 : memref<128x8xf32, #tpu.memory_space<vmem>>[vector<16xi32>, vector<16xi32>], vector<16xf32>,
        %get3A_534 = arith.index_cast %add3A_531 : i32 to index
        %get3A_535 = tpu.vector_load %arg11[%get3A_534] {strides = array<i32>} : memref<8192xf32, #tpu.memory_space<vmem>>, vector<16xf32>,
        tpu.vector_store_idx %arg15[%add3A_529, %broadcast_in_dim3A_5], %get3A_535 : memref<128x8xf32, #tpu.memory_space<vmem>>[vector<16xi32>, vector<16xi32>], vector<16xf32>,
        %get3A_536 = arith.index_cast %add3A_531 : i32 to index
        %get3A_537 = tpu.vector_load %arg12[%get3A_536] {strides = array<i32>} : memref<8192xf32, #tpu.memory_space<vmem>>, vector<16xf32>,
        tpu.vector_store_idx %arg15[%add3A_529, %broadcast_in_dim3A_7], %get3A_537 : memref<128x8xf32, #tpu.memory_space<vmem>>[vector<16xi32>, vector<16xi32>], vector<16xf32>,
        %add3A_538 = arith.constant 96 : i32
        %add3A_539 = vector.broadcast %add3A_538 : i32 to vector<16xi32>
        %add3A_540 = arith.addi %iota3A, %add3A_539 : vector<16xi32>
        %add3A_541 = arith.constant 96 : i32
        %add3A_542 = arith.addi %mul3A_471, %add3A_541 : i32
        %get3A_543 = arith.index_cast %add3A_542 : i32 to index
        %get3A_544 = tpu.vector_load %arg10[%get3A_543] {strides = array<i32>} : memref<8192xf32, #tpu.memory_space<vmem>>, vector<16xf32>,
        tpu.vector_store_idx %arg15[%add3A_540, %broadcast_in_dim3A_3], %get3A_544 : memref<128x8xf32, #tpu.memory_space<vmem>>[vector<16xi32>, vector<16xi32>], vector<16xf32>,
        %get3A_545 = arith.index_cast %add3A_542 : i32 to index
        %get3A_546 = tpu.vector_load %arg11[%get3A_545] {strides = array<i32>} : memref<8192xf32, #tpu.memory_space<vmem>>, vector<16xf32>,
        tpu.vector_store_idx %arg15[%add3A_540, %broadcast_in_dim3A_5], %get3A_546 : memref<128x8xf32, #tpu.memory_space<vmem>>[vector<16xi32>, vector<16xi32>], vector<16xf32>,
        %get3A_547 = arith.index_cast %add3A_542 : i32 to index
        %get3A_548 = tpu.vector_load %arg12[%get3A_547] {strides = array<i32>} : memref<8192xf32, #tpu.memory_space<vmem>>, vector<16xf32>,
        tpu.vector_store_idx %arg15[%add3A_540, %broadcast_in_dim3A_7], %get3A_548 : memref<128x8xf32, #tpu.memory_space<vmem>>[vector<16xi32>, vector<16xi32>], vector<16xf32>,
        %add3A_549 = arith.constant 112 : i32
        %add3A_550 = vector.broadcast %add3A_549 : i32 to vector<16xi32>
        %add3A_551 = arith.addi %iota3A, %add3A_550 : vector<16xi32>
        %add3A_552 = arith.constant 112 : i32
        %add3A_553 = arith.addi %mul3A_471, %add3A_552 : i32
        %get3A_554 = arith.index_cast %add3A_553 : i32 to index
        %get3A_555 = tpu.vector_load %arg10[%get3A_554] {strides = array<i32>} : memref<8192xf32, #tpu.memory_space<vmem>>, vector<16xf32>,
        tpu.vector_store_idx %arg15[%add3A_551, %broadcast_in_dim3A_3], %get3A_555 : memref<128x8xf32, #tpu.memory_space<vmem>>[vector<16xi32>, vector<16xi32>], vector<16xf32>,
        %get3A_556 = arith.index_cast %add3A_553 : i32 to index
        %get3A_557 = tpu.vector_load %arg11[%get3A_556] {strides = array<i32>} : memref<8192xf32, #tpu.memory_space<vmem>>, vector<16xf32>,
        tpu.vector_store_idx %arg15[%add3A_551, %broadcast_in_dim3A_5], %get3A_557 : memref<128x8xf32, #tpu.memory_space<vmem>>[vector<16xi32>, vector<16xi32>], vector<16xf32>,
        %get3A_558 = arith.index_cast %add3A_553 : i32 to index
        %get3A_559 = tpu.vector_load %arg12[%get3A_558] {strides = array<i32>} : memref<8192xf32, #tpu.memory_space<vmem>>, vector<16xf32>,
        tpu.vector_store_idx %arg15[%add3A_551, %broadcast_in_dim3A_7], %get3A_559 : memref<128x8xf32, #tpu.memory_space<vmem>>[vector<16xi32>, vector<16xi32>], vector<16xf32>,
        %dma_start3A_560 = arith.constant 0 : i32
        %dma_start3A_561 = arith.constant 0 : i32
        %dma_start3A_562 = tpu.memref_slice %arg9[%add3A_464, %dma_start3A_560, %dma_start3A_561] : memref<64x1x128xi32, #tpu.memory_space<vmem>> -> memref<1x1x128xi32, #tpu.memory_space<vmem>>
        %dma_start3A_563 = tpu.memref_squeeze %dma_start3A_562 : memref<1x1x128xi32, #tpu.memory_space<vmem>> -> memref<128xi32, #tpu.memory_space<vmem>>
        %dma_start3A_564 = arith.constant 0 : i32
        %dma_start3A_565 = arith.constant 0 : i32
        %dma_start3A_566 = tpu.memref_slice %arg8[%dma_start3A_564, %dma_start3A_565] : memref<100352x8xf32, #tpu.memory_space<vmem_shared>> -> memref<100352x8xf32, #tpu.memory_space<vmem_shared>>
        tpu.enqueue_indirect_dma source(%arg15 : memref<128x8xf32, #tpu.memory_space<vmem>>) target(%dma_start3A_566 : memref<100352x8xf32, #tpu.memory_space<vmem_shared>>) offsets(%dma_start3A_563 : memref<128xi32, #tpu.memory_space<vmem>>) semaphore(%arg19 : memref<!tpu.dma_semaphore, #tpu.memory_space<semaphore_mem>>) {add = true}
        %mul3A_567 = arith.constant 4 : i32
        %mul3A_568 = arith.muli %mul3A_567, %scan3A_252 : i32
        %add3A_569 = arith.constant 3 : i32
        %add3A_570 = arith.addi %mul3A_568, %add3A_569 : i32
        %gt3A_571 = arith.constant 0 : i32
        %gt3A_572 = arith.cmpi sgt, %scan3A_252, %gt3A_571 : i32
        %convert_element_type3A_573 = arith.extui %gt3A_572 : i1 to i32
        %cond3A_574 = arith.constant 0 : i32
        %cond3A_575 = arith.cmpi ne, %convert_element_type3A_573, %cond3A_574 : i32
        scf.if %cond3A_575 {
          %dma_wait3A_674 = arith.constant 0 : i32
          %dma_wait3A_675 = arith.constant 0 : i32
          %dma_wait3A_676 = tpu.memref_slice %arg9[%add3A_570, %dma_wait3A_674, %dma_wait3A_675] : memref<64x1x128xi32, #tpu.memory_space<vmem>> -> memref<1x1x128xi32, #tpu.memory_space<vmem>>
          %dma_wait3A_677 = tpu.memref_squeeze %dma_wait3A_676 : memref<1x1x128xi32, #tpu.memory_space<vmem>> -> memref<128xi32, #tpu.memory_space<vmem>>
          %dma_wait3A_678 = arith.constant 0 : i32
          %dma_wait3A_679 = arith.constant 0 : i32
          %dma_wait3A_680 = tpu.memref_slice %arg8[%dma_wait3A_678, %dma_wait3A_679] : memref<100352x8xf32, #tpu.memory_space<vmem_shared>> -> memref<100352x8xf32, #tpu.memory_space<vmem_shared>>
          tpu.wait_indirect_dma semaphore(%arg20 : memref<!tpu.dma_semaphore, #tpu.memory_space<semaphore_mem>>) src(%arg16 : memref<128x8xf32, #tpu.memory_space<vmem>>) dst(%dma_wait3A_680 : memref<100352x8xf32, #tpu.memory_space<vmem_shared>>)
        } else {
        }
        %mul3A_576 = arith.constant 128 : i32
        %mul3A_577 = arith.muli %add3A_570, %mul3A_576 : i32
        %add3A_578 = arith.constant 0 : i32
        %add3A_579 = vector.broadcast %add3A_578 : i32 to vector<16xi32>
        %add3A_580 = arith.addi %iota3A, %add3A_579 : vector<16xi32>
        %add3A_581 = arith.constant 0 : i32
        %add3A_582 = arith.addi %mul3A_577, %add3A_581 : i32
        %get3A_583 = arith.index_cast %add3A_582 : i32 to index
        %get3A_584 = tpu.vector_load %arg10[%get3A_583] {strides = array<i32>} : memref<8192xf32, #tpu.memory_space<vmem>>, vector<16xf32>,
        tpu.vector_store_idx %arg16[%add3A_580, %broadcast_in_dim3A_3], %get3A_584 : memref<128x8xf32, #tpu.memory_space<vmem>>[vector<16xi32>, vector<16xi32>], vector<16xf32>,
        %get3A_585 = arith.index_cast %add3A_582 : i32 to index
        %get3A_586 = tpu.vector_load %arg11[%get3A_585] {strides = array<i32>} : memref<8192xf32, #tpu.memory_space<vmem>>, vector<16xf32>,
        tpu.vector_store_idx %arg16[%add3A_580, %broadcast_in_dim3A_5], %get3A_586 : memref<128x8xf32, #tpu.memory_space<vmem>>[vector<16xi32>, vector<16xi32>], vector<16xf32>,
        %get3A_587 = arith.index_cast %add3A_582 : i32 to index
        %get3A_588 = tpu.vector_load %arg12[%get3A_587] {strides = array<i32>} : memref<8192xf32, #tpu.memory_space<vmem>>, vector<16xf32>,
        tpu.vector_store_idx %arg16[%add3A_580, %broadcast_in_dim3A_7], %get3A_588 : memref<128x8xf32, #tpu.memory_space<vmem>>[vector<16xi32>, vector<16xi32>], vector<16xf32>,
        %add3A_589 = arith.constant 16 : i32
        %add3A_590 = vector.broadcast %add3A_589 : i32 to vector<16xi32>
        %add3A_591 = arith.addi %iota3A, %add3A_590 : vector<16xi32>
        %add3A_592 = arith.constant 16 : i32
        %add3A_593 = arith.addi %mul3A_577, %add3A_592 : i32
        %get3A_594 = arith.index_cast %add3A_593 : i32 to index
        %get3A_595 = tpu.vector_load %arg10[%get3A_594] {strides = array<i32>} : memref<8192xf32, #tpu.memory_space<vmem>>, vector<16xf32>,
        tpu.vector_store_idx %arg16[%add3A_591, %broadcast_in_dim3A_3], %get3A_595 : memref<128x8xf32, #tpu.memory_space<vmem>>[vector<16xi32>, vector<16xi32>], vector<16xf32>,
        %get3A_596 = arith.index_cast %add3A_593 : i32 to index
        %get3A_597 = tpu.vector_load %arg11[%get3A_596] {strides = array<i32>} : memref<8192xf32, #tpu.memory_space<vmem>>, vector<16xf32>,
        tpu.vector_store_idx %arg16[%add3A_591, %broadcast_in_dim3A_5], %get3A_597 : memref<128x8xf32, #tpu.memory_space<vmem>>[vector<16xi32>, vector<16xi32>], vector<16xf32>,
        %get3A_598 = arith.index_cast %add3A_593 : i32 to index
        %get3A_599 = tpu.vector_load %arg12[%get3A_598] {strides = array<i32>} : memref<8192xf32, #tpu.memory_space<vmem>>, vector<16xf32>,
        tpu.vector_store_idx %arg16[%add3A_591, %broadcast_in_dim3A_7], %get3A_599 : memref<128x8xf32, #tpu.memory_space<vmem>>[vector<16xi32>, vector<16xi32>], vector<16xf32>,
        %add3A_600 = arith.constant 32 : i32
        %add3A_601 = vector.broadcast %add3A_600 : i32 to vector<16xi32>
        %add3A_602 = arith.addi %iota3A, %add3A_601 : vector<16xi32>
        %add3A_603 = arith.constant 32 : i32
        %add3A_604 = arith.addi %mul3A_577, %add3A_603 : i32
        %get3A_605 = arith.index_cast %add3A_604 : i32 to index
        %get3A_606 = tpu.vector_load %arg10[%get3A_605] {strides = array<i32>} : memref<8192xf32, #tpu.memory_space<vmem>>, vector<16xf32>,
        tpu.vector_store_idx %arg16[%add3A_602, %broadcast_in_dim3A_3], %get3A_606 : memref<128x8xf32, #tpu.memory_space<vmem>>[vector<16xi32>, vector<16xi32>], vector<16xf32>,
        %get3A_607 = arith.index_cast %add3A_604 : i32 to index
        %get3A_608 = tpu.vector_load %arg11[%get3A_607] {strides = array<i32>} : memref<8192xf32, #tpu.memory_space<vmem>>, vector<16xf32>,
        tpu.vector_store_idx %arg16[%add3A_602, %broadcast_in_dim3A_5], %get3A_608 : memref<128x8xf32, #tpu.memory_space<vmem>>[vector<16xi32>, vector<16xi32>], vector<16xf32>,
        %get3A_609 = arith.index_cast %add3A_604 : i32 to index
        %get3A_610 = tpu.vector_load %arg12[%get3A_609] {strides = array<i32>} : memref<8192xf32, #tpu.memory_space<vmem>>, vector<16xf32>,
        tpu.vector_store_idx %arg16[%add3A_602, %broadcast_in_dim3A_7], %get3A_610 : memref<128x8xf32, #tpu.memory_space<vmem>>[vector<16xi32>, vector<16xi32>], vector<16xf32>,
        %add3A_611 = arith.constant 48 : i32
        %add3A_612 = vector.broadcast %add3A_611 : i32 to vector<16xi32>
        %add3A_613 = arith.addi %iota3A, %add3A_612 : vector<16xi32>
        %add3A_614 = arith.constant 48 : i32
        %add3A_615 = arith.addi %mul3A_577, %add3A_614 : i32
        %get3A_616 = arith.index_cast %add3A_615 : i32 to index
        %get3A_617 = tpu.vector_load %arg10[%get3A_616] {strides = array<i32>} : memref<8192xf32, #tpu.memory_space<vmem>>, vector<16xf32>,
        tpu.vector_store_idx %arg16[%add3A_613, %broadcast_in_dim3A_3], %get3A_617 : memref<128x8xf32, #tpu.memory_space<vmem>>[vector<16xi32>, vector<16xi32>], vector<16xf32>,
        %get3A_618 = arith.index_cast %add3A_615 : i32 to index
        %get3A_619 = tpu.vector_load %arg11[%get3A_618] {strides = array<i32>} : memref<8192xf32, #tpu.memory_space<vmem>>, vector<16xf32>,
        tpu.vector_store_idx %arg16[%add3A_613, %broadcast_in_dim3A_5], %get3A_619 : memref<128x8xf32, #tpu.memory_space<vmem>>[vector<16xi32>, vector<16xi32>], vector<16xf32>,
        %get3A_620 = arith.index_cast %add3A_615 : i32 to index
        %get3A_621 = tpu.vector_load %arg12[%get3A_620] {strides = array<i32>} : memref<8192xf32, #tpu.memory_space<vmem>>, vector<16xf32>,
        tpu.vector_store_idx %arg16[%add3A_613, %broadcast_in_dim3A_7], %get3A_621 : memref<128x8xf32, #tpu.memory_space<vmem>>[vector<16xi32>, vector<16xi32>], vector<16xf32>,
        %add3A_622 = arith.constant 64 : i32
        %add3A_623 = vector.broadcast %add3A_622 : i32 to vector<16xi32>
        %add3A_624 = arith.addi %iota3A, %add3A_623 : vector<16xi32>
        %add3A_625 = arith.constant 64 : i32
        %add3A_626 = arith.addi %mul3A_577, %add3A_625 : i32
        %get3A_627 = arith.index_cast %add3A_626 : i32 to index
        %get3A_628 = tpu.vector_load %arg10[%get3A_627] {strides = array<i32>} : memref<8192xf32, #tpu.memory_space<vmem>>, vector<16xf32>,
        tpu.vector_store_idx %arg16[%add3A_624, %broadcast_in_dim3A_3], %get3A_628 : memref<128x8xf32, #tpu.memory_space<vmem>>[vector<16xi32>, vector<16xi32>], vector<16xf32>,
        %get3A_629 = arith.index_cast %add3A_626 : i32 to index
        %get3A_630 = tpu.vector_load %arg11[%get3A_629] {strides = array<i32>} : memref<8192xf32, #tpu.memory_space<vmem>>, vector<16xf32>,
        tpu.vector_store_idx %arg16[%add3A_624, %broadcast_in_dim3A_5], %get3A_630 : memref<128x8xf32, #tpu.memory_space<vmem>>[vector<16xi32>, vector<16xi32>], vector<16xf32>,
        %get3A_631 = arith.index_cast %add3A_626 : i32 to index
        %get3A_632 = tpu.vector_load %arg12[%get3A_631] {strides = array<i32>} : memref<8192xf32, #tpu.memory_space<vmem>>, vector<16xf32>,
        tpu.vector_store_idx %arg16[%add3A_624, %broadcast_in_dim3A_7], %get3A_632 : memref<128x8xf32, #tpu.memory_space<vmem>>[vector<16xi32>, vector<16xi32>], vector<16xf32>,
        %add3A_633 = arith.constant 80 : i32
        %add3A_634 = vector.broadcast %add3A_633 : i32 to vector<16xi32>
        %add3A_635 = arith.addi %iota3A, %add3A_634 : vector<16xi32>
        %add3A_636 = arith.constant 80 : i32
        %add3A_637 = arith.addi %mul3A_577, %add3A_636 : i32
        %get3A_638 = arith.index_cast %add3A_637 : i32 to index
        %get3A_639 = tpu.vector_load %arg10[%get3A_638] {strides = array<i32>} : memref<8192xf32, #tpu.memory_space<vmem>>, vector<16xf32>,
        tpu.vector_store_idx %arg16[%add3A_635, %broadcast_in_dim3A_3], %get3A_639 : memref<128x8xf32, #tpu.memory_space<vmem>>[vector<16xi32>, vector<16xi32>], vector<16xf32>,
        %get3A_640 = arith.index_cast %add3A_637 : i32 to index
        %get3A_641 = tpu.vector_load %arg11[%get3A_640] {strides = array<i32>} : memref<8192xf32, #tpu.memory_space<vmem>>, vector<16xf32>,
        tpu.vector_store_idx %arg16[%add3A_635, %broadcast_in_dim3A_5], %get3A_641 : memref<128x8xf32, #tpu.memory_space<vmem>>[vector<16xi32>, vector<16xi32>], vector<16xf32>,
        %get3A_642 = arith.index_cast %add3A_637 : i32 to index
        %get3A_643 = tpu.vector_load %arg12[%get3A_642] {strides = array<i32>} : memref<8192xf32, #tpu.memory_space<vmem>>, vector<16xf32>,
        tpu.vector_store_idx %arg16[%add3A_635, %broadcast_in_dim3A_7], %get3A_643 : memref<128x8xf32, #tpu.memory_space<vmem>>[vector<16xi32>, vector<16xi32>], vector<16xf32>,
        %add3A_644 = arith.constant 96 : i32
        %add3A_645 = vector.broadcast %add3A_644 : i32 to vector<16xi32>
        %add3A_646 = arith.addi %iota3A, %add3A_645 : vector<16xi32>
        %add3A_647 = arith.constant 96 : i32
        %add3A_648 = arith.addi %mul3A_577, %add3A_647 : i32
        %get3A_649 = arith.index_cast %add3A_648 : i32 to index
        %get3A_650 = tpu.vector_load %arg10[%get3A_649] {strides = array<i32>} : memref<8192xf32, #tpu.memory_space<vmem>>, vector<16xf32>,
        tpu.vector_store_idx %arg16[%add3A_646, %broadcast_in_dim3A_3], %get3A_650 : memref<128x8xf32, #tpu.memory_space<vmem>>[vector<16xi32>, vector<16xi32>], vector<16xf32>,
        %get3A_651 = arith.index_cast %add3A_648 : i32 to index
        %get3A_652 = tpu.vector_load %arg11[%get3A_651] {strides = array<i32>} : memref<8192xf32, #tpu.memory_space<vmem>>, vector<16xf32>,
        tpu.vector_store_idx %arg16[%add3A_646, %broadcast_in_dim3A_5], %get3A_652 : memref<128x8xf32, #tpu.memory_space<vmem>>[vector<16xi32>, vector<16xi32>], vector<16xf32>,
        %get3A_653 = arith.index_cast %add3A_648 : i32 to index
        %get3A_654 = tpu.vector_load %arg12[%get3A_653] {strides = array<i32>} : memref<8192xf32, #tpu.memory_space<vmem>>, vector<16xf32>,
        tpu.vector_store_idx %arg16[%add3A_646, %broadcast_in_dim3A_7], %get3A_654 : memref<128x8xf32, #tpu.memory_space<vmem>>[vector<16xi32>, vector<16xi32>], vector<16xf32>,
        %add3A_655 = arith.constant 112 : i32
        %add3A_656 = vector.broadcast %add3A_655 : i32 to vector<16xi32>
        %add3A_657 = arith.addi %iota3A, %add3A_656 : vector<16xi32>
        %add3A_658 = arith.constant 112 : i32
        %add3A_659 = arith.addi %mul3A_577, %add3A_658 : i32
        %get3A_660 = arith.index_cast %add3A_659 : i32 to index
        %get3A_661 = tpu.vector_load %arg10[%get3A_660] {strides = array<i32>} : memref<8192xf32, #tpu.memory_space<vmem>>, vector<16xf32>,
        tpu.vector_store_idx %arg16[%add3A_657, %broadcast_in_dim3A_3], %get3A_661 : memref<128x8xf32, #tpu.memory_space<vmem>>[vector<16xi32>, vector<16xi32>], vector<16xf32>,
        %get3A_662 = arith.index_cast %add3A_659 : i32 to index
        %get3A_663 = tpu.vector_load %arg11[%get3A_662] {strides = array<i32>} : memref<8192xf32, #tpu.memory_space<vmem>>, vector<16xf32>,
        tpu.vector_store_idx %arg16[%add3A_657, %broadcast_in_dim3A_5], %get3A_663 : memref<128x8xf32, #tpu.memory_space<vmem>>[vector<16xi32>, vector<16xi32>], vector<16xf32>,
        %get3A_664 = arith.index_cast %add3A_659 : i32 to index
        %get3A_665 = tpu.vector_load %arg12[%get3A_664] {strides = array<i32>} : memref<8192xf32, #tpu.memory_space<vmem>>, vector<16xf32>,
        tpu.vector_store_idx %arg16[%add3A_657, %broadcast_in_dim3A_7], %get3A_665 : memref<128x8xf32, #tpu.memory_space<vmem>>[vector<16xi32>, vector<16xi32>], vector<16xf32>,
        %dma_start3A_666 = arith.constant 0 : i32
        %dma_start3A_667 = arith.constant 0 : i32
        %dma_start3A_668 = tpu.memref_slice %arg9[%add3A_570, %dma_start3A_666, %dma_start3A_667] : memref<64x1x128xi32, #tpu.memory_space<vmem>> -> memref<1x1x128xi32, #tpu.memory_space<vmem>>
        %dma_start3A_669 = tpu.memref_squeeze %dma_start3A_668 : memref<1x1x128xi32, #tpu.memory_space<vmem>> -> memref<128xi32, #tpu.memory_space<vmem>>
        %dma_start3A_670 = arith.constant 0 : i32
        %dma_start3A_671 = arith.constant 0 : i32
        %dma_start3A_672 = tpu.memref_slice %arg8[%dma_start3A_670, %dma_start3A_671] : memref<100352x8xf32, #tpu.memory_space<vmem_shared>> -> memref<100352x8xf32, #tpu.memory_space<vmem_shared>>
        tpu.enqueue_indirect_dma source(%arg16 : memref<128x8xf32, #tpu.memory_space<vmem>>) target(%dma_start3A_672 : memref<100352x8xf32, #tpu.memory_space<vmem_shared>>) offsets(%dma_start3A_669 : memref<128xi32, #tpu.memory_space<vmem>>) semaphore(%arg20 : memref<!tpu.dma_semaphore, #tpu.memory_space<semaphore_mem>>) {add = true}
        %scan3A_673 = arith.constant 0 : i32
        scf.yield %scan3A_673 : i32
      }
      %scan3A_219 = arith.constant 16 : i32
      %dma_wait3A = arith.constant 60 : i32
      %dma_wait3A_220 = arith.constant 0 : i32
      %dma_wait3A_221 = arith.constant 0 : i32
      %dma_wait3A_222 = tpu.memref_slice %arg9[%dma_wait3A, %dma_wait3A_220, %dma_wait3A_221] : memref<64x1x128xi32, #tpu.memory_space<vmem>> -> memref<1x1x128xi32, #tpu.memory_space<vmem>>
      %dma_wait3A_223 = tpu.memref_squeeze %dma_wait3A_222 : memref<1x1x128xi32, #tpu.memory_space<vmem>> -> memref<128xi32, #tpu.memory_space<vmem>>
      %dma_wait3A_224 = arith.constant 0 : i32
      %dma_wait3A_225 = arith.constant 0 : i32
      %dma_wait3A_226 = tpu.memref_slice %arg8[%dma_wait3A_224, %dma_wait3A_225] : memref<100352x8xf32, #tpu.memory_space<vmem_shared>> -> memref<100352x8xf32, #tpu.memory_space<vmem_shared>>
      tpu.wait_indirect_dma semaphore(%arg17 : memref<!tpu.dma_semaphore, #tpu.memory_space<semaphore_mem>>) src(%arg13 : memref<128x8xf32, #tpu.memory_space<vmem>>) dst(%dma_wait3A_226 : memref<100352x8xf32, #tpu.memory_space<vmem_shared>>)
      %dma_wait3A_227 = arith.constant 61 : i32
      %dma_wait3A_228 = arith.constant 0 : i32
      %dma_wait3A_229 = arith.constant 0 : i32
      %dma_wait3A_230 = tpu.memref_slice %arg9[%dma_wait3A_227, %dma_wait3A_228, %dma_wait3A_229] : memref<64x1x128xi32, #tpu.memory_space<vmem>> -> memref<1x1x128xi32, #tpu.memory_space<vmem>>
      %dma_wait3A_231 = tpu.memref_squeeze %dma_wait3A_230 : memref<1x1x128xi32, #tpu.memory_space<vmem>> -> memref<128xi32, #tpu.memory_space<vmem>>
      %dma_wait3A_232 = arith.constant 0 : i32
      %dma_wait3A_233 = arith.constant 0 : i32
      %dma_wait3A_234 = tpu.memref_slice %arg8[%dma_wait3A_232, %dma_wait3A_233] : memref<100352x8xf32, #tpu.memory_space<vmem_shared>> -> memref<100352x8xf32, #tpu.memory_space<vmem_shared>>
      tpu.wait_indirect_dma semaphore(%arg18 : memref<!tpu.dma_semaphore, #tpu.memory_space<semaphore_mem>>) src(%arg14 : memref<128x8xf32, #tpu.memory_space<vmem>>) dst(%dma_wait3A_234 : memref<100352x8xf32, #tpu.memory_space<vmem_shared>>)
      %dma_wait3A_235 = arith.constant 62 : i32
      %dma_wait3A_236 = arith.constant 0 : i32
      %dma_wait3A_237 = arith.constant 0 : i32
      %dma_wait3A_238 = tpu.memref_slice %arg9[%dma_wait3A_235, %dma_wait3A_236, %dma_wait3A_237] : memref<64x1x128xi32, #tpu.memory_space<vmem>> -> memref<1x1x128xi32, #tpu.memory_space<vmem>>
      %dma_wait3A_239 = tpu.memref_squeeze %dma_wait3A_238 : memref<1x1x128xi32, #tpu.memory_space<vmem>> -> memref<128xi32, #tpu.memory_space<vmem>>
      %dma_wait3A_240 = arith.constant 0 : i32
      %dma_wait3A_241 = arith.constant 0 : i32
      %dma_wait3A_242 = tpu.memref_slice %arg8[%dma_wait3A_240, %dma_wait3A_241] : memref<100352x8xf32, #tpu.memory_space<vmem_shared>> -> memref<100352x8xf32, #tpu.memory_space<vmem_shared>>
      tpu.wait_indirect_dma semaphore(%arg19 : memref<!tpu.dma_semaphore, #tpu.memory_space<semaphore_mem>>) src(%arg15 : memref<128x8xf32, #tpu.memory_space<vmem>>) dst(%dma_wait3A_242 : memref<100352x8xf32, #tpu.memory_space<vmem_shared>>)
      %dma_wait3A_243 = arith.constant 63 : i32
      %dma_wait3A_244 = arith.constant 0 : i32
      %dma_wait3A_245 = arith.constant 0 : i32
      %dma_wait3A_246 = tpu.memref_slice %arg9[%dma_wait3A_243, %dma_wait3A_244, %dma_wait3A_245] : memref<64x1x128xi32, #tpu.memory_space<vmem>> -> memref<1x1x128xi32, #tpu.memory_space<vmem>>
      %dma_wait3A_247 = tpu.memref_squeeze %dma_wait3A_246 : memref<1x1x128xi32, #tpu.memory_space<vmem>> -> memref<128xi32, #tpu.memory_space<vmem>>
      %dma_wait3A_248 = arith.constant 0 : i32
      %dma_wait3A_249 = arith.constant 0 : i32
      %dma_wait3A_250 = tpu.memref_slice %arg8[%dma_wait3A_248, %dma_wait3A_249] : memref<100352x8xf32, #tpu.memory_space<vmem_shared>> -> memref<100352x8xf32, #tpu.memory_space<vmem_shared>>
      tpu.wait_indirect_dma semaphore(%arg20 : memref<!tpu.dma_semaphore, #tpu.memory_space<semaphore_mem>>) src(%arg16 : memref<128x8xf32, #tpu.memory_space<vmem>>) dst(%dma_wait3A_250 : memref<100352x8xf32, #tpu.memory_space<vmem_shared>>)
      %while3A_251 = arith.constant 0 : i32
      scf.yield %while3A_251 : i32
    }
    %while3A_188 = arith.constant 1 : i32
    %while3A_189 = scf.for %while3A_207 = %while3A_185 to %while3A_181 step %while3A_188 iter_args(%while3A_208 = %while3A_187) -> (i32)  : i32 {
      %mul3A_209 = arith.constant 64 : i32
      %mul3A_210 = arith.muli %while3A_207, %mul3A_209 : i32
      %add3A_211 = arith.addi %select_n3A, %mul3A_210 : i32
      %mul3A_212 = arith.constant 128 : i32
      %mul3A_213 = arith.muli %add3A_211, %mul3A_212 : i32
      "tpu.region"() ({
        %run_scoped3A = tpu.sem_alloc : memref<!tpu.dma_semaphore, #tpu.memory_space<semaphore_mem>>
        %dma_start3A = arith.constant 0 : i32
        %dma_start3A_252 = arith.constant 0 : i32
        %dma_start3A_253 = tpu.memref_slice %arg5[%add3A_211, %dma_start3A, %dma_start3A_252] : memref<25000x1x128xi32, #tpu.memory_space<hbm>> -> memref<64x1x128xi32, #tpu.memory_space<hbm>>
        %dma_start3A_254 = arith.constant 0 : i32
        %dma_start3A_255 = arith.constant 0 : i32
        %dma_start3A_256 = tpu.memref_slice %arg5[%add3A_211, %dma_start3A_254, %dma_start3A_255] : memref<25000x1x128xi32, #tpu.memory_space<hbm>> -> memref<64x1x128xi32, #tpu.memory_space<hbm>>
        tpu.enqueue_dma source(%dma_start3A_256 : memref<64x1x128xi32, #tpu.memory_space<hbm>>) target(%arg9 : memref<64x1x128xi32, #tpu.memory_space<vmem>>) target_semaphore(%run_scoped3A : memref<!tpu.dma_semaphore, #tpu.memory_space<semaphore_mem>>)
        %dma_wait3A_257 = arith.constant 0 : i32
        %dma_wait3A_258 = arith.constant 0 : i32
        %dma_wait3A_259 = tpu.memref_slice %arg5[%add3A_211, %dma_wait3A_257, %dma_wait3A_258] : memref<25000x1x128xi32, #tpu.memory_space<hbm>> -> memref<64x1x128xi32, #tpu.memory_space<hbm>>
        %dma_wait3A_260 = arith.constant 0 : i32
        %dma_wait3A_261 = arith.constant 0 : i32
        %dma_wait3A_262 = tpu.memref_slice %arg5[%add3A_211, %dma_wait3A_260, %dma_wait3A_261] : memref<25000x1x128xi32, #tpu.memory_space<hbm>> -> memref<64x1x128xi32, #tpu.memory_space<hbm>>
        tpu.wait_dma2 semaphore(%run_scoped3A : memref<!tpu.dma_semaphore, #tpu.memory_space<semaphore_mem>>) src(%dma_wait3A_262 : memref<64x1x128xi32, #tpu.memory_space<hbm>>) dst(%arg9 : memref<64x1x128xi32, #tpu.memory_space<vmem>>)
        tpu.yield
      }) : () -> ()
      "tpu.region"() ({
        %run_scoped3A = tpu.sem_alloc : memref<!tpu.dma_semaphore, #tpu.memory_space<semaphore_mem>>
        %dma_start3A = tpu.memref_slice %arg2[%mul3A_213] : memref<3200000xf32, #tpu.memory_space<hbm>> -> memref<8192xf32, #tpu.memory_space<hbm>>
        %dma_start3A_252 = tpu.memref_slice %arg2[%mul3A_213] : memref<3200000xf32, #tpu.memory_space<hbm>> -> memref<8192xf32, #tpu.memory_space<hbm>>
        tpu.enqueue_dma source(%dma_start3A_252 : memref<8192xf32, #tpu.memory_space<hbm>>) target(%arg10 : memref<8192xf32, #tpu.memory_space<vmem>>) target_semaphore(%run_scoped3A : memref<!tpu.dma_semaphore, #tpu.memory_space<semaphore_mem>>)
        %dma_wait3A_253 = tpu.memref_slice %arg2[%mul3A_213] : memref<3200000xf32, #tpu.memory_space<hbm>> -> memref<8192xf32, #tpu.memory_space<hbm>>
        %dma_wait3A_254 = tpu.memref_slice %arg2[%mul3A_213] : memref<3200000xf32, #tpu.memory_space<hbm>> -> memref<8192xf32, #tpu.memory_space<hbm>>
        tpu.wait_dma2 semaphore(%run_scoped3A : memref<!tpu.dma_semaphore, #tpu.memory_space<semaphore_mem>>) src(%dma_wait3A_254 : memref<8192xf32, #tpu.memory_space<hbm>>) dst(%arg10 : memref<8192xf32, #tpu.memory_space<vmem>>)
        tpu.yield
      }) : () -> ()
      "tpu.region"() ({
        %run_scoped3A = tpu.sem_alloc : memref<!tpu.dma_semaphore, #tpu.memory_space<semaphore_mem>>
        %dma_start3A = tpu.memref_slice %arg3[%mul3A_213] : memref<3200000xf32, #tpu.memory_space<hbm>> -> memref<8192xf32, #tpu.memory_space<hbm>>
        %dma_start3A_252 = tpu.memref_slice %arg3[%mul3A_213] : memref<3200000xf32, #tpu.memory_space<hbm>> -> memref<8192xf32, #tpu.memory_space<hbm>>
        tpu.enqueue_dma source(%dma_start3A_252 : memref<8192xf32, #tpu.memory_space<hbm>>) target(%arg11 : memref<8192xf32, #tpu.memory_space<vmem>>) target_semaphore(%run_scoped3A : memref<!tpu.dma_semaphore, #tpu.memory_space<semaphore_mem>>)
        %dma_wait3A_253 = tpu.memref_slice %arg3[%mul3A_213] : memref<3200000xf32, #tpu.memory_space<hbm>> -> memref<8192xf32, #tpu.memory_space<hbm>>
        %dma_wait3A_254 = tpu.memref_slice %arg3[%mul3A_213] : memref<3200000xf32, #tpu.memory_space<hbm>> -> memref<8192xf32, #tpu.memory_space<hbm>>
        tpu.wait_dma2 semaphore(%run_scoped3A : memref<!tpu.dma_semaphore, #tpu.memory_space<semaphore_mem>>) src(%dma_wait3A_254 : memref<8192xf32, #tpu.memory_space<hbm>>) dst(%arg11 : memref<8192xf32, #tpu.memory_space<vmem>>)
        tpu.yield
      }) : () -> ()
      "tpu.region"() ({
        %run_scoped3A = tpu.sem_alloc : memref<!tpu.dma_semaphore, #tpu.memory_space<semaphore_mem>>
        %dma_start3A = tpu.memref_slice %arg4[%mul3A_213] : memref<3200000xf32, #tpu.memory_space<hbm>> -> memref<8192xf32, #tpu.memory_space<hbm>>
        %dma_start3A_252 = tpu.memref_slice %arg4[%mul3A_213] : memref<3200000xf32, #tpu.memory_space<hbm>> -> memref<8192xf32, #tpu.memory_space<hbm>>
        tpu.enqueue_dma source(%dma_start3A_252 : memref<8192xf32, #tpu.memory_space<hbm>>) target(%arg12 : memref<8192xf32, #tpu.memory_space<vmem>>) target_semaphore(%run_scoped3A : memref<!tpu.dma_semaphore, #tpu.memory_space<semaphore_mem>>)
        %dma_wait3A_253 = tpu.memref_slice %arg4[%mul3A_213] : memref<3200000xf32, #tpu.memory_space<hbm>> -> memref<8192xf32, #tpu.memory_space<hbm>>
        %dma_wait3A_254 = tpu.memref_slice %arg4[%mul3A_213] : memref<3200000xf32, #tpu.memory_space<hbm>> -> memref<8192xf32, #tpu.memory_space<hbm>>
        tpu.wait_dma2 semaphore(%run_scoped3A : memref<!tpu.dma_semaphore, #tpu.memory_space<semaphore_mem>>) src(%dma_wait3A_254 : memref<8192xf32, #tpu.memory_space<hbm>>) dst(%arg12 : memref<8192xf32, #tpu.memory_space<vmem>>)
        tpu.yield
      }) : () -> ()
      %scan3A = arith.constant 0 : i32
      %scan3A_214 = arith.constant 0 : i32
      %scan3A_215 = arith.constant 16 : i32
      %scan3A_216 = arith.addi %scan3A_214, %scan3A_215 : i32
      %scan3A_217 = arith.constant 1 : i32
      %scan3A_218 = scf.for %scan3A_252 = %scan3A_214 to %scan3A_216 step %scan3A_217 iter_args(%scan3A_253 = %scan3A) -> (i32)  : i32 {
        %mul3A_254 = arith.constant 4 : i32
        %mul3A_255 = arith.muli %mul3A_254, %scan3A_252 : i32
        %add3A_256 = arith.constant 0 : i32
        %add3A_257 = arith.addi %mul3A_255, %add3A_256 : i32
        %gt3A = arith.constant 0 : i32
        %gt3A_258 = arith.cmpi sgt, %scan3A_252, %gt3A : i32
        %convert_element_type3A = arith.extui %gt3A_258 : i1 to i32
        %cond3A = arith.constant 0 : i32
        %cond3A_259 = arith.cmpi ne, %convert_element_type3A, %cond3A : i32
        scf.if %cond3A_259 {
          %dma_wait3A_674 = arith.constant 0 : i32
          %dma_wait3A_675 = arith.constant 0 : i32
          %dma_wait3A_676 = tpu.memref_slice %arg9[%add3A_257, %dma_wait3A_674, %dma_wait3A_675] : memref<64x1x128xi32, #tpu.memory_space<vmem>> -> memref<1x1x128xi32, #tpu.memory_space<vmem>>
          %dma_wait3A_677 = tpu.memref_squeeze %dma_wait3A_676 : memref<1x1x128xi32, #tpu.memory_space<vmem>> -> memref<128xi32, #tpu.memory_space<vmem>>
          %dma_wait3A_678 = arith.constant 0 : i32
          %dma_wait3A_679 = arith.constant 0 : i32
          %dma_wait3A_680 = tpu.memref_slice %arg8[%dma_wait3A_678, %dma_wait3A_679] : memref<100352x8xf32, #tpu.memory_space<vmem_shared>> -> memref<100352x8xf32, #tpu.memory_space<vmem_shared>>
          tpu.wait_indirect_dma semaphore(%arg17 : memref<!tpu.dma_semaphore, #tpu.memory_space<semaphore_mem>>) src(%arg13 : memref<128x8xf32, #tpu.memory_space<vmem>>) dst(%dma_wait3A_680 : memref<100352x8xf32, #tpu.memory_space<vmem_shared>>)
        } else {
        }
        %mul3A_260 = arith.constant 128 : i32
        %mul3A_261 = arith.muli %add3A_257, %mul3A_260 : i32
        %add3A_262 = arith.constant 0 : i32
        %add3A_263 = vector.broadcast %add3A_262 : i32 to vector<16xi32>
        %add3A_264 = arith.addi %iota3A, %add3A_263 : vector<16xi32>
        %add3A_265 = arith.constant 0 : i32
        %add3A_266 = arith.addi %mul3A_261, %add3A_265 : i32
        %get3A = arith.index_cast %add3A_266 : i32 to index
        %get3A_267 = tpu.vector_load %arg10[%get3A] {strides = array<i32>} : memref<8192xf32, #tpu.memory_space<vmem>>, vector<16xf32>,
        tpu.vector_store_idx %arg13[%add3A_264, %broadcast_in_dim3A_3], %get3A_267 : memref<128x8xf32, #tpu.memory_space<vmem>>[vector<16xi32>, vector<16xi32>], vector<16xf32>,
        %get3A_268 = arith.index_cast %add3A_266 : i32 to index
        %get3A_269 = tpu.vector_load %arg11[%get3A_268] {strides = array<i32>} : memref<8192xf32, #tpu.memory_space<vmem>>, vector<16xf32>,
        tpu.vector_store_idx %arg13[%add3A_264, %broadcast_in_dim3A_5], %get3A_269 : memref<128x8xf32, #tpu.memory_space<vmem>>[vector<16xi32>, vector<16xi32>], vector<16xf32>,
        %get3A_270 = arith.index_cast %add3A_266 : i32 to index
        %get3A_271 = tpu.vector_load %arg12[%get3A_270] {strides = array<i32>} : memref<8192xf32, #tpu.memory_space<vmem>>, vector<16xf32>,
        tpu.vector_store_idx %arg13[%add3A_264, %broadcast_in_dim3A_7], %get3A_271 : memref<128x8xf32, #tpu.memory_space<vmem>>[vector<16xi32>, vector<16xi32>], vector<16xf32>,
        %add3A_272 = arith.constant 16 : i32
        %add3A_273 = vector.broadcast %add3A_272 : i32 to vector<16xi32>
        %add3A_274 = arith.addi %iota3A, %add3A_273 : vector<16xi32>
        %add3A_275 = arith.constant 16 : i32
        %add3A_276 = arith.addi %mul3A_261, %add3A_275 : i32
        %get3A_277 = arith.index_cast %add3A_276 : i32 to index
        %get3A_278 = tpu.vector_load %arg10[%get3A_277] {strides = array<i32>} : memref<8192xf32, #tpu.memory_space<vmem>>, vector<16xf32>,
        tpu.vector_store_idx %arg13[%add3A_274, %broadcast_in_dim3A_3], %get3A_278 : memref<128x8xf32, #tpu.memory_space<vmem>>[vector<16xi32>, vector<16xi32>], vector<16xf32>,
        %get3A_279 = arith.index_cast %add3A_276 : i32 to index
        %get3A_280 = tpu.vector_load %arg11[%get3A_279] {strides = array<i32>} : memref<8192xf32, #tpu.memory_space<vmem>>, vector<16xf32>,
        tpu.vector_store_idx %arg13[%add3A_274, %broadcast_in_dim3A_5], %get3A_280 : memref<128x8xf32, #tpu.memory_space<vmem>>[vector<16xi32>, vector<16xi32>], vector<16xf32>,
        %get3A_281 = arith.index_cast %add3A_276 : i32 to index
        %get3A_282 = tpu.vector_load %arg12[%get3A_281] {strides = array<i32>} : memref<8192xf32, #tpu.memory_space<vmem>>, vector<16xf32>,
        tpu.vector_store_idx %arg13[%add3A_274, %broadcast_in_dim3A_7], %get3A_282 : memref<128x8xf32, #tpu.memory_space<vmem>>[vector<16xi32>, vector<16xi32>], vector<16xf32>,
        %add3A_283 = arith.constant 32 : i32
        %add3A_284 = vector.broadcast %add3A_283 : i32 to vector<16xi32>
        %add3A_285 = arith.addi %iota3A, %add3A_284 : vector<16xi32>
        %add3A_286 = arith.constant 32 : i32
        %add3A_287 = arith.addi %mul3A_261, %add3A_286 : i32
        %get3A_288 = arith.index_cast %add3A_287 : i32 to index
        %get3A_289 = tpu.vector_load %arg10[%get3A_288] {strides = array<i32>} : memref<8192xf32, #tpu.memory_space<vmem>>, vector<16xf32>,
        tpu.vector_store_idx %arg13[%add3A_285, %broadcast_in_dim3A_3], %get3A_289 : memref<128x8xf32, #tpu.memory_space<vmem>>[vector<16xi32>, vector<16xi32>], vector<16xf32>,
        %get3A_290 = arith.index_cast %add3A_287 : i32 to index
        %get3A_291 = tpu.vector_load %arg11[%get3A_290] {strides = array<i32>} : memref<8192xf32, #tpu.memory_space<vmem>>, vector<16xf32>,
        tpu.vector_store_idx %arg13[%add3A_285, %broadcast_in_dim3A_5], %get3A_291 : memref<128x8xf32, #tpu.memory_space<vmem>>[vector<16xi32>, vector<16xi32>], vector<16xf32>,
        %get3A_292 = arith.index_cast %add3A_287 : i32 to index
        %get3A_293 = tpu.vector_load %arg12[%get3A_292] {strides = array<i32>} : memref<8192xf32, #tpu.memory_space<vmem>>, vector<16xf32>,
        tpu.vector_store_idx %arg13[%add3A_285, %broadcast_in_dim3A_7], %get3A_293 : memref<128x8xf32, #tpu.memory_space<vmem>>[vector<16xi32>, vector<16xi32>], vector<16xf32>,
        %add3A_294 = arith.constant 48 : i32
        %add3A_295 = vector.broadcast %add3A_294 : i32 to vector<16xi32>
        %add3A_296 = arith.addi %iota3A, %add3A_295 : vector<16xi32>
        %add3A_297 = arith.constant 48 : i32
        %add3A_298 = arith.addi %mul3A_261, %add3A_297 : i32
        %get3A_299 = arith.index_cast %add3A_298 : i32 to index
        %get3A_300 = tpu.vector_load %arg10[%get3A_299] {strides = array<i32>} : memref<8192xf32, #tpu.memory_space<vmem>>, vector<16xf32>,
        tpu.vector_store_idx %arg13[%add3A_296, %broadcast_in_dim3A_3], %get3A_300 : memref<128x8xf32, #tpu.memory_space<vmem>>[vector<16xi32>, vector<16xi32>], vector<16xf32>,
        %get3A_301 = arith.index_cast %add3A_298 : i32 to index
        %get3A_302 = tpu.vector_load %arg11[%get3A_301] {strides = array<i32>} : memref<8192xf32, #tpu.memory_space<vmem>>, vector<16xf32>,
        tpu.vector_store_idx %arg13[%add3A_296, %broadcast_in_dim3A_5], %get3A_302 : memref<128x8xf32, #tpu.memory_space<vmem>>[vector<16xi32>, vector<16xi32>], vector<16xf32>,
        %get3A_303 = arith.index_cast %add3A_298 : i32 to index
        %get3A_304 = tpu.vector_load %arg12[%get3A_303] {strides = array<i32>} : memref<8192xf32, #tpu.memory_space<vmem>>, vector<16xf32>,
        tpu.vector_store_idx %arg13[%add3A_296, %broadcast_in_dim3A_7], %get3A_304 : memref<128x8xf32, #tpu.memory_space<vmem>>[vector<16xi32>, vector<16xi32>], vector<16xf32>,
        %add3A_305 = arith.constant 64 : i32
        %add3A_306 = vector.broadcast %add3A_305 : i32 to vector<16xi32>
        %add3A_307 = arith.addi %iota3A, %add3A_306 : vector<16xi32>
        %add3A_308 = arith.constant 64 : i32
        %add3A_309 = arith.addi %mul3A_261, %add3A_308 : i32
        %get3A_310 = arith.index_cast %add3A_309 : i32 to index
        %get3A_311 = tpu.vector_load %arg10[%get3A_310] {strides = array<i32>} : memref<8192xf32, #tpu.memory_space<vmem>>, vector<16xf32>,
        tpu.vector_store_idx %arg13[%add3A_307, %broadcast_in_dim3A_3], %get3A_311 : memref<128x8xf32, #tpu.memory_space<vmem>>[vector<16xi32>, vector<16xi32>], vector<16xf32>,
        %get3A_312 = arith.index_cast %add3A_309 : i32 to index
        %get3A_313 = tpu.vector_load %arg11[%get3A_312] {strides = array<i32>} : memref<8192xf32, #tpu.memory_space<vmem>>, vector<16xf32>,
        tpu.vector_store_idx %arg13[%add3A_307, %broadcast_in_dim3A_5], %get3A_313 : memref<128x8xf32, #tpu.memory_space<vmem>>[vector<16xi32>, vector<16xi32>], vector<16xf32>,
        %get3A_314 = arith.index_cast %add3A_309 : i32 to index
        %get3A_315 = tpu.vector_load %arg12[%get3A_314] {strides = array<i32>} : memref<8192xf32, #tpu.memory_space<vmem>>, vector<16xf32>,
        tpu.vector_store_idx %arg13[%add3A_307, %broadcast_in_dim3A_7], %get3A_315 : memref<128x8xf32, #tpu.memory_space<vmem>>[vector<16xi32>, vector<16xi32>], vector<16xf32>,
        %add3A_316 = arith.constant 80 : i32
        %add3A_317 = vector.broadcast %add3A_316 : i32 to vector<16xi32>
        %add3A_318 = arith.addi %iota3A, %add3A_317 : vector<16xi32>
        %add3A_319 = arith.constant 80 : i32
        %add3A_320 = arith.addi %mul3A_261, %add3A_319 : i32
        %get3A_321 = arith.index_cast %add3A_320 : i32 to index
        %get3A_322 = tpu.vector_load %arg10[%get3A_321] {strides = array<i32>} : memref<8192xf32, #tpu.memory_space<vmem>>, vector<16xf32>,
        tpu.vector_store_idx %arg13[%add3A_318, %broadcast_in_dim3A_3], %get3A_322 : memref<128x8xf32, #tpu.memory_space<vmem>>[vector<16xi32>, vector<16xi32>], vector<16xf32>,
        %get3A_323 = arith.index_cast %add3A_320 : i32 to index
        %get3A_324 = tpu.vector_load %arg11[%get3A_323] {strides = array<i32>} : memref<8192xf32, #tpu.memory_space<vmem>>, vector<16xf32>,
        tpu.vector_store_idx %arg13[%add3A_318, %broadcast_in_dim3A_5], %get3A_324 : memref<128x8xf32, #tpu.memory_space<vmem>>[vector<16xi32>, vector<16xi32>], vector<16xf32>,
        %get3A_325 = arith.index_cast %add3A_320 : i32 to index
        %get3A_326 = tpu.vector_load %arg12[%get3A_325] {strides = array<i32>} : memref<8192xf32, #tpu.memory_space<vmem>>, vector<16xf32>,
        tpu.vector_store_idx %arg13[%add3A_318, %broadcast_in_dim3A_7], %get3A_326 : memref<128x8xf32, #tpu.memory_space<vmem>>[vector<16xi32>, vector<16xi32>], vector<16xf32>,
        %add3A_327 = arith.constant 96 : i32
        %add3A_328 = vector.broadcast %add3A_327 : i32 to vector<16xi32>
        %add3A_329 = arith.addi %iota3A, %add3A_328 : vector<16xi32>
        %add3A_330 = arith.constant 96 : i32
        %add3A_331 = arith.addi %mul3A_261, %add3A_330 : i32
        %get3A_332 = arith.index_cast %add3A_331 : i32 to index
        %get3A_333 = tpu.vector_load %arg10[%get3A_332] {strides = array<i32>} : memref<8192xf32, #tpu.memory_space<vmem>>, vector<16xf32>,
        tpu.vector_store_idx %arg13[%add3A_329, %broadcast_in_dim3A_3], %get3A_333 : memref<128x8xf32, #tpu.memory_space<vmem>>[vector<16xi32>, vector<16xi32>], vector<16xf32>,
        %get3A_334 = arith.index_cast %add3A_331 : i32 to index
        %get3A_335 = tpu.vector_load %arg11[%get3A_334] {strides = array<i32>} : memref<8192xf32, #tpu.memory_space<vmem>>, vector<16xf32>,
        tpu.vector_store_idx %arg13[%add3A_329, %broadcast_in_dim3A_5], %get3A_335 : memref<128x8xf32, #tpu.memory_space<vmem>>[vector<16xi32>, vector<16xi32>], vector<16xf32>,
        %get3A_336 = arith.index_cast %add3A_331 : i32 to index
        %get3A_337 = tpu.vector_load %arg12[%get3A_336] {strides = array<i32>} : memref<8192xf32, #tpu.memory_space<vmem>>, vector<16xf32>,
        tpu.vector_store_idx %arg13[%add3A_329, %broadcast_in_dim3A_7], %get3A_337 : memref<128x8xf32, #tpu.memory_space<vmem>>[vector<16xi32>, vector<16xi32>], vector<16xf32>,
        %add3A_338 = arith.constant 112 : i32
        %add3A_339 = vector.broadcast %add3A_338 : i32 to vector<16xi32>
        %add3A_340 = arith.addi %iota3A, %add3A_339 : vector<16xi32>
        %add3A_341 = arith.constant 112 : i32
        %add3A_342 = arith.addi %mul3A_261, %add3A_341 : i32
        %get3A_343 = arith.index_cast %add3A_342 : i32 to index
        %get3A_344 = tpu.vector_load %arg10[%get3A_343] {strides = array<i32>} : memref<8192xf32, #tpu.memory_space<vmem>>, vector<16xf32>,
        tpu.vector_store_idx %arg13[%add3A_340, %broadcast_in_dim3A_3], %get3A_344 : memref<128x8xf32, #tpu.memory_space<vmem>>[vector<16xi32>, vector<16xi32>], vector<16xf32>,
        %get3A_345 = arith.index_cast %add3A_342 : i32 to index
        %get3A_346 = tpu.vector_load %arg11[%get3A_345] {strides = array<i32>} : memref<8192xf32, #tpu.memory_space<vmem>>, vector<16xf32>,
        tpu.vector_store_idx %arg13[%add3A_340, %broadcast_in_dim3A_5], %get3A_346 : memref<128x8xf32, #tpu.memory_space<vmem>>[vector<16xi32>, vector<16xi32>], vector<16xf32>,
        %get3A_347 = arith.index_cast %add3A_342 : i32 to index
        %get3A_348 = tpu.vector_load %arg12[%get3A_347] {strides = array<i32>} : memref<8192xf32, #tpu.memory_space<vmem>>, vector<16xf32>,
        tpu.vector_store_idx %arg13[%add3A_340, %broadcast_in_dim3A_7], %get3A_348 : memref<128x8xf32, #tpu.memory_space<vmem>>[vector<16xi32>, vector<16xi32>], vector<16xf32>,
        %dma_start3A = arith.constant 0 : i32
        %dma_start3A_349 = arith.constant 0 : i32
        %dma_start3A_350 = tpu.memref_slice %arg9[%add3A_257, %dma_start3A, %dma_start3A_349] : memref<64x1x128xi32, #tpu.memory_space<vmem>> -> memref<1x1x128xi32, #tpu.memory_space<vmem>>
        %dma_start3A_351 = tpu.memref_squeeze %dma_start3A_350 : memref<1x1x128xi32, #tpu.memory_space<vmem>> -> memref<128xi32, #tpu.memory_space<vmem>>
        %dma_start3A_352 = arith.constant 0 : i32
        %dma_start3A_353 = arith.constant 0 : i32
        %dma_start3A_354 = tpu.memref_slice %arg8[%dma_start3A_352, %dma_start3A_353] : memref<100352x8xf32, #tpu.memory_space<vmem_shared>> -> memref<100352x8xf32, #tpu.memory_space<vmem_shared>>
        tpu.enqueue_indirect_dma source(%arg13 : memref<128x8xf32, #tpu.memory_space<vmem>>) target(%dma_start3A_354 : memref<100352x8xf32, #tpu.memory_space<vmem_shared>>) offsets(%dma_start3A_351 : memref<128xi32, #tpu.memory_space<vmem>>) semaphore(%arg17 : memref<!tpu.dma_semaphore, #tpu.memory_space<semaphore_mem>>) {add = true}
        %mul3A_355 = arith.constant 4 : i32
        %mul3A_356 = arith.muli %mul3A_355, %scan3A_252 : i32
        %add3A_357 = arith.constant 1 : i32
        %add3A_358 = arith.addi %mul3A_356, %add3A_357 : i32
        %gt3A_359 = arith.constant 0 : i32
        %gt3A_360 = arith.cmpi sgt, %scan3A_252, %gt3A_359 : i32
        %convert_element_type3A_361 = arith.extui %gt3A_360 : i1 to i32
        %cond3A_362 = arith.constant 0 : i32
        %cond3A_363 = arith.cmpi ne, %convert_element_type3A_361, %cond3A_362 : i32
        scf.if %cond3A_363 {
          %dma_wait3A_674 = arith.constant 0 : i32
          %dma_wait3A_675 = arith.constant 0 : i32
          %dma_wait3A_676 = tpu.memref_slice %arg9[%add3A_358, %dma_wait3A_674, %dma_wait3A_675] : memref<64x1x128xi32, #tpu.memory_space<vmem>> -> memref<1x1x128xi32, #tpu.memory_space<vmem>>
          %dma_wait3A_677 = tpu.memref_squeeze %dma_wait3A_676 : memref<1x1x128xi32, #tpu.memory_space<vmem>> -> memref<128xi32, #tpu.memory_space<vmem>>
          %dma_wait3A_678 = arith.constant 0 : i32
          %dma_wait3A_679 = arith.constant 0 : i32
          %dma_wait3A_680 = tpu.memref_slice %arg8[%dma_wait3A_678, %dma_wait3A_679] : memref<100352x8xf32, #tpu.memory_space<vmem_shared>> -> memref<100352x8xf32, #tpu.memory_space<vmem_shared>>
          tpu.wait_indirect_dma semaphore(%arg18 : memref<!tpu.dma_semaphore, #tpu.memory_space<semaphore_mem>>) src(%arg14 : memref<128x8xf32, #tpu.memory_space<vmem>>) dst(%dma_wait3A_680 : memref<100352x8xf32, #tpu.memory_space<vmem_shared>>)
        } else {
        }
        %mul3A_364 = arith.constant 128 : i32
        %mul3A_365 = arith.muli %add3A_358, %mul3A_364 : i32
        %add3A_366 = arith.constant 0 : i32
        %add3A_367 = vector.broadcast %add3A_366 : i32 to vector<16xi32>
        %add3A_368 = arith.addi %iota3A, %add3A_367 : vector<16xi32>
        %add3A_369 = arith.constant 0 : i32
        %add3A_370 = arith.addi %mul3A_365, %add3A_369 : i32
        %get3A_371 = arith.index_cast %add3A_370 : i32 to index
        %get3A_372 = tpu.vector_load %arg10[%get3A_371] {strides = array<i32>} : memref<8192xf32, #tpu.memory_space<vmem>>, vector<16xf32>,
        tpu.vector_store_idx %arg14[%add3A_368, %broadcast_in_dim3A_3], %get3A_372 : memref<128x8xf32, #tpu.memory_space<vmem>>[vector<16xi32>, vector<16xi32>], vector<16xf32>,
        %get3A_373 = arith.index_cast %add3A_370 : i32 to index
        %get3A_374 = tpu.vector_load %arg11[%get3A_373] {strides = array<i32>} : memref<8192xf32, #tpu.memory_space<vmem>>, vector<16xf32>,
        tpu.vector_store_idx %arg14[%add3A_368, %broadcast_in_dim3A_5], %get3A_374 : memref<128x8xf32, #tpu.memory_space<vmem>>[vector<16xi32>, vector<16xi32>], vector<16xf32>,
        %get3A_375 = arith.index_cast %add3A_370 : i32 to index
        %get3A_376 = tpu.vector_load %arg12[%get3A_375] {strides = array<i32>} : memref<8192xf32, #tpu.memory_space<vmem>>, vector<16xf32>,
        tpu.vector_store_idx %arg14[%add3A_368, %broadcast_in_dim3A_7], %get3A_376 : memref<128x8xf32, #tpu.memory_space<vmem>>[vector<16xi32>, vector<16xi32>], vector<16xf32>,
        %add3A_377 = arith.constant 16 : i32
        %add3A_378 = vector.broadcast %add3A_377 : i32 to vector<16xi32>
        %add3A_379 = arith.addi %iota3A, %add3A_378 : vector<16xi32>
        %add3A_380 = arith.constant 16 : i32
        %add3A_381 = arith.addi %mul3A_365, %add3A_380 : i32
        %get3A_382 = arith.index_cast %add3A_381 : i32 to index
        %get3A_383 = tpu.vector_load %arg10[%get3A_382] {strides = array<i32>} : memref<8192xf32, #tpu.memory_space<vmem>>, vector<16xf32>,
        tpu.vector_store_idx %arg14[%add3A_379, %broadcast_in_dim3A_3], %get3A_383 : memref<128x8xf32, #tpu.memory_space<vmem>>[vector<16xi32>, vector<16xi32>], vector<16xf32>,
        %get3A_384 = arith.index_cast %add3A_381 : i32 to index
        %get3A_385 = tpu.vector_load %arg11[%get3A_384] {strides = array<i32>} : memref<8192xf32, #tpu.memory_space<vmem>>, vector<16xf32>,
        tpu.vector_store_idx %arg14[%add3A_379, %broadcast_in_dim3A_5], %get3A_385 : memref<128x8xf32, #tpu.memory_space<vmem>>[vector<16xi32>, vector<16xi32>], vector<16xf32>,
        %get3A_386 = arith.index_cast %add3A_381 : i32 to index
        %get3A_387 = tpu.vector_load %arg12[%get3A_386] {strides = array<i32>} : memref<8192xf32, #tpu.memory_space<vmem>>, vector<16xf32>,
        tpu.vector_store_idx %arg14[%add3A_379, %broadcast_in_dim3A_7], %get3A_387 : memref<128x8xf32, #tpu.memory_space<vmem>>[vector<16xi32>, vector<16xi32>], vector<16xf32>,
        %add3A_388 = arith.constant 32 : i32
        %add3A_389 = vector.broadcast %add3A_388 : i32 to vector<16xi32>
        %add3A_390 = arith.addi %iota3A, %add3A_389 : vector<16xi32>
        %add3A_391 = arith.constant 32 : i32
        %add3A_392 = arith.addi %mul3A_365, %add3A_391 : i32
        %get3A_393 = arith.index_cast %add3A_392 : i32 to index
        %get3A_394 = tpu.vector_load %arg10[%get3A_393] {strides = array<i32>} : memref<8192xf32, #tpu.memory_space<vmem>>, vector<16xf32>,
        tpu.vector_store_idx %arg14[%add3A_390, %broadcast_in_dim3A_3], %get3A_394 : memref<128x8xf32, #tpu.memory_space<vmem>>[vector<16xi32>, vector<16xi32>], vector<16xf32>,
        %get3A_395 = arith.index_cast %add3A_392 : i32 to index
        %get3A_396 = tpu.vector_load %arg11[%get3A_395] {strides = array<i32>} : memref<8192xf32, #tpu.memory_space<vmem>>, vector<16xf32>,
        tpu.vector_store_idx %arg14[%add3A_390, %broadcast_in_dim3A_5], %get3A_396 : memref<128x8xf32, #tpu.memory_space<vmem>>[vector<16xi32>, vector<16xi32>], vector<16xf32>,
        %get3A_397 = arith.index_cast %add3A_392 : i32 to index
        %get3A_398 = tpu.vector_load %arg12[%get3A_397] {strides = array<i32>} : memref<8192xf32, #tpu.memory_space<vmem>>, vector<16xf32>,
        tpu.vector_store_idx %arg14[%add3A_390, %broadcast_in_dim3A_7], %get3A_398 : memref<128x8xf32, #tpu.memory_space<vmem>>[vector<16xi32>, vector<16xi32>], vector<16xf32>,
        %add3A_399 = arith.constant 48 : i32
        %add3A_400 = vector.broadcast %add3A_399 : i32 to vector<16xi32>
        %add3A_401 = arith.addi %iota3A, %add3A_400 : vector<16xi32>
        %add3A_402 = arith.constant 48 : i32
        %add3A_403 = arith.addi %mul3A_365, %add3A_402 : i32
        %get3A_404 = arith.index_cast %add3A_403 : i32 to index
        %get3A_405 = tpu.vector_load %arg10[%get3A_404] {strides = array<i32>} : memref<8192xf32, #tpu.memory_space<vmem>>, vector<16xf32>,
        tpu.vector_store_idx %arg14[%add3A_401, %broadcast_in_dim3A_3], %get3A_405 : memref<128x8xf32, #tpu.memory_space<vmem>>[vector<16xi32>, vector<16xi32>], vector<16xf32>,
        %get3A_406 = arith.index_cast %add3A_403 : i32 to index
        %get3A_407 = tpu.vector_load %arg11[%get3A_406] {strides = array<i32>} : memref<8192xf32, #tpu.memory_space<vmem>>, vector<16xf32>,
        tpu.vector_store_idx %arg14[%add3A_401, %broadcast_in_dim3A_5], %get3A_407 : memref<128x8xf32, #tpu.memory_space<vmem>>[vector<16xi32>, vector<16xi32>], vector<16xf32>,
        %get3A_408 = arith.index_cast %add3A_403 : i32 to index
        %get3A_409 = tpu.vector_load %arg12[%get3A_408] {strides = array<i32>} : memref<8192xf32, #tpu.memory_space<vmem>>, vector<16xf32>,
        tpu.vector_store_idx %arg14[%add3A_401, %broadcast_in_dim3A_7], %get3A_409 : memref<128x8xf32, #tpu.memory_space<vmem>>[vector<16xi32>, vector<16xi32>], vector<16xf32>,
        %add3A_410 = arith.constant 64 : i32
        %add3A_411 = vector.broadcast %add3A_410 : i32 to vector<16xi32>
        %add3A_412 = arith.addi %iota3A, %add3A_411 : vector<16xi32>
        %add3A_413 = arith.constant 64 : i32
        %add3A_414 = arith.addi %mul3A_365, %add3A_413 : i32
        %get3A_415 = arith.index_cast %add3A_414 : i32 to index
        %get3A_416 = tpu.vector_load %arg10[%get3A_415] {strides = array<i32>} : memref<8192xf32, #tpu.memory_space<vmem>>, vector<16xf32>,
        tpu.vector_store_idx %arg14[%add3A_412, %broadcast_in_dim3A_3], %get3A_416 : memref<128x8xf32, #tpu.memory_space<vmem>>[vector<16xi32>, vector<16xi32>], vector<16xf32>,
        %get3A_417 = arith.index_cast %add3A_414 : i32 to index
        %get3A_418 = tpu.vector_load %arg11[%get3A_417] {strides = array<i32>} : memref<8192xf32, #tpu.memory_space<vmem>>, vector<16xf32>,
        tpu.vector_store_idx %arg14[%add3A_412, %broadcast_in_dim3A_5], %get3A_418 : memref<128x8xf32, #tpu.memory_space<vmem>>[vector<16xi32>, vector<16xi32>], vector<16xf32>,
        %get3A_419 = arith.index_cast %add3A_414 : i32 to index
        %get3A_420 = tpu.vector_load %arg12[%get3A_419] {strides = array<i32>} : memref<8192xf32, #tpu.memory_space<vmem>>, vector<16xf32>,
        tpu.vector_store_idx %arg14[%add3A_412, %broadcast_in_dim3A_7], %get3A_420 : memref<128x8xf32, #tpu.memory_space<vmem>>[vector<16xi32>, vector<16xi32>], vector<16xf32>,
        %add3A_421 = arith.constant 80 : i32
        %add3A_422 = vector.broadcast %add3A_421 : i32 to vector<16xi32>
        %add3A_423 = arith.addi %iota3A, %add3A_422 : vector<16xi32>
        %add3A_424 = arith.constant 80 : i32
        %add3A_425 = arith.addi %mul3A_365, %add3A_424 : i32
        %get3A_426 = arith.index_cast %add3A_425 : i32 to index
        %get3A_427 = tpu.vector_load %arg10[%get3A_426] {strides = array<i32>} : memref<8192xf32, #tpu.memory_space<vmem>>, vector<16xf32>,
        tpu.vector_store_idx %arg14[%add3A_423, %broadcast_in_dim3A_3], %get3A_427 : memref<128x8xf32, #tpu.memory_space<vmem>>[vector<16xi32>, vector<16xi32>], vector<16xf32>,
        %get3A_428 = arith.index_cast %add3A_425 : i32 to index
        %get3A_429 = tpu.vector_load %arg11[%get3A_428] {strides = array<i32>} : memref<8192xf32, #tpu.memory_space<vmem>>, vector<16xf32>,
        tpu.vector_store_idx %arg14[%add3A_423, %broadcast_in_dim3A_5], %get3A_429 : memref<128x8xf32, #tpu.memory_space<vmem>>[vector<16xi32>, vector<16xi32>], vector<16xf32>,
        %get3A_430 = arith.index_cast %add3A_425 : i32 to index
        %get3A_431 = tpu.vector_load %arg12[%get3A_430] {strides = array<i32>} : memref<8192xf32, #tpu.memory_space<vmem>>, vector<16xf32>,
        tpu.vector_store_idx %arg14[%add3A_423, %broadcast_in_dim3A_7], %get3A_431 : memref<128x8xf32, #tpu.memory_space<vmem>>[vector<16xi32>, vector<16xi32>], vector<16xf32>,
        %add3A_432 = arith.constant 96 : i32
        %add3A_433 = vector.broadcast %add3A_432 : i32 to vector<16xi32>
        %add3A_434 = arith.addi %iota3A, %add3A_433 : vector<16xi32>
        %add3A_435 = arith.constant 96 : i32
        %add3A_436 = arith.addi %mul3A_365, %add3A_435 : i32
        %get3A_437 = arith.index_cast %add3A_436 : i32 to index
        %get3A_438 = tpu.vector_load %arg10[%get3A_437] {strides = array<i32>} : memref<8192xf32, #tpu.memory_space<vmem>>, vector<16xf32>,
        tpu.vector_store_idx %arg14[%add3A_434, %broadcast_in_dim3A_3], %get3A_438 : memref<128x8xf32, #tpu.memory_space<vmem>>[vector<16xi32>, vector<16xi32>], vector<16xf32>,
        %get3A_439 = arith.index_cast %add3A_436 : i32 to index
        %get3A_440 = tpu.vector_load %arg11[%get3A_439] {strides = array<i32>} : memref<8192xf32, #tpu.memory_space<vmem>>, vector<16xf32>,
        tpu.vector_store_idx %arg14[%add3A_434, %broadcast_in_dim3A_5], %get3A_440 : memref<128x8xf32, #tpu.memory_space<vmem>>[vector<16xi32>, vector<16xi32>], vector<16xf32>,
        %get3A_441 = arith.index_cast %add3A_436 : i32 to index
        %get3A_442 = tpu.vector_load %arg12[%get3A_441] {strides = array<i32>} : memref<8192xf32, #tpu.memory_space<vmem>>, vector<16xf32>,
        tpu.vector_store_idx %arg14[%add3A_434, %broadcast_in_dim3A_7], %get3A_442 : memref<128x8xf32, #tpu.memory_space<vmem>>[vector<16xi32>, vector<16xi32>], vector<16xf32>,
        %add3A_443 = arith.constant 112 : i32
        %add3A_444 = vector.broadcast %add3A_443 : i32 to vector<16xi32>
        %add3A_445 = arith.addi %iota3A, %add3A_444 : vector<16xi32>
        %add3A_446 = arith.constant 112 : i32
        %add3A_447 = arith.addi %mul3A_365, %add3A_446 : i32
        %get3A_448 = arith.index_cast %add3A_447 : i32 to index
        %get3A_449 = tpu.vector_load %arg10[%get3A_448] {strides = array<i32>} : memref<8192xf32, #tpu.memory_space<vmem>>, vector<16xf32>,
        tpu.vector_store_idx %arg14[%add3A_445, %broadcast_in_dim3A_3], %get3A_449 : memref<128x8xf32, #tpu.memory_space<vmem>>[vector<16xi32>, vector<16xi32>], vector<16xf32>,
        %get3A_450 = arith.index_cast %add3A_447 : i32 to index
        %get3A_451 = tpu.vector_load %arg11[%get3A_450] {strides = array<i32>} : memref<8192xf32, #tpu.memory_space<vmem>>, vector<16xf32>,
        tpu.vector_store_idx %arg14[%add3A_445, %broadcast_in_dim3A_5], %get3A_451 : memref<128x8xf32, #tpu.memory_space<vmem>>[vector<16xi32>, vector<16xi32>], vector<16xf32>,
        %get3A_452 = arith.index_cast %add3A_447 : i32 to index
        %get3A_453 = tpu.vector_load %arg12[%get3A_452] {strides = array<i32>} : memref<8192xf32, #tpu.memory_space<vmem>>, vector<16xf32>,
        tpu.vector_store_idx %arg14[%add3A_445, %broadcast_in_dim3A_7], %get3A_453 : memref<128x8xf32, #tpu.memory_space<vmem>>[vector<16xi32>, vector<16xi32>], vector<16xf32>,
        %dma_start3A_454 = arith.constant 0 : i32
        %dma_start3A_455 = arith.constant 0 : i32
        %dma_start3A_456 = tpu.memref_slice %arg9[%add3A_358, %dma_start3A_454, %dma_start3A_455] : memref<64x1x128xi32, #tpu.memory_space<vmem>> -> memref<1x1x128xi32, #tpu.memory_space<vmem>>
        %dma_start3A_457 = tpu.memref_squeeze %dma_start3A_456 : memref<1x1x128xi32, #tpu.memory_space<vmem>> -> memref<128xi32, #tpu.memory_space<vmem>>
        %dma_start3A_458 = arith.constant 0 : i32
        %dma_start3A_459 = arith.constant 0 : i32
        %dma_start3A_460 = tpu.memref_slice %arg8[%dma_start3A_458, %dma_start3A_459] : memref<100352x8xf32, #tpu.memory_space<vmem_shared>> -> memref<100352x8xf32, #tpu.memory_space<vmem_shared>>
        tpu.enqueue_indirect_dma source(%arg14 : memref<128x8xf32, #tpu.memory_space<vmem>>) target(%dma_start3A_460 : memref<100352x8xf32, #tpu.memory_space<vmem_shared>>) offsets(%dma_start3A_457 : memref<128xi32, #tpu.memory_space<vmem>>) semaphore(%arg18 : memref<!tpu.dma_semaphore, #tpu.memory_space<semaphore_mem>>) {add = true}
        %mul3A_461 = arith.constant 4 : i32
        %mul3A_462 = arith.muli %mul3A_461, %scan3A_252 : i32
        %add3A_463 = arith.constant 2 : i32
        %add3A_464 = arith.addi %mul3A_462, %add3A_463 : i32
        %gt3A_465 = arith.constant 0 : i32
        %gt3A_466 = arith.cmpi sgt, %scan3A_252, %gt3A_465 : i32
        %convert_element_type3A_467 = arith.extui %gt3A_466 : i1 to i32
        %cond3A_468 = arith.constant 0 : i32
        %cond3A_469 = arith.cmpi ne, %convert_element_type3A_467, %cond3A_468 : i32
        scf.if %cond3A_469 {
          %dma_wait3A_674 = arith.constant 0 : i32
          %dma_wait3A_675 = arith.constant 0 : i32
          %dma_wait3A_676 = tpu.memref_slice %arg9[%add3A_464, %dma_wait3A_674, %dma_wait3A_675] : memref<64x1x128xi32, #tpu.memory_space<vmem>> -> memref<1x1x128xi32, #tpu.memory_space<vmem>>
          %dma_wait3A_677 = tpu.memref_squeeze %dma_wait3A_676 : memref<1x1x128xi32, #tpu.memory_space<vmem>> -> memref<128xi32, #tpu.memory_space<vmem>>
          %dma_wait3A_678 = arith.constant 0 : i32
          %dma_wait3A_679 = arith.constant 0 : i32
          %dma_wait3A_680 = tpu.memref_slice %arg8[%dma_wait3A_678, %dma_wait3A_679] : memref<100352x8xf32, #tpu.memory_space<vmem_shared>> -> memref<100352x8xf32, #tpu.memory_space<vmem_shared>>
          tpu.wait_indirect_dma semaphore(%arg19 : memref<!tpu.dma_semaphore, #tpu.memory_space<semaphore_mem>>) src(%arg15 : memref<128x8xf32, #tpu.memory_space<vmem>>) dst(%dma_wait3A_680 : memref<100352x8xf32, #tpu.memory_space<vmem_shared>>)
        } else {
        }
        %mul3A_470 = arith.constant 128 : i32
        %mul3A_471 = arith.muli %add3A_464, %mul3A_470 : i32
        %add3A_472 = arith.constant 0 : i32
        %add3A_473 = vector.broadcast %add3A_472 : i32 to vector<16xi32>
        %add3A_474 = arith.addi %iota3A, %add3A_473 : vector<16xi32>
        %add3A_475 = arith.constant 0 : i32
        %add3A_476 = arith.addi %mul3A_471, %add3A_475 : i32
        %get3A_477 = arith.index_cast %add3A_476 : i32 to index
        %get3A_478 = tpu.vector_load %arg10[%get3A_477] {strides = array<i32>} : memref<8192xf32, #tpu.memory_space<vmem>>, vector<16xf32>,
        tpu.vector_store_idx %arg15[%add3A_474, %broadcast_in_dim3A_3], %get3A_478 : memref<128x8xf32, #tpu.memory_space<vmem>>[vector<16xi32>, vector<16xi32>], vector<16xf32>,
        %get3A_479 = arith.index_cast %add3A_476 : i32 to index
        %get3A_480 = tpu.vector_load %arg11[%get3A_479] {strides = array<i32>} : memref<8192xf32, #tpu.memory_space<vmem>>, vector<16xf32>,
        tpu.vector_store_idx %arg15[%add3A_474, %broadcast_in_dim3A_5], %get3A_480 : memref<128x8xf32, #tpu.memory_space<vmem>>[vector<16xi32>, vector<16xi32>], vector<16xf32>,
        %get3A_481 = arith.index_cast %add3A_476 : i32 to index
        %get3A_482 = tpu.vector_load %arg12[%get3A_481] {strides = array<i32>} : memref<8192xf32, #tpu.memory_space<vmem>>, vector<16xf32>,
        tpu.vector_store_idx %arg15[%add3A_474, %broadcast_in_dim3A_7], %get3A_482 : memref<128x8xf32, #tpu.memory_space<vmem>>[vector<16xi32>, vector<16xi32>], vector<16xf32>,
        %add3A_483 = arith.constant 16 : i32
        %add3A_484 = vector.broadcast %add3A_483 : i32 to vector<16xi32>
        %add3A_485 = arith.addi %iota3A, %add3A_484 : vector<16xi32>
        %add3A_486 = arith.constant 16 : i32
        %add3A_487 = arith.addi %mul3A_471, %add3A_486 : i32
        %get3A_488 = arith.index_cast %add3A_487 : i32 to index
        %get3A_489 = tpu.vector_load %arg10[%get3A_488] {strides = array<i32>} : memref<8192xf32, #tpu.memory_space<vmem>>, vector<16xf32>,
        tpu.vector_store_idx %arg15[%add3A_485, %broadcast_in_dim3A_3], %get3A_489 : memref<128x8xf32, #tpu.memory_space<vmem>>[vector<16xi32>, vector<16xi32>], vector<16xf32>,
        %get3A_490 = arith.index_cast %add3A_487 : i32 to index
        %get3A_491 = tpu.vector_load %arg11[%get3A_490] {strides = array<i32>} : memref<8192xf32, #tpu.memory_space<vmem>>, vector<16xf32>,
        tpu.vector_store_idx %arg15[%add3A_485, %broadcast_in_dim3A_5], %get3A_491 : memref<128x8xf32, #tpu.memory_space<vmem>>[vector<16xi32>, vector<16xi32>], vector<16xf32>,
        %get3A_492 = arith.index_cast %add3A_487 : i32 to index
        %get3A_493 = tpu.vector_load %arg12[%get3A_492] {strides = array<i32>} : memref<8192xf32, #tpu.memory_space<vmem>>, vector<16xf32>,
        tpu.vector_store_idx %arg15[%add3A_485, %broadcast_in_dim3A_7], %get3A_493 : memref<128x8xf32, #tpu.memory_space<vmem>>[vector<16xi32>, vector<16xi32>], vector<16xf32>,
        %add3A_494 = arith.constant 32 : i32
        %add3A_495 = vector.broadcast %add3A_494 : i32 to vector<16xi32>
        %add3A_496 = arith.addi %iota3A, %add3A_495 : vector<16xi32>
        %add3A_497 = arith.constant 32 : i32
        %add3A_498 = arith.addi %mul3A_471, %add3A_497 : i32
        %get3A_499 = arith.index_cast %add3A_498 : i32 to index
        %get3A_500 = tpu.vector_load %arg10[%get3A_499] {strides = array<i32>} : memref<8192xf32, #tpu.memory_space<vmem>>, vector<16xf32>,
        tpu.vector_store_idx %arg15[%add3A_496, %broadcast_in_dim3A_3], %get3A_500 : memref<128x8xf32, #tpu.memory_space<vmem>>[vector<16xi32>, vector<16xi32>], vector<16xf32>,
        %get3A_501 = arith.index_cast %add3A_498 : i32 to index
        %get3A_502 = tpu.vector_load %arg11[%get3A_501] {strides = array<i32>} : memref<8192xf32, #tpu.memory_space<vmem>>, vector<16xf32>,
        tpu.vector_store_idx %arg15[%add3A_496, %broadcast_in_dim3A_5], %get3A_502 : memref<128x8xf32, #tpu.memory_space<vmem>>[vector<16xi32>, vector<16xi32>], vector<16xf32>,
        %get3A_503 = arith.index_cast %add3A_498 : i32 to index
        %get3A_504 = tpu.vector_load %arg12[%get3A_503] {strides = array<i32>} : memref<8192xf32, #tpu.memory_space<vmem>>, vector<16xf32>,
        tpu.vector_store_idx %arg15[%add3A_496, %broadcast_in_dim3A_7], %get3A_504 : memref<128x8xf32, #tpu.memory_space<vmem>>[vector<16xi32>, vector<16xi32>], vector<16xf32>,
        %add3A_505 = arith.constant 48 : i32
        %add3A_506 = vector.broadcast %add3A_505 : i32 to vector<16xi32>
        %add3A_507 = arith.addi %iota3A, %add3A_506 : vector<16xi32>
        %add3A_508 = arith.constant 48 : i32
        %add3A_509 = arith.addi %mul3A_471, %add3A_508 : i32
        %get3A_510 = arith.index_cast %add3A_509 : i32 to index
        %get3A_511 = tpu.vector_load %arg10[%get3A_510] {strides = array<i32>} : memref<8192xf32, #tpu.memory_space<vmem>>, vector<16xf32>,
        tpu.vector_store_idx %arg15[%add3A_507, %broadcast_in_dim3A_3], %get3A_511 : memref<128x8xf32, #tpu.memory_space<vmem>>[vector<16xi32>, vector<16xi32>], vector<16xf32>,
        %get3A_512 = arith.index_cast %add3A_509 : i32 to index
        %get3A_513 = tpu.vector_load %arg11[%get3A_512] {strides = array<i32>} : memref<8192xf32, #tpu.memory_space<vmem>>, vector<16xf32>,
        tpu.vector_store_idx %arg15[%add3A_507, %broadcast_in_dim3A_5], %get3A_513 : memref<128x8xf32, #tpu.memory_space<vmem>>[vector<16xi32>, vector<16xi32>], vector<16xf32>,
        %get3A_514 = arith.index_cast %add3A_509 : i32 to index
        %get3A_515 = tpu.vector_load %arg12[%get3A_514] {strides = array<i32>} : memref<8192xf32, #tpu.memory_space<vmem>>, vector<16xf32>,
        tpu.vector_store_idx %arg15[%add3A_507, %broadcast_in_dim3A_7], %get3A_515 : memref<128x8xf32, #tpu.memory_space<vmem>>[vector<16xi32>, vector<16xi32>], vector<16xf32>,
        %add3A_516 = arith.constant 64 : i32
        %add3A_517 = vector.broadcast %add3A_516 : i32 to vector<16xi32>
        %add3A_518 = arith.addi %iota3A, %add3A_517 : vector<16xi32>
        %add3A_519 = arith.constant 64 : i32
        %add3A_520 = arith.addi %mul3A_471, %add3A_519 : i32
        %get3A_521 = arith.index_cast %add3A_520 : i32 to index
        %get3A_522 = tpu.vector_load %arg10[%get3A_521] {strides = array<i32>} : memref<8192xf32, #tpu.memory_space<vmem>>, vector<16xf32>,
        tpu.vector_store_idx %arg15[%add3A_518, %broadcast_in_dim3A_3], %get3A_522 : memref<128x8xf32, #tpu.memory_space<vmem>>[vector<16xi32>, vector<16xi32>], vector<16xf32>,
        %get3A_523 = arith.index_cast %add3A_520 : i32 to index
        %get3A_524 = tpu.vector_load %arg11[%get3A_523] {strides = array<i32>} : memref<8192xf32, #tpu.memory_space<vmem>>, vector<16xf32>,
        tpu.vector_store_idx %arg15[%add3A_518, %broadcast_in_dim3A_5], %get3A_524 : memref<128x8xf32, #tpu.memory_space<vmem>>[vector<16xi32>, vector<16xi32>], vector<16xf32>,
        %get3A_525 = arith.index_cast %add3A_520 : i32 to index
        %get3A_526 = tpu.vector_load %arg12[%get3A_525] {strides = array<i32>} : memref<8192xf32, #tpu.memory_space<vmem>>, vector<16xf32>,
        tpu.vector_store_idx %arg15[%add3A_518, %broadcast_in_dim3A_7], %get3A_526 : memref<128x8xf32, #tpu.memory_space<vmem>>[vector<16xi32>, vector<16xi32>], vector<16xf32>,
        %add3A_527 = arith.constant 80 : i32
        %add3A_528 = vector.broadcast %add3A_527 : i32 to vector<16xi32>
        %add3A_529 = arith.addi %iota3A, %add3A_528 : vector<16xi32>
        %add3A_530 = arith.constant 80 : i32
        %add3A_531 = arith.addi %mul3A_471, %add3A_530 : i32
        %get3A_532 = arith.index_cast %add3A_531 : i32 to index
        %get3A_533 = tpu.vector_load %arg10[%get3A_532] {strides = array<i32>} : memref<8192xf32, #tpu.memory_space<vmem>>, vector<16xf32>,
        tpu.vector_store_idx %arg15[%add3A_529, %broadcast_in_dim3A_3], %get3A_533 : memref<128x8xf32, #tpu.memory_space<vmem>>[vector<16xi32>, vector<16xi32>], vector<16xf32>,
        %get3A_534 = arith.index_cast %add3A_531 : i32 to index
        %get3A_535 = tpu.vector_load %arg11[%get3A_534] {strides = array<i32>} : memref<8192xf32, #tpu.memory_space<vmem>>, vector<16xf32>,
        tpu.vector_store_idx %arg15[%add3A_529, %broadcast_in_dim3A_5], %get3A_535 : memref<128x8xf32, #tpu.memory_space<vmem>>[vector<16xi32>, vector<16xi32>], vector<16xf32>,
        %get3A_536 = arith.index_cast %add3A_531 : i32 to index
        %get3A_537 = tpu.vector_load %arg12[%get3A_536] {strides = array<i32>} : memref<8192xf32, #tpu.memory_space<vmem>>, vector<16xf32>,
        tpu.vector_store_idx %arg15[%add3A_529, %broadcast_in_dim3A_7], %get3A_537 : memref<128x8xf32, #tpu.memory_space<vmem>>[vector<16xi32>, vector<16xi32>], vector<16xf32>,
        %add3A_538 = arith.constant 96 : i32
        %add3A_539 = vector.broadcast %add3A_538 : i32 to vector<16xi32>
        %add3A_540 = arith.addi %iota3A, %add3A_539 : vector<16xi32>
        %add3A_541 = arith.constant 96 : i32
        %add3A_542 = arith.addi %mul3A_471, %add3A_541 : i32
        %get3A_543 = arith.index_cast %add3A_542 : i32 to index
        %get3A_544 = tpu.vector_load %arg10[%get3A_543] {strides = array<i32>} : memref<8192xf32, #tpu.memory_space<vmem>>, vector<16xf32>,
        tpu.vector_store_idx %arg15[%add3A_540, %broadcast_in_dim3A_3], %get3A_544 : memref<128x8xf32, #tpu.memory_space<vmem>>[vector<16xi32>, vector<16xi32>], vector<16xf32>,
        %get3A_545 = arith.index_cast %add3A_542 : i32 to index
        %get3A_546 = tpu.vector_load %arg11[%get3A_545] {strides = array<i32>} : memref<8192xf32, #tpu.memory_space<vmem>>, vector<16xf32>,
        tpu.vector_store_idx %arg15[%add3A_540, %broadcast_in_dim3A_5], %get3A_546 : memref<128x8xf32, #tpu.memory_space<vmem>>[vector<16xi32>, vector<16xi32>], vector<16xf32>,
        %get3A_547 = arith.index_cast %add3A_542 : i32 to index
        %get3A_548 = tpu.vector_load %arg12[%get3A_547] {strides = array<i32>} : memref<8192xf32, #tpu.memory_space<vmem>>, vector<16xf32>,
        tpu.vector_store_idx %arg15[%add3A_540, %broadcast_in_dim3A_7], %get3A_548 : memref<128x8xf32, #tpu.memory_space<vmem>>[vector<16xi32>, vector<16xi32>], vector<16xf32>,
        %add3A_549 = arith.constant 112 : i32
        %add3A_550 = vector.broadcast %add3A_549 : i32 to vector<16xi32>
        %add3A_551 = arith.addi %iota3A, %add3A_550 : vector<16xi32>
        %add3A_552 = arith.constant 112 : i32
        %add3A_553 = arith.addi %mul3A_471, %add3A_552 : i32
        %get3A_554 = arith.index_cast %add3A_553 : i32 to index
        %get3A_555 = tpu.vector_load %arg10[%get3A_554] {strides = array<i32>} : memref<8192xf32, #tpu.memory_space<vmem>>, vector<16xf32>,
        tpu.vector_store_idx %arg15[%add3A_551, %broadcast_in_dim3A_3], %get3A_555 : memref<128x8xf32, #tpu.memory_space<vmem>>[vector<16xi32>, vector<16xi32>], vector<16xf32>,
        %get3A_556 = arith.index_cast %add3A_553 : i32 to index
        %get3A_557 = tpu.vector_load %arg11[%get3A_556] {strides = array<i32>} : memref<8192xf32, #tpu.memory_space<vmem>>, vector<16xf32>,
        tpu.vector_store_idx %arg15[%add3A_551, %broadcast_in_dim3A_5], %get3A_557 : memref<128x8xf32, #tpu.memory_space<vmem>>[vector<16xi32>, vector<16xi32>], vector<16xf32>,
        %get3A_558 = arith.index_cast %add3A_553 : i32 to index
        %get3A_559 = tpu.vector_load %arg12[%get3A_558] {strides = array<i32>} : memref<8192xf32, #tpu.memory_space<vmem>>, vector<16xf32>,
        tpu.vector_store_idx %arg15[%add3A_551, %broadcast_in_dim3A_7], %get3A_559 : memref<128x8xf32, #tpu.memory_space<vmem>>[vector<16xi32>, vector<16xi32>], vector<16xf32>,
        %dma_start3A_560 = arith.constant 0 : i32
        %dma_start3A_561 = arith.constant 0 : i32
        %dma_start3A_562 = tpu.memref_slice %arg9[%add3A_464, %dma_start3A_560, %dma_start3A_561] : memref<64x1x128xi32, #tpu.memory_space<vmem>> -> memref<1x1x128xi32, #tpu.memory_space<vmem>>
        %dma_start3A_563 = tpu.memref_squeeze %dma_start3A_562 : memref<1x1x128xi32, #tpu.memory_space<vmem>> -> memref<128xi32, #tpu.memory_space<vmem>>
        %dma_start3A_564 = arith.constant 0 : i32
        %dma_start3A_565 = arith.constant 0 : i32
        %dma_start3A_566 = tpu.memref_slice %arg8[%dma_start3A_564, %dma_start3A_565] : memref<100352x8xf32, #tpu.memory_space<vmem_shared>> -> memref<100352x8xf32, #tpu.memory_space<vmem_shared>>
        tpu.enqueue_indirect_dma source(%arg15 : memref<128x8xf32, #tpu.memory_space<vmem>>) target(%dma_start3A_566 : memref<100352x8xf32, #tpu.memory_space<vmem_shared>>) offsets(%dma_start3A_563 : memref<128xi32, #tpu.memory_space<vmem>>) semaphore(%arg19 : memref<!tpu.dma_semaphore, #tpu.memory_space<semaphore_mem>>) {add = true}
        %mul3A_567 = arith.constant 4 : i32
        %mul3A_568 = arith.muli %mul3A_567, %scan3A_252 : i32
        %add3A_569 = arith.constant 3 : i32
        %add3A_570 = arith.addi %mul3A_568, %add3A_569 : i32
        %gt3A_571 = arith.constant 0 : i32
        %gt3A_572 = arith.cmpi sgt, %scan3A_252, %gt3A_571 : i32
        %convert_element_type3A_573 = arith.extui %gt3A_572 : i1 to i32
        %cond3A_574 = arith.constant 0 : i32
        %cond3A_575 = arith.cmpi ne, %convert_element_type3A_573, %cond3A_574 : i32
        scf.if %cond3A_575 {
          %dma_wait3A_674 = arith.constant 0 : i32
          %dma_wait3A_675 = arith.constant 0 : i32
          %dma_wait3A_676 = tpu.memref_slice %arg9[%add3A_570, %dma_wait3A_674, %dma_wait3A_675] : memref<64x1x128xi32, #tpu.memory_space<vmem>> -> memref<1x1x128xi32, #tpu.memory_space<vmem>>
          %dma_wait3A_677 = tpu.memref_squeeze %dma_wait3A_676 : memref<1x1x128xi32, #tpu.memory_space<vmem>> -> memref<128xi32, #tpu.memory_space<vmem>>
          %dma_wait3A_678 = arith.constant 0 : i32
          %dma_wait3A_679 = arith.constant 0 : i32
          %dma_wait3A_680 = tpu.memref_slice %arg8[%dma_wait3A_678, %dma_wait3A_679] : memref<100352x8xf32, #tpu.memory_space<vmem_shared>> -> memref<100352x8xf32, #tpu.memory_space<vmem_shared>>
          tpu.wait_indirect_dma semaphore(%arg20 : memref<!tpu.dma_semaphore, #tpu.memory_space<semaphore_mem>>) src(%arg16 : memref<128x8xf32, #tpu.memory_space<vmem>>) dst(%dma_wait3A_680 : memref<100352x8xf32, #tpu.memory_space<vmem_shared>>)
        } else {
        }
        %mul3A_576 = arith.constant 128 : i32
        %mul3A_577 = arith.muli %add3A_570, %mul3A_576 : i32
        %add3A_578 = arith.constant 0 : i32
        %add3A_579 = vector.broadcast %add3A_578 : i32 to vector<16xi32>
        %add3A_580 = arith.addi %iota3A, %add3A_579 : vector<16xi32>
        %add3A_581 = arith.constant 0 : i32
        %add3A_582 = arith.addi %mul3A_577, %add3A_581 : i32
        %get3A_583 = arith.index_cast %add3A_582 : i32 to index
        %get3A_584 = tpu.vector_load %arg10[%get3A_583] {strides = array<i32>} : memref<8192xf32, #tpu.memory_space<vmem>>, vector<16xf32>,
        tpu.vector_store_idx %arg16[%add3A_580, %broadcast_in_dim3A_3], %get3A_584 : memref<128x8xf32, #tpu.memory_space<vmem>>[vector<16xi32>, vector<16xi32>], vector<16xf32>,
        %get3A_585 = arith.index_cast %add3A_582 : i32 to index
        %get3A_586 = tpu.vector_load %arg11[%get3A_585] {strides = array<i32>} : memref<8192xf32, #tpu.memory_space<vmem>>, vector<16xf32>,
        tpu.vector_store_idx %arg16[%add3A_580, %broadcast_in_dim3A_5], %get3A_586 : memref<128x8xf32, #tpu.memory_space<vmem>>[vector<16xi32>, vector<16xi32>], vector<16xf32>,
        %get3A_587 = arith.index_cast %add3A_582 : i32 to index
        %get3A_588 = tpu.vector_load %arg12[%get3A_587] {strides = array<i32>} : memref<8192xf32, #tpu.memory_space<vmem>>, vector<16xf32>,
        tpu.vector_store_idx %arg16[%add3A_580, %broadcast_in_dim3A_7], %get3A_588 : memref<128x8xf32, #tpu.memory_space<vmem>>[vector<16xi32>, vector<16xi32>], vector<16xf32>,
        %add3A_589 = arith.constant 16 : i32
        %add3A_590 = vector.broadcast %add3A_589 : i32 to vector<16xi32>
        %add3A_591 = arith.addi %iota3A, %add3A_590 : vector<16xi32>
        %add3A_592 = arith.constant 16 : i32
        %add3A_593 = arith.addi %mul3A_577, %add3A_592 : i32
        %get3A_594 = arith.index_cast %add3A_593 : i32 to index
        %get3A_595 = tpu.vector_load %arg10[%get3A_594] {strides = array<i32>} : memref<8192xf32, #tpu.memory_space<vmem>>, vector<16xf32>,
        tpu.vector_store_idx %arg16[%add3A_591, %broadcast_in_dim3A_3], %get3A_595 : memref<128x8xf32, #tpu.memory_space<vmem>>[vector<16xi32>, vector<16xi32>], vector<16xf32>,
        %get3A_596 = arith.index_cast %add3A_593 : i32 to index
        %get3A_597 = tpu.vector_load %arg11[%get3A_596] {strides = array<i32>} : memref<8192xf32, #tpu.memory_space<vmem>>, vector<16xf32>,
        tpu.vector_store_idx %arg16[%add3A_591, %broadcast_in_dim3A_5], %get3A_597 : memref<128x8xf32, #tpu.memory_space<vmem>>[vector<16xi32>, vector<16xi32>], vector<16xf32>,
        %get3A_598 = arith.index_cast %add3A_593 : i32 to index
        %get3A_599 = tpu.vector_load %arg12[%get3A_598] {strides = array<i32>} : memref<8192xf32, #tpu.memory_space<vmem>>, vector<16xf32>,
        tpu.vector_store_idx %arg16[%add3A_591, %broadcast_in_dim3A_7], %get3A_599 : memref<128x8xf32, #tpu.memory_space<vmem>>[vector<16xi32>, vector<16xi32>], vector<16xf32>,
        %add3A_600 = arith.constant 32 : i32
        %add3A_601 = vector.broadcast %add3A_600 : i32 to vector<16xi32>
        %add3A_602 = arith.addi %iota3A, %add3A_601 : vector<16xi32>
        %add3A_603 = arith.constant 32 : i32
        %add3A_604 = arith.addi %mul3A_577, %add3A_603 : i32
        %get3A_605 = arith.index_cast %add3A_604 : i32 to index
        %get3A_606 = tpu.vector_load %arg10[%get3A_605] {strides = array<i32>} : memref<8192xf32, #tpu.memory_space<vmem>>, vector<16xf32>,
        tpu.vector_store_idx %arg16[%add3A_602, %broadcast_in_dim3A_3], %get3A_606 : memref<128x8xf32, #tpu.memory_space<vmem>>[vector<16xi32>, vector<16xi32>], vector<16xf32>,
        %get3A_607 = arith.index_cast %add3A_604 : i32 to index
        %get3A_608 = tpu.vector_load %arg11[%get3A_607] {strides = array<i32>} : memref<8192xf32, #tpu.memory_space<vmem>>, vector<16xf32>,
        tpu.vector_store_idx %arg16[%add3A_602, %broadcast_in_dim3A_5], %get3A_608 : memref<128x8xf32, #tpu.memory_space<vmem>>[vector<16xi32>, vector<16xi32>], vector<16xf32>,
        %get3A_609 = arith.index_cast %add3A_604 : i32 to index
        %get3A_610 = tpu.vector_load %arg12[%get3A_609] {strides = array<i32>} : memref<8192xf32, #tpu.memory_space<vmem>>, vector<16xf32>,
        tpu.vector_store_idx %arg16[%add3A_602, %broadcast_in_dim3A_7], %get3A_610 : memref<128x8xf32, #tpu.memory_space<vmem>>[vector<16xi32>, vector<16xi32>], vector<16xf32>,
        %add3A_611 = arith.constant 48 : i32
        %add3A_612 = vector.broadcast %add3A_611 : i32 to vector<16xi32>
        %add3A_613 = arith.addi %iota3A, %add3A_612 : vector<16xi32>
        %add3A_614 = arith.constant 48 : i32
        %add3A_615 = arith.addi %mul3A_577, %add3A_614 : i32
        %get3A_616 = arith.index_cast %add3A_615 : i32 to index
        %get3A_617 = tpu.vector_load %arg10[%get3A_616] {strides = array<i32>} : memref<8192xf32, #tpu.memory_space<vmem>>, vector<16xf32>,
        tpu.vector_store_idx %arg16[%add3A_613, %broadcast_in_dim3A_3], %get3A_617 : memref<128x8xf32, #tpu.memory_space<vmem>>[vector<16xi32>, vector<16xi32>], vector<16xf32>,
        %get3A_618 = arith.index_cast %add3A_615 : i32 to index
        %get3A_619 = tpu.vector_load %arg11[%get3A_618] {strides = array<i32>} : memref<8192xf32, #tpu.memory_space<vmem>>, vector<16xf32>,
        tpu.vector_store_idx %arg16[%add3A_613, %broadcast_in_dim3A_5], %get3A_619 : memref<128x8xf32, #tpu.memory_space<vmem>>[vector<16xi32>, vector<16xi32>], vector<16xf32>,
        %get3A_620 = arith.index_cast %add3A_615 : i32 to index
        %get3A_621 = tpu.vector_load %arg12[%get3A_620] {strides = array<i32>} : memref<8192xf32, #tpu.memory_space<vmem>>, vector<16xf32>,
        tpu.vector_store_idx %arg16[%add3A_613, %broadcast_in_dim3A_7], %get3A_621 : memref<128x8xf32, #tpu.memory_space<vmem>>[vector<16xi32>, vector<16xi32>], vector<16xf32>,
        %add3A_622 = arith.constant 64 : i32
        %add3A_623 = vector.broadcast %add3A_622 : i32 to vector<16xi32>
        %add3A_624 = arith.addi %iota3A, %add3A_623 : vector<16xi32>
        %add3A_625 = arith.constant 64 : i32
        %add3A_626 = arith.addi %mul3A_577, %add3A_625 : i32
        %get3A_627 = arith.index_cast %add3A_626 : i32 to index
        %get3A_628 = tpu.vector_load %arg10[%get3A_627] {strides = array<i32>} : memref<8192xf32, #tpu.memory_space<vmem>>, vector<16xf32>,
        tpu.vector_store_idx %arg16[%add3A_624, %broadcast_in_dim3A_3], %get3A_628 : memref<128x8xf32, #tpu.memory_space<vmem>>[vector<16xi32>, vector<16xi32>], vector<16xf32>,
        %get3A_629 = arith.index_cast %add3A_626 : i32 to index
        %get3A_630 = tpu.vector_load %arg11[%get3A_629] {strides = array<i32>} : memref<8192xf32, #tpu.memory_space<vmem>>, vector<16xf32>,
        tpu.vector_store_idx %arg16[%add3A_624, %broadcast_in_dim3A_5], %get3A_630 : memref<128x8xf32, #tpu.memory_space<vmem>>[vector<16xi32>, vector<16xi32>], vector<16xf32>,
        %get3A_631 = arith.index_cast %add3A_626 : i32 to index
        %get3A_632 = tpu.vector_load %arg12[%get3A_631] {strides = array<i32>} : memref<8192xf32, #tpu.memory_space<vmem>>, vector<16xf32>,
        tpu.vector_store_idx %arg16[%add3A_624, %broadcast_in_dim3A_7], %get3A_632 : memref<128x8xf32, #tpu.memory_space<vmem>>[vector<16xi32>, vector<16xi32>], vector<16xf32>,
        %add3A_633 = arith.constant 80 : i32
        %add3A_634 = vector.broadcast %add3A_633 : i32 to vector<16xi32>
        %add3A_635 = arith.addi %iota3A, %add3A_634 : vector<16xi32>
        %add3A_636 = arith.constant 80 : i32
        %add3A_637 = arith.addi %mul3A_577, %add3A_636 : i32
        %get3A_638 = arith.index_cast %add3A_637 : i32 to index
        %get3A_639 = tpu.vector_load %arg10[%get3A_638] {strides = array<i32>} : memref<8192xf32, #tpu.memory_space<vmem>>, vector<16xf32>,
        tpu.vector_store_idx %arg16[%add3A_635, %broadcast_in_dim3A_3], %get3A_639 : memref<128x8xf32, #tpu.memory_space<vmem>>[vector<16xi32>, vector<16xi32>], vector<16xf32>,
        %get3A_640 = arith.index_cast %add3A_637 : i32 to index
        %get3A_641 = tpu.vector_load %arg11[%get3A_640] {strides = array<i32>} : memref<8192xf32, #tpu.memory_space<vmem>>, vector<16xf32>,
        tpu.vector_store_idx %arg16[%add3A_635, %broadcast_in_dim3A_5], %get3A_641 : memref<128x8xf32, #tpu.memory_space<vmem>>[vector<16xi32>, vector<16xi32>], vector<16xf32>,
        %get3A_642 = arith.index_cast %add3A_637 : i32 to index
        %get3A_643 = tpu.vector_load %arg12[%get3A_642] {strides = array<i32>} : memref<8192xf32, #tpu.memory_space<vmem>>, vector<16xf32>,
        tpu.vector_store_idx %arg16[%add3A_635, %broadcast_in_dim3A_7], %get3A_643 : memref<128x8xf32, #tpu.memory_space<vmem>>[vector<16xi32>, vector<16xi32>], vector<16xf32>,
        %add3A_644 = arith.constant 96 : i32
        %add3A_645 = vector.broadcast %add3A_644 : i32 to vector<16xi32>
        %add3A_646 = arith.addi %iota3A, %add3A_645 : vector<16xi32>
        %add3A_647 = arith.constant 96 : i32
        %add3A_648 = arith.addi %mul3A_577, %add3A_647 : i32
        %get3A_649 = arith.index_cast %add3A_648 : i32 to index
        %get3A_650 = tpu.vector_load %arg10[%get3A_649] {strides = array<i32>} : memref<8192xf32, #tpu.memory_space<vmem>>, vector<16xf32>,
        tpu.vector_store_idx %arg16[%add3A_646, %broadcast_in_dim3A_3], %get3A_650 : memref<128x8xf32, #tpu.memory_space<vmem>>[vector<16xi32>, vector<16xi32>], vector<16xf32>,
        %get3A_651 = arith.index_cast %add3A_648 : i32 to index
        %get3A_652 = tpu.vector_load %arg11[%get3A_651] {strides = array<i32>} : memref<8192xf32, #tpu.memory_space<vmem>>, vector<16xf32>,
        tpu.vector_store_idx %arg16[%add3A_646, %broadcast_in_dim3A_5], %get3A_652 : memref<128x8xf32, #tpu.memory_space<vmem>>[vector<16xi32>, vector<16xi32>], vector<16xf32>,
        %get3A_653 = arith.index_cast %add3A_648 : i32 to index
        %get3A_654 = tpu.vector_load %arg12[%get3A_653] {strides = array<i32>} : memref<8192xf32, #tpu.memory_space<vmem>>, vector<16xf32>,
        tpu.vector_store_idx %arg16[%add3A_646, %broadcast_in_dim3A_7], %get3A_654 : memref<128x8xf32, #tpu.memory_space<vmem>>[vector<16xi32>, vector<16xi32>], vector<16xf32>,
        %add3A_655 = arith.constant 112 : i32
        %add3A_656 = vector.broadcast %add3A_655 : i32 to vector<16xi32>
        %add3A_657 = arith.addi %iota3A, %add3A_656 : vector<16xi32>
        %add3A_658 = arith.constant 112 : i32
        %add3A_659 = arith.addi %mul3A_577, %add3A_658 : i32
        %get3A_660 = arith.index_cast %add3A_659 : i32 to index
        %get3A_661 = tpu.vector_load %arg10[%get3A_660] {strides = array<i32>} : memref<8192xf32, #tpu.memory_space<vmem>>, vector<16xf32>,
        tpu.vector_store_idx %arg16[%add3A_657, %broadcast_in_dim3A_3], %get3A_661 : memref<128x8xf32, #tpu.memory_space<vmem>>[vector<16xi32>, vector<16xi32>], vector<16xf32>,
        %get3A_662 = arith.index_cast %add3A_659 : i32 to index
        %get3A_663 = tpu.vector_load %arg11[%get3A_662] {strides = array<i32>} : memref<8192xf32, #tpu.memory_space<vmem>>, vector<16xf32>,
        tpu.vector_store_idx %arg16[%add3A_657, %broadcast_in_dim3A_5], %get3A_663 : memref<128x8xf32, #tpu.memory_space<vmem>>[vector<16xi32>, vector<16xi32>], vector<16xf32>,
        %get3A_664 = arith.index_cast %add3A_659 : i32 to index
        %get3A_665 = tpu.vector_load %arg12[%get3A_664] {strides = array<i32>} : memref<8192xf32, #tpu.memory_space<vmem>>, vector<16xf32>,
        tpu.vector_store_idx %arg16[%add3A_657, %broadcast_in_dim3A_7], %get3A_665 : memref<128x8xf32, #tpu.memory_space<vmem>>[vector<16xi32>, vector<16xi32>], vector<16xf32>,
        %dma_start3A_666 = arith.constant 0 : i32
        %dma_start3A_667 = arith.constant 0 : i32
        %dma_start3A_668 = tpu.memref_slice %arg9[%add3A_570, %dma_start3A_666, %dma_start3A_667] : memref<64x1x128xi32, #tpu.memory_space<vmem>> -> memref<1x1x128xi32, #tpu.memory_space<vmem>>
        %dma_start3A_669 = tpu.memref_squeeze %dma_start3A_668 : memref<1x1x128xi32, #tpu.memory_space<vmem>> -> memref<128xi32, #tpu.memory_space<vmem>>
        %dma_start3A_670 = arith.constant 0 : i32
        %dma_start3A_671 = arith.constant 0 : i32
        %dma_start3A_672 = tpu.memref_slice %arg8[%dma_start3A_670, %dma_start3A_671] : memref<100352x8xf32, #tpu.memory_space<vmem_shared>> -> memref<100352x8xf32, #tpu.memory_space<vmem_shared>>
        tpu.enqueue_indirect_dma source(%arg16 : memref<128x8xf32, #tpu.memory_space<vmem>>) target(%dma_start3A_672 : memref<100352x8xf32, #tpu.memory_space<vmem_shared>>) offsets(%dma_start3A_669 : memref<128xi32, #tpu.memory_space<vmem>>) semaphore(%arg20 : memref<!tpu.dma_semaphore, #tpu.memory_space<semaphore_mem>>) {add = true}
        %scan3A_673 = arith.constant 0 : i32
        scf.yield %scan3A_673 : i32
      }
      %scan3A_219 = arith.constant 16 : i32
      %dma_wait3A = arith.constant 60 : i32
      %dma_wait3A_220 = arith.constant 0 : i32
      %dma_wait3A_221 = arith.constant 0 : i32
      %dma_wait3A_222 = tpu.memref_slice %arg9[%dma_wait3A, %dma_wait3A_220, %dma_wait3A_221] : memref<64x1x128xi32, #tpu.memory_space<vmem>> -> memref<1x1x128xi32, #tpu.memory_space<vmem>>
      %dma_wait3A_223 = tpu.memref_squeeze %dma_wait3A_222 : memref<1x1x128xi32, #tpu.memory_space<vmem>> -> memref<128xi32, #tpu.memory_space<vmem>>
      %dma_wait3A_224 = arith.constant 0 : i32
      %dma_wait3A_225 = arith.constant 0 : i32
      %dma_wait3A_226 = tpu.memref_slice %arg8[%dma_wait3A_224, %dma_wait3A_225] : memref<100352x8xf32, #tpu.memory_space<vmem_shared>> -> memref<100352x8xf32, #tpu.memory_space<vmem_shared>>
      tpu.wait_indirect_dma semaphore(%arg17 : memref<!tpu.dma_semaphore, #tpu.memory_space<semaphore_mem>>) src(%arg13 : memref<128x8xf32, #tpu.memory_space<vmem>>) dst(%dma_wait3A_226 : memref<100352x8xf32, #tpu.memory_space<vmem_shared>>)
      %dma_wait3A_227 = arith.constant 61 : i32
      %dma_wait3A_228 = arith.constant 0 : i32
      %dma_wait3A_229 = arith.constant 0 : i32
      %dma_wait3A_230 = tpu.memref_slice %arg9[%dma_wait3A_227, %dma_wait3A_228, %dma_wait3A_229] : memref<64x1x128xi32, #tpu.memory_space<vmem>> -> memref<1x1x128xi32, #tpu.memory_space<vmem>>
      %dma_wait3A_231 = tpu.memref_squeeze %dma_wait3A_230 : memref<1x1x128xi32, #tpu.memory_space<vmem>> -> memref<128xi32, #tpu.memory_space<vmem>>
      %dma_wait3A_232 = arith.constant 0 : i32
      %dma_wait3A_233 = arith.constant 0 : i32
      %dma_wait3A_234 = tpu.memref_slice %arg8[%dma_wait3A_232, %dma_wait3A_233] : memref<100352x8xf32, #tpu.memory_space<vmem_shared>> -> memref<100352x8xf32, #tpu.memory_space<vmem_shared>>
      tpu.wait_indirect_dma semaphore(%arg18 : memref<!tpu.dma_semaphore, #tpu.memory_space<semaphore_mem>>) src(%arg14 : memref<128x8xf32, #tpu.memory_space<vmem>>) dst(%dma_wait3A_234 : memref<100352x8xf32, #tpu.memory_space<vmem_shared>>)
      %dma_wait3A_235 = arith.constant 62 : i32
      %dma_wait3A_236 = arith.constant 0 : i32
      %dma_wait3A_237 = arith.constant 0 : i32
      %dma_wait3A_238 = tpu.memref_slice %arg9[%dma_wait3A_235, %dma_wait3A_236, %dma_wait3A_237] : memref<64x1x128xi32, #tpu.memory_space<vmem>> -> memref<1x1x128xi32, #tpu.memory_space<vmem>>
      %dma_wait3A_239 = tpu.memref_squeeze %dma_wait3A_238 : memref<1x1x128xi32, #tpu.memory_space<vmem>> -> memref<128xi32, #tpu.memory_space<vmem>>
      %dma_wait3A_240 = arith.constant 0 : i32
      %dma_wait3A_241 = arith.constant 0 : i32
      %dma_wait3A_242 = tpu.memref_slice %arg8[%dma_wait3A_240, %dma_wait3A_241] : memref<100352x8xf32, #tpu.memory_space<vmem_shared>> -> memref<100352x8xf32, #tpu.memory_space<vmem_shared>>
      tpu.wait_indirect_dma semaphore(%arg19 : memref<!tpu.dma_semaphore, #tpu.memory_space<semaphore_mem>>) src(%arg15 : memref<128x8xf32, #tpu.memory_space<vmem>>) dst(%dma_wait3A_242 : memref<100352x8xf32, #tpu.memory_space<vmem_shared>>)
      %dma_wait3A_243 = arith.constant 63 : i32
      %dma_wait3A_244 = arith.constant 0 : i32
      %dma_wait3A_245 = arith.constant 0 : i32
      %dma_wait3A_246 = tpu.memref_slice %arg9[%dma_wait3A_243, %dma_wait3A_244, %dma_wait3A_245] : memref<64x1x128xi32, #tpu.memory_space<vmem>> -> memref<1x1x128xi32, #tpu.memory_space<vmem>>
      %dma_wait3A_247 = tpu.memref_squeeze %dma_wait3A_246 : memref<1x1x128xi32, #tpu.memory_space<vmem>> -> memref<128xi32, #tpu.memory_space<vmem>>
      %dma_wait3A_248 = arith.constant 0 : i32
      %dma_wait3A_249 = arith.constant 0 : i32
      %dma_wait3A_250 = tpu.memref_slice %arg8[%dma_wait3A_248, %dma_wait3A_249] : memref<100352x8xf32, #tpu.memory_space<vmem_shared>> -> memref<100352x8xf32, #tpu.memory_space<vmem_shared>>
      tpu.wait_indirect_dma semaphore(%arg20 : memref<!tpu.dma_semaphore, #tpu.memory_space<semaphore_mem>>) src(%arg16 : memref<128x8xf32, #tpu.memory_space<vmem>>) dst(%dma_wait3A_250 : memref<100352x8xf32, #tpu.memory_space<vmem_shared>>)
      %while3A_251 = arith.constant 0 : i32
      scf.yield %while3A_251 : i32
    }
    %mul3A_190 = arith.constant 64 : i32
    %mul3A_191 = arith.muli %select_n3A_82, %mul3A_190 : i32
    %add3A_192 = arith.addi %select_n3A, %mul3A_191 : i32
    %sub3A_193 = arith.subi %select_n3A_57, %add3A_192 : i32
    %while3A_194 = arith.constant 0 : i32
    %while3A_195 = arith.constant 0 : i32
    %while3A_196 = arith.subi %sub3A_193, %while3A_194 : i32
    %while3A_197 = arith.addi %while3A_194, %while3A_196 : i32
    %while3A_198 = arith.constant 1 : i32
    %while3A_199 = arith.divsi %while3A_196, %while3A_198 : i32
    %while3A_200 = arith.muli %while3A_199, %while3A_198 : i32
    %while3A_201 = arith.addi %while3A_194, %while3A_200 : i32
    %while3A_202 = arith.constant 1 : i32
    %while3A_203 = scf.for %while3A_207 = %while3A_194 to %while3A_201 step %while3A_202 iter_args(%while3A_208 = %while3A_195) -> (i32)  : i32 {
      %add3A_209 = arith.addi %add3A_192, %while3A_207 : i32
      %mul3A_210 = arith.constant 128 : i32
      %mul3A_211 = arith.muli %add3A_209, %mul3A_210 : i32
      %add3A_212 = arith.addi %add3A_192, %while3A_207 : i32
      "tpu.region"() ({
        %run_scoped3A_286 = tpu.sem_alloc : memref<!tpu.dma_semaphore, #tpu.memory_space<semaphore_mem>>
        %dma_start3A = arith.constant 0 : i32
        %dma_start3A_287 = arith.constant 0 : i32
        %dma_start3A_288 = arith.constant 0 : i32
        %dma_start3A_289 = tpu.memref_slice %arg9[%dma_start3A, %dma_start3A_287, %dma_start3A_288] : memref<64x1x128xi32, #tpu.memory_space<vmem>> -> memref<1x1x128xi32, #tpu.memory_space<vmem>>
        %dma_start3A_290 = arith.constant 0 : i32
        %dma_start3A_291 = arith.constant 0 : i32
        %dma_start3A_292 = tpu.memref_slice %arg5[%add3A_212, %dma_start3A_290, %dma_start3A_291] : memref<25000x1x128xi32, #tpu.memory_space<hbm>> -> memref<1x1x128xi32, #tpu.memory_space<hbm>>
        %dma_start3A_293 = arith.constant 0 : i32
        %dma_start3A_294 = arith.constant 0 : i32
        %dma_start3A_295 = arith.constant 0 : i32
        %dma_start3A_296 = tpu.memref_slice %arg9[%dma_start3A_293, %dma_start3A_294, %dma_start3A_295] : memref<64x1x128xi32, #tpu.memory_space<vmem>> -> memref<1x1x128xi32, #tpu.memory_space<vmem>>
        %dma_start3A_297 = arith.constant 0 : i32
        %dma_start3A_298 = arith.constant 0 : i32
        %dma_start3A_299 = tpu.memref_slice %arg5[%add3A_212, %dma_start3A_297, %dma_start3A_298] : memref<25000x1x128xi32, #tpu.memory_space<hbm>> -> memref<1x1x128xi32, #tpu.memory_space<hbm>>
        tpu.enqueue_dma source(%dma_start3A_299 : memref<1x1x128xi32, #tpu.memory_space<hbm>>) target(%dma_start3A_296 : memref<1x1x128xi32, #tpu.memory_space<vmem>>) target_semaphore(%run_scoped3A_286 : memref<!tpu.dma_semaphore, #tpu.memory_space<semaphore_mem>>)
        %dma_wait3A = arith.constant 0 : i32
        %dma_wait3A_300 = arith.constant 0 : i32
        %dma_wait3A_301 = arith.constant 0 : i32
        %dma_wait3A_302 = tpu.memref_slice %arg9[%dma_wait3A, %dma_wait3A_300, %dma_wait3A_301] : memref<64x1x128xi32, #tpu.memory_space<vmem>> -> memref<1x1x128xi32, #tpu.memory_space<vmem>>
        %dma_wait3A_303 = arith.constant 0 : i32
        %dma_wait3A_304 = arith.constant 0 : i32
        %dma_wait3A_305 = tpu.memref_slice %arg5[%add3A_212, %dma_wait3A_303, %dma_wait3A_304] : memref<25000x1x128xi32, #tpu.memory_space<hbm>> -> memref<1x1x128xi32, #tpu.memory_space<hbm>>
        %dma_wait3A_306 = arith.constant 0 : i32
        %dma_wait3A_307 = arith.constant 0 : i32
        %dma_wait3A_308 = arith.constant 0 : i32
        %dma_wait3A_309 = tpu.memref_slice %arg9[%dma_wait3A_306, %dma_wait3A_307, %dma_wait3A_308] : memref<64x1x128xi32, #tpu.memory_space<vmem>> -> memref<1x1x128xi32, #tpu.memory_space<vmem>>
        %dma_wait3A_310 = arith.constant 0 : i32
        %dma_wait3A_311 = arith.constant 0 : i32
        %dma_wait3A_312 = tpu.memref_slice %arg5[%add3A_212, %dma_wait3A_310, %dma_wait3A_311] : memref<25000x1x128xi32, #tpu.memory_space<hbm>> -> memref<1x1x128xi32, #tpu.memory_space<hbm>>
        tpu.wait_dma2 semaphore(%run_scoped3A_286 : memref<!tpu.dma_semaphore, #tpu.memory_space<semaphore_mem>>) src(%dma_wait3A_312 : memref<1x1x128xi32, #tpu.memory_space<hbm>>) dst(%dma_wait3A_309 : memref<1x1x128xi32, #tpu.memory_space<vmem>>)
        tpu.yield
      }) : () -> ()
      "tpu.region"() ({
        %run_scoped3A_286 = tpu.sem_alloc : memref<!tpu.dma_semaphore, #tpu.memory_space<semaphore_mem>>
        %dma_start3A = arith.constant 0 : i32
        %dma_start3A_287 = tpu.memref_slice %arg10[%dma_start3A] : memref<8192xf32, #tpu.memory_space<vmem>> -> memref<128xf32, #tpu.memory_space<vmem>>
        %dma_start3A_288 = tpu.memref_slice %arg2[%mul3A_211] : memref<3200000xf32, #tpu.memory_space<hbm>> -> memref<128xf32, #tpu.memory_space<hbm>>
        %dma_start3A_289 = arith.constant 0 : i32
        %dma_start3A_290 = tpu.memref_slice %arg10[%dma_start3A_289] : memref<8192xf32, #tpu.memory_space<vmem>> -> memref<128xf32, #tpu.memory_space<vmem>>
        %dma_start3A_291 = tpu.memref_slice %arg2[%mul3A_211] : memref<3200000xf32, #tpu.memory_space<hbm>> -> memref<128xf32, #tpu.memory_space<hbm>>
        tpu.enqueue_dma source(%dma_start3A_291 : memref<128xf32, #tpu.memory_space<hbm>>) target(%dma_start3A_290 : memref<128xf32, #tpu.memory_space<vmem>>) target_semaphore(%run_scoped3A_286 : memref<!tpu.dma_semaphore, #tpu.memory_space<semaphore_mem>>)
        %dma_wait3A = arith.constant 0 : i32
        %dma_wait3A_292 = tpu.memref_slice %arg10[%dma_wait3A] : memref<8192xf32, #tpu.memory_space<vmem>> -> memref<128xf32, #tpu.memory_space<vmem>>
        %dma_wait3A_293 = tpu.memref_slice %arg2[%mul3A_211] : memref<3200000xf32, #tpu.memory_space<hbm>> -> memref<128xf32, #tpu.memory_space<hbm>>
        %dma_wait3A_294 = arith.constant 0 : i32
        %dma_wait3A_295 = tpu.memref_slice %arg10[%dma_wait3A_294] : memref<8192xf32, #tpu.memory_space<vmem>> -> memref<128xf32, #tpu.memory_space<vmem>>
        %dma_wait3A_296 = tpu.memref_slice %arg2[%mul3A_211] : memref<3200000xf32, #tpu.memory_space<hbm>> -> memref<128xf32, #tpu.memory_space<hbm>>
        tpu.wait_dma2 semaphore(%run_scoped3A_286 : memref<!tpu.dma_semaphore, #tpu.memory_space<semaphore_mem>>) src(%dma_wait3A_296 : memref<128xf32, #tpu.memory_space<hbm>>) dst(%dma_wait3A_295 : memref<128xf32, #tpu.memory_space<vmem>>)
        tpu.yield
      }) : () -> ()
      "tpu.region"() ({
        %run_scoped3A_286 = tpu.sem_alloc : memref<!tpu.dma_semaphore, #tpu.memory_space<semaphore_mem>>
        %dma_start3A = arith.constant 0 : i32
        %dma_start3A_287 = tpu.memref_slice %arg11[%dma_start3A] : memref<8192xf32, #tpu.memory_space<vmem>> -> memref<128xf32, #tpu.memory_space<vmem>>
        %dma_start3A_288 = tpu.memref_slice %arg3[%mul3A_211] : memref<3200000xf32, #tpu.memory_space<hbm>> -> memref<128xf32, #tpu.memory_space<hbm>>
        %dma_start3A_289 = arith.constant 0 : i32
        %dma_start3A_290 = tpu.memref_slice %arg11[%dma_start3A_289] : memref<8192xf32, #tpu.memory_space<vmem>> -> memref<128xf32, #tpu.memory_space<vmem>>
        %dma_start3A_291 = tpu.memref_slice %arg3[%mul3A_211] : memref<3200000xf32, #tpu.memory_space<hbm>> -> memref<128xf32, #tpu.memory_space<hbm>>
        tpu.enqueue_dma source(%dma_start3A_291 : memref<128xf32, #tpu.memory_space<hbm>>) target(%dma_start3A_290 : memref<128xf32, #tpu.memory_space<vmem>>) target_semaphore(%run_scoped3A_286 : memref<!tpu.dma_semaphore, #tpu.memory_space<semaphore_mem>>)
        %dma_wait3A = arith.constant 0 : i32
        %dma_wait3A_292 = tpu.memref_slice %arg11[%dma_wait3A] : memref<8192xf32, #tpu.memory_space<vmem>> -> memref<128xf32, #tpu.memory_space<vmem>>
        %dma_wait3A_293 = tpu.memref_slice %arg3[%mul3A_211] : memref<3200000xf32, #tpu.memory_space<hbm>> -> memref<128xf32, #tpu.memory_space<hbm>>
        %dma_wait3A_294 = arith.constant 0 : i32
        %dma_wait3A_295 = tpu.memref_slice %arg11[%dma_wait3A_294] : memref<8192xf32, #tpu.memory_space<vmem>> -> memref<128xf32, #tpu.memory_space<vmem>>
        %dma_wait3A_296 = tpu.memref_slice %arg3[%mul3A_211] : memref<3200000xf32, #tpu.memory_space<hbm>> -> memref<128xf32, #tpu.memory_space<hbm>>
        tpu.wait_dma2 semaphore(%run_scoped3A_286 : memref<!tpu.dma_semaphore, #tpu.memory_space<semaphore_mem>>) src(%dma_wait3A_296 : memref<128xf32, #tpu.memory_space<hbm>>) dst(%dma_wait3A_295 : memref<128xf32, #tpu.memory_space<vmem>>)
        tpu.yield
      }) : () -> ()
      "tpu.region"() ({
        %run_scoped3A_286 = tpu.sem_alloc : memref<!tpu.dma_semaphore, #tpu.memory_space<semaphore_mem>>
        %dma_start3A = arith.constant 0 : i32
        %dma_start3A_287 = tpu.memref_slice %arg12[%dma_start3A] : memref<8192xf32, #tpu.memory_space<vmem>> -> memref<128xf32, #tpu.memory_space<vmem>>
        %dma_start3A_288 = tpu.memref_slice %arg4[%mul3A_211] : memref<3200000xf32, #tpu.memory_space<hbm>> -> memref<128xf32, #tpu.memory_space<hbm>>
        %dma_start3A_289 = arith.constant 0 : i32
        %dma_start3A_290 = tpu.memref_slice %arg12[%dma_start3A_289] : memref<8192xf32, #tpu.memory_space<vmem>> -> memref<128xf32, #tpu.memory_space<vmem>>
        %dma_start3A_291 = tpu.memref_slice %arg4[%mul3A_211] : memref<3200000xf32, #tpu.memory_space<hbm>> -> memref<128xf32, #tpu.memory_space<hbm>>
        tpu.enqueue_dma source(%dma_start3A_291 : memref<128xf32, #tpu.memory_space<hbm>>) target(%dma_start3A_290 : memref<128xf32, #tpu.memory_space<vmem>>) target_semaphore(%run_scoped3A_286 : memref<!tpu.dma_semaphore, #tpu.memory_space<semaphore_mem>>)
        %dma_wait3A = arith.constant 0 : i32
        %dma_wait3A_292 = tpu.memref_slice %arg12[%dma_wait3A] : memref<8192xf32, #tpu.memory_space<vmem>> -> memref<128xf32, #tpu.memory_space<vmem>>
        %dma_wait3A_293 = tpu.memref_slice %arg4[%mul3A_211] : memref<3200000xf32, #tpu.memory_space<hbm>> -> memref<128xf32, #tpu.memory_space<hbm>>
        %dma_wait3A_294 = arith.constant 0 : i32
        %dma_wait3A_295 = tpu.memref_slice %arg12[%dma_wait3A_294] : memref<8192xf32, #tpu.memory_space<vmem>> -> memref<128xf32, #tpu.memory_space<vmem>>
        %dma_wait3A_296 = tpu.memref_slice %arg4[%mul3A_211] : memref<3200000xf32, #tpu.memory_space<hbm>> -> memref<128xf32, #tpu.memory_space<hbm>>
        tpu.wait_dma2 semaphore(%run_scoped3A_286 : memref<!tpu.dma_semaphore, #tpu.memory_space<semaphore_mem>>) src(%dma_wait3A_296 : memref<128xf32, #tpu.memory_space<hbm>>) dst(%dma_wait3A_295 : memref<128xf32, #tpu.memory_space<vmem>>)
        tpu.yield
      }) : () -> ()
      %add3A_213 = arith.constant 0 : i32
      %add3A_214 = vector.broadcast %add3A_213 : i32 to vector<16xi32>
      %add3A_215 = arith.addi %iota3A, %add3A_214 : vector<16xi32>
      %get3A = arith.constant 0 : index
      %get3A_216 = tpu.vector_load %arg10[%get3A] {strides = array<i32>} : memref<8192xf32, #tpu.memory_space<vmem>>, vector<16xf32>,
      tpu.vector_store_idx %arg13[%add3A_215, %broadcast_in_dim3A_3], %get3A_216 : memref<128x8xf32, #tpu.memory_space<vmem>>[vector<16xi32>, vector<16xi32>], vector<16xf32>,
      %get3A_217 = arith.constant 0 : index
      %get3A_218 = tpu.vector_load %arg11[%get3A_217] {strides = array<i32>} : memref<8192xf32, #tpu.memory_space<vmem>>, vector<16xf32>,
      tpu.vector_store_idx %arg13[%add3A_215, %broadcast_in_dim3A_5], %get3A_218 : memref<128x8xf32, #tpu.memory_space<vmem>>[vector<16xi32>, vector<16xi32>], vector<16xf32>,
      %get3A_219 = arith.constant 0 : index
      %get3A_220 = tpu.vector_load %arg12[%get3A_219] {strides = array<i32>} : memref<8192xf32, #tpu.memory_space<vmem>>, vector<16xf32>,
      tpu.vector_store_idx %arg13[%add3A_215, %broadcast_in_dim3A_7], %get3A_220 : memref<128x8xf32, #tpu.memory_space<vmem>>[vector<16xi32>, vector<16xi32>], vector<16xf32>,
      %add3A_221 = arith.constant 16 : i32
      %add3A_222 = vector.broadcast %add3A_221 : i32 to vector<16xi32>
      %add3A_223 = arith.addi %iota3A, %add3A_222 : vector<16xi32>
      %get3A_224 = arith.constant 16 : index
      %get3A_225 = tpu.vector_load %arg10[%get3A_224] {strides = array<i32>} : memref<8192xf32, #tpu.memory_space<vmem>>, vector<16xf32>,
      tpu.vector_store_idx %arg13[%add3A_223, %broadcast_in_dim3A_3], %get3A_225 : memref<128x8xf32, #tpu.memory_space<vmem>>[vector<16xi32>, vector<16xi32>], vector<16xf32>,
      %get3A_226 = arith.constant 16 : index
      %get3A_227 = tpu.vector_load %arg11[%get3A_226] {strides = array<i32>} : memref<8192xf32, #tpu.memory_space<vmem>>, vector<16xf32>,
      tpu.vector_store_idx %arg13[%add3A_223, %broadcast_in_dim3A_5], %get3A_227 : memref<128x8xf32, #tpu.memory_space<vmem>>[vector<16xi32>, vector<16xi32>], vector<16xf32>,
      %get3A_228 = arith.constant 16 : index
      %get3A_229 = tpu.vector_load %arg12[%get3A_228] {strides = array<i32>} : memref<8192xf32, #tpu.memory_space<vmem>>, vector<16xf32>,
      tpu.vector_store_idx %arg13[%add3A_223, %broadcast_in_dim3A_7], %get3A_229 : memref<128x8xf32, #tpu.memory_space<vmem>>[vector<16xi32>, vector<16xi32>], vector<16xf32>,
      %add3A_230 = arith.constant 32 : i32
      %add3A_231 = vector.broadcast %add3A_230 : i32 to vector<16xi32>
      %add3A_232 = arith.addi %iota3A, %add3A_231 : vector<16xi32>
      %get3A_233 = arith.constant 32 : index
      %get3A_234 = tpu.vector_load %arg10[%get3A_233] {strides = array<i32>} : memref<8192xf32, #tpu.memory_space<vmem>>, vector<16xf32>,
      tpu.vector_store_idx %arg13[%add3A_232, %broadcast_in_dim3A_3], %get3A_234 : memref<128x8xf32, #tpu.memory_space<vmem>>[vector<16xi32>, vector<16xi32>], vector<16xf32>,
      %get3A_235 = arith.constant 32 : index
      %get3A_236 = tpu.vector_load %arg11[%get3A_235] {strides = array<i32>} : memref<8192xf32, #tpu.memory_space<vmem>>, vector<16xf32>,
      tpu.vector_store_idx %arg13[%add3A_232, %broadcast_in_dim3A_5], %get3A_236 : memref<128x8xf32, #tpu.memory_space<vmem>>[vector<16xi32>, vector<16xi32>], vector<16xf32>,
      %get3A_237 = arith.constant 32 : index
      %get3A_238 = tpu.vector_load %arg12[%get3A_237] {strides = array<i32>} : memref<8192xf32, #tpu.memory_space<vmem>>, vector<16xf32>,
      tpu.vector_store_idx %arg13[%add3A_232, %broadcast_in_dim3A_7], %get3A_238 : memref<128x8xf32, #tpu.memory_space<vmem>>[vector<16xi32>, vector<16xi32>], vector<16xf32>,
      %add3A_239 = arith.constant 48 : i32
      %add3A_240 = vector.broadcast %add3A_239 : i32 to vector<16xi32>
      %add3A_241 = arith.addi %iota3A, %add3A_240 : vector<16xi32>
      %get3A_242 = arith.constant 48 : index
      %get3A_243 = tpu.vector_load %arg10[%get3A_242] {strides = array<i32>} : memref<8192xf32, #tpu.memory_space<vmem>>, vector<16xf32>,
      tpu.vector_store_idx %arg13[%add3A_241, %broadcast_in_dim3A_3], %get3A_243 : memref<128x8xf32, #tpu.memory_space<vmem>>[vector<16xi32>, vector<16xi32>], vector<16xf32>,
      %get3A_244 = arith.constant 48 : index
      %get3A_245 = tpu.vector_load %arg11[%get3A_244] {strides = array<i32>} : memref<8192xf32, #tpu.memory_space<vmem>>, vector<16xf32>,
      tpu.vector_store_idx %arg13[%add3A_241, %broadcast_in_dim3A_5], %get3A_245 : memref<128x8xf32, #tpu.memory_space<vmem>>[vector<16xi32>, vector<16xi32>], vector<16xf32>,
      %get3A_246 = arith.constant 48 : index
      %get3A_247 = tpu.vector_load %arg12[%get3A_246] {strides = array<i32>} : memref<8192xf32, #tpu.memory_space<vmem>>, vector<16xf32>,
      tpu.vector_store_idx %arg13[%add3A_241, %broadcast_in_dim3A_7], %get3A_247 : memref<128x8xf32, #tpu.memory_space<vmem>>[vector<16xi32>, vector<16xi32>], vector<16xf32>,
      %add3A_248 = arith.constant 64 : i32
      %add3A_249 = vector.broadcast %add3A_248 : i32 to vector<16xi32>
      %add3A_250 = arith.addi %iota3A, %add3A_249 : vector<16xi32>
      %get3A_251 = arith.constant 64 : index
      %get3A_252 = tpu.vector_load %arg10[%get3A_251] {strides = array<i32>} : memref<8192xf32, #tpu.memory_space<vmem>>, vector<16xf32>,
      tpu.vector_store_idx %arg13[%add3A_250, %broadcast_in_dim3A_3], %get3A_252 : memref<128x8xf32, #tpu.memory_space<vmem>>[vector<16xi32>, vector<16xi32>], vector<16xf32>,
      %get3A_253 = arith.constant 64 : index
      %get3A_254 = tpu.vector_load %arg11[%get3A_253] {strides = array<i32>} : memref<8192xf32, #tpu.memory_space<vmem>>, vector<16xf32>,
      tpu.vector_store_idx %arg13[%add3A_250, %broadcast_in_dim3A_5], %get3A_254 : memref<128x8xf32, #tpu.memory_space<vmem>>[vector<16xi32>, vector<16xi32>], vector<16xf32>,
      %get3A_255 = arith.constant 64 : index
      %get3A_256 = tpu.vector_load %arg12[%get3A_255] {strides = array<i32>} : memref<8192xf32, #tpu.memory_space<vmem>>, vector<16xf32>,
      tpu.vector_store_idx %arg13[%add3A_250, %broadcast_in_dim3A_7], %get3A_256 : memref<128x8xf32, #tpu.memory_space<vmem>>[vector<16xi32>, vector<16xi32>], vector<16xf32>,
      %add3A_257 = arith.constant 80 : i32
      %add3A_258 = vector.broadcast %add3A_257 : i32 to vector<16xi32>
      %add3A_259 = arith.addi %iota3A, %add3A_258 : vector<16xi32>
      %get3A_260 = arith.constant 80 : index
      %get3A_261 = tpu.vector_load %arg10[%get3A_260] {strides = array<i32>} : memref<8192xf32, #tpu.memory_space<vmem>>, vector<16xf32>,
      tpu.vector_store_idx %arg13[%add3A_259, %broadcast_in_dim3A_3], %get3A_261 : memref<128x8xf32, #tpu.memory_space<vmem>>[vector<16xi32>, vector<16xi32>], vector<16xf32>,
      %get3A_262 = arith.constant 80 : index
      %get3A_263 = tpu.vector_load %arg11[%get3A_262] {strides = array<i32>} : memref<8192xf32, #tpu.memory_space<vmem>>, vector<16xf32>,
      tpu.vector_store_idx %arg13[%add3A_259, %broadcast_in_dim3A_5], %get3A_263 : memref<128x8xf32, #tpu.memory_space<vmem>>[vector<16xi32>, vector<16xi32>], vector<16xf32>,
      %get3A_264 = arith.constant 80 : index
      %get3A_265 = tpu.vector_load %arg12[%get3A_264] {strides = array<i32>} : memref<8192xf32, #tpu.memory_space<vmem>>, vector<16xf32>,
      tpu.vector_store_idx %arg13[%add3A_259, %broadcast_in_dim3A_7], %get3A_265 : memref<128x8xf32, #tpu.memory_space<vmem>>[vector<16xi32>, vector<16xi32>], vector<16xf32>,
      %add3A_266 = arith.constant 96 : i32
      %add3A_267 = vector.broadcast %add3A_266 : i32 to vector<16xi32>
      %add3A_268 = arith.addi %iota3A, %add3A_267 : vector<16xi32>
      %get3A_269 = arith.constant 96 : index
      %get3A_270 = tpu.vector_load %arg10[%get3A_269] {strides = array<i32>} : memref<8192xf32, #tpu.memory_space<vmem>>, vector<16xf32>,
      tpu.vector_store_idx %arg13[%add3A_268, %broadcast_in_dim3A_3], %get3A_270 : memref<128x8xf32, #tpu.memory_space<vmem>>[vector<16xi32>, vector<16xi32>], vector<16xf32>,
      %get3A_271 = arith.constant 96 : index
      %get3A_272 = tpu.vector_load %arg11[%get3A_271] {strides = array<i32>} : memref<8192xf32, #tpu.memory_space<vmem>>, vector<16xf32>,
      tpu.vector_store_idx %arg13[%add3A_268, %broadcast_in_dim3A_5], %get3A_272 : memref<128x8xf32, #tpu.memory_space<vmem>>[vector<16xi32>, vector<16xi32>], vector<16xf32>,
      %get3A_273 = arith.constant 96 : index
      %get3A_274 = tpu.vector_load %arg12[%get3A_273] {strides = array<i32>} : memref<8192xf32, #tpu.memory_space<vmem>>, vector<16xf32>,
      tpu.vector_store_idx %arg13[%add3A_268, %broadcast_in_dim3A_7], %get3A_274 : memref<128x8xf32, #tpu.memory_space<vmem>>[vector<16xi32>, vector<16xi32>], vector<16xf32>,
      %add3A_275 = arith.constant 112 : i32
      %add3A_276 = vector.broadcast %add3A_275 : i32 to vector<16xi32>
      %add3A_277 = arith.addi %iota3A, %add3A_276 : vector<16xi32>
      %get3A_278 = arith.constant 112 : index
      %get3A_279 = tpu.vector_load %arg10[%get3A_278] {strides = array<i32>} : memref<8192xf32, #tpu.memory_space<vmem>>, vector<16xf32>,
      tpu.vector_store_idx %arg13[%add3A_277, %broadcast_in_dim3A_3], %get3A_279 : memref<128x8xf32, #tpu.memory_space<vmem>>[vector<16xi32>, vector<16xi32>], vector<16xf32>,
      %get3A_280 = arith.constant 112 : index
      %get3A_281 = tpu.vector_load %arg11[%get3A_280] {strides = array<i32>} : memref<8192xf32, #tpu.memory_space<vmem>>, vector<16xf32>,
      tpu.vector_store_idx %arg13[%add3A_277, %broadcast_in_dim3A_5], %get3A_281 : memref<128x8xf32, #tpu.memory_space<vmem>>[vector<16xi32>, vector<16xi32>], vector<16xf32>,
      %get3A_282 = arith.constant 112 : index
      %get3A_283 = tpu.vector_load %arg12[%get3A_282] {strides = array<i32>} : memref<8192xf32, #tpu.memory_space<vmem>>, vector<16xf32>,
      tpu.vector_store_idx %arg13[%add3A_277, %broadcast_in_dim3A_7], %get3A_283 : memref<128x8xf32, #tpu.memory_space<vmem>>[vector<16xi32>, vector<16xi32>], vector<16xf32>,
      %run_scoped3A = arith.constant 0 : i32
      %run_scoped3A_284 = arith.constant 0 : i32
      "tpu.region"() ({
        %run_scoped3A_286 = tpu.sem_alloc : memref<!tpu.dma_semaphore, #tpu.memory_space<semaphore_mem>>
        %dma_start3A = arith.constant 0 : i32
        %dma_start3A_287 = tpu.memref_slice %arg9[%run_scoped3A, %run_scoped3A_284, %dma_start3A] : memref<64x1x128xi32, #tpu.memory_space<vmem>> -> memref<1x1x128xi32, #tpu.memory_space<vmem>>
        %dma_start3A_288 = tpu.memref_squeeze %dma_start3A_287 : memref<1x1x128xi32, #tpu.memory_space<vmem>> -> memref<128xi32, #tpu.memory_space<vmem>>
        %dma_start3A_289 = arith.constant 0 : i32
        %dma_start3A_290 = arith.constant 0 : i32
        %dma_start3A_291 = tpu.memref_slice %arg8[%dma_start3A_289, %dma_start3A_290] : memref<100352x8xf32, #tpu.memory_space<vmem_shared>> -> memref<100352x8xf32, #tpu.memory_space<vmem_shared>>
        tpu.enqueue_indirect_dma source(%arg13 : memref<128x8xf32, #tpu.memory_space<vmem>>) target(%dma_start3A_291 : memref<100352x8xf32, #tpu.memory_space<vmem_shared>>) offsets(%dma_start3A_288 : memref<128xi32, #tpu.memory_space<vmem>>) semaphore(%run_scoped3A_286 : memref<!tpu.dma_semaphore, #tpu.memory_space<semaphore_mem>>) {add = true}
        %dma_wait3A = arith.constant 0 : i32
        %dma_wait3A_292 = tpu.memref_slice %arg9[%run_scoped3A, %run_scoped3A_284, %dma_wait3A] : memref<64x1x128xi32, #tpu.memory_space<vmem>> -> memref<1x1x128xi32, #tpu.memory_space<vmem>>
        %dma_wait3A_293 = tpu.memref_squeeze %dma_wait3A_292 : memref<1x1x128xi32, #tpu.memory_space<vmem>> -> memref<128xi32, #tpu.memory_space<vmem>>
        %dma_wait3A_294 = arith.constant 0 : i32
        %dma_wait3A_295 = arith.constant 0 : i32
        %dma_wait3A_296 = tpu.memref_slice %arg8[%dma_wait3A_294, %dma_wait3A_295] : memref<100352x8xf32, #tpu.memory_space<vmem_shared>> -> memref<100352x8xf32, #tpu.memory_space<vmem_shared>>
        tpu.wait_indirect_dma semaphore(%run_scoped3A_286 : memref<!tpu.dma_semaphore, #tpu.memory_space<semaphore_mem>>) src(%arg13 : memref<128x8xf32, #tpu.memory_space<vmem>>) dst(%dma_wait3A_296 : memref<100352x8xf32, #tpu.memory_space<vmem_shared>>)
        tpu.yield
      }) : () -> ()
      %while3A_285 = arith.constant 0 : i32
      scf.yield %while3A_285 : i32
    }
    %while3A_204 = arith.constant 1 : i32
    %while3A_205 = scf.for %while3A_207 = %while3A_201 to %while3A_197 step %while3A_204 iter_args(%while3A_208 = %while3A_203) -> (i32)  : i32 {
      %add3A_209 = arith.addi %add3A_192, %while3A_207 : i32
      %mul3A_210 = arith.constant 128 : i32
      %mul3A_211 = arith.muli %add3A_209, %mul3A_210 : i32
      %add3A_212 = arith.addi %add3A_192, %while3A_207 : i32
      "tpu.region"() ({
        %run_scoped3A_286 = tpu.sem_alloc : memref<!tpu.dma_semaphore, #tpu.memory_space<semaphore_mem>>
        %dma_start3A = arith.constant 0 : i32
        %dma_start3A_287 = arith.constant 0 : i32
        %dma_start3A_288 = arith.constant 0 : i32
        %dma_start3A_289 = tpu.memref_slice %arg9[%dma_start3A, %dma_start3A_287, %dma_start3A_288] : memref<64x1x128xi32, #tpu.memory_space<vmem>> -> memref<1x1x128xi32, #tpu.memory_space<vmem>>
        %dma_start3A_290 = arith.constant 0 : i32
        %dma_start3A_291 = arith.constant 0 : i32
        %dma_start3A_292 = tpu.memref_slice %arg5[%add3A_212, %dma_start3A_290, %dma_start3A_291] : memref<25000x1x128xi32, #tpu.memory_space<hbm>> -> memref<1x1x128xi32, #tpu.memory_space<hbm>>
        %dma_start3A_293 = arith.constant 0 : i32
        %dma_start3A_294 = arith.constant 0 : i32
        %dma_start3A_295 = arith.constant 0 : i32
        %dma_start3A_296 = tpu.memref_slice %arg9[%dma_start3A_293, %dma_start3A_294, %dma_start3A_295] : memref<64x1x128xi32, #tpu.memory_space<vmem>> -> memref<1x1x128xi32, #tpu.memory_space<vmem>>
        %dma_start3A_297 = arith.constant 0 : i32
        %dma_start3A_298 = arith.constant 0 : i32
        %dma_start3A_299 = tpu.memref_slice %arg5[%add3A_212, %dma_start3A_297, %dma_start3A_298] : memref<25000x1x128xi32, #tpu.memory_space<hbm>> -> memref<1x1x128xi32, #tpu.memory_space<hbm>>
        tpu.enqueue_dma source(%dma_start3A_299 : memref<1x1x128xi32, #tpu.memory_space<hbm>>) target(%dma_start3A_296 : memref<1x1x128xi32, #tpu.memory_space<vmem>>) target_semaphore(%run_scoped3A_286 : memref<!tpu.dma_semaphore, #tpu.memory_space<semaphore_mem>>)
        %dma_wait3A = arith.constant 0 : i32
        %dma_wait3A_300 = arith.constant 0 : i32
        %dma_wait3A_301 = arith.constant 0 : i32
        %dma_wait3A_302 = tpu.memref_slice %arg9[%dma_wait3A, %dma_wait3A_300, %dma_wait3A_301] : memref<64x1x128xi32, #tpu.memory_space<vmem>> -> memref<1x1x128xi32, #tpu.memory_space<vmem>>
        %dma_wait3A_303 = arith.constant 0 : i32
        %dma_wait3A_304 = arith.constant 0 : i32
        %dma_wait3A_305 = tpu.memref_slice %arg5[%add3A_212, %dma_wait3A_303, %dma_wait3A_304] : memref<25000x1x128xi32, #tpu.memory_space<hbm>> -> memref<1x1x128xi32, #tpu.memory_space<hbm>>
        %dma_wait3A_306 = arith.constant 0 : i32
        %dma_wait3A_307 = arith.constant 0 : i32
        %dma_wait3A_308 = arith.constant 0 : i32
        %dma_wait3A_309 = tpu.memref_slice %arg9[%dma_wait3A_306, %dma_wait3A_307, %dma_wait3A_308] : memref<64x1x128xi32, #tpu.memory_space<vmem>> -> memref<1x1x128xi32, #tpu.memory_space<vmem>>
        %dma_wait3A_310 = arith.constant 0 : i32
        %dma_wait3A_311 = arith.constant 0 : i32
        %dma_wait3A_312 = tpu.memref_slice %arg5[%add3A_212, %dma_wait3A_310, %dma_wait3A_311] : memref<25000x1x128xi32, #tpu.memory_space<hbm>> -> memref<1x1x128xi32, #tpu.memory_space<hbm>>
        tpu.wait_dma2 semaphore(%run_scoped3A_286 : memref<!tpu.dma_semaphore, #tpu.memory_space<semaphore_mem>>) src(%dma_wait3A_312 : memref<1x1x128xi32, #tpu.memory_space<hbm>>) dst(%dma_wait3A_309 : memref<1x1x128xi32, #tpu.memory_space<vmem>>)
        tpu.yield
      }) : () -> ()
      "tpu.region"() ({
        %run_scoped3A_286 = tpu.sem_alloc : memref<!tpu.dma_semaphore, #tpu.memory_space<semaphore_mem>>
        %dma_start3A = arith.constant 0 : i32
        %dma_start3A_287 = tpu.memref_slice %arg10[%dma_start3A] : memref<8192xf32, #tpu.memory_space<vmem>> -> memref<128xf32, #tpu.memory_space<vmem>>
        %dma_start3A_288 = tpu.memref_slice %arg2[%mul3A_211] : memref<3200000xf32, #tpu.memory_space<hbm>> -> memref<128xf32, #tpu.memory_space<hbm>>
        %dma_start3A_289 = arith.constant 0 : i32
        %dma_start3A_290 = tpu.memref_slice %arg10[%dma_start3A_289] : memref<8192xf32, #tpu.memory_space<vmem>> -> memref<128xf32, #tpu.memory_space<vmem>>
        %dma_start3A_291 = tpu.memref_slice %arg2[%mul3A_211] : memref<3200000xf32, #tpu.memory_space<hbm>> -> memref<128xf32, #tpu.memory_space<hbm>>
        tpu.enqueue_dma source(%dma_start3A_291 : memref<128xf32, #tpu.memory_space<hbm>>) target(%dma_start3A_290 : memref<128xf32, #tpu.memory_space<vmem>>) target_semaphore(%run_scoped3A_286 : memref<!tpu.dma_semaphore, #tpu.memory_space<semaphore_mem>>)
        %dma_wait3A = arith.constant 0 : i32
        %dma_wait3A_292 = tpu.memref_slice %arg10[%dma_wait3A] : memref<8192xf32, #tpu.memory_space<vmem>> -> memref<128xf32, #tpu.memory_space<vmem>>
        %dma_wait3A_293 = tpu.memref_slice %arg2[%mul3A_211] : memref<3200000xf32, #tpu.memory_space<hbm>> -> memref<128xf32, #tpu.memory_space<hbm>>
        %dma_wait3A_294 = arith.constant 0 : i32
        %dma_wait3A_295 = tpu.memref_slice %arg10[%dma_wait3A_294] : memref<8192xf32, #tpu.memory_space<vmem>> -> memref<128xf32, #tpu.memory_space<vmem>>
        %dma_wait3A_296 = tpu.memref_slice %arg2[%mul3A_211] : memref<3200000xf32, #tpu.memory_space<hbm>> -> memref<128xf32, #tpu.memory_space<hbm>>
        tpu.wait_dma2 semaphore(%run_scoped3A_286 : memref<!tpu.dma_semaphore, #tpu.memory_space<semaphore_mem>>) src(%dma_wait3A_296 : memref<128xf32, #tpu.memory_space<hbm>>) dst(%dma_wait3A_295 : memref<128xf32, #tpu.memory_space<vmem>>)
        tpu.yield
      }) : () -> ()
      "tpu.region"() ({
        %run_scoped3A_286 = tpu.sem_alloc : memref<!tpu.dma_semaphore, #tpu.memory_space<semaphore_mem>>
        %dma_start3A = arith.constant 0 : i32
        %dma_start3A_287 = tpu.memref_slice %arg11[%dma_start3A] : memref<8192xf32, #tpu.memory_space<vmem>> -> memref<128xf32, #tpu.memory_space<vmem>>
        %dma_start3A_288 = tpu.memref_slice %arg3[%mul3A_211] : memref<3200000xf32, #tpu.memory_space<hbm>> -> memref<128xf32, #tpu.memory_space<hbm>>
        %dma_start3A_289 = arith.constant 0 : i32
        %dma_start3A_290 = tpu.memref_slice %arg11[%dma_start3A_289] : memref<8192xf32, #tpu.memory_space<vmem>> -> memref<128xf32, #tpu.memory_space<vmem>>
        %dma_start3A_291 = tpu.memref_slice %arg3[%mul3A_211] : memref<3200000xf32, #tpu.memory_space<hbm>> -> memref<128xf32, #tpu.memory_space<hbm>>
        tpu.enqueue_dma source(%dma_start3A_291 : memref<128xf32, #tpu.memory_space<hbm>>) target(%dma_start3A_290 : memref<128xf32, #tpu.memory_space<vmem>>) target_semaphore(%run_scoped3A_286 : memref<!tpu.dma_semaphore, #tpu.memory_space<semaphore_mem>>)
        %dma_wait3A = arith.constant 0 : i32
        %dma_wait3A_292 = tpu.memref_slice %arg11[%dma_wait3A] : memref<8192xf32, #tpu.memory_space<vmem>> -> memref<128xf32, #tpu.memory_space<vmem>>
        %dma_wait3A_293 = tpu.memref_slice %arg3[%mul3A_211] : memref<3200000xf32, #tpu.memory_space<hbm>> -> memref<128xf32, #tpu.memory_space<hbm>>
        %dma_wait3A_294 = arith.constant 0 : i32
        %dma_wait3A_295 = tpu.memref_slice %arg11[%dma_wait3A_294] : memref<8192xf32, #tpu.memory_space<vmem>> -> memref<128xf32, #tpu.memory_space<vmem>>
        %dma_wait3A_296 = tpu.memref_slice %arg3[%mul3A_211] : memref<3200000xf32, #tpu.memory_space<hbm>> -> memref<128xf32, #tpu.memory_space<hbm>>
        tpu.wait_dma2 semaphore(%run_scoped3A_286 : memref<!tpu.dma_semaphore, #tpu.memory_space<semaphore_mem>>) src(%dma_wait3A_296 : memref<128xf32, #tpu.memory_space<hbm>>) dst(%dma_wait3A_295 : memref<128xf32, #tpu.memory_space<vmem>>)
        tpu.yield
      }) : () -> ()
      "tpu.region"() ({
        %run_scoped3A_286 = tpu.sem_alloc : memref<!tpu.dma_semaphore, #tpu.memory_space<semaphore_mem>>
        %dma_start3A = arith.constant 0 : i32
        %dma_start3A_287 = tpu.memref_slice %arg12[%dma_start3A] : memref<8192xf32, #tpu.memory_space<vmem>> -> memref<128xf32, #tpu.memory_space<vmem>>
        %dma_start3A_288 = tpu.memref_slice %arg4[%mul3A_211] : memref<3200000xf32, #tpu.memory_space<hbm>> -> memref<128xf32, #tpu.memory_space<hbm>>
        %dma_start3A_289 = arith.constant 0 : i32
        %dma_start3A_290 = tpu.memref_slice %arg12[%dma_start3A_289] : memref<8192xf32, #tpu.memory_space<vmem>> -> memref<128xf32, #tpu.memory_space<vmem>>
        %dma_start3A_291 = tpu.memref_slice %arg4[%mul3A_211] : memref<3200000xf32, #tpu.memory_space<hbm>> -> memref<128xf32, #tpu.memory_space<hbm>>
        tpu.enqueue_dma source(%dma_start3A_291 : memref<128xf32, #tpu.memory_space<hbm>>) target(%dma_start3A_290 : memref<128xf32, #tpu.memory_space<vmem>>) target_semaphore(%run_scoped3A_286 : memref<!tpu.dma_semaphore, #tpu.memory_space<semaphore_mem>>)
        %dma_wait3A = arith.constant 0 : i32
        %dma_wait3A_292 = tpu.memref_slice %arg12[%dma_wait3A] : memref<8192xf32, #tpu.memory_space<vmem>> -> memref<128xf32, #tpu.memory_space<vmem>>
        %dma_wait3A_293 = tpu.memref_slice %arg4[%mul3A_211] : memref<3200000xf32, #tpu.memory_space<hbm>> -> memref<128xf32, #tpu.memory_space<hbm>>
        %dma_wait3A_294 = arith.constant 0 : i32
        %dma_wait3A_295 = tpu.memref_slice %arg12[%dma_wait3A_294] : memref<8192xf32, #tpu.memory_space<vmem>> -> memref<128xf32, #tpu.memory_space<vmem>>
        %dma_wait3A_296 = tpu.memref_slice %arg4[%mul3A_211] : memref<3200000xf32, #tpu.memory_space<hbm>> -> memref<128xf32, #tpu.memory_space<hbm>>
        tpu.wait_dma2 semaphore(%run_scoped3A_286 : memref<!tpu.dma_semaphore, #tpu.memory_space<semaphore_mem>>) src(%dma_wait3A_296 : memref<128xf32, #tpu.memory_space<hbm>>) dst(%dma_wait3A_295 : memref<128xf32, #tpu.memory_space<vmem>>)
        tpu.yield
      }) : () -> ()
      %add3A_213 = arith.constant 0 : i32
      %add3A_214 = vector.broadcast %add3A_213 : i32 to vector<16xi32>
      %add3A_215 = arith.addi %iota3A, %add3A_214 : vector<16xi32>
      %get3A = arith.constant 0 : index
      %get3A_216 = tpu.vector_load %arg10[%get3A] {strides = array<i32>} : memref<8192xf32, #tpu.memory_space<vmem>>, vector<16xf32>,
      tpu.vector_store_idx %arg13[%add3A_215, %broadcast_in_dim3A_3], %get3A_216 : memref<128x8xf32, #tpu.memory_space<vmem>>[vector<16xi32>, vector<16xi32>], vector<16xf32>,
      %get3A_217 = arith.constant 0 : index
      %get3A_218 = tpu.vector_load %arg11[%get3A_217] {strides = array<i32>} : memref<8192xf32, #tpu.memory_space<vmem>>, vector<16xf32>,
      tpu.vector_store_idx %arg13[%add3A_215, %broadcast_in_dim3A_5], %get3A_218 : memref<128x8xf32, #tpu.memory_space<vmem>>[vector<16xi32>, vector<16xi32>], vector<16xf32>,
      %get3A_219 = arith.constant 0 : index
      %get3A_220 = tpu.vector_load %arg12[%get3A_219] {strides = array<i32>} : memref<8192xf32, #tpu.memory_space<vmem>>, vector<16xf32>,
      tpu.vector_store_idx %arg13[%add3A_215, %broadcast_in_dim3A_7], %get3A_220 : memref<128x8xf32, #tpu.memory_space<vmem>>[vector<16xi32>, vector<16xi32>], vector<16xf32>,
      %add3A_221 = arith.constant 16 : i32
      %add3A_222 = vector.broadcast %add3A_221 : i32 to vector<16xi32>
      %add3A_223 = arith.addi %iota3A, %add3A_222 : vector<16xi32>
      %get3A_224 = arith.constant 16 : index
      %get3A_225 = tpu.vector_load %arg10[%get3A_224] {strides = array<i32>} : memref<8192xf32, #tpu.memory_space<vmem>>, vector<16xf32>,
      tpu.vector_store_idx %arg13[%add3A_223, %broadcast_in_dim3A_3], %get3A_225 : memref<128x8xf32, #tpu.memory_space<vmem>>[vector<16xi32>, vector<16xi32>], vector<16xf32>,
      %get3A_226 = arith.constant 16 : index
      %get3A_227 = tpu.vector_load %arg11[%get3A_226] {strides = array<i32>} : memref<8192xf32, #tpu.memory_space<vmem>>, vector<16xf32>,
      tpu.vector_store_idx %arg13[%add3A_223, %broadcast_in_dim3A_5], %get3A_227 : memref<128x8xf32, #tpu.memory_space<vmem>>[vector<16xi32>, vector<16xi32>], vector<16xf32>,
      %get3A_228 = arith.constant 16 : index
      %get3A_229 = tpu.vector_load %arg12[%get3A_228] {strides = array<i32>} : memref<8192xf32, #tpu.memory_space<vmem>>, vector<16xf32>,
      tpu.vector_store_idx %arg13[%add3A_223, %broadcast_in_dim3A_7], %get3A_229 : memref<128x8xf32, #tpu.memory_space<vmem>>[vector<16xi32>, vector<16xi32>], vector<16xf32>,
      %add3A_230 = arith.constant 32 : i32
      %add3A_231 = vector.broadcast %add3A_230 : i32 to vector<16xi32>
      %add3A_232 = arith.addi %iota3A, %add3A_231 : vector<16xi32>
      %get3A_233 = arith.constant 32 : index
      %get3A_234 = tpu.vector_load %arg10[%get3A_233] {strides = array<i32>} : memref<8192xf32, #tpu.memory_space<vmem>>, vector<16xf32>,
      tpu.vector_store_idx %arg13[%add3A_232, %broadcast_in_dim3A_3], %get3A_234 : memref<128x8xf32, #tpu.memory_space<vmem>>[vector<16xi32>, vector<16xi32>], vector<16xf32>,
      %get3A_235 = arith.constant 32 : index
      %get3A_236 = tpu.vector_load %arg11[%get3A_235] {strides = array<i32>} : memref<8192xf32, #tpu.memory_space<vmem>>, vector<16xf32>,
      tpu.vector_store_idx %arg13[%add3A_232, %broadcast_in_dim3A_5], %get3A_236 : memref<128x8xf32, #tpu.memory_space<vmem>>[vector<16xi32>, vector<16xi32>], vector<16xf32>,
      %get3A_237 = arith.constant 32 : index
      %get3A_238 = tpu.vector_load %arg12[%get3A_237] {strides = array<i32>} : memref<8192xf32, #tpu.memory_space<vmem>>, vector<16xf32>,
      tpu.vector_store_idx %arg13[%add3A_232, %broadcast_in_dim3A_7], %get3A_238 : memref<128x8xf32, #tpu.memory_space<vmem>>[vector<16xi32>, vector<16xi32>], vector<16xf32>,
      %add3A_239 = arith.constant 48 : i32
      %add3A_240 = vector.broadcast %add3A_239 : i32 to vector<16xi32>
      %add3A_241 = arith.addi %iota3A, %add3A_240 : vector<16xi32>
      %get3A_242 = arith.constant 48 : index
      %get3A_243 = tpu.vector_load %arg10[%get3A_242] {strides = array<i32>} : memref<8192xf32, #tpu.memory_space<vmem>>, vector<16xf32>,
      tpu.vector_store_idx %arg13[%add3A_241, %broadcast_in_dim3A_3], %get3A_243 : memref<128x8xf32, #tpu.memory_space<vmem>>[vector<16xi32>, vector<16xi32>], vector<16xf32>,
      %get3A_244 = arith.constant 48 : index
      %get3A_245 = tpu.vector_load %arg11[%get3A_244] {strides = array<i32>} : memref<8192xf32, #tpu.memory_space<vmem>>, vector<16xf32>,
      tpu.vector_store_idx %arg13[%add3A_241, %broadcast_in_dim3A_5], %get3A_245 : memref<128x8xf32, #tpu.memory_space<vmem>>[vector<16xi32>, vector<16xi32>], vector<16xf32>,
      %get3A_246 = arith.constant 48 : index
      %get3A_247 = tpu.vector_load %arg12[%get3A_246] {strides = array<i32>} : memref<8192xf32, #tpu.memory_space<vmem>>, vector<16xf32>,
      tpu.vector_store_idx %arg13[%add3A_241, %broadcast_in_dim3A_7], %get3A_247 : memref<128x8xf32, #tpu.memory_space<vmem>>[vector<16xi32>, vector<16xi32>], vector<16xf32>,
      %add3A_248 = arith.constant 64 : i32
      %add3A_249 = vector.broadcast %add3A_248 : i32 to vector<16xi32>
      %add3A_250 = arith.addi %iota3A, %add3A_249 : vector<16xi32>
      %get3A_251 = arith.constant 64 : index
      %get3A_252 = tpu.vector_load %arg10[%get3A_251] {strides = array<i32>} : memref<8192xf32, #tpu.memory_space<vmem>>, vector<16xf32>,
      tpu.vector_store_idx %arg13[%add3A_250, %broadcast_in_dim3A_3], %get3A_252 : memref<128x8xf32, #tpu.memory_space<vmem>>[vector<16xi32>, vector<16xi32>], vector<16xf32>,
      %get3A_253 = arith.constant 64 : index
      %get3A_254 = tpu.vector_load %arg11[%get3A_253] {strides = array<i32>} : memref<8192xf32, #tpu.memory_space<vmem>>, vector<16xf32>,
      tpu.vector_store_idx %arg13[%add3A_250, %broadcast_in_dim3A_5], %get3A_254 : memref<128x8xf32, #tpu.memory_space<vmem>>[vector<16xi32>, vector<16xi32>], vector<16xf32>,
      %get3A_255 = arith.constant 64 : index
      %get3A_256 = tpu.vector_load %arg12[%get3A_255] {strides = array<i32>} : memref<8192xf32, #tpu.memory_space<vmem>>, vector<16xf32>,
      tpu.vector_store_idx %arg13[%add3A_250, %broadcast_in_dim3A_7], %get3A_256 : memref<128x8xf32, #tpu.memory_space<vmem>>[vector<16xi32>, vector<16xi32>], vector<16xf32>,
      %add3A_257 = arith.constant 80 : i32
      %add3A_258 = vector.broadcast %add3A_257 : i32 to vector<16xi32>
      %add3A_259 = arith.addi %iota3A, %add3A_258 : vector<16xi32>
      %get3A_260 = arith.constant 80 : index
      %get3A_261 = tpu.vector_load %arg10[%get3A_260] {strides = array<i32>} : memref<8192xf32, #tpu.memory_space<vmem>>, vector<16xf32>,
      tpu.vector_store_idx %arg13[%add3A_259, %broadcast_in_dim3A_3], %get3A_261 : memref<128x8xf32, #tpu.memory_space<vmem>>[vector<16xi32>, vector<16xi32>], vector<16xf32>,
      %get3A_262 = arith.constant 80 : index
      %get3A_263 = tpu.vector_load %arg11[%get3A_262] {strides = array<i32>} : memref<8192xf32, #tpu.memory_space<vmem>>, vector<16xf32>,
      tpu.vector_store_idx %arg13[%add3A_259, %broadcast_in_dim3A_5], %get3A_263 : memref<128x8xf32, #tpu.memory_space<vmem>>[vector<16xi32>, vector<16xi32>], vector<16xf32>,
      %get3A_264 = arith.constant 80 : index
      %get3A_265 = tpu.vector_load %arg12[%get3A_264] {strides = array<i32>} : memref<8192xf32, #tpu.memory_space<vmem>>, vector<16xf32>,
      tpu.vector_store_idx %arg13[%add3A_259, %broadcast_in_dim3A_7], %get3A_265 : memref<128x8xf32, #tpu.memory_space<vmem>>[vector<16xi32>, vector<16xi32>], vector<16xf32>,
      %add3A_266 = arith.constant 96 : i32
      %add3A_267 = vector.broadcast %add3A_266 : i32 to vector<16xi32>
      %add3A_268 = arith.addi %iota3A, %add3A_267 : vector<16xi32>
      %get3A_269 = arith.constant 96 : index
      %get3A_270 = tpu.vector_load %arg10[%get3A_269] {strides = array<i32>} : memref<8192xf32, #tpu.memory_space<vmem>>, vector<16xf32>,
      tpu.vector_store_idx %arg13[%add3A_268, %broadcast_in_dim3A_3], %get3A_270 : memref<128x8xf32, #tpu.memory_space<vmem>>[vector<16xi32>, vector<16xi32>], vector<16xf32>,
      %get3A_271 = arith.constant 96 : index
      %get3A_272 = tpu.vector_load %arg11[%get3A_271] {strides = array<i32>} : memref<8192xf32, #tpu.memory_space<vmem>>, vector<16xf32>,
      tpu.vector_store_idx %arg13[%add3A_268, %broadcast_in_dim3A_5], %get3A_272 : memref<128x8xf32, #tpu.memory_space<vmem>>[vector<16xi32>, vector<16xi32>], vector<16xf32>,
      %get3A_273 = arith.constant 96 : index
      %get3A_274 = tpu.vector_load %arg12[%get3A_273] {strides = array<i32>} : memref<8192xf32, #tpu.memory_space<vmem>>, vector<16xf32>,
      tpu.vector_store_idx %arg13[%add3A_268, %broadcast_in_dim3A_7], %get3A_274 : memref<128x8xf32, #tpu.memory_space<vmem>>[vector<16xi32>, vector<16xi32>], vector<16xf32>,
      %add3A_275 = arith.constant 112 : i32
      %add3A_276 = vector.broadcast %add3A_275 : i32 to vector<16xi32>
      %add3A_277 = arith.addi %iota3A, %add3A_276 : vector<16xi32>
      %get3A_278 = arith.constant 112 : index
      %get3A_279 = tpu.vector_load %arg10[%get3A_278] {strides = array<i32>} : memref<8192xf32, #tpu.memory_space<vmem>>, vector<16xf32>,
      tpu.vector_store_idx %arg13[%add3A_277, %broadcast_in_dim3A_3], %get3A_279 : memref<128x8xf32, #tpu.memory_space<vmem>>[vector<16xi32>, vector<16xi32>], vector<16xf32>,
      %get3A_280 = arith.constant 112 : index
      %get3A_281 = tpu.vector_load %arg11[%get3A_280] {strides = array<i32>} : memref<8192xf32, #tpu.memory_space<vmem>>, vector<16xf32>,
      tpu.vector_store_idx %arg13[%add3A_277, %broadcast_in_dim3A_5], %get3A_281 : memref<128x8xf32, #tpu.memory_space<vmem>>[vector<16xi32>, vector<16xi32>], vector<16xf32>,
      %get3A_282 = arith.constant 112 : index
      %get3A_283 = tpu.vector_load %arg12[%get3A_282] {strides = array<i32>} : memref<8192xf32, #tpu.memory_space<vmem>>, vector<16xf32>,
      tpu.vector_store_idx %arg13[%add3A_277, %broadcast_in_dim3A_7], %get3A_283 : memref<128x8xf32, #tpu.memory_space<vmem>>[vector<16xi32>, vector<16xi32>], vector<16xf32>,
      %run_scoped3A = arith.constant 0 : i32
      %run_scoped3A_284 = arith.constant 0 : i32
      "tpu.region"() ({
        %run_scoped3A_286 = tpu.sem_alloc : memref<!tpu.dma_semaphore, #tpu.memory_space<semaphore_mem>>
        %dma_start3A = arith.constant 0 : i32
        %dma_start3A_287 = tpu.memref_slice %arg9[%run_scoped3A, %run_scoped3A_284, %dma_start3A] : memref<64x1x128xi32, #tpu.memory_space<vmem>> -> memref<1x1x128xi32, #tpu.memory_space<vmem>>
        %dma_start3A_288 = tpu.memref_squeeze %dma_start3A_287 : memref<1x1x128xi32, #tpu.memory_space<vmem>> -> memref<128xi32, #tpu.memory_space<vmem>>
        %dma_start3A_289 = arith.constant 0 : i32
        %dma_start3A_290 = arith.constant 0 : i32
        %dma_start3A_291 = tpu.memref_slice %arg8[%dma_start3A_289, %dma_start3A_290] : memref<100352x8xf32, #tpu.memory_space<vmem_shared>> -> memref<100352x8xf32, #tpu.memory_space<vmem_shared>>
        tpu.enqueue_indirect_dma source(%arg13 : memref<128x8xf32, #tpu.memory_space<vmem>>) target(%dma_start3A_291 : memref<100352x8xf32, #tpu.memory_space<vmem_shared>>) offsets(%dma_start3A_288 : memref<128xi32, #tpu.memory_space<vmem>>) semaphore(%run_scoped3A_286 : memref<!tpu.dma_semaphore, #tpu.memory_space<semaphore_mem>>) {add = true}
        %dma_wait3A = arith.constant 0 : i32
        %dma_wait3A_292 = tpu.memref_slice %arg9[%run_scoped3A, %run_scoped3A_284, %dma_wait3A] : memref<64x1x128xi32, #tpu.memory_space<vmem>> -> memref<1x1x128xi32, #tpu.memory_space<vmem>>
        %dma_wait3A_293 = tpu.memref_squeeze %dma_wait3A_292 : memref<1x1x128xi32, #tpu.memory_space<vmem>> -> memref<128xi32, #tpu.memory_space<vmem>>
        %dma_wait3A_294 = arith.constant 0 : i32
        %dma_wait3A_295 = arith.constant 0 : i32
        %dma_wait3A_296 = tpu.memref_slice %arg8[%dma_wait3A_294, %dma_wait3A_295] : memref<100352x8xf32, #tpu.memory_space<vmem_shared>> -> memref<100352x8xf32, #tpu.memory_space<vmem_shared>>
        tpu.wait_indirect_dma semaphore(%run_scoped3A_286 : memref<!tpu.dma_semaphore, #tpu.memory_space<semaphore_mem>>) src(%arg13 : memref<128x8xf32, #tpu.memory_space<vmem>>) dst(%dma_wait3A_296 : memref<100352x8xf32, #tpu.memory_space<vmem_shared>>)
        tpu.yield
      }) : () -> ()
      %while3A_285 = arith.constant 0 : i32
      scf.yield %while3A_285 : i32
    }
    %barrier3A_206 = arith.constant 0 : index
    tpu.barrier barrier_id(%barrier3A_206)
    "tpu.region"() ({
      %run_scoped3A = tpu.sem_alloc : memref<!tpu.dma_semaphore, #tpu.memory_space<semaphore_mem>>
      %dma_start3A = arith.constant 0 : i32
      %dma_start3A_207 = tpu.memref_slice %arg7[%arg0, %mul3A_2, %dma_start3A] : memref<2x100352x8xf32, #tpu.memory_space<hbm>> -> memref<1x6272x8xf32, #tpu.memory_space<hbm>>
      %dma_start3A_208 = tpu.memref_squeeze %dma_start3A_207 : memref<1x6272x8xf32, #tpu.memory_space<hbm>> -> memref<6272x8xf32, #tpu.memory_space<hbm>>
      %dma_start3A_209 = arith.constant 0 : i32
      %dma_start3A_210 = tpu.memref_slice %arg8[%mul3A_2, %dma_start3A_209] : memref<100352x8xf32, #tpu.memory_space<vmem_shared>> -> memref<6272x8xf32, #tpu.memory_space<vmem_shared>>
      tpu.enqueue_dma source(%dma_start3A_210 : memref<6272x8xf32, #tpu.memory_space<vmem_shared>>) target(%dma_start3A_208 : memref<6272x8xf32, #tpu.memory_space<hbm>>) target_semaphore(%run_scoped3A : memref<!tpu.dma_semaphore, #tpu.memory_space<semaphore_mem>>)
      %dma_wait3A = arith.constant 0 : i32
      %dma_wait3A_211 = tpu.memref_slice %arg7[%arg0, %mul3A_2, %dma_wait3A] : memref<2x100352x8xf32, #tpu.memory_space<hbm>> -> memref<1x6272x8xf32, #tpu.memory_space<hbm>>
      %dma_wait3A_212 = tpu.memref_squeeze %dma_wait3A_211 : memref<1x6272x8xf32, #tpu.memory_space<hbm>> -> memref<6272x8xf32, #tpu.memory_space<hbm>>
      %dma_wait3A_213 = arith.constant 0 : i32
      %dma_wait3A_214 = tpu.memref_slice %arg8[%mul3A_2, %dma_wait3A_213] : memref<100352x8xf32, #tpu.memory_space<vmem_shared>> -> memref<6272x8xf32, #tpu.memory_space<vmem_shared>>
      tpu.wait_dma2 semaphore(%run_scoped3A : memref<!tpu.dma_semaphore, #tpu.memory_space<semaphore_mem>>) src(%dma_wait3A_214 : memref<6272x8xf32, #tpu.memory_space<vmem_shared>>) dst(%dma_wait3A_212 : memref<6272x8xf32, #tpu.memory_space<hbm>>)
      tpu.yield
    }) : () -> ()
    return
  }
}

#map = affine_map<(d0, d1) -> (0)>
#map1 = affine_map<(d0, d1) -> (0, 0, 0)>
module attributes {stable_mosaic.version = 14 : i64} {
  func.func @_k_center(%arg0: i32, %arg1: i32, %arg2: memref<3200000xf32, #tpu.memory_space<hbm>>, %arg3: memref<3200000xf32, #tpu.memory_space<hbm>>, %arg4: memref<3200000xf32, #tpu.memory_space<hbm>>, %arg5: memref<25000x1x128xi32, #tpu.memory_space<hbm>>, %arg6: memref<2x100352x8xf32, #tpu.memory_space<hbm>>, %arg7: memref<3200000xf32, #tpu.memory_space<hbm>>, %arg8: memref<3200000xf32, #tpu.memory_space<hbm>>, %arg9: memref<3200000xf32, #tpu.memory_space<hbm>>, %arg10: memref<64x1x128xi32, #tpu.memory_space<vmem>>, %arg11: memref<8192xf32, #tpu.memory_space<vmem>>, %arg12: memref<8192xf32, #tpu.memory_space<vmem>>, %arg13: memref<8192xf32, #tpu.memory_space<vmem>>, %arg14: memref<8192xf32, #tpu.memory_space<vmem>>, %arg15: memref<8192xf32, #tpu.memory_space<vmem>>, %arg16: memref<8192xf32, #tpu.memory_space<vmem>>, %arg17: memref<2048x8xf32, #tpu.memory_space<vmem>>, %arg18: memref<2048x8xf32, #tpu.memory_space<vmem>>, %arg19: memref<128x8xf32, #tpu.memory_space<vmem>>, %arg20: memref<128x8xf32, #tpu.memory_space<vmem>>, %arg21: memref<!tpu.dma_semaphore, #tpu.memory_space<semaphore_mem>>, %arg22: memref<!tpu.dma_semaphore, #tpu.memory_space<semaphore_mem>>) attributes {dimension_semantics = [#tpu.dimension_semantics<core_parallel>, #tpu.dimension_semantics<subcore_parallel>], iteration_bounds = array<i64: 2, 16>, scalar_prefetch = 0 : i64, scratch_operands = 13 : i64, tpu.core_type = #tpu.core_type<sc_vector_subcore>, window_params = [{transform_indices = #map}, {transform_indices = #map}, {transform_indices = #map}, {transform_indices = #map1}, {transform_indices = #map1}, {transform_indices = #map}, {transform_indices = #map}, {transform_indices = #map}]} {
    %mul3A = arith.constant 16 : i32
    %mul3A_0 = arith.muli %arg0, %mul3A : i32
    %add3A = arith.addi %mul3A_0, %arg1 : i32
    %iota3A = tpu.iota {dimensions = array<i32: 0>} : vector<16xi32>
    %broadcast_in_dim3A = arith.constant 0 : i32
    %broadcast_in_dim3A_1 = vector.broadcast %broadcast_in_dim3A : i32 to vector<16xi32>
    %broadcast_in_dim3A_2 = arith.constant 1 : i32
    %broadcast_in_dim3A_3 = vector.broadcast %broadcast_in_dim3A_2 : i32 to vector<16xi32>
    %broadcast_in_dim3A_4 = arith.constant 2 : i32
    %broadcast_in_dim3A_5 = vector.broadcast %broadcast_in_dim3A_4 : i32 to vector<16xi32>
    %broadcast_in_dim3A_6 = arith.constant 3 : i32
    %broadcast_in_dim3A_7 = vector.broadcast %broadcast_in_dim3A_6 : i32 to vector<16xi32>
    %jit3A = arith.constant 8 : i32
    %div3A = vector.broadcast %jit3A : i32 to vector<16xi32>
    %div3A_8 = arith.divsi %iota3A, %div3A : vector<16xi32>
    %sign3A = arith.constant 0 : i32
    %sign3A_9 = vector.broadcast %sign3A : i32 to vector<16xi32>
    %sign3A_10 = arith.cmpi sgt, %iota3A, %sign3A_9 : vector<16xi32>
    %sign3A_11 = arith.extui %sign3A_10 : vector<16xi1> to vector<16xi32>
    %sign3A_12 = arith.constant 0 : i32
    %sign3A_13 = vector.broadcast %sign3A_12 : i32 to vector<16xi32>
    %sign3A_14 = arith.cmpi slt, %iota3A, %sign3A_13 : vector<16xi32>
    %sign3A_15 = arith.extui %sign3A_14 : vector<16xi1> to vector<16xi32>
    %sign3A_16 = arith.subi %sign3A_11, %sign3A_15 : vector<16xi32>
    %sign3A_17 = arith.constant 0 : i32
    %sign3A_18 = arith.cmpi sgt, %jit3A, %sign3A_17 : i32
    %sign3A_19 = arith.extui %sign3A_18 : i1 to i32
    %sign3A_20 = arith.constant 0 : i32
    %sign3A_21 = arith.cmpi slt, %jit3A, %sign3A_20 : i32
    %sign3A_22 = arith.extui %sign3A_21 : i1 to i32
    %sign3A_23 = arith.subi %sign3A_19, %sign3A_22 : i32
    %ne3A = vector.broadcast %sign3A_23 : i32 to vector<16xi32>
    %ne3A_24 = arith.cmpi ne, %sign3A_16, %ne3A : vector<16xi32>
    %rem3A = vector.broadcast %jit3A : i32 to vector<16xi32>
    %rem3A_25 = arith.remsi %iota3A, %rem3A : vector<16xi32>
    %ne3A_26 = arith.constant 0 : i32
    %ne3A_27 = vector.broadcast %ne3A_26 : i32 to vector<16xi32>
    %ne3A_28 = arith.cmpi ne, %rem3A_25, %ne3A_27 : vector<16xi32>
    %and3A = arith.andi %ne3A_24, %ne3A_28 : vector<16xi1>
    %sub3A = arith.constant 1 : i32
    %sub3A_29 = vector.broadcast %sub3A : i32 to vector<16xi32>
    %sub3A_30 = arith.subi %div3A_8, %sub3A_29 : vector<16xi32>
    %select_n3A = arith.select %and3A, %sub3A_30, %div3A_8 : vector<16xi1>, vector<16xi32>
    %mul3A_31 = arith.constant 8 : i32
    %mul3A_32 = vector.broadcast %mul3A_31 : i32 to vector<16xi32>
    %mul3A_33 = arith.muli %mul3A_32, %select_n3A : vector<16xi32>
    %sub3A_34 = arith.subi %iota3A, %mul3A_33 : vector<16xi32>
    %mul3A_35 = arith.constant 25000 : i32
    %mul3A_36 = arith.muli %add3A, %mul3A_35 : i32
    %jit3A_37 = arith.constant 32 : i32
    %div3A_38 = arith.divsi %mul3A_36, %jit3A_37 : i32
    %sign3A_39 = arith.constant 0 : i32
    %sign3A_40 = arith.cmpi sgt, %mul3A_36, %sign3A_39 : i32
    %sign3A_41 = arith.extui %sign3A_40 : i1 to i32
    %sign3A_42 = arith.constant 0 : i32
    %sign3A_43 = arith.cmpi slt, %mul3A_36, %sign3A_42 : i32
    %sign3A_44 = arith.extui %sign3A_43 : i1 to i32
    %sign3A_45 = arith.subi %sign3A_41, %sign3A_44 : i32
    %sign3A_46 = arith.constant 0 : i32
    %sign3A_47 = arith.cmpi sgt, %jit3A_37, %sign3A_46 : i32
    %sign3A_48 = arith.extui %sign3A_47 : i1 to i32
    %sign3A_49 = arith.constant 0 : i32
    %sign3A_50 = arith.cmpi slt, %jit3A_37, %sign3A_49 : i32
    %sign3A_51 = arith.extui %sign3A_50 : i1 to i32
    %sign3A_52 = arith.subi %sign3A_48, %sign3A_51 : i32
    %ne3A_53 = arith.cmpi ne, %sign3A_45, %sign3A_52 : i32
    %rem3A_54 = arith.remsi %mul3A_36, %jit3A_37 : i32
    %ne3A_55 = arith.constant 0 : i32
    %ne3A_56 = arith.cmpi ne, %rem3A_54, %ne3A_55 : i32
    %and3A_57 = arith.andi %ne3A_53, %ne3A_56 : i1
    %sub3A_58 = arith.constant 1 : i32
    %sub3A_59 = arith.subi %div3A_38, %sub3A_58 : i32
    %select_n3A_60 = arith.select %and3A_57, %sub3A_59, %div3A_38 : i32
    %add3A_61 = arith.constant 1 : i32
    %add3A_62 = arith.addi %add3A, %add3A_61 : i32
    %mul3A_63 = arith.constant 25000 : i32
    %mul3A_64 = arith.muli %add3A_62, %mul3A_63 : i32
    %jit3A_65 = arith.constant 32 : i32
    %div3A_66 = arith.divsi %mul3A_64, %jit3A_65 : i32
    %sign3A_67 = arith.constant 0 : i32
    %sign3A_68 = arith.cmpi sgt, %mul3A_64, %sign3A_67 : i32
    %sign3A_69 = arith.extui %sign3A_68 : i1 to i32
    %sign3A_70 = arith.constant 0 : i32
    %sign3A_71 = arith.cmpi slt, %mul3A_64, %sign3A_70 : i32
    %sign3A_72 = arith.extui %sign3A_71 : i1 to i32
    %sign3A_73 = arith.subi %sign3A_69, %sign3A_72 : i32
    %sign3A_74 = arith.constant 0 : i32
    %sign3A_75 = arith.cmpi sgt, %jit3A_65, %sign3A_74 : i32
    %sign3A_76 = arith.extui %sign3A_75 : i1 to i32
    %sign3A_77 = arith.constant 0 : i32
    %sign3A_78 = arith.cmpi slt, %jit3A_65, %sign3A_77 : i32
    %sign3A_79 = arith.extui %sign3A_78 : i1 to i32
    %sign3A_80 = arith.subi %sign3A_76, %sign3A_79 : i32
    %ne3A_81 = arith.cmpi ne, %sign3A_73, %sign3A_80 : i32
    %rem3A_82 = arith.remsi %mul3A_64, %jit3A_65 : i32
    %ne3A_83 = arith.constant 0 : i32
    %ne3A_84 = arith.cmpi ne, %rem3A_82, %ne3A_83 : i32
    %and3A_85 = arith.andi %ne3A_81, %ne3A_84 : i1
    %sub3A_86 = arith.constant 1 : i32
    %sub3A_87 = arith.subi %div3A_66, %sub3A_86 : i32
    %select_n3A_88 = arith.select %and3A_85, %sub3A_87, %div3A_66 : i32
    %sub3A_89 = arith.subi %select_n3A_88, %select_n3A_60 : i32
    %add3A_90 = arith.constant 64 : i32
    %add3A_91 = arith.addi %sub3A_89, %add3A_90 : i32
    %sub3A_92 = arith.constant 1 : i32
    %sub3A_93 = arith.subi %add3A_91, %sub3A_92 : i32
    %jit3A_94 = arith.constant 64 : i32
    %div3A_95 = arith.divsi %sub3A_93, %jit3A_94 : i32
    %sign3A_96 = arith.constant 0 : i32
    %sign3A_97 = arith.cmpi sgt, %sub3A_93, %sign3A_96 : i32
    %sign3A_98 = arith.extui %sign3A_97 : i1 to i32
    %sign3A_99 = arith.constant 0 : i32
    %sign3A_100 = arith.cmpi slt, %sub3A_93, %sign3A_99 : i32
    %sign3A_101 = arith.extui %sign3A_100 : i1 to i32
    %sign3A_102 = arith.subi %sign3A_98, %sign3A_101 : i32
    %sign3A_103 = arith.constant 0 : i32
    %sign3A_104 = arith.cmpi sgt, %jit3A_94, %sign3A_103 : i32
    %sign3A_105 = arith.extui %sign3A_104 : i1 to i32
    %sign3A_106 = arith.constant 0 : i32
    %sign3A_107 = arith.cmpi slt, %jit3A_94, %sign3A_106 : i32
    %sign3A_108 = arith.extui %sign3A_107 : i1 to i32
    %sign3A_109 = arith.subi %sign3A_105, %sign3A_108 : i32
    %ne3A_110 = arith.cmpi ne, %sign3A_102, %sign3A_109 : i32
    %rem3A_111 = arith.remsi %sub3A_93, %jit3A_94 : i32
    %ne3A_112 = arith.constant 0 : i32
    %ne3A_113 = arith.cmpi ne, %rem3A_111, %ne3A_112 : i32
    %and3A_114 = arith.andi %ne3A_110, %ne3A_113 : i1
    %sub3A_115 = arith.constant 1 : i32
    %sub3A_116 = arith.subi %div3A_95, %sub3A_115 : i32
    %select_n3A_117 = arith.select %and3A_114, %sub3A_116, %div3A_95 : i32
    %while3A = arith.constant 0 : i32
    %while3A_118 = arith.constant 0 : i32
    %while3A_119 = arith.subi %select_n3A_117, %while3A : i32
    %while3A_120 = arith.addi %while3A, %while3A_119 : i32
    %while3A_121 = arith.constant 1 : i32
    %while3A_122 = arith.divsi %while3A_119, %while3A_121 : i32
    %while3A_123 = arith.muli %while3A_122, %while3A_121 : i32
    %while3A_124 = arith.addi %while3A, %while3A_123 : i32
    %while3A_125 = arith.constant 1 : i32
    %while3A_126 = scf.for %while3A_129 = %while3A to %while3A_124 step %while3A_125 iter_args(%while3A_130 = %while3A_118) -> (i32)  : i32 {
      %mul3A_131 = arith.constant 64 : i32
      %mul3A_132 = arith.muli %while3A_129, %mul3A_131 : i32
      %add3A_133 = arith.addi %select_n3A_60, %mul3A_132 : i32
      %sub3A_134 = arith.constant 64 : i32
      %sub3A_135 = arith.subi %select_n3A_88, %sub3A_134 : i32
      %min3A = arith.minsi %add3A_133, %sub3A_135 : i32
      %mul3A_136 = arith.constant 128 : i32
      %mul3A_137 = arith.muli %min3A, %mul3A_136 : i32
      "tpu.region"() ({
        %run_scoped3A = tpu.sem_alloc : memref<!tpu.dma_semaphore, #tpu.memory_space<semaphore_mem>>
        %dma_start3A = arith.constant 0 : i32
        %dma_start3A_163 = arith.constant 0 : i32
        %dma_start3A_164 = tpu.memref_slice %arg5[%min3A, %dma_start3A, %dma_start3A_163] : memref<25000x1x128xi32, #tpu.memory_space<hbm>> -> memref<64x1x128xi32, #tpu.memory_space<hbm>>
        %dma_start3A_165 = arith.constant 0 : i32
        %dma_start3A_166 = arith.constant 0 : i32
        %dma_start3A_167 = tpu.memref_slice %arg5[%min3A, %dma_start3A_165, %dma_start3A_166] : memref<25000x1x128xi32, #tpu.memory_space<hbm>> -> memref<64x1x128xi32, #tpu.memory_space<hbm>>
        tpu.enqueue_dma source(%dma_start3A_167 : memref<64x1x128xi32, #tpu.memory_space<hbm>>) target(%arg10 : memref<64x1x128xi32, #tpu.memory_space<vmem>>) target_semaphore(%run_scoped3A : memref<!tpu.dma_semaphore, #tpu.memory_space<semaphore_mem>>)
        %dma_wait3A = arith.constant 0 : i32
        %dma_wait3A_168 = arith.constant 0 : i32
        %dma_wait3A_169 = tpu.memref_slice %arg5[%min3A, %dma_wait3A, %dma_wait3A_168] : memref<25000x1x128xi32, #tpu.memory_space<hbm>> -> memref<64x1x128xi32, #tpu.memory_space<hbm>>
        %dma_wait3A_170 = arith.constant 0 : i32
        %dma_wait3A_171 = arith.constant 0 : i32
        %dma_wait3A_172 = tpu.memref_slice %arg5[%min3A, %dma_wait3A_170, %dma_wait3A_171] : memref<25000x1x128xi32, #tpu.memory_space<hbm>> -> memref<64x1x128xi32, #tpu.memory_space<hbm>>
        tpu.wait_dma2 semaphore(%run_scoped3A : memref<!tpu.dma_semaphore, #tpu.memory_space<semaphore_mem>>) src(%dma_wait3A_172 : memref<64x1x128xi32, #tpu.memory_space<hbm>>) dst(%arg10 : memref<64x1x128xi32, #tpu.memory_space<vmem>>)
        tpu.yield
      }) : () -> ()
      "tpu.region"() ({
        %run_scoped3A = tpu.sem_alloc : memref<!tpu.dma_semaphore, #tpu.memory_space<semaphore_mem>>
        %dma_start3A = tpu.memref_slice %arg2[%mul3A_137] : memref<3200000xf32, #tpu.memory_space<hbm>> -> memref<8192xf32, #tpu.memory_space<hbm>>
        %dma_start3A_163 = tpu.memref_slice %arg2[%mul3A_137] : memref<3200000xf32, #tpu.memory_space<hbm>> -> memref<8192xf32, #tpu.memory_space<hbm>>
        tpu.enqueue_dma source(%dma_start3A_163 : memref<8192xf32, #tpu.memory_space<hbm>>) target(%arg11 : memref<8192xf32, #tpu.memory_space<vmem>>) target_semaphore(%run_scoped3A : memref<!tpu.dma_semaphore, #tpu.memory_space<semaphore_mem>>)
        %dma_wait3A = tpu.memref_slice %arg2[%mul3A_137] : memref<3200000xf32, #tpu.memory_space<hbm>> -> memref<8192xf32, #tpu.memory_space<hbm>>
        %dma_wait3A_164 = tpu.memref_slice %arg2[%mul3A_137] : memref<3200000xf32, #tpu.memory_space<hbm>> -> memref<8192xf32, #tpu.memory_space<hbm>>
        tpu.wait_dma2 semaphore(%run_scoped3A : memref<!tpu.dma_semaphore, #tpu.memory_space<semaphore_mem>>) src(%dma_wait3A_164 : memref<8192xf32, #tpu.memory_space<hbm>>) dst(%arg11 : memref<8192xf32, #tpu.memory_space<vmem>>)
        tpu.yield
      }) : () -> ()
      "tpu.region"() ({
        %run_scoped3A = tpu.sem_alloc : memref<!tpu.dma_semaphore, #tpu.memory_space<semaphore_mem>>
        %dma_start3A = tpu.memref_slice %arg3[%mul3A_137] : memref<3200000xf32, #tpu.memory_space<hbm>> -> memref<8192xf32, #tpu.memory_space<hbm>>
        %dma_start3A_163 = tpu.memref_slice %arg3[%mul3A_137] : memref<3200000xf32, #tpu.memory_space<hbm>> -> memref<8192xf32, #tpu.memory_space<hbm>>
        tpu.enqueue_dma source(%dma_start3A_163 : memref<8192xf32, #tpu.memory_space<hbm>>) target(%arg12 : memref<8192xf32, #tpu.memory_space<vmem>>) target_semaphore(%run_scoped3A : memref<!tpu.dma_semaphore, #tpu.memory_space<semaphore_mem>>)
        %dma_wait3A = tpu.memref_slice %arg3[%mul3A_137] : memref<3200000xf32, #tpu.memory_space<hbm>> -> memref<8192xf32, #tpu.memory_space<hbm>>
        %dma_wait3A_164 = tpu.memref_slice %arg3[%mul3A_137] : memref<3200000xf32, #tpu.memory_space<hbm>> -> memref<8192xf32, #tpu.memory_space<hbm>>
        tpu.wait_dma2 semaphore(%run_scoped3A : memref<!tpu.dma_semaphore, #tpu.memory_space<semaphore_mem>>) src(%dma_wait3A_164 : memref<8192xf32, #tpu.memory_space<hbm>>) dst(%arg12 : memref<8192xf32, #tpu.memory_space<vmem>>)
        tpu.yield
      }) : () -> ()
      "tpu.region"() ({
        %run_scoped3A = tpu.sem_alloc : memref<!tpu.dma_semaphore, #tpu.memory_space<semaphore_mem>>
        %dma_start3A = tpu.memref_slice %arg4[%mul3A_137] : memref<3200000xf32, #tpu.memory_space<hbm>> -> memref<8192xf32, #tpu.memory_space<hbm>>
        %dma_start3A_163 = tpu.memref_slice %arg4[%mul3A_137] : memref<3200000xf32, #tpu.memory_space<hbm>> -> memref<8192xf32, #tpu.memory_space<hbm>>
        tpu.enqueue_dma source(%dma_start3A_163 : memref<8192xf32, #tpu.memory_space<hbm>>) target(%arg13 : memref<8192xf32, #tpu.memory_space<vmem>>) target_semaphore(%run_scoped3A : memref<!tpu.dma_semaphore, #tpu.memory_space<semaphore_mem>>)
        %dma_wait3A = tpu.memref_slice %arg4[%mul3A_137] : memref<3200000xf32, #tpu.memory_space<hbm>> -> memref<8192xf32, #tpu.memory_space<hbm>>
        %dma_wait3A_164 = tpu.memref_slice %arg4[%mul3A_137] : memref<3200000xf32, #tpu.memory_space<hbm>> -> memref<8192xf32, #tpu.memory_space<hbm>>
        tpu.wait_dma2 semaphore(%run_scoped3A : memref<!tpu.dma_semaphore, #tpu.memory_space<semaphore_mem>>) src(%dma_wait3A_164 : memref<8192xf32, #tpu.memory_space<hbm>>) dst(%arg13 : memref<8192xf32, #tpu.memory_space<vmem>>)
        tpu.yield
      }) : () -> ()
      %get3A = arith.constant 0 : i32
      %get3A_138 = arith.constant 0 : i32
      %get3A_139 = arith.index_cast %get3A : i32 to index
      %get3A_140 = arith.index_cast %get3A_138 : i32 to index
      %get3A_141 = arith.constant 0 : index
      %get3A_142 = tpu.vector_load %arg10[%get3A_139, %get3A_140, %get3A_141] {strides = array<i32>} : memref<64x1x128xi32, #tpu.memory_space<vmem>>, vector<16xi32>,
      %slice3A = vector.extract_strided_slice %get3A_142 {offsets = [0], sizes = [1], strides = [1]} : vector<16xi32> to vector<1xi32>
      %squeeze3A = vector.extract %slice3A[0] : i32 from vector<1xi32>
      %min3A_143 = arith.constant 98304 : i32
      %min3A_144 = arith.minsi %squeeze3A, %min3A_143 : i32
      %get3A_145 = arith.constant 63 : i32
      %get3A_146 = arith.constant 0 : i32
      %get3A_147 = arith.index_cast %get3A_145 : i32 to index
      %get3A_148 = arith.index_cast %get3A_146 : i32 to index
      %get3A_149 = arith.constant 112 : index
      %get3A_150 = tpu.vector_load %arg10[%get3A_147, %get3A_148, %get3A_149] {strides = array<i32>} : memref<64x1x128xi32, #tpu.memory_space<vmem>>, vector<16xi32>,
      %slice3A_151 = vector.extract_strided_slice %get3A_150 {offsets = [15], sizes = [1], strides = [1]} : vector<16xi32> to vector<1xi32>
      %squeeze3A_152 = vector.extract %slice3A_151[0] : i32 from vector<1xi32>
      %sub3A_153 = arith.subi %squeeze3A_152, %min3A_144 : i32
      %add3A_154 = arith.constant 1 : i32
      %add3A_155 = arith.addi %sub3A_153, %add3A_154 : i32
      %le3A = arith.constant 2048 : i32
      %le3A_156 = arith.cmpi sle, %add3A_155, %le3A : i32
      %convert_element_type3A = arith.extui %le3A_156 : i1 to i32
      %cond3A = arith.constant 0 : i32
      %cond3A_157 = arith.cmpi ne, %convert_element_type3A, %cond3A : i32
      scf.if %cond3A_157 {
        %run_scoped3A = arith.constant 0 : i32
        "tpu.region"() ({
          %run_scoped3A_208 = tpu.sem_alloc : memref<!tpu.dma_semaphore, #tpu.memory_space<semaphore_mem>>
          %dma_start3A = arith.constant 0 : i32
          %dma_start3A_209 = tpu.memref_slice %arg6[%run_scoped3A, %min3A_144, %dma_start3A] : memref<2x100352x8xf32, #tpu.memory_space<hbm>> -> memref<1x2048x8xf32, #tpu.memory_space<hbm>>
          %dma_start3A_210 = tpu.memref_squeeze %dma_start3A_209 : memref<1x2048x8xf32, #tpu.memory_space<hbm>> -> memref<2048x8xf32, #tpu.memory_space<hbm>>
          %dma_start3A_211 = arith.constant 0 : i32
          %dma_start3A_212 = tpu.memref_slice %arg6[%run_scoped3A, %min3A_144, %dma_start3A_211] : memref<2x100352x8xf32, #tpu.memory_space<hbm>> -> memref<1x2048x8xf32, #tpu.memory_space<hbm>>
          %dma_start3A_213 = tpu.memref_squeeze %dma_start3A_212 : memref<1x2048x8xf32, #tpu.memory_space<hbm>> -> memref<2048x8xf32, #tpu.memory_space<hbm>>
          tpu.enqueue_dma source(%dma_start3A_213 : memref<2048x8xf32, #tpu.memory_space<hbm>>) target(%arg17 : memref<2048x8xf32, #tpu.memory_space<vmem>>) target_semaphore(%run_scoped3A_208 : memref<!tpu.dma_semaphore, #tpu.memory_space<semaphore_mem>>)
          %dma_wait3A = arith.constant 0 : i32
          %dma_wait3A_214 = tpu.memref_slice %arg6[%run_scoped3A, %min3A_144, %dma_wait3A] : memref<2x100352x8xf32, #tpu.memory_space<hbm>> -> memref<1x2048x8xf32, #tpu.memory_space<hbm>>
          %dma_wait3A_215 = tpu.memref_squeeze %dma_wait3A_214 : memref<1x2048x8xf32, #tpu.memory_space<hbm>> -> memref<2048x8xf32, #tpu.memory_space<hbm>>
          %dma_wait3A_216 = arith.constant 0 : i32
          %dma_wait3A_217 = tpu.memref_slice %arg6[%run_scoped3A, %min3A_144, %dma_wait3A_216] : memref<2x100352x8xf32, #tpu.memory_space<hbm>> -> memref<1x2048x8xf32, #tpu.memory_space<hbm>>
          %dma_wait3A_218 = tpu.memref_squeeze %dma_wait3A_217 : memref<1x2048x8xf32, #tpu.memory_space<hbm>> -> memref<2048x8xf32, #tpu.memory_space<hbm>>
          tpu.wait_dma2 semaphore(%run_scoped3A_208 : memref<!tpu.dma_semaphore, #tpu.memory_space<semaphore_mem>>) src(%dma_wait3A_218 : memref<2048x8xf32, #tpu.memory_space<hbm>>) dst(%arg17 : memref<2048x8xf32, #tpu.memory_space<vmem>>)
          tpu.yield
        }) : () -> ()
        %run_scoped3A_163 = arith.constant 1 : i32
        "tpu.region"() ({
          %run_scoped3A_208 = tpu.sem_alloc : memref<!tpu.dma_semaphore, #tpu.memory_space<semaphore_mem>>
          %dma_start3A = arith.constant 0 : i32
          %dma_start3A_209 = tpu.memref_slice %arg6[%run_scoped3A_163, %min3A_144, %dma_start3A] : memref<2x100352x8xf32, #tpu.memory_space<hbm>> -> memref<1x2048x8xf32, #tpu.memory_space<hbm>>
          %dma_start3A_210 = tpu.memref_squeeze %dma_start3A_209 : memref<1x2048x8xf32, #tpu.memory_space<hbm>> -> memref<2048x8xf32, #tpu.memory_space<hbm>>
          %dma_start3A_211 = arith.constant 0 : i32
          %dma_start3A_212 = tpu.memref_slice %arg6[%run_scoped3A_163, %min3A_144, %dma_start3A_211] : memref<2x100352x8xf32, #tpu.memory_space<hbm>> -> memref<1x2048x8xf32, #tpu.memory_space<hbm>>
          %dma_start3A_213 = tpu.memref_squeeze %dma_start3A_212 : memref<1x2048x8xf32, #tpu.memory_space<hbm>> -> memref<2048x8xf32, #tpu.memory_space<hbm>>
          tpu.enqueue_dma source(%dma_start3A_213 : memref<2048x8xf32, #tpu.memory_space<hbm>>) target(%arg18 : memref<2048x8xf32, #tpu.memory_space<vmem>>) target_semaphore(%run_scoped3A_208 : memref<!tpu.dma_semaphore, #tpu.memory_space<semaphore_mem>>)
          %dma_wait3A = arith.constant 0 : i32
          %dma_wait3A_214 = tpu.memref_slice %arg6[%run_scoped3A_163, %min3A_144, %dma_wait3A] : memref<2x100352x8xf32, #tpu.memory_space<hbm>> -> memref<1x2048x8xf32, #tpu.memory_space<hbm>>
          %dma_wait3A_215 = tpu.memref_squeeze %dma_wait3A_214 : memref<1x2048x8xf32, #tpu.memory_space<hbm>> -> memref<2048x8xf32, #tpu.memory_space<hbm>>
          %dma_wait3A_216 = arith.constant 0 : i32
          %dma_wait3A_217 = tpu.memref_slice %arg6[%run_scoped3A_163, %min3A_144, %dma_wait3A_216] : memref<2x100352x8xf32, #tpu.memory_space<hbm>> -> memref<1x2048x8xf32, #tpu.memory_space<hbm>>
          %dma_wait3A_218 = tpu.memref_squeeze %dma_wait3A_217 : memref<1x2048x8xf32, #tpu.memory_space<hbm>> -> memref<2048x8xf32, #tpu.memory_space<hbm>>
          tpu.wait_dma2 semaphore(%run_scoped3A_208 : memref<!tpu.dma_semaphore, #tpu.memory_space<semaphore_mem>>) src(%dma_wait3A_218 : memref<2048x8xf32, #tpu.memory_space<hbm>>) dst(%arg18 : memref<2048x8xf32, #tpu.memory_space<vmem>>)
          tpu.yield
        }) : () -> ()
        %add3A_164 = arith.constant 1 : i32
        %add3A_165 = arith.addi %add3A_155, %add3A_164 : i32
        %jit3A_166 = arith.constant 2 : i32
        %div3A_167 = arith.divsi %add3A_165, %jit3A_166 : i32
        %sign3A_168 = arith.constant 0 : i32
        %sign3A_169 = arith.cmpi sgt, %add3A_165, %sign3A_168 : i32
        %sign3A_170 = arith.extui %sign3A_169 : i1 to i32
        %sign3A_171 = arith.constant 0 : i32
        %sign3A_172 = arith.cmpi slt, %add3A_165, %sign3A_171 : i32
        %sign3A_173 = arith.extui %sign3A_172 : i1 to i32
        %sign3A_174 = arith.subi %sign3A_170, %sign3A_173 : i32
        %sign3A_175 = arith.constant 0 : i32
        %sign3A_176 = arith.cmpi sgt, %jit3A_166, %sign3A_175 : i32
        %sign3A_177 = arith.extui %sign3A_176 : i1 to i32
        %sign3A_178 = arith.constant 0 : i32
        %sign3A_179 = arith.cmpi slt, %jit3A_166, %sign3A_178 : i32
        %sign3A_180 = arith.extui %sign3A_179 : i1 to i32
        %sign3A_181 = arith.subi %sign3A_177, %sign3A_180 : i32
        %ne3A_182 = arith.cmpi ne, %sign3A_174, %sign3A_181 : i32
        %rem3A_183 = arith.remsi %add3A_165, %jit3A_166 : i32
        %ne3A_184 = arith.constant 0 : i32
        %ne3A_185 = arith.cmpi ne, %rem3A_183, %ne3A_184 : i32
        %and3A_186 = arith.andi %ne3A_182, %ne3A_185 : i1
        %sub3A_187 = arith.constant 1 : i32
        %sub3A_188 = arith.subi %div3A_167, %sub3A_187 : i32
        %select_n3A_189 = arith.select %and3A_186, %sub3A_188, %div3A_167 : i32
        %while3A_190 = arith.constant 0 : i32
        %while3A_191 = arith.constant 0 : i32
        %while3A_192 = arith.subi %select_n3A_189, %while3A_190 : i32
        %while3A_193 = arith.addi %while3A_190, %while3A_192 : i32
        %while3A_194 = arith.constant 1 : i32
        %while3A_195 = arith.divsi %while3A_192, %while3A_194 : i32
        %while3A_196 = arith.muli %while3A_195, %while3A_194 : i32
        %while3A_197 = arith.addi %while3A_190, %while3A_196 : i32
        %while3A_198 = arith.constant 1 : i32
        %while3A_199 = scf.for %while3A_208 = %while3A_190 to %while3A_197 step %while3A_198 iter_args(%while3A_209 = %while3A_191) -> (i32)  : i32 {
          %mul3A_210 = arith.constant 2 : i32
          %mul3A_211 = arith.muli %mul3A_210, %while3A_208 : i32
          %add3A_212 = vector.broadcast %mul3A_211 : i32 to vector<16xi32>
          %add3A_213 = arith.addi %select_n3A, %add3A_212 : vector<16xi32>
          %gather3A = tpu.vector_load_idx %arg17[%add3A_213, %sub3A_34] : memref<2048x8xf32, #tpu.memory_space<vmem>>[vector<16xi32>, vector<16xi32>], vector<16xf32>,
          %gather3A_214 = tpu.vector_load_idx %arg18[%add3A_213, %sub3A_34] : memref<2048x8xf32, #tpu.memory_space<vmem>>[vector<16xi32>, vector<16xi32>], vector<16xf32>,
          %add3A_215 = arith.addf %gather3A, %gather3A_214 : vector<16xf32>
          tpu.vector_store_idx %arg17[%add3A_213, %sub3A_34], %add3A_215 : memref<2048x8xf32, #tpu.memory_space<vmem>>[vector<16xi32>, vector<16xi32>], vector<16xf32>,
          %gather3A_216 = tpu.vector_load_idx %arg17[%add3A_213, %broadcast_in_dim3A_7] : memref<2048x8xf32, #tpu.memory_space<vmem>>[vector<16xi32>, vector<16xi32>], vector<16xf32>,
          %max3A = arith.constant 1.000000e+00 : f32
          %max3A_217 = vector.broadcast %max3A : f32 to vector<16xf32>
          %max3A_218 = arith.maximumf %gather3A_216, %max3A_217 : vector<16xf32>
          %div3A_219 = arith.divf %add3A_215, %max3A_218 : vector<16xf32>
          tpu.vector_store_idx %arg17[%add3A_213, %sub3A_34], %div3A_219 : memref<2048x8xf32, #tpu.memory_space<vmem>>[vector<16xi32>, vector<16xi32>], vector<16xf32>,
          %while3A_220 = arith.constant 0 : i32
          scf.yield %while3A_220 : i32
        }
        %while3A_200 = arith.constant 1 : i32
        %while3A_201 = scf.for %while3A_208 = %while3A_197 to %while3A_193 step %while3A_200 iter_args(%while3A_209 = %while3A_199) -> (i32)  : i32 {
          %mul3A_210 = arith.constant 2 : i32
          %mul3A_211 = arith.muli %mul3A_210, %while3A_208 : i32
          %add3A_212 = vector.broadcast %mul3A_211 : i32 to vector<16xi32>
          %add3A_213 = arith.addi %select_n3A, %add3A_212 : vector<16xi32>
          %gather3A = tpu.vector_load_idx %arg17[%add3A_213, %sub3A_34] : memref<2048x8xf32, #tpu.memory_space<vmem>>[vector<16xi32>, vector<16xi32>], vector<16xf32>,
          %gather3A_214 = tpu.vector_load_idx %arg18[%add3A_213, %sub3A_34] : memref<2048x8xf32, #tpu.memory_space<vmem>>[vector<16xi32>, vector<16xi32>], vector<16xf32>,
          %add3A_215 = arith.addf %gather3A, %gather3A_214 : vector<16xf32>
          tpu.vector_store_idx %arg17[%add3A_213, %sub3A_34], %add3A_215 : memref<2048x8xf32, #tpu.memory_space<vmem>>[vector<16xi32>, vector<16xi32>], vector<16xf32>,
          %gather3A_216 = tpu.vector_load_idx %arg17[%add3A_213, %broadcast_in_dim3A_7] : memref<2048x8xf32, #tpu.memory_space<vmem>>[vector<16xi32>, vector<16xi32>], vector<16xf32>,
          %max3A = arith.constant 1.000000e+00 : f32
          %max3A_217 = vector.broadcast %max3A : f32 to vector<16xf32>
          %max3A_218 = arith.maximumf %gather3A_216, %max3A_217 : vector<16xf32>
          %div3A_219 = arith.divf %add3A_215, %max3A_218 : vector<16xf32>
          tpu.vector_store_idx %arg17[%add3A_213, %sub3A_34], %div3A_219 : memref<2048x8xf32, #tpu.memory_space<vmem>>[vector<16xi32>, vector<16xi32>], vector<16xf32>,
          %while3A_220 = arith.constant 0 : i32
          scf.yield %while3A_220 : i32
        }
        %scan3A = arith.constant 0 : i32
        %scan3A_202 = arith.constant 0 : i32
        %scan3A_203 = arith.constant 64 : i32
        %scan3A_204 = arith.addi %scan3A_202, %scan3A_203 : i32
        %scan3A_205 = arith.constant 1 : i32
        %scan3A_206 = scf.for %scan3A_208 = %scan3A_202 to %scan3A_204 step %scan3A_205 iter_args(%scan3A_209 = %scan3A) -> (i32)  : i32 {
          %mul3A_210 = arith.constant 128 : i32
          %mul3A_211 = arith.muli %scan3A_208, %mul3A_210 : i32
          %add3A_212 = arith.constant 0 : i32
          %add3A_213 = arith.addi %mul3A_211, %add3A_212 : i32
          %get3A_214 = arith.constant 0 : i32
          %get3A_215 = arith.index_cast %scan3A_208 : i32 to index
          %get3A_216 = arith.index_cast %get3A_214 : i32 to index
          %get3A_217 = arith.constant 0 : index
          %get3A_218 = tpu.vector_load %arg10[%get3A_215, %get3A_216, %get3A_217] {strides = array<i32>} : memref<64x1x128xi32, #tpu.memory_space<vmem>>, vector<16xi32>,
          %sub3A_219 = vector.broadcast %min3A_144 : i32 to vector<16xi32>
          %sub3A_220 = arith.subi %get3A_218, %sub3A_219 : vector<16xi32>
          %get3A_221 = arith.index_cast %add3A_213 : i32 to index
          %get3A_222 = tpu.vector_load %arg11[%get3A_221] {strides = array<i32>} : memref<8192xf32, #tpu.memory_space<vmem>>, vector<16xf32>,
          %gather3A = tpu.vector_load_idx %arg17[%sub3A_220, %broadcast_in_dim3A_1] : memref<2048x8xf32, #tpu.memory_space<vmem>>[vector<16xi32>, vector<16xi32>], vector<16xf32>,
          %sub3A_223 = arith.subf %get3A_222, %gather3A : vector<16xf32>
          %swap3A = arith.index_cast %add3A_213 : i32 to index
          %swap3A_224 = tpu.vector_load %arg14[%swap3A] {strides = array<i32>} : memref<8192xf32, #tpu.memory_space<vmem>>, vector<16xf32>,
          tpu.vector_store %arg14[%swap3A], %sub3A_223 {strides = array<i32>} : memref<8192xf32, #tpu.memory_space<vmem>>, vector<16xf32>,
          %get3A_225 = arith.index_cast %add3A_213 : i32 to index
          %get3A_226 = tpu.vector_load %arg12[%get3A_225] {strides = array<i32>} : memref<8192xf32, #tpu.memory_space<vmem>>, vector<16xf32>,
          %gather3A_227 = tpu.vector_load_idx %arg17[%sub3A_220, %broadcast_in_dim3A_3] : memref<2048x8xf32, #tpu.memory_space<vmem>>[vector<16xi32>, vector<16xi32>], vector<16xf32>,
          %sub3A_228 = arith.subf %get3A_226, %gather3A_227 : vector<16xf32>
          %swap3A_229 = arith.index_cast %add3A_213 : i32 to index
          %swap3A_230 = tpu.vector_load %arg15[%swap3A_229] {strides = array<i32>} : memref<8192xf32, #tpu.memory_space<vmem>>, vector<16xf32>,
          tpu.vector_store %arg15[%swap3A_229], %sub3A_228 {strides = array<i32>} : memref<8192xf32, #tpu.memory_space<vmem>>, vector<16xf32>,
          %get3A_231 = arith.index_cast %add3A_213 : i32 to index
          %get3A_232 = tpu.vector_load %arg13[%get3A_231] {strides = array<i32>} : memref<8192xf32, #tpu.memory_space<vmem>>, vector<16xf32>,
          %gather3A_233 = tpu.vector_load_idx %arg17[%sub3A_220, %broadcast_in_dim3A_5] : memref<2048x8xf32, #tpu.memory_space<vmem>>[vector<16xi32>, vector<16xi32>], vector<16xf32>,
          %sub3A_234 = arith.subf %get3A_232, %gather3A_233 : vector<16xf32>
          %swap3A_235 = arith.index_cast %add3A_213 : i32 to index
          %swap3A_236 = tpu.vector_load %arg16[%swap3A_235] {strides = array<i32>} : memref<8192xf32, #tpu.memory_space<vmem>>, vector<16xf32>,
          tpu.vector_store %arg16[%swap3A_235], %sub3A_234 {strides = array<i32>} : memref<8192xf32, #tpu.memory_space<vmem>>, vector<16xf32>,
          %add3A_237 = arith.constant 16 : i32
          %add3A_238 = arith.addi %mul3A_211, %add3A_237 : i32
          %get3A_239 = arith.constant 0 : i32
          %get3A_240 = arith.index_cast %scan3A_208 : i32 to index
          %get3A_241 = arith.index_cast %get3A_239 : i32 to index
          %get3A_242 = arith.constant 16 : index
          %get3A_243 = tpu.vector_load %arg10[%get3A_240, %get3A_241, %get3A_242] {strides = array<i32>} : memref<64x1x128xi32, #tpu.memory_space<vmem>>, vector<16xi32>,
          %sub3A_244 = vector.broadcast %min3A_144 : i32 to vector<16xi32>
          %sub3A_245 = arith.subi %get3A_243, %sub3A_244 : vector<16xi32>
          %get3A_246 = arith.index_cast %add3A_238 : i32 to index
          %get3A_247 = tpu.vector_load %arg11[%get3A_246] {strides = array<i32>} : memref<8192xf32, #tpu.memory_space<vmem>>, vector<16xf32>,
          %gather3A_248 = tpu.vector_load_idx %arg17[%sub3A_245, %broadcast_in_dim3A_1] : memref<2048x8xf32, #tpu.memory_space<vmem>>[vector<16xi32>, vector<16xi32>], vector<16xf32>,
          %sub3A_249 = arith.subf %get3A_247, %gather3A_248 : vector<16xf32>
          %swap3A_250 = arith.index_cast %add3A_238 : i32 to index
          %swap3A_251 = tpu.vector_load %arg14[%swap3A_250] {strides = array<i32>} : memref<8192xf32, #tpu.memory_space<vmem>>, vector<16xf32>,
          tpu.vector_store %arg14[%swap3A_250], %sub3A_249 {strides = array<i32>} : memref<8192xf32, #tpu.memory_space<vmem>>, vector<16xf32>,
          %get3A_252 = arith.index_cast %add3A_238 : i32 to index
          %get3A_253 = tpu.vector_load %arg12[%get3A_252] {strides = array<i32>} : memref<8192xf32, #tpu.memory_space<vmem>>, vector<16xf32>,
          %gather3A_254 = tpu.vector_load_idx %arg17[%sub3A_245, %broadcast_in_dim3A_3] : memref<2048x8xf32, #tpu.memory_space<vmem>>[vector<16xi32>, vector<16xi32>], vector<16xf32>,
          %sub3A_255 = arith.subf %get3A_253, %gather3A_254 : vector<16xf32>
          %swap3A_256 = arith.index_cast %add3A_238 : i32 to index
          %swap3A_257 = tpu.vector_load %arg15[%swap3A_256] {strides = array<i32>} : memref<8192xf32, #tpu.memory_space<vmem>>, vector<16xf32>,
          tpu.vector_store %arg15[%swap3A_256], %sub3A_255 {strides = array<i32>} : memref<8192xf32, #tpu.memory_space<vmem>>, vector<16xf32>,
          %get3A_258 = arith.index_cast %add3A_238 : i32 to index
          %get3A_259 = tpu.vector_load %arg13[%get3A_258] {strides = array<i32>} : memref<8192xf32, #tpu.memory_space<vmem>>, vector<16xf32>,
          %gather3A_260 = tpu.vector_load_idx %arg17[%sub3A_245, %broadcast_in_dim3A_5] : memref<2048x8xf32, #tpu.memory_space<vmem>>[vector<16xi32>, vector<16xi32>], vector<16xf32>,
          %sub3A_261 = arith.subf %get3A_259, %gather3A_260 : vector<16xf32>
          %swap3A_262 = arith.index_cast %add3A_238 : i32 to index
          %swap3A_263 = tpu.vector_load %arg16[%swap3A_262] {strides = array<i32>} : memref<8192xf32, #tpu.memory_space<vmem>>, vector<16xf32>,
          tpu.vector_store %arg16[%swap3A_262], %sub3A_261 {strides = array<i32>} : memref<8192xf32, #tpu.memory_space<vmem>>, vector<16xf32>,
          %add3A_264 = arith.constant 32 : i32
          %add3A_265 = arith.addi %mul3A_211, %add3A_264 : i32
          %get3A_266 = arith.constant 0 : i32
          %get3A_267 = arith.index_cast %scan3A_208 : i32 to index
          %get3A_268 = arith.index_cast %get3A_266 : i32 to index
          %get3A_269 = arith.constant 32 : index
          %get3A_270 = tpu.vector_load %arg10[%get3A_267, %get3A_268, %get3A_269] {strides = array<i32>} : memref<64x1x128xi32, #tpu.memory_space<vmem>>, vector<16xi32>,
          %sub3A_271 = vector.broadcast %min3A_144 : i32 to vector<16xi32>
          %sub3A_272 = arith.subi %get3A_270, %sub3A_271 : vector<16xi32>
          %get3A_273 = arith.index_cast %add3A_265 : i32 to index
          %get3A_274 = tpu.vector_load %arg11[%get3A_273] {strides = array<i32>} : memref<8192xf32, #tpu.memory_space<vmem>>, vector<16xf32>,
          %gather3A_275 = tpu.vector_load_idx %arg17[%sub3A_272, %broadcast_in_dim3A_1] : memref<2048x8xf32, #tpu.memory_space<vmem>>[vector<16xi32>, vector<16xi32>], vector<16xf32>,
          %sub3A_276 = arith.subf %get3A_274, %gather3A_275 : vector<16xf32>
          %swap3A_277 = arith.index_cast %add3A_265 : i32 to index
          %swap3A_278 = tpu.vector_load %arg14[%swap3A_277] {strides = array<i32>} : memref<8192xf32, #tpu.memory_space<vmem>>, vector<16xf32>,
          tpu.vector_store %arg14[%swap3A_277], %sub3A_276 {strides = array<i32>} : memref<8192xf32, #tpu.memory_space<vmem>>, vector<16xf32>,
          %get3A_279 = arith.index_cast %add3A_265 : i32 to index
          %get3A_280 = tpu.vector_load %arg12[%get3A_279] {strides = array<i32>} : memref<8192xf32, #tpu.memory_space<vmem>>, vector<16xf32>,
          %gather3A_281 = tpu.vector_load_idx %arg17[%sub3A_272, %broadcast_in_dim3A_3] : memref<2048x8xf32, #tpu.memory_space<vmem>>[vector<16xi32>, vector<16xi32>], vector<16xf32>,
          %sub3A_282 = arith.subf %get3A_280, %gather3A_281 : vector<16xf32>
          %swap3A_283 = arith.index_cast %add3A_265 : i32 to index
          %swap3A_284 = tpu.vector_load %arg15[%swap3A_283] {strides = array<i32>} : memref<8192xf32, #tpu.memory_space<vmem>>, vector<16xf32>,
          tpu.vector_store %arg15[%swap3A_283], %sub3A_282 {strides = array<i32>} : memref<8192xf32, #tpu.memory_space<vmem>>, vector<16xf32>,
          %get3A_285 = arith.index_cast %add3A_265 : i32 to index
          %get3A_286 = tpu.vector_load %arg13[%get3A_285] {strides = array<i32>} : memref<8192xf32, #tpu.memory_space<vmem>>, vector<16xf32>,
          %gather3A_287 = tpu.vector_load_idx %arg17[%sub3A_272, %broadcast_in_dim3A_5] : memref<2048x8xf32, #tpu.memory_space<vmem>>[vector<16xi32>, vector<16xi32>], vector<16xf32>,
          %sub3A_288 = arith.subf %get3A_286, %gather3A_287 : vector<16xf32>
          %swap3A_289 = arith.index_cast %add3A_265 : i32 to index
          %swap3A_290 = tpu.vector_load %arg16[%swap3A_289] {strides = array<i32>} : memref<8192xf32, #tpu.memory_space<vmem>>, vector<16xf32>,
          tpu.vector_store %arg16[%swap3A_289], %sub3A_288 {strides = array<i32>} : memref<8192xf32, #tpu.memory_space<vmem>>, vector<16xf32>,
          %add3A_291 = arith.constant 48 : i32
          %add3A_292 = arith.addi %mul3A_211, %add3A_291 : i32
          %get3A_293 = arith.constant 0 : i32
          %get3A_294 = arith.index_cast %scan3A_208 : i32 to index
          %get3A_295 = arith.index_cast %get3A_293 : i32 to index
          %get3A_296 = arith.constant 48 : index
          %get3A_297 = tpu.vector_load %arg10[%get3A_294, %get3A_295, %get3A_296] {strides = array<i32>} : memref<64x1x128xi32, #tpu.memory_space<vmem>>, vector<16xi32>,
          %sub3A_298 = vector.broadcast %min3A_144 : i32 to vector<16xi32>
          %sub3A_299 = arith.subi %get3A_297, %sub3A_298 : vector<16xi32>
          %get3A_300 = arith.index_cast %add3A_292 : i32 to index
          %get3A_301 = tpu.vector_load %arg11[%get3A_300] {strides = array<i32>} : memref<8192xf32, #tpu.memory_space<vmem>>, vector<16xf32>,
          %gather3A_302 = tpu.vector_load_idx %arg17[%sub3A_299, %broadcast_in_dim3A_1] : memref<2048x8xf32, #tpu.memory_space<vmem>>[vector<16xi32>, vector<16xi32>], vector<16xf32>,
          %sub3A_303 = arith.subf %get3A_301, %gather3A_302 : vector<16xf32>
          %swap3A_304 = arith.index_cast %add3A_292 : i32 to index
          %swap3A_305 = tpu.vector_load %arg14[%swap3A_304] {strides = array<i32>} : memref<8192xf32, #tpu.memory_space<vmem>>, vector<16xf32>,
          tpu.vector_store %arg14[%swap3A_304], %sub3A_303 {strides = array<i32>} : memref<8192xf32, #tpu.memory_space<vmem>>, vector<16xf32>,
          %get3A_306 = arith.index_cast %add3A_292 : i32 to index
          %get3A_307 = tpu.vector_load %arg12[%get3A_306] {strides = array<i32>} : memref<8192xf32, #tpu.memory_space<vmem>>, vector<16xf32>,
          %gather3A_308 = tpu.vector_load_idx %arg17[%sub3A_299, %broadcast_in_dim3A_3] : memref<2048x8xf32, #tpu.memory_space<vmem>>[vector<16xi32>, vector<16xi32>], vector<16xf32>,
          %sub3A_309 = arith.subf %get3A_307, %gather3A_308 : vector<16xf32>
          %swap3A_310 = arith.index_cast %add3A_292 : i32 to index
          %swap3A_311 = tpu.vector_load %arg15[%swap3A_310] {strides = array<i32>} : memref<8192xf32, #tpu.memory_space<vmem>>, vector<16xf32>,
          tpu.vector_store %arg15[%swap3A_310], %sub3A_309 {strides = array<i32>} : memref<8192xf32, #tpu.memory_space<vmem>>, vector<16xf32>,
          %get3A_312 = arith.index_cast %add3A_292 : i32 to index
          %get3A_313 = tpu.vector_load %arg13[%get3A_312] {strides = array<i32>} : memref<8192xf32, #tpu.memory_space<vmem>>, vector<16xf32>,
          %gather3A_314 = tpu.vector_load_idx %arg17[%sub3A_299, %broadcast_in_dim3A_5] : memref<2048x8xf32, #tpu.memory_space<vmem>>[vector<16xi32>, vector<16xi32>], vector<16xf32>,
          %sub3A_315 = arith.subf %get3A_313, %gather3A_314 : vector<16xf32>
          %swap3A_316 = arith.index_cast %add3A_292 : i32 to index
          %swap3A_317 = tpu.vector_load %arg16[%swap3A_316] {strides = array<i32>} : memref<8192xf32, #tpu.memory_space<vmem>>, vector<16xf32>,
          tpu.vector_store %arg16[%swap3A_316], %sub3A_315 {strides = array<i32>} : memref<8192xf32, #tpu.memory_space<vmem>>, vector<16xf32>,
          %add3A_318 = arith.constant 64 : i32
          %add3A_319 = arith.addi %mul3A_211, %add3A_318 : i32
          %get3A_320 = arith.constant 0 : i32
          %get3A_321 = arith.index_cast %scan3A_208 : i32 to index
          %get3A_322 = arith.index_cast %get3A_320 : i32 to index
          %get3A_323 = arith.constant 64 : index
          %get3A_324 = tpu.vector_load %arg10[%get3A_321, %get3A_322, %get3A_323] {strides = array<i32>} : memref<64x1x128xi32, #tpu.memory_space<vmem>>, vector<16xi32>,
          %sub3A_325 = vector.broadcast %min3A_144 : i32 to vector<16xi32>
          %sub3A_326 = arith.subi %get3A_324, %sub3A_325 : vector<16xi32>
          %get3A_327 = arith.index_cast %add3A_319 : i32 to index
          %get3A_328 = tpu.vector_load %arg11[%get3A_327] {strides = array<i32>} : memref<8192xf32, #tpu.memory_space<vmem>>, vector<16xf32>,
          %gather3A_329 = tpu.vector_load_idx %arg17[%sub3A_326, %broadcast_in_dim3A_1] : memref<2048x8xf32, #tpu.memory_space<vmem>>[vector<16xi32>, vector<16xi32>], vector<16xf32>,
          %sub3A_330 = arith.subf %get3A_328, %gather3A_329 : vector<16xf32>
          %swap3A_331 = arith.index_cast %add3A_319 : i32 to index
          %swap3A_332 = tpu.vector_load %arg14[%swap3A_331] {strides = array<i32>} : memref<8192xf32, #tpu.memory_space<vmem>>, vector<16xf32>,
          tpu.vector_store %arg14[%swap3A_331], %sub3A_330 {strides = array<i32>} : memref<8192xf32, #tpu.memory_space<vmem>>, vector<16xf32>,
          %get3A_333 = arith.index_cast %add3A_319 : i32 to index
          %get3A_334 = tpu.vector_load %arg12[%get3A_333] {strides = array<i32>} : memref<8192xf32, #tpu.memory_space<vmem>>, vector<16xf32>,
          %gather3A_335 = tpu.vector_load_idx %arg17[%sub3A_326, %broadcast_in_dim3A_3] : memref<2048x8xf32, #tpu.memory_space<vmem>>[vector<16xi32>, vector<16xi32>], vector<16xf32>,
          %sub3A_336 = arith.subf %get3A_334, %gather3A_335 : vector<16xf32>
          %swap3A_337 = arith.index_cast %add3A_319 : i32 to index
          %swap3A_338 = tpu.vector_load %arg15[%swap3A_337] {strides = array<i32>} : memref<8192xf32, #tpu.memory_space<vmem>>, vector<16xf32>,
          tpu.vector_store %arg15[%swap3A_337], %sub3A_336 {strides = array<i32>} : memref<8192xf32, #tpu.memory_space<vmem>>, vector<16xf32>,
          %get3A_339 = arith.index_cast %add3A_319 : i32 to index
          %get3A_340 = tpu.vector_load %arg13[%get3A_339] {strides = array<i32>} : memref<8192xf32, #tpu.memory_space<vmem>>, vector<16xf32>,
          %gather3A_341 = tpu.vector_load_idx %arg17[%sub3A_326, %broadcast_in_dim3A_5] : memref<2048x8xf32, #tpu.memory_space<vmem>>[vector<16xi32>, vector<16xi32>], vector<16xf32>,
          %sub3A_342 = arith.subf %get3A_340, %gather3A_341 : vector<16xf32>
          %swap3A_343 = arith.index_cast %add3A_319 : i32 to index
          %swap3A_344 = tpu.vector_load %arg16[%swap3A_343] {strides = array<i32>} : memref<8192xf32, #tpu.memory_space<vmem>>, vector<16xf32>,
          tpu.vector_store %arg16[%swap3A_343], %sub3A_342 {strides = array<i32>} : memref<8192xf32, #tpu.memory_space<vmem>>, vector<16xf32>,
          %add3A_345 = arith.constant 80 : i32
          %add3A_346 = arith.addi %mul3A_211, %add3A_345 : i32
          %get3A_347 = arith.constant 0 : i32
          %get3A_348 = arith.index_cast %scan3A_208 : i32 to index
          %get3A_349 = arith.index_cast %get3A_347 : i32 to index
          %get3A_350 = arith.constant 80 : index
          %get3A_351 = tpu.vector_load %arg10[%get3A_348, %get3A_349, %get3A_350] {strides = array<i32>} : memref<64x1x128xi32, #tpu.memory_space<vmem>>, vector<16xi32>,
          %sub3A_352 = vector.broadcast %min3A_144 : i32 to vector<16xi32>
          %sub3A_353 = arith.subi %get3A_351, %sub3A_352 : vector<16xi32>
          %get3A_354 = arith.index_cast %add3A_346 : i32 to index
          %get3A_355 = tpu.vector_load %arg11[%get3A_354] {strides = array<i32>} : memref<8192xf32, #tpu.memory_space<vmem>>, vector<16xf32>,
          %gather3A_356 = tpu.vector_load_idx %arg17[%sub3A_353, %broadcast_in_dim3A_1] : memref<2048x8xf32, #tpu.memory_space<vmem>>[vector<16xi32>, vector<16xi32>], vector<16xf32>,
          %sub3A_357 = arith.subf %get3A_355, %gather3A_356 : vector<16xf32>
          %swap3A_358 = arith.index_cast %add3A_346 : i32 to index
          %swap3A_359 = tpu.vector_load %arg14[%swap3A_358] {strides = array<i32>} : memref<8192xf32, #tpu.memory_space<vmem>>, vector<16xf32>,
          tpu.vector_store %arg14[%swap3A_358], %sub3A_357 {strides = array<i32>} : memref<8192xf32, #tpu.memory_space<vmem>>, vector<16xf32>,
          %get3A_360 = arith.index_cast %add3A_346 : i32 to index
          %get3A_361 = tpu.vector_load %arg12[%get3A_360] {strides = array<i32>} : memref<8192xf32, #tpu.memory_space<vmem>>, vector<16xf32>,
          %gather3A_362 = tpu.vector_load_idx %arg17[%sub3A_353, %broadcast_in_dim3A_3] : memref<2048x8xf32, #tpu.memory_space<vmem>>[vector<16xi32>, vector<16xi32>], vector<16xf32>,
          %sub3A_363 = arith.subf %get3A_361, %gather3A_362 : vector<16xf32>
          %swap3A_364 = arith.index_cast %add3A_346 : i32 to index
          %swap3A_365 = tpu.vector_load %arg15[%swap3A_364] {strides = array<i32>} : memref<8192xf32, #tpu.memory_space<vmem>>, vector<16xf32>,
          tpu.vector_store %arg15[%swap3A_364], %sub3A_363 {strides = array<i32>} : memref<8192xf32, #tpu.memory_space<vmem>>, vector<16xf32>,
          %get3A_366 = arith.index_cast %add3A_346 : i32 to index
          %get3A_367 = tpu.vector_load %arg13[%get3A_366] {strides = array<i32>} : memref<8192xf32, #tpu.memory_space<vmem>>, vector<16xf32>,
          %gather3A_368 = tpu.vector_load_idx %arg17[%sub3A_353, %broadcast_in_dim3A_5] : memref<2048x8xf32, #tpu.memory_space<vmem>>[vector<16xi32>, vector<16xi32>], vector<16xf32>,
          %sub3A_369 = arith.subf %get3A_367, %gather3A_368 : vector<16xf32>
          %swap3A_370 = arith.index_cast %add3A_346 : i32 to index
          %swap3A_371 = tpu.vector_load %arg16[%swap3A_370] {strides = array<i32>} : memref<8192xf32, #tpu.memory_space<vmem>>, vector<16xf32>,
          tpu.vector_store %arg16[%swap3A_370], %sub3A_369 {strides = array<i32>} : memref<8192xf32, #tpu.memory_space<vmem>>, vector<16xf32>,
          %add3A_372 = arith.constant 96 : i32
          %add3A_373 = arith.addi %mul3A_211, %add3A_372 : i32
          %get3A_374 = arith.constant 0 : i32
          %get3A_375 = arith.index_cast %scan3A_208 : i32 to index
          %get3A_376 = arith.index_cast %get3A_374 : i32 to index
          %get3A_377 = arith.constant 96 : index
          %get3A_378 = tpu.vector_load %arg10[%get3A_375, %get3A_376, %get3A_377] {strides = array<i32>} : memref<64x1x128xi32, #tpu.memory_space<vmem>>, vector<16xi32>,
          %sub3A_379 = vector.broadcast %min3A_144 : i32 to vector<16xi32>
          %sub3A_380 = arith.subi %get3A_378, %sub3A_379 : vector<16xi32>
          %get3A_381 = arith.index_cast %add3A_373 : i32 to index
          %get3A_382 = tpu.vector_load %arg11[%get3A_381] {strides = array<i32>} : memref<8192xf32, #tpu.memory_space<vmem>>, vector<16xf32>,
          %gather3A_383 = tpu.vector_load_idx %arg17[%sub3A_380, %broadcast_in_dim3A_1] : memref<2048x8xf32, #tpu.memory_space<vmem>>[vector<16xi32>, vector<16xi32>], vector<16xf32>,
          %sub3A_384 = arith.subf %get3A_382, %gather3A_383 : vector<16xf32>
          %swap3A_385 = arith.index_cast %add3A_373 : i32 to index
          %swap3A_386 = tpu.vector_load %arg14[%swap3A_385] {strides = array<i32>} : memref<8192xf32, #tpu.memory_space<vmem>>, vector<16xf32>,
          tpu.vector_store %arg14[%swap3A_385], %sub3A_384 {strides = array<i32>} : memref<8192xf32, #tpu.memory_space<vmem>>, vector<16xf32>,
          %get3A_387 = arith.index_cast %add3A_373 : i32 to index
          %get3A_388 = tpu.vector_load %arg12[%get3A_387] {strides = array<i32>} : memref<8192xf32, #tpu.memory_space<vmem>>, vector<16xf32>,
          %gather3A_389 = tpu.vector_load_idx %arg17[%sub3A_380, %broadcast_in_dim3A_3] : memref<2048x8xf32, #tpu.memory_space<vmem>>[vector<16xi32>, vector<16xi32>], vector<16xf32>,
          %sub3A_390 = arith.subf %get3A_388, %gather3A_389 : vector<16xf32>
          %swap3A_391 = arith.index_cast %add3A_373 : i32 to index
          %swap3A_392 = tpu.vector_load %arg15[%swap3A_391] {strides = array<i32>} : memref<8192xf32, #tpu.memory_space<vmem>>, vector<16xf32>,
          tpu.vector_store %arg15[%swap3A_391], %sub3A_390 {strides = array<i32>} : memref<8192xf32, #tpu.memory_space<vmem>>, vector<16xf32>,
          %get3A_393 = arith.index_cast %add3A_373 : i32 to index
          %get3A_394 = tpu.vector_load %arg13[%get3A_393] {strides = array<i32>} : memref<8192xf32, #tpu.memory_space<vmem>>, vector<16xf32>,
          %gather3A_395 = tpu.vector_load_idx %arg17[%sub3A_380, %broadcast_in_dim3A_5] : memref<2048x8xf32, #tpu.memory_space<vmem>>[vector<16xi32>, vector<16xi32>], vector<16xf32>,
          %sub3A_396 = arith.subf %get3A_394, %gather3A_395 : vector<16xf32>
          %swap3A_397 = arith.index_cast %add3A_373 : i32 to index
          %swap3A_398 = tpu.vector_load %arg16[%swap3A_397] {strides = array<i32>} : memref<8192xf32, #tpu.memory_space<vmem>>, vector<16xf32>,
          tpu.vector_store %arg16[%swap3A_397], %sub3A_396 {strides = array<i32>} : memref<8192xf32, #tpu.memory_space<vmem>>, vector<16xf32>,
          %add3A_399 = arith.constant 112 : i32
          %add3A_400 = arith.addi %mul3A_211, %add3A_399 : i32
          %get3A_401 = arith.constant 0 : i32
          %get3A_402 = arith.index_cast %scan3A_208 : i32 to index
          %get3A_403 = arith.index_cast %get3A_401 : i32 to index
          %get3A_404 = arith.constant 112 : index
          %get3A_405 = tpu.vector_load %arg10[%get3A_402, %get3A_403, %get3A_404] {strides = array<i32>} : memref<64x1x128xi32, #tpu.memory_space<vmem>>, vector<16xi32>,
          %sub3A_406 = vector.broadcast %min3A_144 : i32 to vector<16xi32>
          %sub3A_407 = arith.subi %get3A_405, %sub3A_406 : vector<16xi32>
          %get3A_408 = arith.index_cast %add3A_400 : i32 to index
          %get3A_409 = tpu.vector_load %arg11[%get3A_408] {strides = array<i32>} : memref<8192xf32, #tpu.memory_space<vmem>>, vector<16xf32>,
          %gather3A_410 = tpu.vector_load_idx %arg17[%sub3A_407, %broadcast_in_dim3A_1] : memref<2048x8xf32, #tpu.memory_space<vmem>>[vector<16xi32>, vector<16xi32>], vector<16xf32>,
          %sub3A_411 = arith.subf %get3A_409, %gather3A_410 : vector<16xf32>
          %swap3A_412 = arith.index_cast %add3A_400 : i32 to index
          %swap3A_413 = tpu.vector_load %arg14[%swap3A_412] {strides = array<i32>} : memref<8192xf32, #tpu.memory_space<vmem>>, vector<16xf32>,
          tpu.vector_store %arg14[%swap3A_412], %sub3A_411 {strides = array<i32>} : memref<8192xf32, #tpu.memory_space<vmem>>, vector<16xf32>,
          %get3A_414 = arith.index_cast %add3A_400 : i32 to index
          %get3A_415 = tpu.vector_load %arg12[%get3A_414] {strides = array<i32>} : memref<8192xf32, #tpu.memory_space<vmem>>, vector<16xf32>,
          %gather3A_416 = tpu.vector_load_idx %arg17[%sub3A_407, %broadcast_in_dim3A_3] : memref<2048x8xf32, #tpu.memory_space<vmem>>[vector<16xi32>, vector<16xi32>], vector<16xf32>,
          %sub3A_417 = arith.subf %get3A_415, %gather3A_416 : vector<16xf32>
          %swap3A_418 = arith.index_cast %add3A_400 : i32 to index
          %swap3A_419 = tpu.vector_load %arg15[%swap3A_418] {strides = array<i32>} : memref<8192xf32, #tpu.memory_space<vmem>>, vector<16xf32>,
          tpu.vector_store %arg15[%swap3A_418], %sub3A_417 {strides = array<i32>} : memref<8192xf32, #tpu.memory_space<vmem>>, vector<16xf32>,
          %get3A_420 = arith.index_cast %add3A_400 : i32 to index
          %get3A_421 = tpu.vector_load %arg13[%get3A_420] {strides = array<i32>} : memref<8192xf32, #tpu.memory_space<vmem>>, vector<16xf32>,
          %gather3A_422 = tpu.vector_load_idx %arg17[%sub3A_407, %broadcast_in_dim3A_5] : memref<2048x8xf32, #tpu.memory_space<vmem>>[vector<16xi32>, vector<16xi32>], vector<16xf32>,
          %sub3A_423 = arith.subf %get3A_421, %gather3A_422 : vector<16xf32>
          %swap3A_424 = arith.index_cast %add3A_400 : i32 to index
          %swap3A_425 = tpu.vector_load %arg16[%swap3A_424] {strides = array<i32>} : memref<8192xf32, #tpu.memory_space<vmem>>, vector<16xf32>,
          tpu.vector_store %arg16[%swap3A_424], %sub3A_423 {strides = array<i32>} : memref<8192xf32, #tpu.memory_space<vmem>>, vector<16xf32>,
          %scan3A_426 = arith.constant 0 : i32
          scf.yield %scan3A_426 : i32
        }
        %scan3A_207 = arith.constant 64 : i32
      } else {
      }
      %gt3A = arith.constant 2048 : i32
      %gt3A_158 = arith.cmpi sgt, %add3A_155, %gt3A : i32
      %convert_element_type3A_159 = arith.extui %gt3A_158 : i1 to i32
      %cond3A_160 = arith.constant 0 : i32
      %cond3A_161 = arith.cmpi ne, %convert_element_type3A_159, %cond3A_160 : i32
      scf.if %cond3A_161 {
        %scan3A = arith.constant 0 : i32
        %scan3A_163 = arith.constant 0 : i32
        %scan3A_164 = arith.constant 64 : i32
        %scan3A_165 = arith.addi %scan3A_163, %scan3A_164 : i32
        %scan3A_166 = arith.constant 1 : i32
        %scan3A_167 = scf.for %scan3A_169 = %scan3A_163 to %scan3A_165 step %scan3A_166 iter_args(%scan3A_170 = %scan3A) -> (i32)  : i32 {
          %dma_start3A = arith.constant 0 : i32
          %dma_start3A_171 = arith.constant 0 : i32
          %dma_start3A_172 = arith.constant 0 : i32
          %dma_start3A_173 = tpu.memref_slice %arg10[%scan3A_169, %dma_start3A_171, %dma_start3A_172] : memref<64x1x128xi32, #tpu.memory_space<vmem>> -> memref<1x1x128xi32, #tpu.memory_space<vmem>>
          %dma_start3A_174 = tpu.memref_squeeze %dma_start3A_173 : memref<1x1x128xi32, #tpu.memory_space<vmem>> -> memref<128xi32, #tpu.memory_space<vmem>>
          %dma_start3A_175 = arith.constant 0 : i32
          %dma_start3A_176 = arith.constant 0 : i32
          %dma_start3A_177 = tpu.memref_slice %arg6[%dma_start3A, %dma_start3A_175, %dma_start3A_176] : memref<2x100352x8xf32, #tpu.memory_space<hbm>> -> memref<1x100352x8xf32, #tpu.memory_space<hbm>>
          %dma_start3A_178 = tpu.memref_squeeze %dma_start3A_177 : memref<1x100352x8xf32, #tpu.memory_space<hbm>> -> memref<100352x8xf32, #tpu.memory_space<hbm>>
          %dma_start3A_179 = arith.constant 0 : i32
          %dma_start3A_180 = arith.constant 0 : i32
          %dma_start3A_181 = tpu.memref_slice %dma_start3A_178[%dma_start3A_179, %dma_start3A_180] : memref<100352x8xf32, #tpu.memory_space<hbm>> -> memref<100352x8xf32, #tpu.memory_space<hbm>>
          tpu.enqueue_indirect_dma source(%dma_start3A_181 : memref<100352x8xf32, #tpu.memory_space<hbm>>) target(%arg19 : memref<128x8xf32, #tpu.memory_space<vmem>>) offsets(%dma_start3A_174 : memref<128xi32, #tpu.memory_space<vmem>>) semaphore(%arg21 : memref<!tpu.dma_semaphore, #tpu.memory_space<semaphore_mem>>)
          %dma_start3A_182 = arith.constant 1 : i32
          %dma_start3A_183 = arith.constant 0 : i32
          %dma_start3A_184 = arith.constant 0 : i32
          %dma_start3A_185 = tpu.memref_slice %arg10[%scan3A_169, %dma_start3A_183, %dma_start3A_184] : memref<64x1x128xi32, #tpu.memory_space<vmem>> -> memref<1x1x128xi32, #tpu.memory_space<vmem>>
          %dma_start3A_186 = tpu.memref_squeeze %dma_start3A_185 : memref<1x1x128xi32, #tpu.memory_space<vmem>> -> memref<128xi32, #tpu.memory_space<vmem>>
          %dma_start3A_187 = arith.constant 0 : i32
          %dma_start3A_188 = arith.constant 0 : i32
          %dma_start3A_189 = tpu.memref_slice %arg6[%dma_start3A_182, %dma_start3A_187, %dma_start3A_188] : memref<2x100352x8xf32, #tpu.memory_space<hbm>> -> memref<1x100352x8xf32, #tpu.memory_space<hbm>>
          %dma_start3A_190 = tpu.memref_squeeze %dma_start3A_189 : memref<1x100352x8xf32, #tpu.memory_space<hbm>> -> memref<100352x8xf32, #tpu.memory_space<hbm>>
          %dma_start3A_191 = arith.constant 0 : i32
          %dma_start3A_192 = arith.constant 0 : i32
          %dma_start3A_193 = tpu.memref_slice %dma_start3A_190[%dma_start3A_191, %dma_start3A_192] : memref<100352x8xf32, #tpu.memory_space<hbm>> -> memref<100352x8xf32, #tpu.memory_space<hbm>>
          tpu.enqueue_indirect_dma source(%dma_start3A_193 : memref<100352x8xf32, #tpu.memory_space<hbm>>) target(%arg20 : memref<128x8xf32, #tpu.memory_space<vmem>>) offsets(%dma_start3A_186 : memref<128xi32, #tpu.memory_space<vmem>>) semaphore(%arg22 : memref<!tpu.dma_semaphore, #tpu.memory_space<semaphore_mem>>)
          %dma_wait3A = arith.constant 0 : i32
          %dma_wait3A_194 = arith.constant 0 : i32
          %dma_wait3A_195 = arith.constant 0 : i32
          %dma_wait3A_196 = tpu.memref_slice %arg10[%scan3A_169, %dma_wait3A_194, %dma_wait3A_195] : memref<64x1x128xi32, #tpu.memory_space<vmem>> -> memref<1x1x128xi32, #tpu.memory_space<vmem>>
          %dma_wait3A_197 = tpu.memref_squeeze %dma_wait3A_196 : memref<1x1x128xi32, #tpu.memory_space<vmem>> -> memref<128xi32, #tpu.memory_space<vmem>>
          %dma_wait3A_198 = arith.constant 0 : i32
          %dma_wait3A_199 = arith.constant 0 : i32
          %dma_wait3A_200 = tpu.memref_slice %arg6[%dma_wait3A, %dma_wait3A_198, %dma_wait3A_199] : memref<2x100352x8xf32, #tpu.memory_space<hbm>> -> memref<1x100352x8xf32, #tpu.memory_space<hbm>>
          %dma_wait3A_201 = tpu.memref_squeeze %dma_wait3A_200 : memref<1x100352x8xf32, #tpu.memory_space<hbm>> -> memref<100352x8xf32, #tpu.memory_space<hbm>>
          %dma_wait3A_202 = arith.constant 0 : i32
          %dma_wait3A_203 = arith.constant 0 : i32
          %dma_wait3A_204 = tpu.memref_slice %dma_wait3A_201[%dma_wait3A_202, %dma_wait3A_203] : memref<100352x8xf32, #tpu.memory_space<hbm>> -> memref<100352x8xf32, #tpu.memory_space<hbm>>
          tpu.wait_indirect_dma semaphore(%arg21 : memref<!tpu.dma_semaphore, #tpu.memory_space<semaphore_mem>>) src(%dma_wait3A_204 : memref<100352x8xf32, #tpu.memory_space<hbm>>) dst(%arg19 : memref<128x8xf32, #tpu.memory_space<vmem>>)
          %dma_wait3A_205 = arith.constant 1 : i32
          %dma_wait3A_206 = arith.constant 0 : i32
          %dma_wait3A_207 = arith.constant 0 : i32
          %dma_wait3A_208 = tpu.memref_slice %arg10[%scan3A_169, %dma_wait3A_206, %dma_wait3A_207] : memref<64x1x128xi32, #tpu.memory_space<vmem>> -> memref<1x1x128xi32, #tpu.memory_space<vmem>>
          %dma_wait3A_209 = tpu.memref_squeeze %dma_wait3A_208 : memref<1x1x128xi32, #tpu.memory_space<vmem>> -> memref<128xi32, #tpu.memory_space<vmem>>
          %dma_wait3A_210 = arith.constant 0 : i32
          %dma_wait3A_211 = arith.constant 0 : i32
          %dma_wait3A_212 = tpu.memref_slice %arg6[%dma_wait3A_205, %dma_wait3A_210, %dma_wait3A_211] : memref<2x100352x8xf32, #tpu.memory_space<hbm>> -> memref<1x100352x8xf32, #tpu.memory_space<hbm>>
          %dma_wait3A_213 = tpu.memref_squeeze %dma_wait3A_212 : memref<1x100352x8xf32, #tpu.memory_space<hbm>> -> memref<100352x8xf32, #tpu.memory_space<hbm>>
          %dma_wait3A_214 = arith.constant 0 : i32
          %dma_wait3A_215 = arith.constant 0 : i32
          %dma_wait3A_216 = tpu.memref_slice %dma_wait3A_213[%dma_wait3A_214, %dma_wait3A_215] : memref<100352x8xf32, #tpu.memory_space<hbm>> -> memref<100352x8xf32, #tpu.memory_space<hbm>>
          tpu.wait_indirect_dma semaphore(%arg22 : memref<!tpu.dma_semaphore, #tpu.memory_space<semaphore_mem>>) src(%dma_wait3A_216 : memref<100352x8xf32, #tpu.memory_space<hbm>>) dst(%arg20 : memref<128x8xf32, #tpu.memory_space<vmem>>)
          %mul3A_217 = arith.constant 128 : i32
          %mul3A_218 = arith.muli %scan3A_169, %mul3A_217 : i32
          %add3A_219 = arith.constant 0 : i32
          %add3A_220 = arith.addi %mul3A_218, %add3A_219 : i32
          %add3A_221 = arith.constant 0 : i32
          %add3A_222 = vector.broadcast %add3A_221 : i32 to vector<16xi32>
          %add3A_223 = arith.addi %iota3A, %add3A_222 : vector<16xi32>
          %gather3A = tpu.vector_load_idx %arg19[%add3A_223, %broadcast_in_dim3A_7] : memref<128x8xf32, #tpu.memory_space<vmem>>[vector<16xi32>, vector<16xi32>], vector<16xf32>,
          %gather3A_224 = tpu.vector_load_idx %arg20[%add3A_223, %broadcast_in_dim3A_7] : memref<128x8xf32, #tpu.memory_space<vmem>>[vector<16xi32>, vector<16xi32>], vector<16xf32>,
          %add3A_225 = arith.addf %gather3A, %gather3A_224 : vector<16xf32>
          %max3A = arith.constant 1.000000e+00 : f32
          %max3A_226 = vector.broadcast %max3A : f32 to vector<16xf32>
          %max3A_227 = arith.maximumf %add3A_225, %max3A_226 : vector<16xf32>
          %div3A_228 = arith.constant 1.000000e+00 : f32
          %div3A_229 = vector.broadcast %div3A_228 : f32 to vector<16xf32>
          %div3A_230 = arith.divf %div3A_229, %max3A_227 : vector<16xf32>
          %gather3A_231 = tpu.vector_load_idx %arg19[%add3A_223, %broadcast_in_dim3A_1] : memref<128x8xf32, #tpu.memory_space<vmem>>[vector<16xi32>, vector<16xi32>], vector<16xf32>,
          %gather3A_232 = tpu.vector_load_idx %arg20[%add3A_223, %broadcast_in_dim3A_1] : memref<128x8xf32, #tpu.memory_space<vmem>>[vector<16xi32>, vector<16xi32>], vector<16xf32>,
          %add3A_233 = arith.addf %gather3A_231, %gather3A_232 : vector<16xf32>
          %mul3A_234 = arith.mulf %add3A_233, %div3A_230 : vector<16xf32>
          %gather3A_235 = tpu.vector_load_idx %arg19[%add3A_223, %broadcast_in_dim3A_3] : memref<128x8xf32, #tpu.memory_space<vmem>>[vector<16xi32>, vector<16xi32>], vector<16xf32>,
          %gather3A_236 = tpu.vector_load_idx %arg20[%add3A_223, %broadcast_in_dim3A_3] : memref<128x8xf32, #tpu.memory_space<vmem>>[vector<16xi32>, vector<16xi32>], vector<16xf32>,
          %add3A_237 = arith.addf %gather3A_235, %gather3A_236 : vector<16xf32>
          %mul3A_238 = arith.mulf %add3A_237, %div3A_230 : vector<16xf32>
          %gather3A_239 = tpu.vector_load_idx %arg19[%add3A_223, %broadcast_in_dim3A_5] : memref<128x8xf32, #tpu.memory_space<vmem>>[vector<16xi32>, vector<16xi32>], vector<16xf32>,
          %gather3A_240 = tpu.vector_load_idx %arg20[%add3A_223, %broadcast_in_dim3A_5] : memref<128x8xf32, #tpu.memory_space<vmem>>[vector<16xi32>, vector<16xi32>], vector<16xf32>,
          %add3A_241 = arith.addf %gather3A_239, %gather3A_240 : vector<16xf32>
          %mul3A_242 = arith.mulf %add3A_241, %div3A_230 : vector<16xf32>
          %get3A_243 = arith.index_cast %add3A_220 : i32 to index
          %get3A_244 = tpu.vector_load %arg11[%get3A_243] {strides = array<i32>} : memref<8192xf32, #tpu.memory_space<vmem>>, vector<16xf32>,
          %sub3A_245 = arith.subf %get3A_244, %mul3A_234 : vector<16xf32>
          %swap3A = arith.index_cast %add3A_220 : i32 to index
          %swap3A_246 = tpu.vector_load %arg14[%swap3A] {strides = array<i32>} : memref<8192xf32, #tpu.memory_space<vmem>>, vector<16xf32>,
          tpu.vector_store %arg14[%swap3A], %sub3A_245 {strides = array<i32>} : memref<8192xf32, #tpu.memory_space<vmem>>, vector<16xf32>,
          %get3A_247 = arith.index_cast %add3A_220 : i32 to index
          %get3A_248 = tpu.vector_load %arg12[%get3A_247] {strides = array<i32>} : memref<8192xf32, #tpu.memory_space<vmem>>, vector<16xf32>,
          %sub3A_249 = arith.subf %get3A_248, %mul3A_238 : vector<16xf32>
          %swap3A_250 = arith.index_cast %add3A_220 : i32 to index
          %swap3A_251 = tpu.vector_load %arg15[%swap3A_250] {strides = array<i32>} : memref<8192xf32, #tpu.memory_space<vmem>>, vector<16xf32>,
          tpu.vector_store %arg15[%swap3A_250], %sub3A_249 {strides = array<i32>} : memref<8192xf32, #tpu.memory_space<vmem>>, vector<16xf32>,
          %get3A_252 = arith.index_cast %add3A_220 : i32 to index
          %get3A_253 = tpu.vector_load %arg13[%get3A_252] {strides = array<i32>} : memref<8192xf32, #tpu.memory_space<vmem>>, vector<16xf32>,
          %sub3A_254 = arith.subf %get3A_253, %mul3A_242 : vector<16xf32>
          %swap3A_255 = arith.index_cast %add3A_220 : i32 to index
          %swap3A_256 = tpu.vector_load %arg16[%swap3A_255] {strides = array<i32>} : memref<8192xf32, #tpu.memory_space<vmem>>, vector<16xf32>,
          tpu.vector_store %arg16[%swap3A_255], %sub3A_254 {strides = array<i32>} : memref<8192xf32, #tpu.memory_space<vmem>>, vector<16xf32>,
          %add3A_257 = arith.constant 16 : i32
          %add3A_258 = arith.addi %mul3A_218, %add3A_257 : i32
          %add3A_259 = arith.constant 16 : i32
          %add3A_260 = vector.broadcast %add3A_259 : i32 to vector<16xi32>
          %add3A_261 = arith.addi %iota3A, %add3A_260 : vector<16xi32>
          %gather3A_262 = tpu.vector_load_idx %arg19[%add3A_261, %broadcast_in_dim3A_7] : memref<128x8xf32, #tpu.memory_space<vmem>>[vector<16xi32>, vector<16xi32>], vector<16xf32>,
          %gather3A_263 = tpu.vector_load_idx %arg20[%add3A_261, %broadcast_in_dim3A_7] : memref<128x8xf32, #tpu.memory_space<vmem>>[vector<16xi32>, vector<16xi32>], vector<16xf32>,
          %add3A_264 = arith.addf %gather3A_262, %gather3A_263 : vector<16xf32>
          %max3A_265 = arith.constant 1.000000e+00 : f32
          %max3A_266 = vector.broadcast %max3A_265 : f32 to vector<16xf32>
          %max3A_267 = arith.maximumf %add3A_264, %max3A_266 : vector<16xf32>
          %div3A_268 = arith.constant 1.000000e+00 : f32
          %div3A_269 = vector.broadcast %div3A_268 : f32 to vector<16xf32>
          %div3A_270 = arith.divf %div3A_269, %max3A_267 : vector<16xf32>
          %gather3A_271 = tpu.vector_load_idx %arg19[%add3A_261, %broadcast_in_dim3A_1] : memref<128x8xf32, #tpu.memory_space<vmem>>[vector<16xi32>, vector<16xi32>], vector<16xf32>,
          %gather3A_272 = tpu.vector_load_idx %arg20[%add3A_261, %broadcast_in_dim3A_1] : memref<128x8xf32, #tpu.memory_space<vmem>>[vector<16xi32>, vector<16xi32>], vector<16xf32>,
          %add3A_273 = arith.addf %gather3A_271, %gather3A_272 : vector<16xf32>
          %mul3A_274 = arith.mulf %add3A_273, %div3A_270 : vector<16xf32>
          %gather3A_275 = tpu.vector_load_idx %arg19[%add3A_261, %broadcast_in_dim3A_3] : memref<128x8xf32, #tpu.memory_space<vmem>>[vector<16xi32>, vector<16xi32>], vector<16xf32>,
          %gather3A_276 = tpu.vector_load_idx %arg20[%add3A_261, %broadcast_in_dim3A_3] : memref<128x8xf32, #tpu.memory_space<vmem>>[vector<16xi32>, vector<16xi32>], vector<16xf32>,
          %add3A_277 = arith.addf %gather3A_275, %gather3A_276 : vector<16xf32>
          %mul3A_278 = arith.mulf %add3A_277, %div3A_270 : vector<16xf32>
          %gather3A_279 = tpu.vector_load_idx %arg19[%add3A_261, %broadcast_in_dim3A_5] : memref<128x8xf32, #tpu.memory_space<vmem>>[vector<16xi32>, vector<16xi32>], vector<16xf32>,
          %gather3A_280 = tpu.vector_load_idx %arg20[%add3A_261, %broadcast_in_dim3A_5] : memref<128x8xf32, #tpu.memory_space<vmem>>[vector<16xi32>, vector<16xi32>], vector<16xf32>,
          %add3A_281 = arith.addf %gather3A_279, %gather3A_280 : vector<16xf32>
          %mul3A_282 = arith.mulf %add3A_281, %div3A_270 : vector<16xf32>
          %get3A_283 = arith.index_cast %add3A_258 : i32 to index
          %get3A_284 = tpu.vector_load %arg11[%get3A_283] {strides = array<i32>} : memref<8192xf32, #tpu.memory_space<vmem>>, vector<16xf32>,
          %sub3A_285 = arith.subf %get3A_284, %mul3A_274 : vector<16xf32>
          %swap3A_286 = arith.index_cast %add3A_258 : i32 to index
          %swap3A_287 = tpu.vector_load %arg14[%swap3A_286] {strides = array<i32>} : memref<8192xf32, #tpu.memory_space<vmem>>, vector<16xf32>,
          tpu.vector_store %arg14[%swap3A_286], %sub3A_285 {strides = array<i32>} : memref<8192xf32, #tpu.memory_space<vmem>>, vector<16xf32>,
          %get3A_288 = arith.index_cast %add3A_258 : i32 to index
          %get3A_289 = tpu.vector_load %arg12[%get3A_288] {strides = array<i32>} : memref<8192xf32, #tpu.memory_space<vmem>>, vector<16xf32>,
          %sub3A_290 = arith.subf %get3A_289, %mul3A_278 : vector<16xf32>
          %swap3A_291 = arith.index_cast %add3A_258 : i32 to index
          %swap3A_292 = tpu.vector_load %arg15[%swap3A_291] {strides = array<i32>} : memref<8192xf32, #tpu.memory_space<vmem>>, vector<16xf32>,
          tpu.vector_store %arg15[%swap3A_291], %sub3A_290 {strides = array<i32>} : memref<8192xf32, #tpu.memory_space<vmem>>, vector<16xf32>,
          %get3A_293 = arith.index_cast %add3A_258 : i32 to index
          %get3A_294 = tpu.vector_load %arg13[%get3A_293] {strides = array<i32>} : memref<8192xf32, #tpu.memory_space<vmem>>, vector<16xf32>,
          %sub3A_295 = arith.subf %get3A_294, %mul3A_282 : vector<16xf32>
          %swap3A_296 = arith.index_cast %add3A_258 : i32 to index
          %swap3A_297 = tpu.vector_load %arg16[%swap3A_296] {strides = array<i32>} : memref<8192xf32, #tpu.memory_space<vmem>>, vector<16xf32>,
          tpu.vector_store %arg16[%swap3A_296], %sub3A_295 {strides = array<i32>} : memref<8192xf32, #tpu.memory_space<vmem>>, vector<16xf32>,
          %add3A_298 = arith.constant 32 : i32
          %add3A_299 = arith.addi %mul3A_218, %add3A_298 : i32
          %add3A_300 = arith.constant 32 : i32
          %add3A_301 = vector.broadcast %add3A_300 : i32 to vector<16xi32>
          %add3A_302 = arith.addi %iota3A, %add3A_301 : vector<16xi32>
          %gather3A_303 = tpu.vector_load_idx %arg19[%add3A_302, %broadcast_in_dim3A_7] : memref<128x8xf32, #tpu.memory_space<vmem>>[vector<16xi32>, vector<16xi32>], vector<16xf32>,
          %gather3A_304 = tpu.vector_load_idx %arg20[%add3A_302, %broadcast_in_dim3A_7] : memref<128x8xf32, #tpu.memory_space<vmem>>[vector<16xi32>, vector<16xi32>], vector<16xf32>,
          %add3A_305 = arith.addf %gather3A_303, %gather3A_304 : vector<16xf32>
          %max3A_306 = arith.constant 1.000000e+00 : f32
          %max3A_307 = vector.broadcast %max3A_306 : f32 to vector<16xf32>
          %max3A_308 = arith.maximumf %add3A_305, %max3A_307 : vector<16xf32>
          %div3A_309 = arith.constant 1.000000e+00 : f32
          %div3A_310 = vector.broadcast %div3A_309 : f32 to vector<16xf32>
          %div3A_311 = arith.divf %div3A_310, %max3A_308 : vector<16xf32>
          %gather3A_312 = tpu.vector_load_idx %arg19[%add3A_302, %broadcast_in_dim3A_1] : memref<128x8xf32, #tpu.memory_space<vmem>>[vector<16xi32>, vector<16xi32>], vector<16xf32>,
          %gather3A_313 = tpu.vector_load_idx %arg20[%add3A_302, %broadcast_in_dim3A_1] : memref<128x8xf32, #tpu.memory_space<vmem>>[vector<16xi32>, vector<16xi32>], vector<16xf32>,
          %add3A_314 = arith.addf %gather3A_312, %gather3A_313 : vector<16xf32>
          %mul3A_315 = arith.mulf %add3A_314, %div3A_311 : vector<16xf32>
          %gather3A_316 = tpu.vector_load_idx %arg19[%add3A_302, %broadcast_in_dim3A_3] : memref<128x8xf32, #tpu.memory_space<vmem>>[vector<16xi32>, vector<16xi32>], vector<16xf32>,
          %gather3A_317 = tpu.vector_load_idx %arg20[%add3A_302, %broadcast_in_dim3A_3] : memref<128x8xf32, #tpu.memory_space<vmem>>[vector<16xi32>, vector<16xi32>], vector<16xf32>,
          %add3A_318 = arith.addf %gather3A_316, %gather3A_317 : vector<16xf32>
          %mul3A_319 = arith.mulf %add3A_318, %div3A_311 : vector<16xf32>
          %gather3A_320 = tpu.vector_load_idx %arg19[%add3A_302, %broadcast_in_dim3A_5] : memref<128x8xf32, #tpu.memory_space<vmem>>[vector<16xi32>, vector<16xi32>], vector<16xf32>,
          %gather3A_321 = tpu.vector_load_idx %arg20[%add3A_302, %broadcast_in_dim3A_5] : memref<128x8xf32, #tpu.memory_space<vmem>>[vector<16xi32>, vector<16xi32>], vector<16xf32>,
          %add3A_322 = arith.addf %gather3A_320, %gather3A_321 : vector<16xf32>
          %mul3A_323 = arith.mulf %add3A_322, %div3A_311 : vector<16xf32>
          %get3A_324 = arith.index_cast %add3A_299 : i32 to index
          %get3A_325 = tpu.vector_load %arg11[%get3A_324] {strides = array<i32>} : memref<8192xf32, #tpu.memory_space<vmem>>, vector<16xf32>,
          %sub3A_326 = arith.subf %get3A_325, %mul3A_315 : vector<16xf32>
          %swap3A_327 = arith.index_cast %add3A_299 : i32 to index
          %swap3A_328 = tpu.vector_load %arg14[%swap3A_327] {strides = array<i32>} : memref<8192xf32, #tpu.memory_space<vmem>>, vector<16xf32>,
          tpu.vector_store %arg14[%swap3A_327], %sub3A_326 {strides = array<i32>} : memref<8192xf32, #tpu.memory_space<vmem>>, vector<16xf32>,
          %get3A_329 = arith.index_cast %add3A_299 : i32 to index
          %get3A_330 = tpu.vector_load %arg12[%get3A_329] {strides = array<i32>} : memref<8192xf32, #tpu.memory_space<vmem>>, vector<16xf32>,
          %sub3A_331 = arith.subf %get3A_330, %mul3A_319 : vector<16xf32>
          %swap3A_332 = arith.index_cast %add3A_299 : i32 to index
          %swap3A_333 = tpu.vector_load %arg15[%swap3A_332] {strides = array<i32>} : memref<8192xf32, #tpu.memory_space<vmem>>, vector<16xf32>,
          tpu.vector_store %arg15[%swap3A_332], %sub3A_331 {strides = array<i32>} : memref<8192xf32, #tpu.memory_space<vmem>>, vector<16xf32>,
          %get3A_334 = arith.index_cast %add3A_299 : i32 to index
          %get3A_335 = tpu.vector_load %arg13[%get3A_334] {strides = array<i32>} : memref<8192xf32, #tpu.memory_space<vmem>>, vector<16xf32>,
          %sub3A_336 = arith.subf %get3A_335, %mul3A_323 : vector<16xf32>
          %swap3A_337 = arith.index_cast %add3A_299 : i32 to index
          %swap3A_338 = tpu.vector_load %arg16[%swap3A_337] {strides = array<i32>} : memref<8192xf32, #tpu.memory_space<vmem>>, vector<16xf32>,
          tpu.vector_store %arg16[%swap3A_337], %sub3A_336 {strides = array<i32>} : memref<8192xf32, #tpu.memory_space<vmem>>, vector<16xf32>,
          %add3A_339 = arith.constant 48 : i32
          %add3A_340 = arith.addi %mul3A_218, %add3A_339 : i32
          %add3A_341 = arith.constant 48 : i32
          %add3A_342 = vector.broadcast %add3A_341 : i32 to vector<16xi32>
          %add3A_343 = arith.addi %iota3A, %add3A_342 : vector<16xi32>
          %gather3A_344 = tpu.vector_load_idx %arg19[%add3A_343, %broadcast_in_dim3A_7] : memref<128x8xf32, #tpu.memory_space<vmem>>[vector<16xi32>, vector<16xi32>], vector<16xf32>,
          %gather3A_345 = tpu.vector_load_idx %arg20[%add3A_343, %broadcast_in_dim3A_7] : memref<128x8xf32, #tpu.memory_space<vmem>>[vector<16xi32>, vector<16xi32>], vector<16xf32>,
          %add3A_346 = arith.addf %gather3A_344, %gather3A_345 : vector<16xf32>
          %max3A_347 = arith.constant 1.000000e+00 : f32
          %max3A_348 = vector.broadcast %max3A_347 : f32 to vector<16xf32>
          %max3A_349 = arith.maximumf %add3A_346, %max3A_348 : vector<16xf32>
          %div3A_350 = arith.constant 1.000000e+00 : f32
          %div3A_351 = vector.broadcast %div3A_350 : f32 to vector<16xf32>
          %div3A_352 = arith.divf %div3A_351, %max3A_349 : vector<16xf32>
          %gather3A_353 = tpu.vector_load_idx %arg19[%add3A_343, %broadcast_in_dim3A_1] : memref<128x8xf32, #tpu.memory_space<vmem>>[vector<16xi32>, vector<16xi32>], vector<16xf32>,
          %gather3A_354 = tpu.vector_load_idx %arg20[%add3A_343, %broadcast_in_dim3A_1] : memref<128x8xf32, #tpu.memory_space<vmem>>[vector<16xi32>, vector<16xi32>], vector<16xf32>,
          %add3A_355 = arith.addf %gather3A_353, %gather3A_354 : vector<16xf32>
          %mul3A_356 = arith.mulf %add3A_355, %div3A_352 : vector<16xf32>
          %gather3A_357 = tpu.vector_load_idx %arg19[%add3A_343, %broadcast_in_dim3A_3] : memref<128x8xf32, #tpu.memory_space<vmem>>[vector<16xi32>, vector<16xi32>], vector<16xf32>,
          %gather3A_358 = tpu.vector_load_idx %arg20[%add3A_343, %broadcast_in_dim3A_3] : memref<128x8xf32, #tpu.memory_space<vmem>>[vector<16xi32>, vector<16xi32>], vector<16xf32>,
          %add3A_359 = arith.addf %gather3A_357, %gather3A_358 : vector<16xf32>
          %mul3A_360 = arith.mulf %add3A_359, %div3A_352 : vector<16xf32>
          %gather3A_361 = tpu.vector_load_idx %arg19[%add3A_343, %broadcast_in_dim3A_5] : memref<128x8xf32, #tpu.memory_space<vmem>>[vector<16xi32>, vector<16xi32>], vector<16xf32>,
          %gather3A_362 = tpu.vector_load_idx %arg20[%add3A_343, %broadcast_in_dim3A_5] : memref<128x8xf32, #tpu.memory_space<vmem>>[vector<16xi32>, vector<16xi32>], vector<16xf32>,
          %add3A_363 = arith.addf %gather3A_361, %gather3A_362 : vector<16xf32>
          %mul3A_364 = arith.mulf %add3A_363, %div3A_352 : vector<16xf32>
          %get3A_365 = arith.index_cast %add3A_340 : i32 to index
          %get3A_366 = tpu.vector_load %arg11[%get3A_365] {strides = array<i32>} : memref<8192xf32, #tpu.memory_space<vmem>>, vector<16xf32>,
          %sub3A_367 = arith.subf %get3A_366, %mul3A_356 : vector<16xf32>
          %swap3A_368 = arith.index_cast %add3A_340 : i32 to index
          %swap3A_369 = tpu.vector_load %arg14[%swap3A_368] {strides = array<i32>} : memref<8192xf32, #tpu.memory_space<vmem>>, vector<16xf32>,
          tpu.vector_store %arg14[%swap3A_368], %sub3A_367 {strides = array<i32>} : memref<8192xf32, #tpu.memory_space<vmem>>, vector<16xf32>,
          %get3A_370 = arith.index_cast %add3A_340 : i32 to index
          %get3A_371 = tpu.vector_load %arg12[%get3A_370] {strides = array<i32>} : memref<8192xf32, #tpu.memory_space<vmem>>, vector<16xf32>,
          %sub3A_372 = arith.subf %get3A_371, %mul3A_360 : vector<16xf32>
          %swap3A_373 = arith.index_cast %add3A_340 : i32 to index
          %swap3A_374 = tpu.vector_load %arg15[%swap3A_373] {strides = array<i32>} : memref<8192xf32, #tpu.memory_space<vmem>>, vector<16xf32>,
          tpu.vector_store %arg15[%swap3A_373], %sub3A_372 {strides = array<i32>} : memref<8192xf32, #tpu.memory_space<vmem>>, vector<16xf32>,
          %get3A_375 = arith.index_cast %add3A_340 : i32 to index
          %get3A_376 = tpu.vector_load %arg13[%get3A_375] {strides = array<i32>} : memref<8192xf32, #tpu.memory_space<vmem>>, vector<16xf32>,
          %sub3A_377 = arith.subf %get3A_376, %mul3A_364 : vector<16xf32>
          %swap3A_378 = arith.index_cast %add3A_340 : i32 to index
          %swap3A_379 = tpu.vector_load %arg16[%swap3A_378] {strides = array<i32>} : memref<8192xf32, #tpu.memory_space<vmem>>, vector<16xf32>,
          tpu.vector_store %arg16[%swap3A_378], %sub3A_377 {strides = array<i32>} : memref<8192xf32, #tpu.memory_space<vmem>>, vector<16xf32>,
          %add3A_380 = arith.constant 64 : i32
          %add3A_381 = arith.addi %mul3A_218, %add3A_380 : i32
          %add3A_382 = arith.constant 64 : i32
          %add3A_383 = vector.broadcast %add3A_382 : i32 to vector<16xi32>
          %add3A_384 = arith.addi %iota3A, %add3A_383 : vector<16xi32>
          %gather3A_385 = tpu.vector_load_idx %arg19[%add3A_384, %broadcast_in_dim3A_7] : memref<128x8xf32, #tpu.memory_space<vmem>>[vector<16xi32>, vector<16xi32>], vector<16xf32>,
          %gather3A_386 = tpu.vector_load_idx %arg20[%add3A_384, %broadcast_in_dim3A_7] : memref<128x8xf32, #tpu.memory_space<vmem>>[vector<16xi32>, vector<16xi32>], vector<16xf32>,
          %add3A_387 = arith.addf %gather3A_385, %gather3A_386 : vector<16xf32>
          %max3A_388 = arith.constant 1.000000e+00 : f32
          %max3A_389 = vector.broadcast %max3A_388 : f32 to vector<16xf32>
          %max3A_390 = arith.maximumf %add3A_387, %max3A_389 : vector<16xf32>
          %div3A_391 = arith.constant 1.000000e+00 : f32
          %div3A_392 = vector.broadcast %div3A_391 : f32 to vector<16xf32>
          %div3A_393 = arith.divf %div3A_392, %max3A_390 : vector<16xf32>
          %gather3A_394 = tpu.vector_load_idx %arg19[%add3A_384, %broadcast_in_dim3A_1] : memref<128x8xf32, #tpu.memory_space<vmem>>[vector<16xi32>, vector<16xi32>], vector<16xf32>,
          %gather3A_395 = tpu.vector_load_idx %arg20[%add3A_384, %broadcast_in_dim3A_1] : memref<128x8xf32, #tpu.memory_space<vmem>>[vector<16xi32>, vector<16xi32>], vector<16xf32>,
          %add3A_396 = arith.addf %gather3A_394, %gather3A_395 : vector<16xf32>
          %mul3A_397 = arith.mulf %add3A_396, %div3A_393 : vector<16xf32>
          %gather3A_398 = tpu.vector_load_idx %arg19[%add3A_384, %broadcast_in_dim3A_3] : memref<128x8xf32, #tpu.memory_space<vmem>>[vector<16xi32>, vector<16xi32>], vector<16xf32>,
          %gather3A_399 = tpu.vector_load_idx %arg20[%add3A_384, %broadcast_in_dim3A_3] : memref<128x8xf32, #tpu.memory_space<vmem>>[vector<16xi32>, vector<16xi32>], vector<16xf32>,
          %add3A_400 = arith.addf %gather3A_398, %gather3A_399 : vector<16xf32>
          %mul3A_401 = arith.mulf %add3A_400, %div3A_393 : vector<16xf32>
          %gather3A_402 = tpu.vector_load_idx %arg19[%add3A_384, %broadcast_in_dim3A_5] : memref<128x8xf32, #tpu.memory_space<vmem>>[vector<16xi32>, vector<16xi32>], vector<16xf32>,
          %gather3A_403 = tpu.vector_load_idx %arg20[%add3A_384, %broadcast_in_dim3A_5] : memref<128x8xf32, #tpu.memory_space<vmem>>[vector<16xi32>, vector<16xi32>], vector<16xf32>,
          %add3A_404 = arith.addf %gather3A_402, %gather3A_403 : vector<16xf32>
          %mul3A_405 = arith.mulf %add3A_404, %div3A_393 : vector<16xf32>
          %get3A_406 = arith.index_cast %add3A_381 : i32 to index
          %get3A_407 = tpu.vector_load %arg11[%get3A_406] {strides = array<i32>} : memref<8192xf32, #tpu.memory_space<vmem>>, vector<16xf32>,
          %sub3A_408 = arith.subf %get3A_407, %mul3A_397 : vector<16xf32>
          %swap3A_409 = arith.index_cast %add3A_381 : i32 to index
          %swap3A_410 = tpu.vector_load %arg14[%swap3A_409] {strides = array<i32>} : memref<8192xf32, #tpu.memory_space<vmem>>, vector<16xf32>,
          tpu.vector_store %arg14[%swap3A_409], %sub3A_408 {strides = array<i32>} : memref<8192xf32, #tpu.memory_space<vmem>>, vector<16xf32>,
          %get3A_411 = arith.index_cast %add3A_381 : i32 to index
          %get3A_412 = tpu.vector_load %arg12[%get3A_411] {strides = array<i32>} : memref<8192xf32, #tpu.memory_space<vmem>>, vector<16xf32>,
          %sub3A_413 = arith.subf %get3A_412, %mul3A_401 : vector<16xf32>
          %swap3A_414 = arith.index_cast %add3A_381 : i32 to index
          %swap3A_415 = tpu.vector_load %arg15[%swap3A_414] {strides = array<i32>} : memref<8192xf32, #tpu.memory_space<vmem>>, vector<16xf32>,
          tpu.vector_store %arg15[%swap3A_414], %sub3A_413 {strides = array<i32>} : memref<8192xf32, #tpu.memory_space<vmem>>, vector<16xf32>,
          %get3A_416 = arith.index_cast %add3A_381 : i32 to index
          %get3A_417 = tpu.vector_load %arg13[%get3A_416] {strides = array<i32>} : memref<8192xf32, #tpu.memory_space<vmem>>, vector<16xf32>,
          %sub3A_418 = arith.subf %get3A_417, %mul3A_405 : vector<16xf32>
          %swap3A_419 = arith.index_cast %add3A_381 : i32 to index
          %swap3A_420 = tpu.vector_load %arg16[%swap3A_419] {strides = array<i32>} : memref<8192xf32, #tpu.memory_space<vmem>>, vector<16xf32>,
          tpu.vector_store %arg16[%swap3A_419], %sub3A_418 {strides = array<i32>} : memref<8192xf32, #tpu.memory_space<vmem>>, vector<16xf32>,
          %add3A_421 = arith.constant 80 : i32
          %add3A_422 = arith.addi %mul3A_218, %add3A_421 : i32
          %add3A_423 = arith.constant 80 : i32
          %add3A_424 = vector.broadcast %add3A_423 : i32 to vector<16xi32>
          %add3A_425 = arith.addi %iota3A, %add3A_424 : vector<16xi32>
          %gather3A_426 = tpu.vector_load_idx %arg19[%add3A_425, %broadcast_in_dim3A_7] : memref<128x8xf32, #tpu.memory_space<vmem>>[vector<16xi32>, vector<16xi32>], vector<16xf32>,
          %gather3A_427 = tpu.vector_load_idx %arg20[%add3A_425, %broadcast_in_dim3A_7] : memref<128x8xf32, #tpu.memory_space<vmem>>[vector<16xi32>, vector<16xi32>], vector<16xf32>,
          %add3A_428 = arith.addf %gather3A_426, %gather3A_427 : vector<16xf32>
          %max3A_429 = arith.constant 1.000000e+00 : f32
          %max3A_430 = vector.broadcast %max3A_429 : f32 to vector<16xf32>
          %max3A_431 = arith.maximumf %add3A_428, %max3A_430 : vector<16xf32>
          %div3A_432 = arith.constant 1.000000e+00 : f32
          %div3A_433 = vector.broadcast %div3A_432 : f32 to vector<16xf32>
          %div3A_434 = arith.divf %div3A_433, %max3A_431 : vector<16xf32>
          %gather3A_435 = tpu.vector_load_idx %arg19[%add3A_425, %broadcast_in_dim3A_1] : memref<128x8xf32, #tpu.memory_space<vmem>>[vector<16xi32>, vector<16xi32>], vector<16xf32>,
          %gather3A_436 = tpu.vector_load_idx %arg20[%add3A_425, %broadcast_in_dim3A_1] : memref<128x8xf32, #tpu.memory_space<vmem>>[vector<16xi32>, vector<16xi32>], vector<16xf32>,
          %add3A_437 = arith.addf %gather3A_435, %gather3A_436 : vector<16xf32>
          %mul3A_438 = arith.mulf %add3A_437, %div3A_434 : vector<16xf32>
          %gather3A_439 = tpu.vector_load_idx %arg19[%add3A_425, %broadcast_in_dim3A_3] : memref<128x8xf32, #tpu.memory_space<vmem>>[vector<16xi32>, vector<16xi32>], vector<16xf32>,
          %gather3A_440 = tpu.vector_load_idx %arg20[%add3A_425, %broadcast_in_dim3A_3] : memref<128x8xf32, #tpu.memory_space<vmem>>[vector<16xi32>, vector<16xi32>], vector<16xf32>,
          %add3A_441 = arith.addf %gather3A_439, %gather3A_440 : vector<16xf32>
          %mul3A_442 = arith.mulf %add3A_441, %div3A_434 : vector<16xf32>
          %gather3A_443 = tpu.vector_load_idx %arg19[%add3A_425, %broadcast_in_dim3A_5] : memref<128x8xf32, #tpu.memory_space<vmem>>[vector<16xi32>, vector<16xi32>], vector<16xf32>,
          %gather3A_444 = tpu.vector_load_idx %arg20[%add3A_425, %broadcast_in_dim3A_5] : memref<128x8xf32, #tpu.memory_space<vmem>>[vector<16xi32>, vector<16xi32>], vector<16xf32>,
          %add3A_445 = arith.addf %gather3A_443, %gather3A_444 : vector<16xf32>
          %mul3A_446 = arith.mulf %add3A_445, %div3A_434 : vector<16xf32>
          %get3A_447 = arith.index_cast %add3A_422 : i32 to index
          %get3A_448 = tpu.vector_load %arg11[%get3A_447] {strides = array<i32>} : memref<8192xf32, #tpu.memory_space<vmem>>, vector<16xf32>,
          %sub3A_449 = arith.subf %get3A_448, %mul3A_438 : vector<16xf32>
          %swap3A_450 = arith.index_cast %add3A_422 : i32 to index
          %swap3A_451 = tpu.vector_load %arg14[%swap3A_450] {strides = array<i32>} : memref<8192xf32, #tpu.memory_space<vmem>>, vector<16xf32>,
          tpu.vector_store %arg14[%swap3A_450], %sub3A_449 {strides = array<i32>} : memref<8192xf32, #tpu.memory_space<vmem>>, vector<16xf32>,
          %get3A_452 = arith.index_cast %add3A_422 : i32 to index
          %get3A_453 = tpu.vector_load %arg12[%get3A_452] {strides = array<i32>} : memref<8192xf32, #tpu.memory_space<vmem>>, vector<16xf32>,
          %sub3A_454 = arith.subf %get3A_453, %mul3A_442 : vector<16xf32>
          %swap3A_455 = arith.index_cast %add3A_422 : i32 to index
          %swap3A_456 = tpu.vector_load %arg15[%swap3A_455] {strides = array<i32>} : memref<8192xf32, #tpu.memory_space<vmem>>, vector<16xf32>,
          tpu.vector_store %arg15[%swap3A_455], %sub3A_454 {strides = array<i32>} : memref<8192xf32, #tpu.memory_space<vmem>>, vector<16xf32>,
          %get3A_457 = arith.index_cast %add3A_422 : i32 to index
          %get3A_458 = tpu.vector_load %arg13[%get3A_457] {strides = array<i32>} : memref<8192xf32, #tpu.memory_space<vmem>>, vector<16xf32>,
          %sub3A_459 = arith.subf %get3A_458, %mul3A_446 : vector<16xf32>
          %swap3A_460 = arith.index_cast %add3A_422 : i32 to index
          %swap3A_461 = tpu.vector_load %arg16[%swap3A_460] {strides = array<i32>} : memref<8192xf32, #tpu.memory_space<vmem>>, vector<16xf32>,
          tpu.vector_store %arg16[%swap3A_460], %sub3A_459 {strides = array<i32>} : memref<8192xf32, #tpu.memory_space<vmem>>, vector<16xf32>,
          %add3A_462 = arith.constant 96 : i32
          %add3A_463 = arith.addi %mul3A_218, %add3A_462 : i32
          %add3A_464 = arith.constant 96 : i32
          %add3A_465 = vector.broadcast %add3A_464 : i32 to vector<16xi32>
          %add3A_466 = arith.addi %iota3A, %add3A_465 : vector<16xi32>
          %gather3A_467 = tpu.vector_load_idx %arg19[%add3A_466, %broadcast_in_dim3A_7] : memref<128x8xf32, #tpu.memory_space<vmem>>[vector<16xi32>, vector<16xi32>], vector<16xf32>,
          %gather3A_468 = tpu.vector_load_idx %arg20[%add3A_466, %broadcast_in_dim3A_7] : memref<128x8xf32, #tpu.memory_space<vmem>>[vector<16xi32>, vector<16xi32>], vector<16xf32>,
          %add3A_469 = arith.addf %gather3A_467, %gather3A_468 : vector<16xf32>
          %max3A_470 = arith.constant 1.000000e+00 : f32
          %max3A_471 = vector.broadcast %max3A_470 : f32 to vector<16xf32>
          %max3A_472 = arith.maximumf %add3A_469, %max3A_471 : vector<16xf32>
          %div3A_473 = arith.constant 1.000000e+00 : f32
          %div3A_474 = vector.broadcast %div3A_473 : f32 to vector<16xf32>
          %div3A_475 = arith.divf %div3A_474, %max3A_472 : vector<16xf32>
          %gather3A_476 = tpu.vector_load_idx %arg19[%add3A_466, %broadcast_in_dim3A_1] : memref<128x8xf32, #tpu.memory_space<vmem>>[vector<16xi32>, vector<16xi32>], vector<16xf32>,
          %gather3A_477 = tpu.vector_load_idx %arg20[%add3A_466, %broadcast_in_dim3A_1] : memref<128x8xf32, #tpu.memory_space<vmem>>[vector<16xi32>, vector<16xi32>], vector<16xf32>,
          %add3A_478 = arith.addf %gather3A_476, %gather3A_477 : vector<16xf32>
          %mul3A_479 = arith.mulf %add3A_478, %div3A_475 : vector<16xf32>
          %gather3A_480 = tpu.vector_load_idx %arg19[%add3A_466, %broadcast_in_dim3A_3] : memref<128x8xf32, #tpu.memory_space<vmem>>[vector<16xi32>, vector<16xi32>], vector<16xf32>,
          %gather3A_481 = tpu.vector_load_idx %arg20[%add3A_466, %broadcast_in_dim3A_3] : memref<128x8xf32, #tpu.memory_space<vmem>>[vector<16xi32>, vector<16xi32>], vector<16xf32>,
          %add3A_482 = arith.addf %gather3A_480, %gather3A_481 : vector<16xf32>
          %mul3A_483 = arith.mulf %add3A_482, %div3A_475 : vector<16xf32>
          %gather3A_484 = tpu.vector_load_idx %arg19[%add3A_466, %broadcast_in_dim3A_5] : memref<128x8xf32, #tpu.memory_space<vmem>>[vector<16xi32>, vector<16xi32>], vector<16xf32>,
          %gather3A_485 = tpu.vector_load_idx %arg20[%add3A_466, %broadcast_in_dim3A_5] : memref<128x8xf32, #tpu.memory_space<vmem>>[vector<16xi32>, vector<16xi32>], vector<16xf32>,
          %add3A_486 = arith.addf %gather3A_484, %gather3A_485 : vector<16xf32>
          %mul3A_487 = arith.mulf %add3A_486, %div3A_475 : vector<16xf32>
          %get3A_488 = arith.index_cast %add3A_463 : i32 to index
          %get3A_489 = tpu.vector_load %arg11[%get3A_488] {strides = array<i32>} : memref<8192xf32, #tpu.memory_space<vmem>>, vector<16xf32>,
          %sub3A_490 = arith.subf %get3A_489, %mul3A_479 : vector<16xf32>
          %swap3A_491 = arith.index_cast %add3A_463 : i32 to index
          %swap3A_492 = tpu.vector_load %arg14[%swap3A_491] {strides = array<i32>} : memref<8192xf32, #tpu.memory_space<vmem>>, vector<16xf32>,
          tpu.vector_store %arg14[%swap3A_491], %sub3A_490 {strides = array<i32>} : memref<8192xf32, #tpu.memory_space<vmem>>, vector<16xf32>,
          %get3A_493 = arith.index_cast %add3A_463 : i32 to index
          %get3A_494 = tpu.vector_load %arg12[%get3A_493] {strides = array<i32>} : memref<8192xf32, #tpu.memory_space<vmem>>, vector<16xf32>,
          %sub3A_495 = arith.subf %get3A_494, %mul3A_483 : vector<16xf32>
          %swap3A_496 = arith.index_cast %add3A_463 : i32 to index
          %swap3A_497 = tpu.vector_load %arg15[%swap3A_496] {strides = array<i32>} : memref<8192xf32, #tpu.memory_space<vmem>>, vector<16xf32>,
          tpu.vector_store %arg15[%swap3A_496], %sub3A_495 {strides = array<i32>} : memref<8192xf32, #tpu.memory_space<vmem>>, vector<16xf32>,
          %get3A_498 = arith.index_cast %add3A_463 : i32 to index
          %get3A_499 = tpu.vector_load %arg13[%get3A_498] {strides = array<i32>} : memref<8192xf32, #tpu.memory_space<vmem>>, vector<16xf32>,
          %sub3A_500 = arith.subf %get3A_499, %mul3A_487 : vector<16xf32>
          %swap3A_501 = arith.index_cast %add3A_463 : i32 to index
          %swap3A_502 = tpu.vector_load %arg16[%swap3A_501] {strides = array<i32>} : memref<8192xf32, #tpu.memory_space<vmem>>, vector<16xf32>,
          tpu.vector_store %arg16[%swap3A_501], %sub3A_500 {strides = array<i32>} : memref<8192xf32, #tpu.memory_space<vmem>>, vector<16xf32>,
          %add3A_503 = arith.constant 112 : i32
          %add3A_504 = arith.addi %mul3A_218, %add3A_503 : i32
          %add3A_505 = arith.constant 112 : i32
          %add3A_506 = vector.broadcast %add3A_505 : i32 to vector<16xi32>
          %add3A_507 = arith.addi %iota3A, %add3A_506 : vector<16xi32>
          %gather3A_508 = tpu.vector_load_idx %arg19[%add3A_507, %broadcast_in_dim3A_7] : memref<128x8xf32, #tpu.memory_space<vmem>>[vector<16xi32>, vector<16xi32>], vector<16xf32>,
          %gather3A_509 = tpu.vector_load_idx %arg20[%add3A_507, %broadcast_in_dim3A_7] : memref<128x8xf32, #tpu.memory_space<vmem>>[vector<16xi32>, vector<16xi32>], vector<16xf32>,
          %add3A_510 = arith.addf %gather3A_508, %gather3A_509 : vector<16xf32>
          %max3A_511 = arith.constant 1.000000e+00 : f32
          %max3A_512 = vector.broadcast %max3A_511 : f32 to vector<16xf32>
          %max3A_513 = arith.maximumf %add3A_510, %max3A_512 : vector<16xf32>
          %div3A_514 = arith.constant 1.000000e+00 : f32
          %div3A_515 = vector.broadcast %div3A_514 : f32 to vector<16xf32>
          %div3A_516 = arith.divf %div3A_515, %max3A_513 : vector<16xf32>
          %gather3A_517 = tpu.vector_load_idx %arg19[%add3A_507, %broadcast_in_dim3A_1] : memref<128x8xf32, #tpu.memory_space<vmem>>[vector<16xi32>, vector<16xi32>], vector<16xf32>,
          %gather3A_518 = tpu.vector_load_idx %arg20[%add3A_507, %broadcast_in_dim3A_1] : memref<128x8xf32, #tpu.memory_space<vmem>>[vector<16xi32>, vector<16xi32>], vector<16xf32>,
          %add3A_519 = arith.addf %gather3A_517, %gather3A_518 : vector<16xf32>
          %mul3A_520 = arith.mulf %add3A_519, %div3A_516 : vector<16xf32>
          %gather3A_521 = tpu.vector_load_idx %arg19[%add3A_507, %broadcast_in_dim3A_3] : memref<128x8xf32, #tpu.memory_space<vmem>>[vector<16xi32>, vector<16xi32>], vector<16xf32>,
          %gather3A_522 = tpu.vector_load_idx %arg20[%add3A_507, %broadcast_in_dim3A_3] : memref<128x8xf32, #tpu.memory_space<vmem>>[vector<16xi32>, vector<16xi32>], vector<16xf32>,
          %add3A_523 = arith.addf %gather3A_521, %gather3A_522 : vector<16xf32>
          %mul3A_524 = arith.mulf %add3A_523, %div3A_516 : vector<16xf32>
          %gather3A_525 = tpu.vector_load_idx %arg19[%add3A_507, %broadcast_in_dim3A_5] : memref<128x8xf32, #tpu.memory_space<vmem>>[vector<16xi32>, vector<16xi32>], vector<16xf32>,
          %gather3A_526 = tpu.vector_load_idx %arg20[%add3A_507, %broadcast_in_dim3A_5] : memref<128x8xf32, #tpu.memory_space<vmem>>[vector<16xi32>, vector<16xi32>], vector<16xf32>,
          %add3A_527 = arith.addf %gather3A_525, %gather3A_526 : vector<16xf32>
          %mul3A_528 = arith.mulf %add3A_527, %div3A_516 : vector<16xf32>
          %get3A_529 = arith.index_cast %add3A_504 : i32 to index
          %get3A_530 = tpu.vector_load %arg11[%get3A_529] {strides = array<i32>} : memref<8192xf32, #tpu.memory_space<vmem>>, vector<16xf32>,
          %sub3A_531 = arith.subf %get3A_530, %mul3A_520 : vector<16xf32>
          %swap3A_532 = arith.index_cast %add3A_504 : i32 to index
          %swap3A_533 = tpu.vector_load %arg14[%swap3A_532] {strides = array<i32>} : memref<8192xf32, #tpu.memory_space<vmem>>, vector<16xf32>,
          tpu.vector_store %arg14[%swap3A_532], %sub3A_531 {strides = array<i32>} : memref<8192xf32, #tpu.memory_space<vmem>>, vector<16xf32>,
          %get3A_534 = arith.index_cast %add3A_504 : i32 to index
          %get3A_535 = tpu.vector_load %arg12[%get3A_534] {strides = array<i32>} : memref<8192xf32, #tpu.memory_space<vmem>>, vector<16xf32>,
          %sub3A_536 = arith.subf %get3A_535, %mul3A_524 : vector<16xf32>
          %swap3A_537 = arith.index_cast %add3A_504 : i32 to index
          %swap3A_538 = tpu.vector_load %arg15[%swap3A_537] {strides = array<i32>} : memref<8192xf32, #tpu.memory_space<vmem>>, vector<16xf32>,
          tpu.vector_store %arg15[%swap3A_537], %sub3A_536 {strides = array<i32>} : memref<8192xf32, #tpu.memory_space<vmem>>, vector<16xf32>,
          %get3A_539 = arith.index_cast %add3A_504 : i32 to index
          %get3A_540 = tpu.vector_load %arg13[%get3A_539] {strides = array<i32>} : memref<8192xf32, #tpu.memory_space<vmem>>, vector<16xf32>,
          %sub3A_541 = arith.subf %get3A_540, %mul3A_528 : vector<16xf32>
          %swap3A_542 = arith.index_cast %add3A_504 : i32 to index
          %swap3A_543 = tpu.vector_load %arg16[%swap3A_542] {strides = array<i32>} : memref<8192xf32, #tpu.memory_space<vmem>>, vector<16xf32>,
          tpu.vector_store %arg16[%swap3A_542], %sub3A_541 {strides = array<i32>} : memref<8192xf32, #tpu.memory_space<vmem>>, vector<16xf32>,
          %scan3A_544 = arith.constant 0 : i32
          scf.yield %scan3A_544 : i32
        }
        %scan3A_168 = arith.constant 64 : i32
      } else {
      }
      "tpu.region"() ({
        %run_scoped3A = tpu.sem_alloc : memref<!tpu.dma_semaphore, #tpu.memory_space<semaphore_mem>>
        %dma_start3A = tpu.memref_slice %arg7[%mul3A_137] : memref<3200000xf32, #tpu.memory_space<hbm>> -> memref<8192xf32, #tpu.memory_space<hbm>>
        %dma_start3A_163 = tpu.memref_slice %arg7[%mul3A_137] : memref<3200000xf32, #tpu.memory_space<hbm>> -> memref<8192xf32, #tpu.memory_space<hbm>>
        tpu.enqueue_dma source(%arg14 : memref<8192xf32, #tpu.memory_space<vmem>>) target(%dma_start3A_163 : memref<8192xf32, #tpu.memory_space<hbm>>) target_semaphore(%run_scoped3A : memref<!tpu.dma_semaphore, #tpu.memory_space<semaphore_mem>>)
        %dma_wait3A = tpu.memref_slice %arg7[%mul3A_137] : memref<3200000xf32, #tpu.memory_space<hbm>> -> memref<8192xf32, #tpu.memory_space<hbm>>
        %dma_wait3A_164 = tpu.memref_slice %arg7[%mul3A_137] : memref<3200000xf32, #tpu.memory_space<hbm>> -> memref<8192xf32, #tpu.memory_space<hbm>>
        tpu.wait_dma2 semaphore(%run_scoped3A : memref<!tpu.dma_semaphore, #tpu.memory_space<semaphore_mem>>) src(%arg14 : memref<8192xf32, #tpu.memory_space<vmem>>) dst(%dma_wait3A_164 : memref<8192xf32, #tpu.memory_space<hbm>>)
        tpu.yield
      }) : () -> ()
      "tpu.region"() ({
        %run_scoped3A = tpu.sem_alloc : memref<!tpu.dma_semaphore, #tpu.memory_space<semaphore_mem>>
        %dma_start3A = tpu.memref_slice %arg8[%mul3A_137] : memref<3200000xf32, #tpu.memory_space<hbm>> -> memref<8192xf32, #tpu.memory_space<hbm>>
        %dma_start3A_163 = tpu.memref_slice %arg8[%mul3A_137] : memref<3200000xf32, #tpu.memory_space<hbm>> -> memref<8192xf32, #tpu.memory_space<hbm>>
        tpu.enqueue_dma source(%arg15 : memref<8192xf32, #tpu.memory_space<vmem>>) target(%dma_start3A_163 : memref<8192xf32, #tpu.memory_space<hbm>>) target_semaphore(%run_scoped3A : memref<!tpu.dma_semaphore, #tpu.memory_space<semaphore_mem>>)
        %dma_wait3A = tpu.memref_slice %arg8[%mul3A_137] : memref<3200000xf32, #tpu.memory_space<hbm>> -> memref<8192xf32, #tpu.memory_space<hbm>>
        %dma_wait3A_164 = tpu.memref_slice %arg8[%mul3A_137] : memref<3200000xf32, #tpu.memory_space<hbm>> -> memref<8192xf32, #tpu.memory_space<hbm>>
        tpu.wait_dma2 semaphore(%run_scoped3A : memref<!tpu.dma_semaphore, #tpu.memory_space<semaphore_mem>>) src(%arg15 : memref<8192xf32, #tpu.memory_space<vmem>>) dst(%dma_wait3A_164 : memref<8192xf32, #tpu.memory_space<hbm>>)
        tpu.yield
      }) : () -> ()
      "tpu.region"() ({
        %run_scoped3A = tpu.sem_alloc : memref<!tpu.dma_semaphore, #tpu.memory_space<semaphore_mem>>
        %dma_start3A = tpu.memref_slice %arg9[%mul3A_137] : memref<3200000xf32, #tpu.memory_space<hbm>> -> memref<8192xf32, #tpu.memory_space<hbm>>
        %dma_start3A_163 = tpu.memref_slice %arg9[%mul3A_137] : memref<3200000xf32, #tpu.memory_space<hbm>> -> memref<8192xf32, #tpu.memory_space<hbm>>
        tpu.enqueue_dma source(%arg16 : memref<8192xf32, #tpu.memory_space<vmem>>) target(%dma_start3A_163 : memref<8192xf32, #tpu.memory_space<hbm>>) target_semaphore(%run_scoped3A : memref<!tpu.dma_semaphore, #tpu.memory_space<semaphore_mem>>)
        %dma_wait3A = tpu.memref_slice %arg9[%mul3A_137] : memref<3200000xf32, #tpu.memory_space<hbm>> -> memref<8192xf32, #tpu.memory_space<hbm>>
        %dma_wait3A_164 = tpu.memref_slice %arg9[%mul3A_137] : memref<3200000xf32, #tpu.memory_space<hbm>> -> memref<8192xf32, #tpu.memory_space<hbm>>
        tpu.wait_dma2 semaphore(%run_scoped3A : memref<!tpu.dma_semaphore, #tpu.memory_space<semaphore_mem>>) src(%arg16 : memref<8192xf32, #tpu.memory_space<vmem>>) dst(%dma_wait3A_164 : memref<8192xf32, #tpu.memory_space<hbm>>)
        tpu.yield
      }) : () -> ()
      %while3A_162 = arith.constant 0 : i32
      scf.yield %while3A_162 : i32
    }
    %while3A_127 = arith.constant 1 : i32
    %while3A_128 = scf.for %while3A_129 = %while3A_124 to %while3A_120 step %while3A_127 iter_args(%while3A_130 = %while3A_126) -> (i32)  : i32 {
      %mul3A_131 = arith.constant 64 : i32
      %mul3A_132 = arith.muli %while3A_129, %mul3A_131 : i32
      %add3A_133 = arith.addi %select_n3A_60, %mul3A_132 : i32
      %sub3A_134 = arith.constant 64 : i32
      %sub3A_135 = arith.subi %select_n3A_88, %sub3A_134 : i32
      %min3A = arith.minsi %add3A_133, %sub3A_135 : i32
      %mul3A_136 = arith.constant 128 : i32
      %mul3A_137 = arith.muli %min3A, %mul3A_136 : i32
      "tpu.region"() ({
        %run_scoped3A = tpu.sem_alloc : memref<!tpu.dma_semaphore, #tpu.memory_space<semaphore_mem>>
        %dma_start3A = arith.constant 0 : i32
        %dma_start3A_163 = arith.constant 0 : i32
        %dma_start3A_164 = tpu.memref_slice %arg5[%min3A, %dma_start3A, %dma_start3A_163] : memref<25000x1x128xi32, #tpu.memory_space<hbm>> -> memref<64x1x128xi32, #tpu.memory_space<hbm>>
        %dma_start3A_165 = arith.constant 0 : i32
        %dma_start3A_166 = arith.constant 0 : i32
        %dma_start3A_167 = tpu.memref_slice %arg5[%min3A, %dma_start3A_165, %dma_start3A_166] : memref<25000x1x128xi32, #tpu.memory_space<hbm>> -> memref<64x1x128xi32, #tpu.memory_space<hbm>>
        tpu.enqueue_dma source(%dma_start3A_167 : memref<64x1x128xi32, #tpu.memory_space<hbm>>) target(%arg10 : memref<64x1x128xi32, #tpu.memory_space<vmem>>) target_semaphore(%run_scoped3A : memref<!tpu.dma_semaphore, #tpu.memory_space<semaphore_mem>>)
        %dma_wait3A = arith.constant 0 : i32
        %dma_wait3A_168 = arith.constant 0 : i32
        %dma_wait3A_169 = tpu.memref_slice %arg5[%min3A, %dma_wait3A, %dma_wait3A_168] : memref<25000x1x128xi32, #tpu.memory_space<hbm>> -> memref<64x1x128xi32, #tpu.memory_space<hbm>>
        %dma_wait3A_170 = arith.constant 0 : i32
        %dma_wait3A_171 = arith.constant 0 : i32
        %dma_wait3A_172 = tpu.memref_slice %arg5[%min3A, %dma_wait3A_170, %dma_wait3A_171] : memref<25000x1x128xi32, #tpu.memory_space<hbm>> -> memref<64x1x128xi32, #tpu.memory_space<hbm>>
        tpu.wait_dma2 semaphore(%run_scoped3A : memref<!tpu.dma_semaphore, #tpu.memory_space<semaphore_mem>>) src(%dma_wait3A_172 : memref<64x1x128xi32, #tpu.memory_space<hbm>>) dst(%arg10 : memref<64x1x128xi32, #tpu.memory_space<vmem>>)
        tpu.yield
      }) : () -> ()
      "tpu.region"() ({
        %run_scoped3A = tpu.sem_alloc : memref<!tpu.dma_semaphore, #tpu.memory_space<semaphore_mem>>
        %dma_start3A = tpu.memref_slice %arg2[%mul3A_137] : memref<3200000xf32, #tpu.memory_space<hbm>> -> memref<8192xf32, #tpu.memory_space<hbm>>
        %dma_start3A_163 = tpu.memref_slice %arg2[%mul3A_137] : memref<3200000xf32, #tpu.memory_space<hbm>> -> memref<8192xf32, #tpu.memory_space<hbm>>
        tpu.enqueue_dma source(%dma_start3A_163 : memref<8192xf32, #tpu.memory_space<hbm>>) target(%arg11 : memref<8192xf32, #tpu.memory_space<vmem>>) target_semaphore(%run_scoped3A : memref<!tpu.dma_semaphore, #tpu.memory_space<semaphore_mem>>)
        %dma_wait3A = tpu.memref_slice %arg2[%mul3A_137] : memref<3200000xf32, #tpu.memory_space<hbm>> -> memref<8192xf32, #tpu.memory_space<hbm>>
        %dma_wait3A_164 = tpu.memref_slice %arg2[%mul3A_137] : memref<3200000xf32, #tpu.memory_space<hbm>> -> memref<8192xf32, #tpu.memory_space<hbm>>
        tpu.wait_dma2 semaphore(%run_scoped3A : memref<!tpu.dma_semaphore, #tpu.memory_space<semaphore_mem>>) src(%dma_wait3A_164 : memref<8192xf32, #tpu.memory_space<hbm>>) dst(%arg11 : memref<8192xf32, #tpu.memory_space<vmem>>)
        tpu.yield
      }) : () -> ()
      "tpu.region"() ({
        %run_scoped3A = tpu.sem_alloc : memref<!tpu.dma_semaphore, #tpu.memory_space<semaphore_mem>>
        %dma_start3A = tpu.memref_slice %arg3[%mul3A_137] : memref<3200000xf32, #tpu.memory_space<hbm>> -> memref<8192xf32, #tpu.memory_space<hbm>>
        %dma_start3A_163 = tpu.memref_slice %arg3[%mul3A_137] : memref<3200000xf32, #tpu.memory_space<hbm>> -> memref<8192xf32, #tpu.memory_space<hbm>>
        tpu.enqueue_dma source(%dma_start3A_163 : memref<8192xf32, #tpu.memory_space<hbm>>) target(%arg12 : memref<8192xf32, #tpu.memory_space<vmem>>) target_semaphore(%run_scoped3A : memref<!tpu.dma_semaphore, #tpu.memory_space<semaphore_mem>>)
        %dma_wait3A = tpu.memref_slice %arg3[%mul3A_137] : memref<3200000xf32, #tpu.memory_space<hbm>> -> memref<8192xf32, #tpu.memory_space<hbm>>
        %dma_wait3A_164 = tpu.memref_slice %arg3[%mul3A_137] : memref<3200000xf32, #tpu.memory_space<hbm>> -> memref<8192xf32, #tpu.memory_space<hbm>>
        tpu.wait_dma2 semaphore(%run_scoped3A : memref<!tpu.dma_semaphore, #tpu.memory_space<semaphore_mem>>) src(%dma_wait3A_164 : memref<8192xf32, #tpu.memory_space<hbm>>) dst(%arg12 : memref<8192xf32, #tpu.memory_space<vmem>>)
        tpu.yield
      }) : () -> ()
      "tpu.region"() ({
        %run_scoped3A = tpu.sem_alloc : memref<!tpu.dma_semaphore, #tpu.memory_space<semaphore_mem>>
        %dma_start3A = tpu.memref_slice %arg4[%mul3A_137] : memref<3200000xf32, #tpu.memory_space<hbm>> -> memref<8192xf32, #tpu.memory_space<hbm>>
        %dma_start3A_163 = tpu.memref_slice %arg4[%mul3A_137] : memref<3200000xf32, #tpu.memory_space<hbm>> -> memref<8192xf32, #tpu.memory_space<hbm>>
        tpu.enqueue_dma source(%dma_start3A_163 : memref<8192xf32, #tpu.memory_space<hbm>>) target(%arg13 : memref<8192xf32, #tpu.memory_space<vmem>>) target_semaphore(%run_scoped3A : memref<!tpu.dma_semaphore, #tpu.memory_space<semaphore_mem>>)
        %dma_wait3A = tpu.memref_slice %arg4[%mul3A_137] : memref<3200000xf32, #tpu.memory_space<hbm>> -> memref<8192xf32, #tpu.memory_space<hbm>>
        %dma_wait3A_164 = tpu.memref_slice %arg4[%mul3A_137] : memref<3200000xf32, #tpu.memory_space<hbm>> -> memref<8192xf32, #tpu.memory_space<hbm>>
        tpu.wait_dma2 semaphore(%run_scoped3A : memref<!tpu.dma_semaphore, #tpu.memory_space<semaphore_mem>>) src(%dma_wait3A_164 : memref<8192xf32, #tpu.memory_space<hbm>>) dst(%arg13 : memref<8192xf32, #tpu.memory_space<vmem>>)
        tpu.yield
      }) : () -> ()
      %get3A = arith.constant 0 : i32
      %get3A_138 = arith.constant 0 : i32
      %get3A_139 = arith.index_cast %get3A : i32 to index
      %get3A_140 = arith.index_cast %get3A_138 : i32 to index
      %get3A_141 = arith.constant 0 : index
      %get3A_142 = tpu.vector_load %arg10[%get3A_139, %get3A_140, %get3A_141] {strides = array<i32>} : memref<64x1x128xi32, #tpu.memory_space<vmem>>, vector<16xi32>,
      %slice3A = vector.extract_strided_slice %get3A_142 {offsets = [0], sizes = [1], strides = [1]} : vector<16xi32> to vector<1xi32>
      %squeeze3A = vector.extract %slice3A[0] : i32 from vector<1xi32>
      %min3A_143 = arith.constant 98304 : i32
      %min3A_144 = arith.minsi %squeeze3A, %min3A_143 : i32
      %get3A_145 = arith.constant 63 : i32
      %get3A_146 = arith.constant 0 : i32
      %get3A_147 = arith.index_cast %get3A_145 : i32 to index
      %get3A_148 = arith.index_cast %get3A_146 : i32 to index
      %get3A_149 = arith.constant 112 : index
      %get3A_150 = tpu.vector_load %arg10[%get3A_147, %get3A_148, %get3A_149] {strides = array<i32>} : memref<64x1x128xi32, #tpu.memory_space<vmem>>, vector<16xi32>,
      %slice3A_151 = vector.extract_strided_slice %get3A_150 {offsets = [15], sizes = [1], strides = [1]} : vector<16xi32> to vector<1xi32>
      %squeeze3A_152 = vector.extract %slice3A_151[0] : i32 from vector<1xi32>
      %sub3A_153 = arith.subi %squeeze3A_152, %min3A_144 : i32
      %add3A_154 = arith.constant 1 : i32
      %add3A_155 = arith.addi %sub3A_153, %add3A_154 : i32
      %le3A = arith.constant 2048 : i32
      %le3A_156 = arith.cmpi sle, %add3A_155, %le3A : i32
      %convert_element_type3A = arith.extui %le3A_156 : i1 to i32
      %cond3A = arith.constant 0 : i32
      %cond3A_157 = arith.cmpi ne, %convert_element_type3A, %cond3A : i32
      scf.if %cond3A_157 {
        %run_scoped3A = arith.constant 0 : i32
        "tpu.region"() ({
          %run_scoped3A_208 = tpu.sem_alloc : memref<!tpu.dma_semaphore, #tpu.memory_space<semaphore_mem>>
          %dma_start3A = arith.constant 0 : i32
          %dma_start3A_209 = tpu.memref_slice %arg6[%run_scoped3A, %min3A_144, %dma_start3A] : memref<2x100352x8xf32, #tpu.memory_space<hbm>> -> memref<1x2048x8xf32, #tpu.memory_space<hbm>>
          %dma_start3A_210 = tpu.memref_squeeze %dma_start3A_209 : memref<1x2048x8xf32, #tpu.memory_space<hbm>> -> memref<2048x8xf32, #tpu.memory_space<hbm>>
          %dma_start3A_211 = arith.constant 0 : i32
          %dma_start3A_212 = tpu.memref_slice %arg6[%run_scoped3A, %min3A_144, %dma_start3A_211] : memref<2x100352x8xf32, #tpu.memory_space<hbm>> -> memref<1x2048x8xf32, #tpu.memory_space<hbm>>
          %dma_start3A_213 = tpu.memref_squeeze %dma_start3A_212 : memref<1x2048x8xf32, #tpu.memory_space<hbm>> -> memref<2048x8xf32, #tpu.memory_space<hbm>>
          tpu.enqueue_dma source(%dma_start3A_213 : memref<2048x8xf32, #tpu.memory_space<hbm>>) target(%arg17 : memref<2048x8xf32, #tpu.memory_space<vmem>>) target_semaphore(%run_scoped3A_208 : memref<!tpu.dma_semaphore, #tpu.memory_space<semaphore_mem>>)
          %dma_wait3A = arith.constant 0 : i32
          %dma_wait3A_214 = tpu.memref_slice %arg6[%run_scoped3A, %min3A_144, %dma_wait3A] : memref<2x100352x8xf32, #tpu.memory_space<hbm>> -> memref<1x2048x8xf32, #tpu.memory_space<hbm>>
          %dma_wait3A_215 = tpu.memref_squeeze %dma_wait3A_214 : memref<1x2048x8xf32, #tpu.memory_space<hbm>> -> memref<2048x8xf32, #tpu.memory_space<hbm>>
          %dma_wait3A_216 = arith.constant 0 : i32
          %dma_wait3A_217 = tpu.memref_slice %arg6[%run_scoped3A, %min3A_144, %dma_wait3A_216] : memref<2x100352x8xf32, #tpu.memory_space<hbm>> -> memref<1x2048x8xf32, #tpu.memory_space<hbm>>
          %dma_wait3A_218 = tpu.memref_squeeze %dma_wait3A_217 : memref<1x2048x8xf32, #tpu.memory_space<hbm>> -> memref<2048x8xf32, #tpu.memory_space<hbm>>
          tpu.wait_dma2 semaphore(%run_scoped3A_208 : memref<!tpu.dma_semaphore, #tpu.memory_space<semaphore_mem>>) src(%dma_wait3A_218 : memref<2048x8xf32, #tpu.memory_space<hbm>>) dst(%arg17 : memref<2048x8xf32, #tpu.memory_space<vmem>>)
          tpu.yield
        }) : () -> ()
        %run_scoped3A_163 = arith.constant 1 : i32
        "tpu.region"() ({
          %run_scoped3A_208 = tpu.sem_alloc : memref<!tpu.dma_semaphore, #tpu.memory_space<semaphore_mem>>
          %dma_start3A = arith.constant 0 : i32
          %dma_start3A_209 = tpu.memref_slice %arg6[%run_scoped3A_163, %min3A_144, %dma_start3A] : memref<2x100352x8xf32, #tpu.memory_space<hbm>> -> memref<1x2048x8xf32, #tpu.memory_space<hbm>>
          %dma_start3A_210 = tpu.memref_squeeze %dma_start3A_209 : memref<1x2048x8xf32, #tpu.memory_space<hbm>> -> memref<2048x8xf32, #tpu.memory_space<hbm>>
          %dma_start3A_211 = arith.constant 0 : i32
          %dma_start3A_212 = tpu.memref_slice %arg6[%run_scoped3A_163, %min3A_144, %dma_start3A_211] : memref<2x100352x8xf32, #tpu.memory_space<hbm>> -> memref<1x2048x8xf32, #tpu.memory_space<hbm>>
          %dma_start3A_213 = tpu.memref_squeeze %dma_start3A_212 : memref<1x2048x8xf32, #tpu.memory_space<hbm>> -> memref<2048x8xf32, #tpu.memory_space<hbm>>
          tpu.enqueue_dma source(%dma_start3A_213 : memref<2048x8xf32, #tpu.memory_space<hbm>>) target(%arg18 : memref<2048x8xf32, #tpu.memory_space<vmem>>) target_semaphore(%run_scoped3A_208 : memref<!tpu.dma_semaphore, #tpu.memory_space<semaphore_mem>>)
          %dma_wait3A = arith.constant 0 : i32
          %dma_wait3A_214 = tpu.memref_slice %arg6[%run_scoped3A_163, %min3A_144, %dma_wait3A] : memref<2x100352x8xf32, #tpu.memory_space<hbm>> -> memref<1x2048x8xf32, #tpu.memory_space<hbm>>
          %dma_wait3A_215 = tpu.memref_squeeze %dma_wait3A_214 : memref<1x2048x8xf32, #tpu.memory_space<hbm>> -> memref<2048x8xf32, #tpu.memory_space<hbm>>
          %dma_wait3A_216 = arith.constant 0 : i32
          %dma_wait3A_217 = tpu.memref_slice %arg6[%run_scoped3A_163, %min3A_144, %dma_wait3A_216] : memref<2x100352x8xf32, #tpu.memory_space<hbm>> -> memref<1x2048x8xf32, #tpu.memory_space<hbm>>
          %dma_wait3A_218 = tpu.memref_squeeze %dma_wait3A_217 : memref<1x2048x8xf32, #tpu.memory_space<hbm>> -> memref<2048x8xf32, #tpu.memory_space<hbm>>
          tpu.wait_dma2 semaphore(%run_scoped3A_208 : memref<!tpu.dma_semaphore, #tpu.memory_space<semaphore_mem>>) src(%dma_wait3A_218 : memref<2048x8xf32, #tpu.memory_space<hbm>>) dst(%arg18 : memref<2048x8xf32, #tpu.memory_space<vmem>>)
          tpu.yield
        }) : () -> ()
        %add3A_164 = arith.constant 1 : i32
        %add3A_165 = arith.addi %add3A_155, %add3A_164 : i32
        %jit3A_166 = arith.constant 2 : i32
        %div3A_167 = arith.divsi %add3A_165, %jit3A_166 : i32
        %sign3A_168 = arith.constant 0 : i32
        %sign3A_169 = arith.cmpi sgt, %add3A_165, %sign3A_168 : i32
        %sign3A_170 = arith.extui %sign3A_169 : i1 to i32
        %sign3A_171 = arith.constant 0 : i32
        %sign3A_172 = arith.cmpi slt, %add3A_165, %sign3A_171 : i32
        %sign3A_173 = arith.extui %sign3A_172 : i1 to i32
        %sign3A_174 = arith.subi %sign3A_170, %sign3A_173 : i32
        %sign3A_175 = arith.constant 0 : i32
        %sign3A_176 = arith.cmpi sgt, %jit3A_166, %sign3A_175 : i32
        %sign3A_177 = arith.extui %sign3A_176 : i1 to i32
        %sign3A_178 = arith.constant 0 : i32
        %sign3A_179 = arith.cmpi slt, %jit3A_166, %sign3A_178 : i32
        %sign3A_180 = arith.extui %sign3A_179 : i1 to i32
        %sign3A_181 = arith.subi %sign3A_177, %sign3A_180 : i32
        %ne3A_182 = arith.cmpi ne, %sign3A_174, %sign3A_181 : i32
        %rem3A_183 = arith.remsi %add3A_165, %jit3A_166 : i32
        %ne3A_184 = arith.constant 0 : i32
        %ne3A_185 = arith.cmpi ne, %rem3A_183, %ne3A_184 : i32
        %and3A_186 = arith.andi %ne3A_182, %ne3A_185 : i1
        %sub3A_187 = arith.constant 1 : i32
        %sub3A_188 = arith.subi %div3A_167, %sub3A_187 : i32
        %select_n3A_189 = arith.select %and3A_186, %sub3A_188, %div3A_167 : i32
        %while3A_190 = arith.constant 0 : i32
        %while3A_191 = arith.constant 0 : i32
        %while3A_192 = arith.subi %select_n3A_189, %while3A_190 : i32
        %while3A_193 = arith.addi %while3A_190, %while3A_192 : i32
        %while3A_194 = arith.constant 1 : i32
        %while3A_195 = arith.divsi %while3A_192, %while3A_194 : i32
        %while3A_196 = arith.muli %while3A_195, %while3A_194 : i32
        %while3A_197 = arith.addi %while3A_190, %while3A_196 : i32
        %while3A_198 = arith.constant 1 : i32
        %while3A_199 = scf.for %while3A_208 = %while3A_190 to %while3A_197 step %while3A_198 iter_args(%while3A_209 = %while3A_191) -> (i32)  : i32 {
          %mul3A_210 = arith.constant 2 : i32
          %mul3A_211 = arith.muli %mul3A_210, %while3A_208 : i32
          %add3A_212 = vector.broadcast %mul3A_211 : i32 to vector<16xi32>
          %add3A_213 = arith.addi %select_n3A, %add3A_212 : vector<16xi32>
          %gather3A = tpu.vector_load_idx %arg17[%add3A_213, %sub3A_34] : memref<2048x8xf32, #tpu.memory_space<vmem>>[vector<16xi32>, vector<16xi32>], vector<16xf32>,
          %gather3A_214 = tpu.vector_load_idx %arg18[%add3A_213, %sub3A_34] : memref<2048x8xf32, #tpu.memory_space<vmem>>[vector<16xi32>, vector<16xi32>], vector<16xf32>,
          %add3A_215 = arith.addf %gather3A, %gather3A_214 : vector<16xf32>
          tpu.vector_store_idx %arg17[%add3A_213, %sub3A_34], %add3A_215 : memref<2048x8xf32, #tpu.memory_space<vmem>>[vector<16xi32>, vector<16xi32>], vector<16xf32>,
          %gather3A_216 = tpu.vector_load_idx %arg17[%add3A_213, %broadcast_in_dim3A_7] : memref<2048x8xf32, #tpu.memory_space<vmem>>[vector<16xi32>, vector<16xi32>], vector<16xf32>,
          %max3A = arith.constant 1.000000e+00 : f32
          %max3A_217 = vector.broadcast %max3A : f32 to vector<16xf32>
          %max3A_218 = arith.maximumf %gather3A_216, %max3A_217 : vector<16xf32>
          %div3A_219 = arith.divf %add3A_215, %max3A_218 : vector<16xf32>
          tpu.vector_store_idx %arg17[%add3A_213, %sub3A_34], %div3A_219 : memref<2048x8xf32, #tpu.memory_space<vmem>>[vector<16xi32>, vector<16xi32>], vector<16xf32>,
          %while3A_220 = arith.constant 0 : i32
          scf.yield %while3A_220 : i32
        }
        %while3A_200 = arith.constant 1 : i32
        %while3A_201 = scf.for %while3A_208 = %while3A_197 to %while3A_193 step %while3A_200 iter_args(%while3A_209 = %while3A_199) -> (i32)  : i32 {
          %mul3A_210 = arith.constant 2 : i32
          %mul3A_211 = arith.muli %mul3A_210, %while3A_208 : i32
          %add3A_212 = vector.broadcast %mul3A_211 : i32 to vector<16xi32>
          %add3A_213 = arith.addi %select_n3A, %add3A_212 : vector<16xi32>
          %gather3A = tpu.vector_load_idx %arg17[%add3A_213, %sub3A_34] : memref<2048x8xf32, #tpu.memory_space<vmem>>[vector<16xi32>, vector<16xi32>], vector<16xf32>,
          %gather3A_214 = tpu.vector_load_idx %arg18[%add3A_213, %sub3A_34] : memref<2048x8xf32, #tpu.memory_space<vmem>>[vector<16xi32>, vector<16xi32>], vector<16xf32>,
          %add3A_215 = arith.addf %gather3A, %gather3A_214 : vector<16xf32>
          tpu.vector_store_idx %arg17[%add3A_213, %sub3A_34], %add3A_215 : memref<2048x8xf32, #tpu.memory_space<vmem>>[vector<16xi32>, vector<16xi32>], vector<16xf32>,
          %gather3A_216 = tpu.vector_load_idx %arg17[%add3A_213, %broadcast_in_dim3A_7] : memref<2048x8xf32, #tpu.memory_space<vmem>>[vector<16xi32>, vector<16xi32>], vector<16xf32>,
          %max3A = arith.constant 1.000000e+00 : f32
          %max3A_217 = vector.broadcast %max3A : f32 to vector<16xf32>
          %max3A_218 = arith.maximumf %gather3A_216, %max3A_217 : vector<16xf32>
          %div3A_219 = arith.divf %add3A_215, %max3A_218 : vector<16xf32>
          tpu.vector_store_idx %arg17[%add3A_213, %sub3A_34], %div3A_219 : memref<2048x8xf32, #tpu.memory_space<vmem>>[vector<16xi32>, vector<16xi32>], vector<16xf32>,
          %while3A_220 = arith.constant 0 : i32
          scf.yield %while3A_220 : i32
        }
        %scan3A = arith.constant 0 : i32
        %scan3A_202 = arith.constant 0 : i32
        %scan3A_203 = arith.constant 64 : i32
        %scan3A_204 = arith.addi %scan3A_202, %scan3A_203 : i32
        %scan3A_205 = arith.constant 1 : i32
        %scan3A_206 = scf.for %scan3A_208 = %scan3A_202 to %scan3A_204 step %scan3A_205 iter_args(%scan3A_209 = %scan3A) -> (i32)  : i32 {
          %mul3A_210 = arith.constant 128 : i32
          %mul3A_211 = arith.muli %scan3A_208, %mul3A_210 : i32
          %add3A_212 = arith.constant 0 : i32
          %add3A_213 = arith.addi %mul3A_211, %add3A_212 : i32
          %get3A_214 = arith.constant 0 : i32
          %get3A_215 = arith.index_cast %scan3A_208 : i32 to index
          %get3A_216 = arith.index_cast %get3A_214 : i32 to index
          %get3A_217 = arith.constant 0 : index
          %get3A_218 = tpu.vector_load %arg10[%get3A_215, %get3A_216, %get3A_217] {strides = array<i32>} : memref<64x1x128xi32, #tpu.memory_space<vmem>>, vector<16xi32>,
          %sub3A_219 = vector.broadcast %min3A_144 : i32 to vector<16xi32>
          %sub3A_220 = arith.subi %get3A_218, %sub3A_219 : vector<16xi32>
          %get3A_221 = arith.index_cast %add3A_213 : i32 to index
          %get3A_222 = tpu.vector_load %arg11[%get3A_221] {strides = array<i32>} : memref<8192xf32, #tpu.memory_space<vmem>>, vector<16xf32>,
          %gather3A = tpu.vector_load_idx %arg17[%sub3A_220, %broadcast_in_dim3A_1] : memref<2048x8xf32, #tpu.memory_space<vmem>>[vector<16xi32>, vector<16xi32>], vector<16xf32>,
          %sub3A_223 = arith.subf %get3A_222, %gather3A : vector<16xf32>
          %swap3A = arith.index_cast %add3A_213 : i32 to index
          %swap3A_224 = tpu.vector_load %arg14[%swap3A] {strides = array<i32>} : memref<8192xf32, #tpu.memory_space<vmem>>, vector<16xf32>,
          tpu.vector_store %arg14[%swap3A], %sub3A_223 {strides = array<i32>} : memref<8192xf32, #tpu.memory_space<vmem>>, vector<16xf32>,
          %get3A_225 = arith.index_cast %add3A_213 : i32 to index
          %get3A_226 = tpu.vector_load %arg12[%get3A_225] {strides = array<i32>} : memref<8192xf32, #tpu.memory_space<vmem>>, vector<16xf32>,
          %gather3A_227 = tpu.vector_load_idx %arg17[%sub3A_220, %broadcast_in_dim3A_3] : memref<2048x8xf32, #tpu.memory_space<vmem>>[vector<16xi32>, vector<16xi32>], vector<16xf32>,
          %sub3A_228 = arith.subf %get3A_226, %gather3A_227 : vector<16xf32>
          %swap3A_229 = arith.index_cast %add3A_213 : i32 to index
          %swap3A_230 = tpu.vector_load %arg15[%swap3A_229] {strides = array<i32>} : memref<8192xf32, #tpu.memory_space<vmem>>, vector<16xf32>,
          tpu.vector_store %arg15[%swap3A_229], %sub3A_228 {strides = array<i32>} : memref<8192xf32, #tpu.memory_space<vmem>>, vector<16xf32>,
          %get3A_231 = arith.index_cast %add3A_213 : i32 to index
          %get3A_232 = tpu.vector_load %arg13[%get3A_231] {strides = array<i32>} : memref<8192xf32, #tpu.memory_space<vmem>>, vector<16xf32>,
          %gather3A_233 = tpu.vector_load_idx %arg17[%sub3A_220, %broadcast_in_dim3A_5] : memref<2048x8xf32, #tpu.memory_space<vmem>>[vector<16xi32>, vector<16xi32>], vector<16xf32>,
          %sub3A_234 = arith.subf %get3A_232, %gather3A_233 : vector<16xf32>
          %swap3A_235 = arith.index_cast %add3A_213 : i32 to index
          %swap3A_236 = tpu.vector_load %arg16[%swap3A_235] {strides = array<i32>} : memref<8192xf32, #tpu.memory_space<vmem>>, vector<16xf32>,
          tpu.vector_store %arg16[%swap3A_235], %sub3A_234 {strides = array<i32>} : memref<8192xf32, #tpu.memory_space<vmem>>, vector<16xf32>,
          %add3A_237 = arith.constant 16 : i32
          %add3A_238 = arith.addi %mul3A_211, %add3A_237 : i32
          %get3A_239 = arith.constant 0 : i32
          %get3A_240 = arith.index_cast %scan3A_208 : i32 to index
          %get3A_241 = arith.index_cast %get3A_239 : i32 to index
          %get3A_242 = arith.constant 16 : index
          %get3A_243 = tpu.vector_load %arg10[%get3A_240, %get3A_241, %get3A_242] {strides = array<i32>} : memref<64x1x128xi32, #tpu.memory_space<vmem>>, vector<16xi32>,
          %sub3A_244 = vector.broadcast %min3A_144 : i32 to vector<16xi32>
          %sub3A_245 = arith.subi %get3A_243, %sub3A_244 : vector<16xi32>
          %get3A_246 = arith.index_cast %add3A_238 : i32 to index
          %get3A_247 = tpu.vector_load %arg11[%get3A_246] {strides = array<i32>} : memref<8192xf32, #tpu.memory_space<vmem>>, vector<16xf32>,
          %gather3A_248 = tpu.vector_load_idx %arg17[%sub3A_245, %broadcast_in_dim3A_1] : memref<2048x8xf32, #tpu.memory_space<vmem>>[vector<16xi32>, vector<16xi32>], vector<16xf32>,
          %sub3A_249 = arith.subf %get3A_247, %gather3A_248 : vector<16xf32>
          %swap3A_250 = arith.index_cast %add3A_238 : i32 to index
          %swap3A_251 = tpu.vector_load %arg14[%swap3A_250] {strides = array<i32>} : memref<8192xf32, #tpu.memory_space<vmem>>, vector<16xf32>,
          tpu.vector_store %arg14[%swap3A_250], %sub3A_249 {strides = array<i32>} : memref<8192xf32, #tpu.memory_space<vmem>>, vector<16xf32>,
          %get3A_252 = arith.index_cast %add3A_238 : i32 to index
          %get3A_253 = tpu.vector_load %arg12[%get3A_252] {strides = array<i32>} : memref<8192xf32, #tpu.memory_space<vmem>>, vector<16xf32>,
          %gather3A_254 = tpu.vector_load_idx %arg17[%sub3A_245, %broadcast_in_dim3A_3] : memref<2048x8xf32, #tpu.memory_space<vmem>>[vector<16xi32>, vector<16xi32>], vector<16xf32>,
          %sub3A_255 = arith.subf %get3A_253, %gather3A_254 : vector<16xf32>
          %swap3A_256 = arith.index_cast %add3A_238 : i32 to index
          %swap3A_257 = tpu.vector_load %arg15[%swap3A_256] {strides = array<i32>} : memref<8192xf32, #tpu.memory_space<vmem>>, vector<16xf32>,
          tpu.vector_store %arg15[%swap3A_256], %sub3A_255 {strides = array<i32>} : memref<8192xf32, #tpu.memory_space<vmem>>, vector<16xf32>,
          %get3A_258 = arith.index_cast %add3A_238 : i32 to index
          %get3A_259 = tpu.vector_load %arg13[%get3A_258] {strides = array<i32>} : memref<8192xf32, #tpu.memory_space<vmem>>, vector<16xf32>,
          %gather3A_260 = tpu.vector_load_idx %arg17[%sub3A_245, %broadcast_in_dim3A_5] : memref<2048x8xf32, #tpu.memory_space<vmem>>[vector<16xi32>, vector<16xi32>], vector<16xf32>,
          %sub3A_261 = arith.subf %get3A_259, %gather3A_260 : vector<16xf32>
          %swap3A_262 = arith.index_cast %add3A_238 : i32 to index
          %swap3A_263 = tpu.vector_load %arg16[%swap3A_262] {strides = array<i32>} : memref<8192xf32, #tpu.memory_space<vmem>>, vector<16xf32>,
          tpu.vector_store %arg16[%swap3A_262], %sub3A_261 {strides = array<i32>} : memref<8192xf32, #tpu.memory_space<vmem>>, vector<16xf32>,
          %add3A_264 = arith.constant 32 : i32
          %add3A_265 = arith.addi %mul3A_211, %add3A_264 : i32
          %get3A_266 = arith.constant 0 : i32
          %get3A_267 = arith.index_cast %scan3A_208 : i32 to index
          %get3A_268 = arith.index_cast %get3A_266 : i32 to index
          %get3A_269 = arith.constant 32 : index
          %get3A_270 = tpu.vector_load %arg10[%get3A_267, %get3A_268, %get3A_269] {strides = array<i32>} : memref<64x1x128xi32, #tpu.memory_space<vmem>>, vector<16xi32>,
          %sub3A_271 = vector.broadcast %min3A_144 : i32 to vector<16xi32>
          %sub3A_272 = arith.subi %get3A_270, %sub3A_271 : vector<16xi32>
          %get3A_273 = arith.index_cast %add3A_265 : i32 to index
          %get3A_274 = tpu.vector_load %arg11[%get3A_273] {strides = array<i32>} : memref<8192xf32, #tpu.memory_space<vmem>>, vector<16xf32>,
          %gather3A_275 = tpu.vector_load_idx %arg17[%sub3A_272, %broadcast_in_dim3A_1] : memref<2048x8xf32, #tpu.memory_space<vmem>>[vector<16xi32>, vector<16xi32>], vector<16xf32>,
          %sub3A_276 = arith.subf %get3A_274, %gather3A_275 : vector<16xf32>
          %swap3A_277 = arith.index_cast %add3A_265 : i32 to index
          %swap3A_278 = tpu.vector_load %arg14[%swap3A_277] {strides = array<i32>} : memref<8192xf32, #tpu.memory_space<vmem>>, vector<16xf32>,
          tpu.vector_store %arg14[%swap3A_277], %sub3A_276 {strides = array<i32>} : memref<8192xf32, #tpu.memory_space<vmem>>, vector<16xf32>,
          %get3A_279 = arith.index_cast %add3A_265 : i32 to index
          %get3A_280 = tpu.vector_load %arg12[%get3A_279] {strides = array<i32>} : memref<8192xf32, #tpu.memory_space<vmem>>, vector<16xf32>,
          %gather3A_281 = tpu.vector_load_idx %arg17[%sub3A_272, %broadcast_in_dim3A_3] : memref<2048x8xf32, #tpu.memory_space<vmem>>[vector<16xi32>, vector<16xi32>], vector<16xf32>,
          %sub3A_282 = arith.subf %get3A_280, %gather3A_281 : vector<16xf32>
          %swap3A_283 = arith.index_cast %add3A_265 : i32 to index
          %swap3A_284 = tpu.vector_load %arg15[%swap3A_283] {strides = array<i32>} : memref<8192xf32, #tpu.memory_space<vmem>>, vector<16xf32>,
          tpu.vector_store %arg15[%swap3A_283], %sub3A_282 {strides = array<i32>} : memref<8192xf32, #tpu.memory_space<vmem>>, vector<16xf32>,
          %get3A_285 = arith.index_cast %add3A_265 : i32 to index
          %get3A_286 = tpu.vector_load %arg13[%get3A_285] {strides = array<i32>} : memref<8192xf32, #tpu.memory_space<vmem>>, vector<16xf32>,
          %gather3A_287 = tpu.vector_load_idx %arg17[%sub3A_272, %broadcast_in_dim3A_5] : memref<2048x8xf32, #tpu.memory_space<vmem>>[vector<16xi32>, vector<16xi32>], vector<16xf32>,
          %sub3A_288 = arith.subf %get3A_286, %gather3A_287 : vector<16xf32>
          %swap3A_289 = arith.index_cast %add3A_265 : i32 to index
          %swap3A_290 = tpu.vector_load %arg16[%swap3A_289] {strides = array<i32>} : memref<8192xf32, #tpu.memory_space<vmem>>, vector<16xf32>,
          tpu.vector_store %arg16[%swap3A_289], %sub3A_288 {strides = array<i32>} : memref<8192xf32, #tpu.memory_space<vmem>>, vector<16xf32>,
          %add3A_291 = arith.constant 48 : i32
          %add3A_292 = arith.addi %mul3A_211, %add3A_291 : i32
          %get3A_293 = arith.constant 0 : i32
          %get3A_294 = arith.index_cast %scan3A_208 : i32 to index
          %get3A_295 = arith.index_cast %get3A_293 : i32 to index
          %get3A_296 = arith.constant 48 : index
          %get3A_297 = tpu.vector_load %arg10[%get3A_294, %get3A_295, %get3A_296] {strides = array<i32>} : memref<64x1x128xi32, #tpu.memory_space<vmem>>, vector<16xi32>,
          %sub3A_298 = vector.broadcast %min3A_144 : i32 to vector<16xi32>
          %sub3A_299 = arith.subi %get3A_297, %sub3A_298 : vector<16xi32>
          %get3A_300 = arith.index_cast %add3A_292 : i32 to index
          %get3A_301 = tpu.vector_load %arg11[%get3A_300] {strides = array<i32>} : memref<8192xf32, #tpu.memory_space<vmem>>, vector<16xf32>,
          %gather3A_302 = tpu.vector_load_idx %arg17[%sub3A_299, %broadcast_in_dim3A_1] : memref<2048x8xf32, #tpu.memory_space<vmem>>[vector<16xi32>, vector<16xi32>], vector<16xf32>,
          %sub3A_303 = arith.subf %get3A_301, %gather3A_302 : vector<16xf32>
          %swap3A_304 = arith.index_cast %add3A_292 : i32 to index
          %swap3A_305 = tpu.vector_load %arg14[%swap3A_304] {strides = array<i32>} : memref<8192xf32, #tpu.memory_space<vmem>>, vector<16xf32>,
          tpu.vector_store %arg14[%swap3A_304], %sub3A_303 {strides = array<i32>} : memref<8192xf32, #tpu.memory_space<vmem>>, vector<16xf32>,
          %get3A_306 = arith.index_cast %add3A_292 : i32 to index
          %get3A_307 = tpu.vector_load %arg12[%get3A_306] {strides = array<i32>} : memref<8192xf32, #tpu.memory_space<vmem>>, vector<16xf32>,
          %gather3A_308 = tpu.vector_load_idx %arg17[%sub3A_299, %broadcast_in_dim3A_3] : memref<2048x8xf32, #tpu.memory_space<vmem>>[vector<16xi32>, vector<16xi32>], vector<16xf32>,
          %sub3A_309 = arith.subf %get3A_307, %gather3A_308 : vector<16xf32>
          %swap3A_310 = arith.index_cast %add3A_292 : i32 to index
          %swap3A_311 = tpu.vector_load %arg15[%swap3A_310] {strides = array<i32>} : memref<8192xf32, #tpu.memory_space<vmem>>, vector<16xf32>,
          tpu.vector_store %arg15[%swap3A_310], %sub3A_309 {strides = array<i32>} : memref<8192xf32, #tpu.memory_space<vmem>>, vector<16xf32>,
          %get3A_312 = arith.index_cast %add3A_292 : i32 to index
          %get3A_313 = tpu.vector_load %arg13[%get3A_312] {strides = array<i32>} : memref<8192xf32, #tpu.memory_space<vmem>>, vector<16xf32>,
          %gather3A_314 = tpu.vector_load_idx %arg17[%sub3A_299, %broadcast_in_dim3A_5] : memref<2048x8xf32, #tpu.memory_space<vmem>>[vector<16xi32>, vector<16xi32>], vector<16xf32>,
          %sub3A_315 = arith.subf %get3A_313, %gather3A_314 : vector<16xf32>
          %swap3A_316 = arith.index_cast %add3A_292 : i32 to index
          %swap3A_317 = tpu.vector_load %arg16[%swap3A_316] {strides = array<i32>} : memref<8192xf32, #tpu.memory_space<vmem>>, vector<16xf32>,
          tpu.vector_store %arg16[%swap3A_316], %sub3A_315 {strides = array<i32>} : memref<8192xf32, #tpu.memory_space<vmem>>, vector<16xf32>,
          %add3A_318 = arith.constant 64 : i32
          %add3A_319 = arith.addi %mul3A_211, %add3A_318 : i32
          %get3A_320 = arith.constant 0 : i32
          %get3A_321 = arith.index_cast %scan3A_208 : i32 to index
          %get3A_322 = arith.index_cast %get3A_320 : i32 to index
          %get3A_323 = arith.constant 64 : index
          %get3A_324 = tpu.vector_load %arg10[%get3A_321, %get3A_322, %get3A_323] {strides = array<i32>} : memref<64x1x128xi32, #tpu.memory_space<vmem>>, vector<16xi32>,
          %sub3A_325 = vector.broadcast %min3A_144 : i32 to vector<16xi32>
          %sub3A_326 = arith.subi %get3A_324, %sub3A_325 : vector<16xi32>
          %get3A_327 = arith.index_cast %add3A_319 : i32 to index
          %get3A_328 = tpu.vector_load %arg11[%get3A_327] {strides = array<i32>} : memref<8192xf32, #tpu.memory_space<vmem>>, vector<16xf32>,
          %gather3A_329 = tpu.vector_load_idx %arg17[%sub3A_326, %broadcast_in_dim3A_1] : memref<2048x8xf32, #tpu.memory_space<vmem>>[vector<16xi32>, vector<16xi32>], vector<16xf32>,
          %sub3A_330 = arith.subf %get3A_328, %gather3A_329 : vector<16xf32>
          %swap3A_331 = arith.index_cast %add3A_319 : i32 to index
          %swap3A_332 = tpu.vector_load %arg14[%swap3A_331] {strides = array<i32>} : memref<8192xf32, #tpu.memory_space<vmem>>, vector<16xf32>,
          tpu.vector_store %arg14[%swap3A_331], %sub3A_330 {strides = array<i32>} : memref<8192xf32, #tpu.memory_space<vmem>>, vector<16xf32>,
          %get3A_333 = arith.index_cast %add3A_319 : i32 to index
          %get3A_334 = tpu.vector_load %arg12[%get3A_333] {strides = array<i32>} : memref<8192xf32, #tpu.memory_space<vmem>>, vector<16xf32>,
          %gather3A_335 = tpu.vector_load_idx %arg17[%sub3A_326, %broadcast_in_dim3A_3] : memref<2048x8xf32, #tpu.memory_space<vmem>>[vector<16xi32>, vector<16xi32>], vector<16xf32>,
          %sub3A_336 = arith.subf %get3A_334, %gather3A_335 : vector<16xf32>
          %swap3A_337 = arith.index_cast %add3A_319 : i32 to index
          %swap3A_338 = tpu.vector_load %arg15[%swap3A_337] {strides = array<i32>} : memref<8192xf32, #tpu.memory_space<vmem>>, vector<16xf32>,
          tpu.vector_store %arg15[%swap3A_337], %sub3A_336 {strides = array<i32>} : memref<8192xf32, #tpu.memory_space<vmem>>, vector<16xf32>,
          %get3A_339 = arith.index_cast %add3A_319 : i32 to index
          %get3A_340 = tpu.vector_load %arg13[%get3A_339] {strides = array<i32>} : memref<8192xf32, #tpu.memory_space<vmem>>, vector<16xf32>,
          %gather3A_341 = tpu.vector_load_idx %arg17[%sub3A_326, %broadcast_in_dim3A_5] : memref<2048x8xf32, #tpu.memory_space<vmem>>[vector<16xi32>, vector<16xi32>], vector<16xf32>,
          %sub3A_342 = arith.subf %get3A_340, %gather3A_341 : vector<16xf32>
          %swap3A_343 = arith.index_cast %add3A_319 : i32 to index
          %swap3A_344 = tpu.vector_load %arg16[%swap3A_343] {strides = array<i32>} : memref<8192xf32, #tpu.memory_space<vmem>>, vector<16xf32>,
          tpu.vector_store %arg16[%swap3A_343], %sub3A_342 {strides = array<i32>} : memref<8192xf32, #tpu.memory_space<vmem>>, vector<16xf32>,
          %add3A_345 = arith.constant 80 : i32
          %add3A_346 = arith.addi %mul3A_211, %add3A_345 : i32
          %get3A_347 = arith.constant 0 : i32
          %get3A_348 = arith.index_cast %scan3A_208 : i32 to index
          %get3A_349 = arith.index_cast %get3A_347 : i32 to index
          %get3A_350 = arith.constant 80 : index
          %get3A_351 = tpu.vector_load %arg10[%get3A_348, %get3A_349, %get3A_350] {strides = array<i32>} : memref<64x1x128xi32, #tpu.memory_space<vmem>>, vector<16xi32>,
          %sub3A_352 = vector.broadcast %min3A_144 : i32 to vector<16xi32>
          %sub3A_353 = arith.subi %get3A_351, %sub3A_352 : vector<16xi32>
          %get3A_354 = arith.index_cast %add3A_346 : i32 to index
          %get3A_355 = tpu.vector_load %arg11[%get3A_354] {strides = array<i32>} : memref<8192xf32, #tpu.memory_space<vmem>>, vector<16xf32>,
          %gather3A_356 = tpu.vector_load_idx %arg17[%sub3A_353, %broadcast_in_dim3A_1] : memref<2048x8xf32, #tpu.memory_space<vmem>>[vector<16xi32>, vector<16xi32>], vector<16xf32>,
          %sub3A_357 = arith.subf %get3A_355, %gather3A_356 : vector<16xf32>
          %swap3A_358 = arith.index_cast %add3A_346 : i32 to index
          %swap3A_359 = tpu.vector_load %arg14[%swap3A_358] {strides = array<i32>} : memref<8192xf32, #tpu.memory_space<vmem>>, vector<16xf32>,
          tpu.vector_store %arg14[%swap3A_358], %sub3A_357 {strides = array<i32>} : memref<8192xf32, #tpu.memory_space<vmem>>, vector<16xf32>,
          %get3A_360 = arith.index_cast %add3A_346 : i32 to index
          %get3A_361 = tpu.vector_load %arg12[%get3A_360] {strides = array<i32>} : memref<8192xf32, #tpu.memory_space<vmem>>, vector<16xf32>,
          %gather3A_362 = tpu.vector_load_idx %arg17[%sub3A_353, %broadcast_in_dim3A_3] : memref<2048x8xf32, #tpu.memory_space<vmem>>[vector<16xi32>, vector<16xi32>], vector<16xf32>,
          %sub3A_363 = arith.subf %get3A_361, %gather3A_362 : vector<16xf32>
          %swap3A_364 = arith.index_cast %add3A_346 : i32 to index
          %swap3A_365 = tpu.vector_load %arg15[%swap3A_364] {strides = array<i32>} : memref<8192xf32, #tpu.memory_space<vmem>>, vector<16xf32>,
          tpu.vector_store %arg15[%swap3A_364], %sub3A_363 {strides = array<i32>} : memref<8192xf32, #tpu.memory_space<vmem>>, vector<16xf32>,
          %get3A_366 = arith.index_cast %add3A_346 : i32 to index
          %get3A_367 = tpu.vector_load %arg13[%get3A_366] {strides = array<i32>} : memref<8192xf32, #tpu.memory_space<vmem>>, vector<16xf32>,
          %gather3A_368 = tpu.vector_load_idx %arg17[%sub3A_353, %broadcast_in_dim3A_5] : memref<2048x8xf32, #tpu.memory_space<vmem>>[vector<16xi32>, vector<16xi32>], vector<16xf32>,
          %sub3A_369 = arith.subf %get3A_367, %gather3A_368 : vector<16xf32>
          %swap3A_370 = arith.index_cast %add3A_346 : i32 to index
          %swap3A_371 = tpu.vector_load %arg16[%swap3A_370] {strides = array<i32>} : memref<8192xf32, #tpu.memory_space<vmem>>, vector<16xf32>,
          tpu.vector_store %arg16[%swap3A_370], %sub3A_369 {strides = array<i32>} : memref<8192xf32, #tpu.memory_space<vmem>>, vector<16xf32>,
          %add3A_372 = arith.constant 96 : i32
          %add3A_373 = arith.addi %mul3A_211, %add3A_372 : i32
          %get3A_374 = arith.constant 0 : i32
          %get3A_375 = arith.index_cast %scan3A_208 : i32 to index
          %get3A_376 = arith.index_cast %get3A_374 : i32 to index
          %get3A_377 = arith.constant 96 : index
          %get3A_378 = tpu.vector_load %arg10[%get3A_375, %get3A_376, %get3A_377] {strides = array<i32>} : memref<64x1x128xi32, #tpu.memory_space<vmem>>, vector<16xi32>,
          %sub3A_379 = vector.broadcast %min3A_144 : i32 to vector<16xi32>
          %sub3A_380 = arith.subi %get3A_378, %sub3A_379 : vector<16xi32>
          %get3A_381 = arith.index_cast %add3A_373 : i32 to index
          %get3A_382 = tpu.vector_load %arg11[%get3A_381] {strides = array<i32>} : memref<8192xf32, #tpu.memory_space<vmem>>, vector<16xf32>,
          %gather3A_383 = tpu.vector_load_idx %arg17[%sub3A_380, %broadcast_in_dim3A_1] : memref<2048x8xf32, #tpu.memory_space<vmem>>[vector<16xi32>, vector<16xi32>], vector<16xf32>,
          %sub3A_384 = arith.subf %get3A_382, %gather3A_383 : vector<16xf32>
          %swap3A_385 = arith.index_cast %add3A_373 : i32 to index
          %swap3A_386 = tpu.vector_load %arg14[%swap3A_385] {strides = array<i32>} : memref<8192xf32, #tpu.memory_space<vmem>>, vector<16xf32>,
          tpu.vector_store %arg14[%swap3A_385], %sub3A_384 {strides = array<i32>} : memref<8192xf32, #tpu.memory_space<vmem>>, vector<16xf32>,
          %get3A_387 = arith.index_cast %add3A_373 : i32 to index
          %get3A_388 = tpu.vector_load %arg12[%get3A_387] {strides = array<i32>} : memref<8192xf32, #tpu.memory_space<vmem>>, vector<16xf32>,
          %gather3A_389 = tpu.vector_load_idx %arg17[%sub3A_380, %broadcast_in_dim3A_3] : memref<2048x8xf32, #tpu.memory_space<vmem>>[vector<16xi32>, vector<16xi32>], vector<16xf32>,
          %sub3A_390 = arith.subf %get3A_388, %gather3A_389 : vector<16xf32>
          %swap3A_391 = arith.index_cast %add3A_373 : i32 to index
          %swap3A_392 = tpu.vector_load %arg15[%swap3A_391] {strides = array<i32>} : memref<8192xf32, #tpu.memory_space<vmem>>, vector<16xf32>,
          tpu.vector_store %arg15[%swap3A_391], %sub3A_390 {strides = array<i32>} : memref<8192xf32, #tpu.memory_space<vmem>>, vector<16xf32>,
          %get3A_393 = arith.index_cast %add3A_373 : i32 to index
          %get3A_394 = tpu.vector_load %arg13[%get3A_393] {strides = array<i32>} : memref<8192xf32, #tpu.memory_space<vmem>>, vector<16xf32>,
          %gather3A_395 = tpu.vector_load_idx %arg17[%sub3A_380, %broadcast_in_dim3A_5] : memref<2048x8xf32, #tpu.memory_space<vmem>>[vector<16xi32>, vector<16xi32>], vector<16xf32>,
          %sub3A_396 = arith.subf %get3A_394, %gather3A_395 : vector<16xf32>
          %swap3A_397 = arith.index_cast %add3A_373 : i32 to index
          %swap3A_398 = tpu.vector_load %arg16[%swap3A_397] {strides = array<i32>} : memref<8192xf32, #tpu.memory_space<vmem>>, vector<16xf32>,
          tpu.vector_store %arg16[%swap3A_397], %sub3A_396 {strides = array<i32>} : memref<8192xf32, #tpu.memory_space<vmem>>, vector<16xf32>,
          %add3A_399 = arith.constant 112 : i32
          %add3A_400 = arith.addi %mul3A_211, %add3A_399 : i32
          %get3A_401 = arith.constant 0 : i32
          %get3A_402 = arith.index_cast %scan3A_208 : i32 to index
          %get3A_403 = arith.index_cast %get3A_401 : i32 to index
          %get3A_404 = arith.constant 112 : index
          %get3A_405 = tpu.vector_load %arg10[%get3A_402, %get3A_403, %get3A_404] {strides = array<i32>} : memref<64x1x128xi32, #tpu.memory_space<vmem>>, vector<16xi32>,
          %sub3A_406 = vector.broadcast %min3A_144 : i32 to vector<16xi32>
          %sub3A_407 = arith.subi %get3A_405, %sub3A_406 : vector<16xi32>
          %get3A_408 = arith.index_cast %add3A_400 : i32 to index
          %get3A_409 = tpu.vector_load %arg11[%get3A_408] {strides = array<i32>} : memref<8192xf32, #tpu.memory_space<vmem>>, vector<16xf32>,
          %gather3A_410 = tpu.vector_load_idx %arg17[%sub3A_407, %broadcast_in_dim3A_1] : memref<2048x8xf32, #tpu.memory_space<vmem>>[vector<16xi32>, vector<16xi32>], vector<16xf32>,
          %sub3A_411 = arith.subf %get3A_409, %gather3A_410 : vector<16xf32>
          %swap3A_412 = arith.index_cast %add3A_400 : i32 to index
          %swap3A_413 = tpu.vector_load %arg14[%swap3A_412] {strides = array<i32>} : memref<8192xf32, #tpu.memory_space<vmem>>, vector<16xf32>,
          tpu.vector_store %arg14[%swap3A_412], %sub3A_411 {strides = array<i32>} : memref<8192xf32, #tpu.memory_space<vmem>>, vector<16xf32>,
          %get3A_414 = arith.index_cast %add3A_400 : i32 to index
          %get3A_415 = tpu.vector_load %arg12[%get3A_414] {strides = array<i32>} : memref<8192xf32, #tpu.memory_space<vmem>>, vector<16xf32>,
          %gather3A_416 = tpu.vector_load_idx %arg17[%sub3A_407, %broadcast_in_dim3A_3] : memref<2048x8xf32, #tpu.memory_space<vmem>>[vector<16xi32>, vector<16xi32>], vector<16xf32>,
          %sub3A_417 = arith.subf %get3A_415, %gather3A_416 : vector<16xf32>
          %swap3A_418 = arith.index_cast %add3A_400 : i32 to index
          %swap3A_419 = tpu.vector_load %arg15[%swap3A_418] {strides = array<i32>} : memref<8192xf32, #tpu.memory_space<vmem>>, vector<16xf32>,
          tpu.vector_store %arg15[%swap3A_418], %sub3A_417 {strides = array<i32>} : memref<8192xf32, #tpu.memory_space<vmem>>, vector<16xf32>,
          %get3A_420 = arith.index_cast %add3A_400 : i32 to index
          %get3A_421 = tpu.vector_load %arg13[%get3A_420] {strides = array<i32>} : memref<8192xf32, #tpu.memory_space<vmem>>, vector<16xf32>,
          %gather3A_422 = tpu.vector_load_idx %arg17[%sub3A_407, %broadcast_in_dim3A_5] : memref<2048x8xf32, #tpu.memory_space<vmem>>[vector<16xi32>, vector<16xi32>], vector<16xf32>,
          %sub3A_423 = arith.subf %get3A_421, %gather3A_422 : vector<16xf32>
          %swap3A_424 = arith.index_cast %add3A_400 : i32 to index
          %swap3A_425 = tpu.vector_load %arg16[%swap3A_424] {strides = array<i32>} : memref<8192xf32, #tpu.memory_space<vmem>>, vector<16xf32>,
          tpu.vector_store %arg16[%swap3A_424], %sub3A_423 {strides = array<i32>} : memref<8192xf32, #tpu.memory_space<vmem>>, vector<16xf32>,
          %scan3A_426 = arith.constant 0 : i32
          scf.yield %scan3A_426 : i32
        }
        %scan3A_207 = arith.constant 64 : i32
      } else {
      }
      %gt3A = arith.constant 2048 : i32
      %gt3A_158 = arith.cmpi sgt, %add3A_155, %gt3A : i32
      %convert_element_type3A_159 = arith.extui %gt3A_158 : i1 to i32
      %cond3A_160 = arith.constant 0 : i32
      %cond3A_161 = arith.cmpi ne, %convert_element_type3A_159, %cond3A_160 : i32
      scf.if %cond3A_161 {
        %scan3A = arith.constant 0 : i32
        %scan3A_163 = arith.constant 0 : i32
        %scan3A_164 = arith.constant 64 : i32
        %scan3A_165 = arith.addi %scan3A_163, %scan3A_164 : i32
        %scan3A_166 = arith.constant 1 : i32
        %scan3A_167 = scf.for %scan3A_169 = %scan3A_163 to %scan3A_165 step %scan3A_166 iter_args(%scan3A_170 = %scan3A) -> (i32)  : i32 {
          %dma_start3A = arith.constant 0 : i32
          %dma_start3A_171 = arith.constant 0 : i32
          %dma_start3A_172 = arith.constant 0 : i32
          %dma_start3A_173 = tpu.memref_slice %arg10[%scan3A_169, %dma_start3A_171, %dma_start3A_172] : memref<64x1x128xi32, #tpu.memory_space<vmem>> -> memref<1x1x128xi32, #tpu.memory_space<vmem>>
          %dma_start3A_174 = tpu.memref_squeeze %dma_start3A_173 : memref<1x1x128xi32, #tpu.memory_space<vmem>> -> memref<128xi32, #tpu.memory_space<vmem>>
          %dma_start3A_175 = arith.constant 0 : i32
          %dma_start3A_176 = arith.constant 0 : i32
          %dma_start3A_177 = tpu.memref_slice %arg6[%dma_start3A, %dma_start3A_175, %dma_start3A_176] : memref<2x100352x8xf32, #tpu.memory_space<hbm>> -> memref<1x100352x8xf32, #tpu.memory_space<hbm>>
          %dma_start3A_178 = tpu.memref_squeeze %dma_start3A_177 : memref<1x100352x8xf32, #tpu.memory_space<hbm>> -> memref<100352x8xf32, #tpu.memory_space<hbm>>
          %dma_start3A_179 = arith.constant 0 : i32
          %dma_start3A_180 = arith.constant 0 : i32
          %dma_start3A_181 = tpu.memref_slice %dma_start3A_178[%dma_start3A_179, %dma_start3A_180] : memref<100352x8xf32, #tpu.memory_space<hbm>> -> memref<100352x8xf32, #tpu.memory_space<hbm>>
          tpu.enqueue_indirect_dma source(%dma_start3A_181 : memref<100352x8xf32, #tpu.memory_space<hbm>>) target(%arg19 : memref<128x8xf32, #tpu.memory_space<vmem>>) offsets(%dma_start3A_174 : memref<128xi32, #tpu.memory_space<vmem>>) semaphore(%arg21 : memref<!tpu.dma_semaphore, #tpu.memory_space<semaphore_mem>>)
          %dma_start3A_182 = arith.constant 1 : i32
          %dma_start3A_183 = arith.constant 0 : i32
          %dma_start3A_184 = arith.constant 0 : i32
          %dma_start3A_185 = tpu.memref_slice %arg10[%scan3A_169, %dma_start3A_183, %dma_start3A_184] : memref<64x1x128xi32, #tpu.memory_space<vmem>> -> memref<1x1x128xi32, #tpu.memory_space<vmem>>
          %dma_start3A_186 = tpu.memref_squeeze %dma_start3A_185 : memref<1x1x128xi32, #tpu.memory_space<vmem>> -> memref<128xi32, #tpu.memory_space<vmem>>
          %dma_start3A_187 = arith.constant 0 : i32
          %dma_start3A_188 = arith.constant 0 : i32
          %dma_start3A_189 = tpu.memref_slice %arg6[%dma_start3A_182, %dma_start3A_187, %dma_start3A_188] : memref<2x100352x8xf32, #tpu.memory_space<hbm>> -> memref<1x100352x8xf32, #tpu.memory_space<hbm>>
          %dma_start3A_190 = tpu.memref_squeeze %dma_start3A_189 : memref<1x100352x8xf32, #tpu.memory_space<hbm>> -> memref<100352x8xf32, #tpu.memory_space<hbm>>
          %dma_start3A_191 = arith.constant 0 : i32
          %dma_start3A_192 = arith.constant 0 : i32
          %dma_start3A_193 = tpu.memref_slice %dma_start3A_190[%dma_start3A_191, %dma_start3A_192] : memref<100352x8xf32, #tpu.memory_space<hbm>> -> memref<100352x8xf32, #tpu.memory_space<hbm>>
          tpu.enqueue_indirect_dma source(%dma_start3A_193 : memref<100352x8xf32, #tpu.memory_space<hbm>>) target(%arg20 : memref<128x8xf32, #tpu.memory_space<vmem>>) offsets(%dma_start3A_186 : memref<128xi32, #tpu.memory_space<vmem>>) semaphore(%arg22 : memref<!tpu.dma_semaphore, #tpu.memory_space<semaphore_mem>>)
          %dma_wait3A = arith.constant 0 : i32
          %dma_wait3A_194 = arith.constant 0 : i32
          %dma_wait3A_195 = arith.constant 0 : i32
          %dma_wait3A_196 = tpu.memref_slice %arg10[%scan3A_169, %dma_wait3A_194, %dma_wait3A_195] : memref<64x1x128xi32, #tpu.memory_space<vmem>> -> memref<1x1x128xi32, #tpu.memory_space<vmem>>
          %dma_wait3A_197 = tpu.memref_squeeze %dma_wait3A_196 : memref<1x1x128xi32, #tpu.memory_space<vmem>> -> memref<128xi32, #tpu.memory_space<vmem>>
          %dma_wait3A_198 = arith.constant 0 : i32
          %dma_wait3A_199 = arith.constant 0 : i32
          %dma_wait3A_200 = tpu.memref_slice %arg6[%dma_wait3A, %dma_wait3A_198, %dma_wait3A_199] : memref<2x100352x8xf32, #tpu.memory_space<hbm>> -> memref<1x100352x8xf32, #tpu.memory_space<hbm>>
          %dma_wait3A_201 = tpu.memref_squeeze %dma_wait3A_200 : memref<1x100352x8xf32, #tpu.memory_space<hbm>> -> memref<100352x8xf32, #tpu.memory_space<hbm>>
          %dma_wait3A_202 = arith.constant 0 : i32
          %dma_wait3A_203 = arith.constant 0 : i32
          %dma_wait3A_204 = tpu.memref_slice %dma_wait3A_201[%dma_wait3A_202, %dma_wait3A_203] : memref<100352x8xf32, #tpu.memory_space<hbm>> -> memref<100352x8xf32, #tpu.memory_space<hbm>>
          tpu.wait_indirect_dma semaphore(%arg21 : memref<!tpu.dma_semaphore, #tpu.memory_space<semaphore_mem>>) src(%dma_wait3A_204 : memref<100352x8xf32, #tpu.memory_space<hbm>>) dst(%arg19 : memref<128x8xf32, #tpu.memory_space<vmem>>)
          %dma_wait3A_205 = arith.constant 1 : i32
          %dma_wait3A_206 = arith.constant 0 : i32
          %dma_wait3A_207 = arith.constant 0 : i32
          %dma_wait3A_208 = tpu.memref_slice %arg10[%scan3A_169, %dma_wait3A_206, %dma_wait3A_207] : memref<64x1x128xi32, #tpu.memory_space<vmem>> -> memref<1x1x128xi32, #tpu.memory_space<vmem>>
          %dma_wait3A_209 = tpu.memref_squeeze %dma_wait3A_208 : memref<1x1x128xi32, #tpu.memory_space<vmem>> -> memref<128xi32, #tpu.memory_space<vmem>>
          %dma_wait3A_210 = arith.constant 0 : i32
          %dma_wait3A_211 = arith.constant 0 : i32
          %dma_wait3A_212 = tpu.memref_slice %arg6[%dma_wait3A_205, %dma_wait3A_210, %dma_wait3A_211] : memref<2x100352x8xf32, #tpu.memory_space<hbm>> -> memref<1x100352x8xf32, #tpu.memory_space<hbm>>
          %dma_wait3A_213 = tpu.memref_squeeze %dma_wait3A_212 : memref<1x100352x8xf32, #tpu.memory_space<hbm>> -> memref<100352x8xf32, #tpu.memory_space<hbm>>
          %dma_wait3A_214 = arith.constant 0 : i32
          %dma_wait3A_215 = arith.constant 0 : i32
          %dma_wait3A_216 = tpu.memref_slice %dma_wait3A_213[%dma_wait3A_214, %dma_wait3A_215] : memref<100352x8xf32, #tpu.memory_space<hbm>> -> memref<100352x8xf32, #tpu.memory_space<hbm>>
          tpu.wait_indirect_dma semaphore(%arg22 : memref<!tpu.dma_semaphore, #tpu.memory_space<semaphore_mem>>) src(%dma_wait3A_216 : memref<100352x8xf32, #tpu.memory_space<hbm>>) dst(%arg20 : memref<128x8xf32, #tpu.memory_space<vmem>>)
          %mul3A_217 = arith.constant 128 : i32
          %mul3A_218 = arith.muli %scan3A_169, %mul3A_217 : i32
          %add3A_219 = arith.constant 0 : i32
          %add3A_220 = arith.addi %mul3A_218, %add3A_219 : i32
          %add3A_221 = arith.constant 0 : i32
          %add3A_222 = vector.broadcast %add3A_221 : i32 to vector<16xi32>
          %add3A_223 = arith.addi %iota3A, %add3A_222 : vector<16xi32>
          %gather3A = tpu.vector_load_idx %arg19[%add3A_223, %broadcast_in_dim3A_7] : memref<128x8xf32, #tpu.memory_space<vmem>>[vector<16xi32>, vector<16xi32>], vector<16xf32>,
          %gather3A_224 = tpu.vector_load_idx %arg20[%add3A_223, %broadcast_in_dim3A_7] : memref<128x8xf32, #tpu.memory_space<vmem>>[vector<16xi32>, vector<16xi32>], vector<16xf32>,
          %add3A_225 = arith.addf %gather3A, %gather3A_224 : vector<16xf32>
          %max3A = arith.constant 1.000000e+00 : f32
          %max3A_226 = vector.broadcast %max3A : f32 to vector<16xf32>
          %max3A_227 = arith.maximumf %add3A_225, %max3A_226 : vector<16xf32>
          %div3A_228 = arith.constant 1.000000e+00 : f32
          %div3A_229 = vector.broadcast %div3A_228 : f32 to vector<16xf32>
          %div3A_230 = arith.divf %div3A_229, %max3A_227 : vector<16xf32>
          %gather3A_231 = tpu.vector_load_idx %arg19[%add3A_223, %broadcast_in_dim3A_1] : memref<128x8xf32, #tpu.memory_space<vmem>>[vector<16xi32>, vector<16xi32>], vector<16xf32>,
          %gather3A_232 = tpu.vector_load_idx %arg20[%add3A_223, %broadcast_in_dim3A_1] : memref<128x8xf32, #tpu.memory_space<vmem>>[vector<16xi32>, vector<16xi32>], vector<16xf32>,
          %add3A_233 = arith.addf %gather3A_231, %gather3A_232 : vector<16xf32>
          %mul3A_234 = arith.mulf %add3A_233, %div3A_230 : vector<16xf32>
          %gather3A_235 = tpu.vector_load_idx %arg19[%add3A_223, %broadcast_in_dim3A_3] : memref<128x8xf32, #tpu.memory_space<vmem>>[vector<16xi32>, vector<16xi32>], vector<16xf32>,
          %gather3A_236 = tpu.vector_load_idx %arg20[%add3A_223, %broadcast_in_dim3A_3] : memref<128x8xf32, #tpu.memory_space<vmem>>[vector<16xi32>, vector<16xi32>], vector<16xf32>,
          %add3A_237 = arith.addf %gather3A_235, %gather3A_236 : vector<16xf32>
          %mul3A_238 = arith.mulf %add3A_237, %div3A_230 : vector<16xf32>
          %gather3A_239 = tpu.vector_load_idx %arg19[%add3A_223, %broadcast_in_dim3A_5] : memref<128x8xf32, #tpu.memory_space<vmem>>[vector<16xi32>, vector<16xi32>], vector<16xf32>,
          %gather3A_240 = tpu.vector_load_idx %arg20[%add3A_223, %broadcast_in_dim3A_5] : memref<128x8xf32, #tpu.memory_space<vmem>>[vector<16xi32>, vector<16xi32>], vector<16xf32>,
          %add3A_241 = arith.addf %gather3A_239, %gather3A_240 : vector<16xf32>
          %mul3A_242 = arith.mulf %add3A_241, %div3A_230 : vector<16xf32>
          %get3A_243 = arith.index_cast %add3A_220 : i32 to index
          %get3A_244 = tpu.vector_load %arg11[%get3A_243] {strides = array<i32>} : memref<8192xf32, #tpu.memory_space<vmem>>, vector<16xf32>,
          %sub3A_245 = arith.subf %get3A_244, %mul3A_234 : vector<16xf32>
          %swap3A = arith.index_cast %add3A_220 : i32 to index
          %swap3A_246 = tpu.vector_load %arg14[%swap3A] {strides = array<i32>} : memref<8192xf32, #tpu.memory_space<vmem>>, vector<16xf32>,
          tpu.vector_store %arg14[%swap3A], %sub3A_245 {strides = array<i32>} : memref<8192xf32, #tpu.memory_space<vmem>>, vector<16xf32>,
          %get3A_247 = arith.index_cast %add3A_220 : i32 to index
          %get3A_248 = tpu.vector_load %arg12[%get3A_247] {strides = array<i32>} : memref<8192xf32, #tpu.memory_space<vmem>>, vector<16xf32>,
          %sub3A_249 = arith.subf %get3A_248, %mul3A_238 : vector<16xf32>
          %swap3A_250 = arith.index_cast %add3A_220 : i32 to index
          %swap3A_251 = tpu.vector_load %arg15[%swap3A_250] {strides = array<i32>} : memref<8192xf32, #tpu.memory_space<vmem>>, vector<16xf32>,
          tpu.vector_store %arg15[%swap3A_250], %sub3A_249 {strides = array<i32>} : memref<8192xf32, #tpu.memory_space<vmem>>, vector<16xf32>,
          %get3A_252 = arith.index_cast %add3A_220 : i32 to index
          %get3A_253 = tpu.vector_load %arg13[%get3A_252] {strides = array<i32>} : memref<8192xf32, #tpu.memory_space<vmem>>, vector<16xf32>,
          %sub3A_254 = arith.subf %get3A_253, %mul3A_242 : vector<16xf32>
          %swap3A_255 = arith.index_cast %add3A_220 : i32 to index
          %swap3A_256 = tpu.vector_load %arg16[%swap3A_255] {strides = array<i32>} : memref<8192xf32, #tpu.memory_space<vmem>>, vector<16xf32>,
          tpu.vector_store %arg16[%swap3A_255], %sub3A_254 {strides = array<i32>} : memref<8192xf32, #tpu.memory_space<vmem>>, vector<16xf32>,
          %add3A_257 = arith.constant 16 : i32
          %add3A_258 = arith.addi %mul3A_218, %add3A_257 : i32
          %add3A_259 = arith.constant 16 : i32
          %add3A_260 = vector.broadcast %add3A_259 : i32 to vector<16xi32>
          %add3A_261 = arith.addi %iota3A, %add3A_260 : vector<16xi32>
          %gather3A_262 = tpu.vector_load_idx %arg19[%add3A_261, %broadcast_in_dim3A_7] : memref<128x8xf32, #tpu.memory_space<vmem>>[vector<16xi32>, vector<16xi32>], vector<16xf32>,
          %gather3A_263 = tpu.vector_load_idx %arg20[%add3A_261, %broadcast_in_dim3A_7] : memref<128x8xf32, #tpu.memory_space<vmem>>[vector<16xi32>, vector<16xi32>], vector<16xf32>,
          %add3A_264 = arith.addf %gather3A_262, %gather3A_263 : vector<16xf32>
          %max3A_265 = arith.constant 1.000000e+00 : f32
          %max3A_266 = vector.broadcast %max3A_265 : f32 to vector<16xf32>
          %max3A_267 = arith.maximumf %add3A_264, %max3A_266 : vector<16xf32>
          %div3A_268 = arith.constant 1.000000e+00 : f32
          %div3A_269 = vector.broadcast %div3A_268 : f32 to vector<16xf32>
          %div3A_270 = arith.divf %div3A_269, %max3A_267 : vector<16xf32>
          %gather3A_271 = tpu.vector_load_idx %arg19[%add3A_261, %broadcast_in_dim3A_1] : memref<128x8xf32, #tpu.memory_space<vmem>>[vector<16xi32>, vector<16xi32>], vector<16xf32>,
          %gather3A_272 = tpu.vector_load_idx %arg20[%add3A_261, %broadcast_in_dim3A_1] : memref<128x8xf32, #tpu.memory_space<vmem>>[vector<16xi32>, vector<16xi32>], vector<16xf32>,
          %add3A_273 = arith.addf %gather3A_271, %gather3A_272 : vector<16xf32>
          %mul3A_274 = arith.mulf %add3A_273, %div3A_270 : vector<16xf32>
          %gather3A_275 = tpu.vector_load_idx %arg19[%add3A_261, %broadcast_in_dim3A_3] : memref<128x8xf32, #tpu.memory_space<vmem>>[vector<16xi32>, vector<16xi32>], vector<16xf32>,
          %gather3A_276 = tpu.vector_load_idx %arg20[%add3A_261, %broadcast_in_dim3A_3] : memref<128x8xf32, #tpu.memory_space<vmem>>[vector<16xi32>, vector<16xi32>], vector<16xf32>,
          %add3A_277 = arith.addf %gather3A_275, %gather3A_276 : vector<16xf32>
          %mul3A_278 = arith.mulf %add3A_277, %div3A_270 : vector<16xf32>
          %gather3A_279 = tpu.vector_load_idx %arg19[%add3A_261, %broadcast_in_dim3A_5] : memref<128x8xf32, #tpu.memory_space<vmem>>[vector<16xi32>, vector<16xi32>], vector<16xf32>,
          %gather3A_280 = tpu.vector_load_idx %arg20[%add3A_261, %broadcast_in_dim3A_5] : memref<128x8xf32, #tpu.memory_space<vmem>>[vector<16xi32>, vector<16xi32>], vector<16xf32>,
          %add3A_281 = arith.addf %gather3A_279, %gather3A_280 : vector<16xf32>
          %mul3A_282 = arith.mulf %add3A_281, %div3A_270 : vector<16xf32>
          %get3A_283 = arith.index_cast %add3A_258 : i32 to index
          %get3A_284 = tpu.vector_load %arg11[%get3A_283] {strides = array<i32>} : memref<8192xf32, #tpu.memory_space<vmem>>, vector<16xf32>,
          %sub3A_285 = arith.subf %get3A_284, %mul3A_274 : vector<16xf32>
          %swap3A_286 = arith.index_cast %add3A_258 : i32 to index
          %swap3A_287 = tpu.vector_load %arg14[%swap3A_286] {strides = array<i32>} : memref<8192xf32, #tpu.memory_space<vmem>>, vector<16xf32>,
          tpu.vector_store %arg14[%swap3A_286], %sub3A_285 {strides = array<i32>} : memref<8192xf32, #tpu.memory_space<vmem>>, vector<16xf32>,
          %get3A_288 = arith.index_cast %add3A_258 : i32 to index
          %get3A_289 = tpu.vector_load %arg12[%get3A_288] {strides = array<i32>} : memref<8192xf32, #tpu.memory_space<vmem>>, vector<16xf32>,
          %sub3A_290 = arith.subf %get3A_289, %mul3A_278 : vector<16xf32>
          %swap3A_291 = arith.index_cast %add3A_258 : i32 to index
          %swap3A_292 = tpu.vector_load %arg15[%swap3A_291] {strides = array<i32>} : memref<8192xf32, #tpu.memory_space<vmem>>, vector<16xf32>,
          tpu.vector_store %arg15[%swap3A_291], %sub3A_290 {strides = array<i32>} : memref<8192xf32, #tpu.memory_space<vmem>>, vector<16xf32>,
          %get3A_293 = arith.index_cast %add3A_258 : i32 to index
          %get3A_294 = tpu.vector_load %arg13[%get3A_293] {strides = array<i32>} : memref<8192xf32, #tpu.memory_space<vmem>>, vector<16xf32>,
          %sub3A_295 = arith.subf %get3A_294, %mul3A_282 : vector<16xf32>
          %swap3A_296 = arith.index_cast %add3A_258 : i32 to index
          %swap3A_297 = tpu.vector_load %arg16[%swap3A_296] {strides = array<i32>} : memref<8192xf32, #tpu.memory_space<vmem>>, vector<16xf32>,
          tpu.vector_store %arg16[%swap3A_296], %sub3A_295 {strides = array<i32>} : memref<8192xf32, #tpu.memory_space<vmem>>, vector<16xf32>,
          %add3A_298 = arith.constant 32 : i32
          %add3A_299 = arith.addi %mul3A_218, %add3A_298 : i32
          %add3A_300 = arith.constant 32 : i32
          %add3A_301 = vector.broadcast %add3A_300 : i32 to vector<16xi32>
          %add3A_302 = arith.addi %iota3A, %add3A_301 : vector<16xi32>
          %gather3A_303 = tpu.vector_load_idx %arg19[%add3A_302, %broadcast_in_dim3A_7] : memref<128x8xf32, #tpu.memory_space<vmem>>[vector<16xi32>, vector<16xi32>], vector<16xf32>,
          %gather3A_304 = tpu.vector_load_idx %arg20[%add3A_302, %broadcast_in_dim3A_7] : memref<128x8xf32, #tpu.memory_space<vmem>>[vector<16xi32>, vector<16xi32>], vector<16xf32>,
          %add3A_305 = arith.addf %gather3A_303, %gather3A_304 : vector<16xf32>
          %max3A_306 = arith.constant 1.000000e+00 : f32
          %max3A_307 = vector.broadcast %max3A_306 : f32 to vector<16xf32>
          %max3A_308 = arith.maximumf %add3A_305, %max3A_307 : vector<16xf32>
          %div3A_309 = arith.constant 1.000000e+00 : f32
          %div3A_310 = vector.broadcast %div3A_309 : f32 to vector<16xf32>
          %div3A_311 = arith.divf %div3A_310, %max3A_308 : vector<16xf32>
          %gather3A_312 = tpu.vector_load_idx %arg19[%add3A_302, %broadcast_in_dim3A_1] : memref<128x8xf32, #tpu.memory_space<vmem>>[vector<16xi32>, vector<16xi32>], vector<16xf32>,
          %gather3A_313 = tpu.vector_load_idx %arg20[%add3A_302, %broadcast_in_dim3A_1] : memref<128x8xf32, #tpu.memory_space<vmem>>[vector<16xi32>, vector<16xi32>], vector<16xf32>,
          %add3A_314 = arith.addf %gather3A_312, %gather3A_313 : vector<16xf32>
          %mul3A_315 = arith.mulf %add3A_314, %div3A_311 : vector<16xf32>
          %gather3A_316 = tpu.vector_load_idx %arg19[%add3A_302, %broadcast_in_dim3A_3] : memref<128x8xf32, #tpu.memory_space<vmem>>[vector<16xi32>, vector<16xi32>], vector<16xf32>,
          %gather3A_317 = tpu.vector_load_idx %arg20[%add3A_302, %broadcast_in_dim3A_3] : memref<128x8xf32, #tpu.memory_space<vmem>>[vector<16xi32>, vector<16xi32>], vector<16xf32>,
          %add3A_318 = arith.addf %gather3A_316, %gather3A_317 : vector<16xf32>
          %mul3A_319 = arith.mulf %add3A_318, %div3A_311 : vector<16xf32>
          %gather3A_320 = tpu.vector_load_idx %arg19[%add3A_302, %broadcast_in_dim3A_5] : memref<128x8xf32, #tpu.memory_space<vmem>>[vector<16xi32>, vector<16xi32>], vector<16xf32>,
          %gather3A_321 = tpu.vector_load_idx %arg20[%add3A_302, %broadcast_in_dim3A_5] : memref<128x8xf32, #tpu.memory_space<vmem>>[vector<16xi32>, vector<16xi32>], vector<16xf32>,
          %add3A_322 = arith.addf %gather3A_320, %gather3A_321 : vector<16xf32>
          %mul3A_323 = arith.mulf %add3A_322, %div3A_311 : vector<16xf32>
          %get3A_324 = arith.index_cast %add3A_299 : i32 to index
          %get3A_325 = tpu.vector_load %arg11[%get3A_324] {strides = array<i32>} : memref<8192xf32, #tpu.memory_space<vmem>>, vector<16xf32>,
          %sub3A_326 = arith.subf %get3A_325, %mul3A_315 : vector<16xf32>
          %swap3A_327 = arith.index_cast %add3A_299 : i32 to index
          %swap3A_328 = tpu.vector_load %arg14[%swap3A_327] {strides = array<i32>} : memref<8192xf32, #tpu.memory_space<vmem>>, vector<16xf32>,
          tpu.vector_store %arg14[%swap3A_327], %sub3A_326 {strides = array<i32>} : memref<8192xf32, #tpu.memory_space<vmem>>, vector<16xf32>,
          %get3A_329 = arith.index_cast %add3A_299 : i32 to index
          %get3A_330 = tpu.vector_load %arg12[%get3A_329] {strides = array<i32>} : memref<8192xf32, #tpu.memory_space<vmem>>, vector<16xf32>,
          %sub3A_331 = arith.subf %get3A_330, %mul3A_319 : vector<16xf32>
          %swap3A_332 = arith.index_cast %add3A_299 : i32 to index
          %swap3A_333 = tpu.vector_load %arg15[%swap3A_332] {strides = array<i32>} : memref<8192xf32, #tpu.memory_space<vmem>>, vector<16xf32>,
          tpu.vector_store %arg15[%swap3A_332], %sub3A_331 {strides = array<i32>} : memref<8192xf32, #tpu.memory_space<vmem>>, vector<16xf32>,
          %get3A_334 = arith.index_cast %add3A_299 : i32 to index
          %get3A_335 = tpu.vector_load %arg13[%get3A_334] {strides = array<i32>} : memref<8192xf32, #tpu.memory_space<vmem>>, vector<16xf32>,
          %sub3A_336 = arith.subf %get3A_335, %mul3A_323 : vector<16xf32>
          %swap3A_337 = arith.index_cast %add3A_299 : i32 to index
          %swap3A_338 = tpu.vector_load %arg16[%swap3A_337] {strides = array<i32>} : memref<8192xf32, #tpu.memory_space<vmem>>, vector<16xf32>,
          tpu.vector_store %arg16[%swap3A_337], %sub3A_336 {strides = array<i32>} : memref<8192xf32, #tpu.memory_space<vmem>>, vector<16xf32>,
          %add3A_339 = arith.constant 48 : i32
          %add3A_340 = arith.addi %mul3A_218, %add3A_339 : i32
          %add3A_341 = arith.constant 48 : i32
          %add3A_342 = vector.broadcast %add3A_341 : i32 to vector<16xi32>
          %add3A_343 = arith.addi %iota3A, %add3A_342 : vector<16xi32>
          %gather3A_344 = tpu.vector_load_idx %arg19[%add3A_343, %broadcast_in_dim3A_7] : memref<128x8xf32, #tpu.memory_space<vmem>>[vector<16xi32>, vector<16xi32>], vector<16xf32>,
          %gather3A_345 = tpu.vector_load_idx %arg20[%add3A_343, %broadcast_in_dim3A_7] : memref<128x8xf32, #tpu.memory_space<vmem>>[vector<16xi32>, vector<16xi32>], vector<16xf32>,
          %add3A_346 = arith.addf %gather3A_344, %gather3A_345 : vector<16xf32>
          %max3A_347 = arith.constant 1.000000e+00 : f32
          %max3A_348 = vector.broadcast %max3A_347 : f32 to vector<16xf32>
          %max3A_349 = arith.maximumf %add3A_346, %max3A_348 : vector<16xf32>
          %div3A_350 = arith.constant 1.000000e+00 : f32
          %div3A_351 = vector.broadcast %div3A_350 : f32 to vector<16xf32>
          %div3A_352 = arith.divf %div3A_351, %max3A_349 : vector<16xf32>
          %gather3A_353 = tpu.vector_load_idx %arg19[%add3A_343, %broadcast_in_dim3A_1] : memref<128x8xf32, #tpu.memory_space<vmem>>[vector<16xi32>, vector<16xi32>], vector<16xf32>,
          %gather3A_354 = tpu.vector_load_idx %arg20[%add3A_343, %broadcast_in_dim3A_1] : memref<128x8xf32, #tpu.memory_space<vmem>>[vector<16xi32>, vector<16xi32>], vector<16xf32>,
          %add3A_355 = arith.addf %gather3A_353, %gather3A_354 : vector<16xf32>
          %mul3A_356 = arith.mulf %add3A_355, %div3A_352 : vector<16xf32>
          %gather3A_357 = tpu.vector_load_idx %arg19[%add3A_343, %broadcast_in_dim3A_3] : memref<128x8xf32, #tpu.memory_space<vmem>>[vector<16xi32>, vector<16xi32>], vector<16xf32>,
          %gather3A_358 = tpu.vector_load_idx %arg20[%add3A_343, %broadcast_in_dim3A_3] : memref<128x8xf32, #tpu.memory_space<vmem>>[vector<16xi32>, vector<16xi32>], vector<16xf32>,
          %add3A_359 = arith.addf %gather3A_357, %gather3A_358 : vector<16xf32>
          %mul3A_360 = arith.mulf %add3A_359, %div3A_352 : vector<16xf32>
          %gather3A_361 = tpu.vector_load_idx %arg19[%add3A_343, %broadcast_in_dim3A_5] : memref<128x8xf32, #tpu.memory_space<vmem>>[vector<16xi32>, vector<16xi32>], vector<16xf32>,
          %gather3A_362 = tpu.vector_load_idx %arg20[%add3A_343, %broadcast_in_dim3A_5] : memref<128x8xf32, #tpu.memory_space<vmem>>[vector<16xi32>, vector<16xi32>], vector<16xf32>,
          %add3A_363 = arith.addf %gather3A_361, %gather3A_362 : vector<16xf32>
          %mul3A_364 = arith.mulf %add3A_363, %div3A_352 : vector<16xf32>
          %get3A_365 = arith.index_cast %add3A_340 : i32 to index
          %get3A_366 = tpu.vector_load %arg11[%get3A_365] {strides = array<i32>} : memref<8192xf32, #tpu.memory_space<vmem>>, vector<16xf32>,
          %sub3A_367 = arith.subf %get3A_366, %mul3A_356 : vector<16xf32>
          %swap3A_368 = arith.index_cast %add3A_340 : i32 to index
          %swap3A_369 = tpu.vector_load %arg14[%swap3A_368] {strides = array<i32>} : memref<8192xf32, #tpu.memory_space<vmem>>, vector<16xf32>,
          tpu.vector_store %arg14[%swap3A_368], %sub3A_367 {strides = array<i32>} : memref<8192xf32, #tpu.memory_space<vmem>>, vector<16xf32>,
          %get3A_370 = arith.index_cast %add3A_340 : i32 to index
          %get3A_371 = tpu.vector_load %arg12[%get3A_370] {strides = array<i32>} : memref<8192xf32, #tpu.memory_space<vmem>>, vector<16xf32>,
          %sub3A_372 = arith.subf %get3A_371, %mul3A_360 : vector<16xf32>
          %swap3A_373 = arith.index_cast %add3A_340 : i32 to index
          %swap3A_374 = tpu.vector_load %arg15[%swap3A_373] {strides = array<i32>} : memref<8192xf32, #tpu.memory_space<vmem>>, vector<16xf32>,
          tpu.vector_store %arg15[%swap3A_373], %sub3A_372 {strides = array<i32>} : memref<8192xf32, #tpu.memory_space<vmem>>, vector<16xf32>,
          %get3A_375 = arith.index_cast %add3A_340 : i32 to index
          %get3A_376 = tpu.vector_load %arg13[%get3A_375] {strides = array<i32>} : memref<8192xf32, #tpu.memory_space<vmem>>, vector<16xf32>,
          %sub3A_377 = arith.subf %get3A_376, %mul3A_364 : vector<16xf32>
          %swap3A_378 = arith.index_cast %add3A_340 : i32 to index
          %swap3A_379 = tpu.vector_load %arg16[%swap3A_378] {strides = array<i32>} : memref<8192xf32, #tpu.memory_space<vmem>>, vector<16xf32>,
          tpu.vector_store %arg16[%swap3A_378], %sub3A_377 {strides = array<i32>} : memref<8192xf32, #tpu.memory_space<vmem>>, vector<16xf32>,
          %add3A_380 = arith.constant 64 : i32
          %add3A_381 = arith.addi %mul3A_218, %add3A_380 : i32
          %add3A_382 = arith.constant 64 : i32
          %add3A_383 = vector.broadcast %add3A_382 : i32 to vector<16xi32>
          %add3A_384 = arith.addi %iota3A, %add3A_383 : vector<16xi32>
          %gather3A_385 = tpu.vector_load_idx %arg19[%add3A_384, %broadcast_in_dim3A_7] : memref<128x8xf32, #tpu.memory_space<vmem>>[vector<16xi32>, vector<16xi32>], vector<16xf32>,
          %gather3A_386 = tpu.vector_load_idx %arg20[%add3A_384, %broadcast_in_dim3A_7] : memref<128x8xf32, #tpu.memory_space<vmem>>[vector<16xi32>, vector<16xi32>], vector<16xf32>,
          %add3A_387 = arith.addf %gather3A_385, %gather3A_386 : vector<16xf32>
          %max3A_388 = arith.constant 1.000000e+00 : f32
          %max3A_389 = vector.broadcast %max3A_388 : f32 to vector<16xf32>
          %max3A_390 = arith.maximumf %add3A_387, %max3A_389 : vector<16xf32>
          %div3A_391 = arith.constant 1.000000e+00 : f32
          %div3A_392 = vector.broadcast %div3A_391 : f32 to vector<16xf32>
          %div3A_393 = arith.divf %div3A_392, %max3A_390 : vector<16xf32>
          %gather3A_394 = tpu.vector_load_idx %arg19[%add3A_384, %broadcast_in_dim3A_1] : memref<128x8xf32, #tpu.memory_space<vmem>>[vector<16xi32>, vector<16xi32>], vector<16xf32>,
          %gather3A_395 = tpu.vector_load_idx %arg20[%add3A_384, %broadcast_in_dim3A_1] : memref<128x8xf32, #tpu.memory_space<vmem>>[vector<16xi32>, vector<16xi32>], vector<16xf32>,
          %add3A_396 = arith.addf %gather3A_394, %gather3A_395 : vector<16xf32>
          %mul3A_397 = arith.mulf %add3A_396, %div3A_393 : vector<16xf32>
          %gather3A_398 = tpu.vector_load_idx %arg19[%add3A_384, %broadcast_in_dim3A_3] : memref<128x8xf32, #tpu.memory_space<vmem>>[vector<16xi32>, vector<16xi32>], vector<16xf32>,
          %gather3A_399 = tpu.vector_load_idx %arg20[%add3A_384, %broadcast_in_dim3A_3] : memref<128x8xf32, #tpu.memory_space<vmem>>[vector<16xi32>, vector<16xi32>], vector<16xf32>,
          %add3A_400 = arith.addf %gather3A_398, %gather3A_399 : vector<16xf32>
          %mul3A_401 = arith.mulf %add3A_400, %div3A_393 : vector<16xf32>
          %gather3A_402 = tpu.vector_load_idx %arg19[%add3A_384, %broadcast_in_dim3A_5] : memref<128x8xf32, #tpu.memory_space<vmem>>[vector<16xi32>, vector<16xi32>], vector<16xf32>,
          %gather3A_403 = tpu.vector_load_idx %arg20[%add3A_384, %broadcast_in_dim3A_5] : memref<128x8xf32, #tpu.memory_space<vmem>>[vector<16xi32>, vector<16xi32>], vector<16xf32>,
          %add3A_404 = arith.addf %gather3A_402, %gather3A_403 : vector<16xf32>
          %mul3A_405 = arith.mulf %add3A_404, %div3A_393 : vector<16xf32>
          %get3A_406 = arith.index_cast %add3A_381 : i32 to index
          %get3A_407 = tpu.vector_load %arg11[%get3A_406] {strides = array<i32>} : memref<8192xf32, #tpu.memory_space<vmem>>, vector<16xf32>,
          %sub3A_408 = arith.subf %get3A_407, %mul3A_397 : vector<16xf32>
          %swap3A_409 = arith.index_cast %add3A_381 : i32 to index
          %swap3A_410 = tpu.vector_load %arg14[%swap3A_409] {strides = array<i32>} : memref<8192xf32, #tpu.memory_space<vmem>>, vector<16xf32>,
          tpu.vector_store %arg14[%swap3A_409], %sub3A_408 {strides = array<i32>} : memref<8192xf32, #tpu.memory_space<vmem>>, vector<16xf32>,
          %get3A_411 = arith.index_cast %add3A_381 : i32 to index
          %get3A_412 = tpu.vector_load %arg12[%get3A_411] {strides = array<i32>} : memref<8192xf32, #tpu.memory_space<vmem>>, vector<16xf32>,
          %sub3A_413 = arith.subf %get3A_412, %mul3A_401 : vector<16xf32>
          %swap3A_414 = arith.index_cast %add3A_381 : i32 to index
          %swap3A_415 = tpu.vector_load %arg15[%swap3A_414] {strides = array<i32>} : memref<8192xf32, #tpu.memory_space<vmem>>, vector<16xf32>,
          tpu.vector_store %arg15[%swap3A_414], %sub3A_413 {strides = array<i32>} : memref<8192xf32, #tpu.memory_space<vmem>>, vector<16xf32>,
          %get3A_416 = arith.index_cast %add3A_381 : i32 to index
          %get3A_417 = tpu.vector_load %arg13[%get3A_416] {strides = array<i32>} : memref<8192xf32, #tpu.memory_space<vmem>>, vector<16xf32>,
          %sub3A_418 = arith.subf %get3A_417, %mul3A_405 : vector<16xf32>
          %swap3A_419 = arith.index_cast %add3A_381 : i32 to index
          %swap3A_420 = tpu.vector_load %arg16[%swap3A_419] {strides = array<i32>} : memref<8192xf32, #tpu.memory_space<vmem>>, vector<16xf32>,
          tpu.vector_store %arg16[%swap3A_419], %sub3A_418 {strides = array<i32>} : memref<8192xf32, #tpu.memory_space<vmem>>, vector<16xf32>,
          %add3A_421 = arith.constant 80 : i32
          %add3A_422 = arith.addi %mul3A_218, %add3A_421 : i32
          %add3A_423 = arith.constant 80 : i32
          %add3A_424 = vector.broadcast %add3A_423 : i32 to vector<16xi32>
          %add3A_425 = arith.addi %iota3A, %add3A_424 : vector<16xi32>
          %gather3A_426 = tpu.vector_load_idx %arg19[%add3A_425, %broadcast_in_dim3A_7] : memref<128x8xf32, #tpu.memory_space<vmem>>[vector<16xi32>, vector<16xi32>], vector<16xf32>,
          %gather3A_427 = tpu.vector_load_idx %arg20[%add3A_425, %broadcast_in_dim3A_7] : memref<128x8xf32, #tpu.memory_space<vmem>>[vector<16xi32>, vector<16xi32>], vector<16xf32>,
          %add3A_428 = arith.addf %gather3A_426, %gather3A_427 : vector<16xf32>
          %max3A_429 = arith.constant 1.000000e+00 : f32
          %max3A_430 = vector.broadcast %max3A_429 : f32 to vector<16xf32>
          %max3A_431 = arith.maximumf %add3A_428, %max3A_430 : vector<16xf32>
          %div3A_432 = arith.constant 1.000000e+00 : f32
          %div3A_433 = vector.broadcast %div3A_432 : f32 to vector<16xf32>
          %div3A_434 = arith.divf %div3A_433, %max3A_431 : vector<16xf32>
          %gather3A_435 = tpu.vector_load_idx %arg19[%add3A_425, %broadcast_in_dim3A_1] : memref<128x8xf32, #tpu.memory_space<vmem>>[vector<16xi32>, vector<16xi32>], vector<16xf32>,
          %gather3A_436 = tpu.vector_load_idx %arg20[%add3A_425, %broadcast_in_dim3A_1] : memref<128x8xf32, #tpu.memory_space<vmem>>[vector<16xi32>, vector<16xi32>], vector<16xf32>,
          %add3A_437 = arith.addf %gather3A_435, %gather3A_436 : vector<16xf32>
          %mul3A_438 = arith.mulf %add3A_437, %div3A_434 : vector<16xf32>
          %gather3A_439 = tpu.vector_load_idx %arg19[%add3A_425, %broadcast_in_dim3A_3] : memref<128x8xf32, #tpu.memory_space<vmem>>[vector<16xi32>, vector<16xi32>], vector<16xf32>,
          %gather3A_440 = tpu.vector_load_idx %arg20[%add3A_425, %broadcast_in_dim3A_3] : memref<128x8xf32, #tpu.memory_space<vmem>>[vector<16xi32>, vector<16xi32>], vector<16xf32>,
          %add3A_441 = arith.addf %gather3A_439, %gather3A_440 : vector<16xf32>
          %mul3A_442 = arith.mulf %add3A_441, %div3A_434 : vector<16xf32>
          %gather3A_443 = tpu.vector_load_idx %arg19[%add3A_425, %broadcast_in_dim3A_5] : memref<128x8xf32, #tpu.memory_space<vmem>>[vector<16xi32>, vector<16xi32>], vector<16xf32>,
          %gather3A_444 = tpu.vector_load_idx %arg20[%add3A_425, %broadcast_in_dim3A_5] : memref<128x8xf32, #tpu.memory_space<vmem>>[vector<16xi32>, vector<16xi32>], vector<16xf32>,
          %add3A_445 = arith.addf %gather3A_443, %gather3A_444 : vector<16xf32>
          %mul3A_446 = arith.mulf %add3A_445, %div3A_434 : vector<16xf32>
          %get3A_447 = arith.index_cast %add3A_422 : i32 to index
          %get3A_448 = tpu.vector_load %arg11[%get3A_447] {strides = array<i32>} : memref<8192xf32, #tpu.memory_space<vmem>>, vector<16xf32>,
          %sub3A_449 = arith.subf %get3A_448, %mul3A_438 : vector<16xf32>
          %swap3A_450 = arith.index_cast %add3A_422 : i32 to index
          %swap3A_451 = tpu.vector_load %arg14[%swap3A_450] {strides = array<i32>} : memref<8192xf32, #tpu.memory_space<vmem>>, vector<16xf32>,
          tpu.vector_store %arg14[%swap3A_450], %sub3A_449 {strides = array<i32>} : memref<8192xf32, #tpu.memory_space<vmem>>, vector<16xf32>,
          %get3A_452 = arith.index_cast %add3A_422 : i32 to index
          %get3A_453 = tpu.vector_load %arg12[%get3A_452] {strides = array<i32>} : memref<8192xf32, #tpu.memory_space<vmem>>, vector<16xf32>,
          %sub3A_454 = arith.subf %get3A_453, %mul3A_442 : vector<16xf32>
          %swap3A_455 = arith.index_cast %add3A_422 : i32 to index
          %swap3A_456 = tpu.vector_load %arg15[%swap3A_455] {strides = array<i32>} : memref<8192xf32, #tpu.memory_space<vmem>>, vector<16xf32>,
          tpu.vector_store %arg15[%swap3A_455], %sub3A_454 {strides = array<i32>} : memref<8192xf32, #tpu.memory_space<vmem>>, vector<16xf32>,
          %get3A_457 = arith.index_cast %add3A_422 : i32 to index
          %get3A_458 = tpu.vector_load %arg13[%get3A_457] {strides = array<i32>} : memref<8192xf32, #tpu.memory_space<vmem>>, vector<16xf32>,
          %sub3A_459 = arith.subf %get3A_458, %mul3A_446 : vector<16xf32>
          %swap3A_460 = arith.index_cast %add3A_422 : i32 to index
          %swap3A_461 = tpu.vector_load %arg16[%swap3A_460] {strides = array<i32>} : memref<8192xf32, #tpu.memory_space<vmem>>, vector<16xf32>,
          tpu.vector_store %arg16[%swap3A_460], %sub3A_459 {strides = array<i32>} : memref<8192xf32, #tpu.memory_space<vmem>>, vector<16xf32>,
          %add3A_462 = arith.constant 96 : i32
          %add3A_463 = arith.addi %mul3A_218, %add3A_462 : i32
          %add3A_464 = arith.constant 96 : i32
          %add3A_465 = vector.broadcast %add3A_464 : i32 to vector<16xi32>
          %add3A_466 = arith.addi %iota3A, %add3A_465 : vector<16xi32>
          %gather3A_467 = tpu.vector_load_idx %arg19[%add3A_466, %broadcast_in_dim3A_7] : memref<128x8xf32, #tpu.memory_space<vmem>>[vector<16xi32>, vector<16xi32>], vector<16xf32>,
          %gather3A_468 = tpu.vector_load_idx %arg20[%add3A_466, %broadcast_in_dim3A_7] : memref<128x8xf32, #tpu.memory_space<vmem>>[vector<16xi32>, vector<16xi32>], vector<16xf32>,
          %add3A_469 = arith.addf %gather3A_467, %gather3A_468 : vector<16xf32>
          %max3A_470 = arith.constant 1.000000e+00 : f32
          %max3A_471 = vector.broadcast %max3A_470 : f32 to vector<16xf32>
          %max3A_472 = arith.maximumf %add3A_469, %max3A_471 : vector<16xf32>
          %div3A_473 = arith.constant 1.000000e+00 : f32
          %div3A_474 = vector.broadcast %div3A_473 : f32 to vector<16xf32>
          %div3A_475 = arith.divf %div3A_474, %max3A_472 : vector<16xf32>
          %gather3A_476 = tpu.vector_load_idx %arg19[%add3A_466, %broadcast_in_dim3A_1] : memref<128x8xf32, #tpu.memory_space<vmem>>[vector<16xi32>, vector<16xi32>], vector<16xf32>,
          %gather3A_477 = tpu.vector_load_idx %arg20[%add3A_466, %broadcast_in_dim3A_1] : memref<128x8xf32, #tpu.memory_space<vmem>>[vector<16xi32>, vector<16xi32>], vector<16xf32>,
          %add3A_478 = arith.addf %gather3A_476, %gather3A_477 : vector<16xf32>
          %mul3A_479 = arith.mulf %add3A_478, %div3A_475 : vector<16xf32>
          %gather3A_480 = tpu.vector_load_idx %arg19[%add3A_466, %broadcast_in_dim3A_3] : memref<128x8xf32, #tpu.memory_space<vmem>>[vector<16xi32>, vector<16xi32>], vector<16xf32>,
          %gather3A_481 = tpu.vector_load_idx %arg20[%add3A_466, %broadcast_in_dim3A_3] : memref<128x8xf32, #tpu.memory_space<vmem>>[vector<16xi32>, vector<16xi32>], vector<16xf32>,
          %add3A_482 = arith.addf %gather3A_480, %gather3A_481 : vector<16xf32>
          %mul3A_483 = arith.mulf %add3A_482, %div3A_475 : vector<16xf32>
          %gather3A_484 = tpu.vector_load_idx %arg19[%add3A_466, %broadcast_in_dim3A_5] : memref<128x8xf32, #tpu.memory_space<vmem>>[vector<16xi32>, vector<16xi32>], vector<16xf32>,
          %gather3A_485 = tpu.vector_load_idx %arg20[%add3A_466, %broadcast_in_dim3A_5] : memref<128x8xf32, #tpu.memory_space<vmem>>[vector<16xi32>, vector<16xi32>], vector<16xf32>,
          %add3A_486 = arith.addf %gather3A_484, %gather3A_485 : vector<16xf32>
          %mul3A_487 = arith.mulf %add3A_486, %div3A_475 : vector<16xf32>
          %get3A_488 = arith.index_cast %add3A_463 : i32 to index
          %get3A_489 = tpu.vector_load %arg11[%get3A_488] {strides = array<i32>} : memref<8192xf32, #tpu.memory_space<vmem>>, vector<16xf32>,
          %sub3A_490 = arith.subf %get3A_489, %mul3A_479 : vector<16xf32>
          %swap3A_491 = arith.index_cast %add3A_463 : i32 to index
          %swap3A_492 = tpu.vector_load %arg14[%swap3A_491] {strides = array<i32>} : memref<8192xf32, #tpu.memory_space<vmem>>, vector<16xf32>,
          tpu.vector_store %arg14[%swap3A_491], %sub3A_490 {strides = array<i32>} : memref<8192xf32, #tpu.memory_space<vmem>>, vector<16xf32>,
          %get3A_493 = arith.index_cast %add3A_463 : i32 to index
          %get3A_494 = tpu.vector_load %arg12[%get3A_493] {strides = array<i32>} : memref<8192xf32, #tpu.memory_space<vmem>>, vector<16xf32>,
          %sub3A_495 = arith.subf %get3A_494, %mul3A_483 : vector<16xf32>
          %swap3A_496 = arith.index_cast %add3A_463 : i32 to index
          %swap3A_497 = tpu.vector_load %arg15[%swap3A_496] {strides = array<i32>} : memref<8192xf32, #tpu.memory_space<vmem>>, vector<16xf32>,
          tpu.vector_store %arg15[%swap3A_496], %sub3A_495 {strides = array<i32>} : memref<8192xf32, #tpu.memory_space<vmem>>, vector<16xf32>,
          %get3A_498 = arith.index_cast %add3A_463 : i32 to index
          %get3A_499 = tpu.vector_load %arg13[%get3A_498] {strides = array<i32>} : memref<8192xf32, #tpu.memory_space<vmem>>, vector<16xf32>,
          %sub3A_500 = arith.subf %get3A_499, %mul3A_487 : vector<16xf32>
          %swap3A_501 = arith.index_cast %add3A_463 : i32 to index
          %swap3A_502 = tpu.vector_load %arg16[%swap3A_501] {strides = array<i32>} : memref<8192xf32, #tpu.memory_space<vmem>>, vector<16xf32>,
          tpu.vector_store %arg16[%swap3A_501], %sub3A_500 {strides = array<i32>} : memref<8192xf32, #tpu.memory_space<vmem>>, vector<16xf32>,
          %add3A_503 = arith.constant 112 : i32
          %add3A_504 = arith.addi %mul3A_218, %add3A_503 : i32
          %add3A_505 = arith.constant 112 : i32
          %add3A_506 = vector.broadcast %add3A_505 : i32 to vector<16xi32>
          %add3A_507 = arith.addi %iota3A, %add3A_506 : vector<16xi32>
          %gather3A_508 = tpu.vector_load_idx %arg19[%add3A_507, %broadcast_in_dim3A_7] : memref<128x8xf32, #tpu.memory_space<vmem>>[vector<16xi32>, vector<16xi32>], vector<16xf32>,
          %gather3A_509 = tpu.vector_load_idx %arg20[%add3A_507, %broadcast_in_dim3A_7] : memref<128x8xf32, #tpu.memory_space<vmem>>[vector<16xi32>, vector<16xi32>], vector<16xf32>,
          %add3A_510 = arith.addf %gather3A_508, %gather3A_509 : vector<16xf32>
          %max3A_511 = arith.constant 1.000000e+00 : f32
          %max3A_512 = vector.broadcast %max3A_511 : f32 to vector<16xf32>
          %max3A_513 = arith.maximumf %add3A_510, %max3A_512 : vector<16xf32>
          %div3A_514 = arith.constant 1.000000e+00 : f32
          %div3A_515 = vector.broadcast %div3A_514 : f32 to vector<16xf32>
          %div3A_516 = arith.divf %div3A_515, %max3A_513 : vector<16xf32>
          %gather3A_517 = tpu.vector_load_idx %arg19[%add3A_507, %broadcast_in_dim3A_1] : memref<128x8xf32, #tpu.memory_space<vmem>>[vector<16xi32>, vector<16xi32>], vector<16xf32>,
          %gather3A_518 = tpu.vector_load_idx %arg20[%add3A_507, %broadcast_in_dim3A_1] : memref<128x8xf32, #tpu.memory_space<vmem>>[vector<16xi32>, vector<16xi32>], vector<16xf32>,
          %add3A_519 = arith.addf %gather3A_517, %gather3A_518 : vector<16xf32>
          %mul3A_520 = arith.mulf %add3A_519, %div3A_516 : vector<16xf32>
          %gather3A_521 = tpu.vector_load_idx %arg19[%add3A_507, %broadcast_in_dim3A_3] : memref<128x8xf32, #tpu.memory_space<vmem>>[vector<16xi32>, vector<16xi32>], vector<16xf32>,
          %gather3A_522 = tpu.vector_load_idx %arg20[%add3A_507, %broadcast_in_dim3A_3] : memref<128x8xf32, #tpu.memory_space<vmem>>[vector<16xi32>, vector<16xi32>], vector<16xf32>,
          %add3A_523 = arith.addf %gather3A_521, %gather3A_522 : vector<16xf32>
          %mul3A_524 = arith.mulf %add3A_523, %div3A_516 : vector<16xf32>
          %gather3A_525 = tpu.vector_load_idx %arg19[%add3A_507, %broadcast_in_dim3A_5] : memref<128x8xf32, #tpu.memory_space<vmem>>[vector<16xi32>, vector<16xi32>], vector<16xf32>,
          %gather3A_526 = tpu.vector_load_idx %arg20[%add3A_507, %broadcast_in_dim3A_5] : memref<128x8xf32, #tpu.memory_space<vmem>>[vector<16xi32>, vector<16xi32>], vector<16xf32>,
          %add3A_527 = arith.addf %gather3A_525, %gather3A_526 : vector<16xf32>
          %mul3A_528 = arith.mulf %add3A_527, %div3A_516 : vector<16xf32>
          %get3A_529 = arith.index_cast %add3A_504 : i32 to index
          %get3A_530 = tpu.vector_load %arg11[%get3A_529] {strides = array<i32>} : memref<8192xf32, #tpu.memory_space<vmem>>, vector<16xf32>,
          %sub3A_531 = arith.subf %get3A_530, %mul3A_520 : vector<16xf32>
          %swap3A_532 = arith.index_cast %add3A_504 : i32 to index
          %swap3A_533 = tpu.vector_load %arg14[%swap3A_532] {strides = array<i32>} : memref<8192xf32, #tpu.memory_space<vmem>>, vector<16xf32>,
          tpu.vector_store %arg14[%swap3A_532], %sub3A_531 {strides = array<i32>} : memref<8192xf32, #tpu.memory_space<vmem>>, vector<16xf32>,
          %get3A_534 = arith.index_cast %add3A_504 : i32 to index
          %get3A_535 = tpu.vector_load %arg12[%get3A_534] {strides = array<i32>} : memref<8192xf32, #tpu.memory_space<vmem>>, vector<16xf32>,
          %sub3A_536 = arith.subf %get3A_535, %mul3A_524 : vector<16xf32>
          %swap3A_537 = arith.index_cast %add3A_504 : i32 to index
          %swap3A_538 = tpu.vector_load %arg15[%swap3A_537] {strides = array<i32>} : memref<8192xf32, #tpu.memory_space<vmem>>, vector<16xf32>,
          tpu.vector_store %arg15[%swap3A_537], %sub3A_536 {strides = array<i32>} : memref<8192xf32, #tpu.memory_space<vmem>>, vector<16xf32>,
          %get3A_539 = arith.index_cast %add3A_504 : i32 to index
          %get3A_540 = tpu.vector_load %arg13[%get3A_539] {strides = array<i32>} : memref<8192xf32, #tpu.memory_space<vmem>>, vector<16xf32>,
          %sub3A_541 = arith.subf %get3A_540, %mul3A_528 : vector<16xf32>
          %swap3A_542 = arith.index_cast %add3A_504 : i32 to index
          %swap3A_543 = tpu.vector_load %arg16[%swap3A_542] {strides = array<i32>} : memref<8192xf32, #tpu.memory_space<vmem>>, vector<16xf32>,
          tpu.vector_store %arg16[%swap3A_542], %sub3A_541 {strides = array<i32>} : memref<8192xf32, #tpu.memory_space<vmem>>, vector<16xf32>,
          %scan3A_544 = arith.constant 0 : i32
          scf.yield %scan3A_544 : i32
        }
        %scan3A_168 = arith.constant 64 : i32
      } else {
      }
      "tpu.region"() ({
        %run_scoped3A = tpu.sem_alloc : memref<!tpu.dma_semaphore, #tpu.memory_space<semaphore_mem>>
        %dma_start3A = tpu.memref_slice %arg7[%mul3A_137] : memref<3200000xf32, #tpu.memory_space<hbm>> -> memref<8192xf32, #tpu.memory_space<hbm>>
        %dma_start3A_163 = tpu.memref_slice %arg7[%mul3A_137] : memref<3200000xf32, #tpu.memory_space<hbm>> -> memref<8192xf32, #tpu.memory_space<hbm>>
        tpu.enqueue_dma source(%arg14 : memref<8192xf32, #tpu.memory_space<vmem>>) target(%dma_start3A_163 : memref<8192xf32, #tpu.memory_space<hbm>>) target_semaphore(%run_scoped3A : memref<!tpu.dma_semaphore, #tpu.memory_space<semaphore_mem>>)
        %dma_wait3A = tpu.memref_slice %arg7[%mul3A_137] : memref<3200000xf32, #tpu.memory_space<hbm>> -> memref<8192xf32, #tpu.memory_space<hbm>>
        %dma_wait3A_164 = tpu.memref_slice %arg7[%mul3A_137] : memref<3200000xf32, #tpu.memory_space<hbm>> -> memref<8192xf32, #tpu.memory_space<hbm>>
        tpu.wait_dma2 semaphore(%run_scoped3A : memref<!tpu.dma_semaphore, #tpu.memory_space<semaphore_mem>>) src(%arg14 : memref<8192xf32, #tpu.memory_space<vmem>>) dst(%dma_wait3A_164 : memref<8192xf32, #tpu.memory_space<hbm>>)
        tpu.yield
      }) : () -> ()
      "tpu.region"() ({
        %run_scoped3A = tpu.sem_alloc : memref<!tpu.dma_semaphore, #tpu.memory_space<semaphore_mem>>
        %dma_start3A = tpu.memref_slice %arg8[%mul3A_137] : memref<3200000xf32, #tpu.memory_space<hbm>> -> memref<8192xf32, #tpu.memory_space<hbm>>
        %dma_start3A_163 = tpu.memref_slice %arg8[%mul3A_137] : memref<3200000xf32, #tpu.memory_space<hbm>> -> memref<8192xf32, #tpu.memory_space<hbm>>
        tpu.enqueue_dma source(%arg15 : memref<8192xf32, #tpu.memory_space<vmem>>) target(%dma_start3A_163 : memref<8192xf32, #tpu.memory_space<hbm>>) target_semaphore(%run_scoped3A : memref<!tpu.dma_semaphore, #tpu.memory_space<semaphore_mem>>)
        %dma_wait3A = tpu.memref_slice %arg8[%mul3A_137] : memref<3200000xf32, #tpu.memory_space<hbm>> -> memref<8192xf32, #tpu.memory_space<hbm>>
        %dma_wait3A_164 = tpu.memref_slice %arg8[%mul3A_137] : memref<3200000xf32, #tpu.memory_space<hbm>> -> memref<8192xf32, #tpu.memory_space<hbm>>
        tpu.wait_dma2 semaphore(%run_scoped3A : memref<!tpu.dma_semaphore, #tpu.memory_space<semaphore_mem>>) src(%arg15 : memref<8192xf32, #tpu.memory_space<vmem>>) dst(%dma_wait3A_164 : memref<8192xf32, #tpu.memory_space<hbm>>)
        tpu.yield
      }) : () -> ()
      "tpu.region"() ({
        %run_scoped3A = tpu.sem_alloc : memref<!tpu.dma_semaphore, #tpu.memory_space<semaphore_mem>>
        %dma_start3A = tpu.memref_slice %arg9[%mul3A_137] : memref<3200000xf32, #tpu.memory_space<hbm>> -> memref<8192xf32, #tpu.memory_space<hbm>>
        %dma_start3A_163 = tpu.memref_slice %arg9[%mul3A_137] : memref<3200000xf32, #tpu.memory_space<hbm>> -> memref<8192xf32, #tpu.memory_space<hbm>>
        tpu.enqueue_dma source(%arg16 : memref<8192xf32, #tpu.memory_space<vmem>>) target(%dma_start3A_163 : memref<8192xf32, #tpu.memory_space<hbm>>) target_semaphore(%run_scoped3A : memref<!tpu.dma_semaphore, #tpu.memory_space<semaphore_mem>>)
        %dma_wait3A = tpu.memref_slice %arg9[%mul3A_137] : memref<3200000xf32, #tpu.memory_space<hbm>> -> memref<8192xf32, #tpu.memory_space<hbm>>
        %dma_wait3A_164 = tpu.memref_slice %arg9[%mul3A_137] : memref<3200000xf32, #tpu.memory_space<hbm>> -> memref<8192xf32, #tpu.memory_space<hbm>>
        tpu.wait_dma2 semaphore(%run_scoped3A : memref<!tpu.dma_semaphore, #tpu.memory_space<semaphore_mem>>) src(%arg16 : memref<8192xf32, #tpu.memory_space<vmem>>) dst(%dma_wait3A_164 : memref<8192xf32, #tpu.memory_space<hbm>>)
        tpu.yield
      }) : () -> ()
      %while3A_162 = arith.constant 0 : i32
      scf.yield %while3A_162 : i32
    }
    return
  }
}

</mosaic_0001>

<sc_bundles>
// kernel: kernel.4.cloned.1.call-start
scs
__scs_entry_jumppad:
0x0: {  	(pc) =	sbr.rel $0x88, $3  }
0x1: {  	(tag) =	ssettag $0x0;
	lr =	simm.s32 $0x1  }
0x2: {  	[smem:$0x3F9F] =	sst lr;
	_ =	strace $0xD0000000  }
0x3: {  	_ = 	snop  }
0x4: {  	_ = 	snop  }
0x5: {  	_ = 	snop  }
0x6: {  	_ = 	snop  }
0x7: {  	_ = 	snop  }
__scs_overlays_trampoline_lowered:
0x8: {  	[smem:$0x3FAE] =	sst s0  }
0x9: {  	[smem:$0x3FAF] =	sst s1  }
0xa: {  	[smem:$0x3FB0] =	sst s2  }
0xb: {  	[smem:$0x3FB1] =	sst s3  }
0xc: {  	[smem:$0x3FB2] =	sst s4  }
0xd: {  	[smem:$0x3FB3] =	sst s5  }
0xe: {  	[smem:$0x3FB4] =	sst s6  }
0xf: {  	[smem:$0x3FB5] =	sst s7  }
0x10: {  	[smem:$0x3FB6] =	sst s8  }
0x11: {  	[smem:$0x3FB7] =	sst s9;
	s0 =	simm.s32 @!p0 $0x0  }
0x12: {  	s1 =	sld [smem:$0x3F9D];
	s0 =	simm.s32 @p0 $0x1  }
0x13: {  	[smem:$0x3FB8] =	sst s0;
	s0 =	simm.s32 @!p1 $0x0  }
0x14: {  	s2 =	sld [smem:$0x3F9C];
	s0 =	simm.s32 @p1 $0x1  }
0x15: {  	[smem:$0x3FB9] =	sst s0;
	s0 =	simm.s32 @!p2 $0x0  }
0x16: {  	s3 =	sld [smem:$0x3FDB];
	s0 =	simm.s32 @p2 $0x1  }
0x17: {  	s4 =	simm.s32 $0x1BF5;
	[smem:$0x3FBB] =	sst s0  }
0x18: {  	s0 =	sld [smem:$0x3F9E];
	_ =	swait.ge [sflag:s4], $0x0  }
0x19: {  	s7 =	sld [smem:$0x3F9F]  }
0x1a: {  	s8 =	sadd.s32 $0xFFFFE003, lr  }
0x1b: {  	s9 =	sadd.s32 $0xFFFFFEF7, lr;
	s5 =	simm.s32 $0xFFFFFFFF;
	p2 =	slt.u32 s8, $0xFFFFF086  }
0x1c: {  	p1 =	slt.u32 s9, $0xF7A;
	s5 =	simm.s32 @!p2 $0x0  }
0x1d: {  	s5 =	simm.s32 @p1 $0x1;
	p0 =	seq.s32 s7, s2  }
0x1e: {  	s7 =	smul.u32 @!p0 $0xF7A, s2;
	p2 =	seq.s32 @!p0 s5, $0x0  }
0x1f: {  	s9 =	smul.u32 $0xF7A, s1;
	s8 =	simm.s32 @!p0 $0x1BF5;
	p2 =	por !p2, p0  }
0x20: {  	[sflag:s8] =	ssyncset.s32 @!p0 $0xFFFFF086;
	s6 =	sadd.s32 @!p0 s3, s7;
	s7 =	simm.s32 @!p0 $0x108  }
0x21: {  	s3 =	sadd.s32 s3, s9;
	s6 =	sadd.s32 @!p0 $0x88, s6;
	s7 =	simm.s32 @p2 $0x1082  }
0x22: {  	[simem:s7], [sflag:s8] =	dma.local @!p0 [hbm:s6], $0xF7A  }
0x23: {  	s9 =	sor.u32 $0xD0000000, s2;
	s6 =	simm.s32 $0x108;
	_ =	swait.ge @!p0 [sflag:s8], $0x0  }
0x24: {  	s3 =	sadd.s32 $0x88, s3;
	s6 =	simm.s32 @!p1 $0x1082;
	[sflag:s4] =	ssyncset.s32 $0xFFFFF086  }
0x25: {  	[simem:s6], [sflag:s4] =	dma.local [hbm:s3], $0xF7A  }
0x26: {  	[smem:$0x3F9F] =	sst s1;
	(tag) =	ssettag s2;
	_ =	strace s9  }
0x27: {  	s1 =	sld [smem:$0x3FAF]  }
0x28: {  	s2 =	sld [smem:$0x3FB0]  }
0x29: {  	s4 =	sld [smem:$0x3FB2]  }
0x2a: {  	p0 =	seq.s32 s5, $0x0;
	s5 =	sld [smem:$0x3FB3]  }
0x2b: {  	s6 =	sld [smem:$0x3FB4]  }
0x2c: {  	s7 =	sld [smem:$0x3FB5]  }
0x2d: {  	s3 =	simm.s32 $0x108;
	s8 =	sld [smem:$0x3FB6]  }
0x2e: {  	s3 =	simm.s32 @!p0 $0x1082;
	s9 =	sld [smem:$0x3FB7]  }
0x2f: {  	lr =	sadd.s32 s0, s3;
	s0 =	sld [smem:$0x3FAE]  }
0x30: {  	s3 =	sld [smem:$0x3FB1]  }
0x31: {  	[smem:$0x3FBA] =	sst s10  }
0x32: {  	s10 =	sld [smem:$0x3FB8];
	_ =	sdelay $0x3  }
0x33: {  	p0 =	seq.s32 s10, $0x1;
	s10 =	sld [smem:$0x3FBA];
	_ =	sdelay $0x3  }
0x34: {  	[smem:$0x3FBA] =	sst s10  }
0x35: {  	s10 =	sld [smem:$0x3FB9];
	_ =	sdelay $0x3  }
0x36: {  	p1 =	seq.s32 s10, $0x1;
	s10 =	sld [smem:$0x3FBA];
	_ =	sdelay $0x3  }
0x37: {  	[smem:$0x3FBA] =	sst s10  }
0x38: {  	s10 =	sld [smem:$0x3FBB]  }
0x39: {  	_ = 	snop;
	(pc) =	sbr.ind lr, $3  }
0x3a: {  	_ = 	snop  }
0x3b: {  	_ = 	snop  }
0x3c: {  	p2 =	seq.s32 s10, $0x1;
	s10 =	sld [smem:$0x3FBA]  }
0x3d: {  	_ =	shalt  }
0x3e: {  	_ =	shalt  }
0x3f: {  	_ =	shalt  }
0x40: {  	_ =	shalt  }
0x41: {  	_ =	shalt  }
0x42: {  	_ =	shalt  }
0x43: {  	_ =	shalt  }
0x44: {  	_ =	shalt  }
0x45: {  	_ =	shalt  }
0x46: {  	_ =	shalt  }
0x47: {  	_ =	shalt  }
0x48: {  	_ =	shalt  }
0x49: {  	_ =	shalt  }
0x4a: {  	_ =	shalt  }
0x4b: {  	_ =	shalt  }
0x4c: {  	_ =	shalt  }
0x4d: {  	_ =	shalt  }
0x4e: {  	_ =	shalt  }
0x4f: {  	_ =	shalt  }
0x50: {  	_ =	shalt  }
0x51: {  	_ =	shalt  }
0x52: {  	_ =	shalt  }
0x53: {  	_ =	shalt  }
0x54: {  	_ =	shalt  }
0x55: {  	_ =	shalt  }
0x56: {  	_ =	shalt  }
0x57: {  	_ =	shalt  }
0x58: {  	_ =	shalt  }
0x59: {  	_ =	shalt  }
0x5a: {  	_ =	shalt  }
0x5b: {  	_ =	shalt  }
0x5c: {  	_ =	shalt  }
0x5d: {  	_ =	shalt  }
0x5e: {  	_ =	shalt  }
0x5f: {  	_ =	shalt  }
0x60: {  	_ =	shalt  }
0x61: {  	_ =	shalt  }
0x62: {  	_ =	shalt  }
0x63: {  	_ =	shalt  }
0x64: {  	_ =	shalt  }
0x65: {  	_ =	shalt  }
0x66: {  	_ =	shalt  }
0x67: {  	_ =	shalt  }
0x68: {  	_ =	shalt  }
0x69: {  	_ =	shalt  }
0x6a: {  	_ =	shalt  }
0x6b: {  	_ =	shalt  }
0x6c: {  	_ =	shalt  }
0x6d: {  	_ =	shalt  }
0x6e: {  	_ =	shalt  }
0x6f: {  	_ =	shalt  }
0x70: {  	_ =	shalt  }
0x71: {  	_ =	shalt  }
0x72: {  	_ =	shalt  }
0x73: {  	_ =	shalt  }
0x74: {  	_ =	shalt  }
0x75: {  	_ =	shalt  }
0x76: {  	_ =	shalt  }
0x77: {  	_ =	shalt  }
0x78: {  	_ =	shalt  }
0x79: {  	_ =	shalt  }
0x7a: {  	_ =	shalt  }
0x7b: {  	_ =	shalt  }
0x7c: {  	_ =	shalt  }
0x7d: {  	_ =	shalt  }
0x7e: {  	_ =	shalt  }
0x7f: {  	_ =	shalt  }
0x80: {  	_ =	shalt  }
0x81: {  	_ =	shalt  }
0x82: {  	_ =	shalt  }
0x83: {  	_ =	shalt  }
0x84: {  	_ =	shalt  }
0x85: {  	_ =	shalt  }
0x86: {  	_ =	shalt  }
0x87: {  	_ =	shalt  }
.Lfunc_end0:
.L_simem_size_0:
called_computation_lowered:
.L_overlay_start_0:
0x88: {  	s2 =	sld [smem:$0x3FD9]  }
0x89: {  	s3 =	sld [smem:$0x3FFE];
	_ =	sdelay $0x1  }
0x8a: {  	s1 =	srdreg.scid  }
0x8b: {  	s0 =	sand.u32 $0x1, s1  }
0x8c: {  	s17 =	sshll.u32 s0, $0xA;
	s2 =	sadd.s32 s3, s2  }
0x8d: {  	s2 =	sadd.s32 s2, s17  }
0x8e: {  	[smem:$0x3FC6] =	sst s2  }
0x8f: {  	_ = 	snop  }
0x90: {  	s2 =	sld [smem:$0x3FC8]  }
0x91: {  	s18 =	sld [smem:$0x3FD0];
	(tm) =	ssettm $0x1  }
0x92: {  	s4 =	sld [smem:$0x3FFB];
	_ =	sdelay $0x3  }
0x93: {  	_ =	strace s4  }
0x94: {  	s4 =	sld [smem:$0x3FFC];
	_ =	sdelay $0x3  }
0x95: {  	_ =	strace s4  }
0x96: {  	s4 =	sld [smem:$0x3FFD];
	_ =	sdelay $0x3  }
0x97: {  	_ =	strace s4  }
0x98: {  	_ =	strace $0x8FFFFFFF  }
0x99: {  	s19 =	sld [smem:$0x3FDB];
	_ =	sdelay $0x1  }
0x9a: {  	s5 =	simm.s32 $_scs_section_size  }
0x9b: {  	s6 =	simm.s32 $_size__tile_overlayer_lowered;
	s7 =	simm.s32 $_tile_overlayer_lowered  }
0x9c: {  	s22 =	simm.s32 $0x1BFF;
	s21 =	sshll.u32 s7, $0x1;
	s4 =	sadd.s32 s5, s19  }
0x9d: {  	s8 =	simm.s32 $0x0;
	s20 =	sshll.u32 s6, $0x1;
	s6 =	sadd.s32 s21, s4  }
0x9e: {  	[timem:s8], [sflag:s22] =	dma.local [hbm:s6], s20  }
0x9f: {  	_ =	swait.ge [sflag:s22], s20  }
0xa0: {  	s5 =	ssub.s32 $0x0, s20;
	[sflag:s22] =	ssyncset.done $0x0  }
0xa1: {  	[sflag:s22] =	ssyncadd.s32 s5;
	_ =	sdelay $0x1  }
0xa2: {  	s23 =	simm.s32 $0x1B8B  }
0xa3: {  	_ =	swait.ge [sflag:s23], $0x1  }
0xa4: {  	[sflag:s23] =	ssyncset.done $0x0  }
0xa5: {  	s25 =	simm.s32 $0x1B8E;
	s24 =	sld [smem:$0x3FFE];
	[sflag:s23] =	ssyncadd.s32 $0xFFFFFFFF  }
0xa6: {  	s26 =	simm.s32 $execute0_lowered;
	[smem:$0x3FD2] =	sst s25  }
0xa7: {  	s6 =	sshll.u32 s26, $0x1;
	_ =	strace $0x80000046;
	[dreg:$0x1] =	wrdreg $0xFFFFFFFF  }
0xa8: {  	s28 =	simm.s32 $_size_execute0_lowered;
	s4 =	sadd.s32 s4, s6;
	[dreg:$0x0] =	wrdreg $0x0  }
0xa9: {  	s6 =	sshll.u32 s28, $0x1;
	[dreg:$0x2] =	wrdreg s4  }
0xaa: {  	[dreg:$0x3] =	wrdreg s6  }
0xab: {  	[dreg:$0x4] =	wrdreg $0xC0  }
0xac: {  	_ =	task [dreg:s8], $0x5FFFF  }
0xad: {  	[dreg:$0x1] =	wrdreg $0xFFFFFFFF  }
0xae: {  	[dreg:$0x0] =	wrdreg $0x60  }
0xaf: {  	[dreg:$0x2] =	wrdreg s24  }
0xb0: {  	[dreg:$0x3] =	wrdreg s18  }
0xb1: {  	[dreg:$0x4] =	wrdreg s2  }
0xb2: {  	[dreg:$0x5] =	wrdreg $0x0  }
0xb3: {  	[dreg:$0x6] =	wrdreg $0x9  }
0xb4: {  	_ =	task.clear_ibuf [dreg:s8], $0x7FFFF;
	_ =	strace $0x90000046  }
0xb5: {  	s29 =	simm.s32 $0x9;
	_ =	strace $0x80000048  }
0xb6: {  	_ =	swait.ge [sflag:s29], $0x1  }
0xb7: {  	[sflag:s29] =	ssyncadd.s32 $0xFFFFFFFF  }
0xb8: {  	_ =	strace $0x90000048  }
0xb9: {  	_ =	sfence  }
0xba: {  	s30 =	sld [smem:$0x0];
	_ =	sdelay $0x2  }
0xbb: {  	s31 =	sshll.u32 s1, $0xD;
	s1 =	sshrl.u32 s1, $0x2  }
0xbc: {  	s3 =	sand.u32 $0x4000, s31;
	s1 =	sadd.s32 s1, s30  }
0xbd: {  	s0 =	sor.u32 s3, s0;
	s1 =	sshll.u32 s1, $0x11  }
0xbe: {  	s0 =	sor.u32 s1, s0  }
0xbf: {  	s0 =	sadd.s32 $0x8F2B, s0  }
0xc0: {  	[sflag:s0] =	ssyncadd.remote.s32 $0x1  }
0xc1: {  	_ =	sfence.sel $0xFFFF  }
0xc2: {  	[dreg:$0x0] =	wrdreg $0xFFFFFFFF;
	(pc) =	sbr.abs _section_cstart, $3  }
0xc3: {  	[dreg:$0x1] =	wrdreg $0xFFFFFFFF  }
0xc4: {  	_ =	task.clear_ibuf [dreg:s8], $0x2FFFF;
	_ =	strace $0x9FFFFFFF  }
0xc5: {  	(tm) =	ssettm $0x7FFFFFFF  }
tec
execute0_lowered:
.L_overlay_start_1:
0x0: {  	(tag) =	ssettag $0x1  }
0x1: {  	s0 =	rddreg [dreg:$0x0]  }
0x2: {  	s1 =	rddreg [dreg:$0x1]  }
0x3: {  	s2 =	rddreg [dreg:$0x2]  }
0x4: {  	s4 =	rddreg [dreg:$0x3];
	s5 =	simm.s32 $0x0;
	s17 =	stileid.u32  }
0x5: {  	s3 =	srdreg.scid;
	s28 =	simm.s32 $0x80;
	s29 =	simm.s32 $0x2  }
0x6: {  	s30 =	simm.s32 $0x3;
	s31 =	simm.s32 $0x4;
	[smem:$0x7FF] =	sst s5  }
0x7: {  	s8 =	smul.u32 $0xC400, s17;
	s3 =	sand.u32 $0x1, s3;
	s6 =	sadd.s32 $0x62A00, s0  }
0x8: {  	s7 =	sadd.s32 $0xE00, s0;
	s21 =	sshll.u32 s17, $0x6;
	s22 =	smul.u32 $0x61A8, s17  }
0x9: {  	_ =	strace $0x80000047;
	s9 =	smul.u32 $0xC4000, s3;
	s10 =	sshll.u32 s3, $0x4  }
0xa: {  	s12 =	ssub.s32 $0x2, s3;
	s3 =	smul.u32 $0x61A80, s3;
	s11 =	sshrl.u32 s8, $0x3  }
0xb: {  	s10 =	sor.u32 s17, s10;
	s13 =	sshrl.u32 s12, $0x1;
	s9 =	sadd.s32 s8, s9  }
0xc: {  	s10 =	smul.u32 $0x61A8, s10;
	s11 =	sadd.s32 s11, s0;
	s14 =	ssub.s32 s12, s13  }
0xd: {  	s8 =	sadd.s32 s8, s4;
	s3 =	sadd.s32 s22, s3;
	s22 =	simm.s32 $0x15000  }
0xe: {  	s9 =	sshrl.u32 s9, $0x3;
	s20 =	sadd.s32 $0xC4600, s11;
	s11 =	simm.s32 $0x1  }
0xf: {  	s24 =	sshrl.u32 s3, $0x1;
	s17 =	sshrl.u32 s8, $0x3;
	s0 =	sadd.s32 s9, s0  }
0x10: {  	s25 =	sadd.s32 $0x61A8, s10;
	s26 =	sshrl.u32 s10, $0x5;
	s10 =	simm.s32 $0x1  }
0x11: {  	[dreg:$0x5] =	wrdreg s20;
	s20 =	simm.s32 $0x14800;
	s0 =	sadd.s32 $0xDCE00, s0  }
0x12: {  	v0 =	vlaneseq.u32;
	s15 =	sshrl.u32 s25, $0x5;
	s25 =	smax.u32 s14, $0x1;
	[dreg:$0x6] =	wrdreg s0  }
0x13: {  	v0 =	vmul.u32 $0x8, v0;
	s9 =	ssub.s32 s15, s26;
	p0 =	sne.s32 s15, s26;
	[dreg:$0x7] =	wrdreg s25  }
0x14: {  	s0 =	sand.u32 $0x7FFF0, s24;
	s24 =	simm.s32 $0xE400;
	s25 =	simm.s32 $0x10400  }
0x15: {  	v2 =	vimm.f32 $1.000000000e+00;
	v1 =	vor.u32 $0x3, v0;
	s18 =	sshll.u32 s9, $0x10;
	s16 =	sshra.s32 s9, $0x1F;
	s10 =	simm.s32 @!p0 $0x0  }
0x16: {  	v3 =	vor.u32 $0x83, v0;
	v4 =	vor.u32 $0x103, v0;
	v5 =	vor.u32 $0x183, v0;
	s19 =	sand.u32 $0x3F, s9;
	s12 =	sshra.s32 s18, $0x1F;
	s10 =	sor.u32 s10, s16  }
0x17: {  	v6 =	vor.u32 $0x203, v0;
	v7 =	vor.u32 $0x283, v0;
	v8 =	vor.u32 $0x303, v0;
	p1 =	sne.s32 s19, $0x0;
	s12 =	sand.u32 $0x3F, s12;
	p6 =	sne.s32 s10, $0x1  }
0x18: {  	v9 =	vor.u32 $0x383, v0;
	v10 =	vor.u32 $0x1, v0;
	v11 =	vor.u32 $0x2, v0;
	s18 =	simm.s32 $0x5;
	s9 =	sadd.s32 s12, s9;
	p0 =	por !p1, !p6  }
0x19: {  	v12 =	vor.u32 $0x80, v0;
	v13 =	vor.u32 $0x81, v0;
	v14 =	vor.u32 $0x82, v0;
	s10 =	simm.s32 $0x1;
	s9 =	sshll.u32 s9, $0x10;
	p0 =	por !p0, !p0  }
0x1a: {  	v15 =	vor.u32 $0x100, v0;
	v16 =	vor.u32 $0x101, v0;
	v17 =	vor.u32 $0x102, v0;
	s19 =	simm.s32 $0x14400;
	s9 =	sshra.s32 s9, $0x16;
	s10 =	simm.s32 @!p0 $0x0  }
.Ltmp0:
0x1b: {  	v18 =	vor.u32 $0x180, v0;
	v19 =	vor.u32 $0x181, v0;
	v20 =	vor.u32 $0x182, v0;
	s12 =	sshll.u32 s26, $0x7;
	s9 =	ssub.s32 s9, s10;
	(pc) =	sbr.rel .LBB2_1-.Ltmp0, $4  }
0x1c: {  	v21 =	vor.u32 $0x200, v0;
	v22 =	vor.u32 $0x201, v0;
	v23 =	vor.u32 $0x202, v0;
	s10 =	sor.u32 $0x1C05, s21;
	s21 =	simm.s32 $0x14C00;
	s23 =	sshll.u32 s9, $0x6  }
0x1d: {  	v24 =	vor.u32 $0x280, v0;
	v25 =	vor.u32 $0x281, v0;
	v26 =	vor.u32 $0x282, v0;
	p0 =	slt.s32 s9, $0x1;
	s13 =	sadd.s32 s26, s23;
	s26 =	sshll.u32 s9, $0xA  }
0x1e: {  	v27 =	vor.u32 $0x300, v0;
	v28 =	vor.u32 $0x301, v0;
	v29 =	vor.u32 $0x302, v0;
	s23 =	simm.s32 $0xC400;
	s13 =	ssub.s32 s15, s13;
	s16 =	sadd.s32 s0, s26  }
0x1f: {  	v30 =	vor.u32 $0x380, v0;
	v31 =	vor.u32 $0x381, v0;
	v32 =	vor.u32 $0x382, v0;
	s26 =	simm.s32 $0x12400;
	s0 =	simm.s32 $0x0;
	p1 =	slt.s32 s13, $0x1  }
.LBB2_9:
0x20: {  	s3 =	sadd.s32 s2, s14;
	[sflag:s18] =	ssyncadd.s32 @p2 $0xFFFFFC00  }
0x21: {  	[tilespmem:s23], [sflag:$0x5] =	stream.linear.gather [hbm4b:s3+s5], $0x80, $0x38;
	[tilespmem:$0x15400] =	vst v63  }
0x22: {  	_ =	swait.ge [sflag:s18], $0x80  }
0x23: {  	[sflag:s18] =	ssyncset.done $0x0  }
0x24: {  	s15 =	sadd.s32 s6, s14;
	[sflag:s18] =	ssyncadd.s32 $0xFFFFFF80  }
0x25: {  	[tilespmem:s24], [sflag:$0x5] =	stream.linear.gather [hbm4b:s15+s5], $0x80, $0x38;
	[tilespmem:$0x15400] =	vst v63  }
0x26: {  	_ =	swait.ge [sflag:s18], $0x80  }
0x27: {  	[sflag:s18] =	ssyncset.done $0x0  }
0x28: {  	s8 =	sadd.s32 s7, s14;
	[sflag:s18] =	ssyncadd.s32 $0xFFFFFF80  }
0x29: {  	[tilespmem:s25], [sflag:$0x5] =	stream.linear.gather [hbm4b:s8+s5], $0x80, $0x38;
	[tilespmem:$0x15400] =	vst v63  }
0x2a: {  	_ =	swait.ge [sflag:s18], $0x80  }
0x2b: {  	[sflag:s18] =	ssyncset.done $0x0  }
0x2c: {  	s15 =	sadd.s32 s1, s14;
	[sflag:s18] =	ssyncadd.s32 $0xFFFFFF80  }
0x2d: {  	[tilespmem:s26], [sflag:$0x5] =	stream.linear.gather [hbm4b:s15+s5], $0x80, $0x38;
	[tilespmem:$0x15400] =	vst v63  }
0x2e: {  	_ =	swait.ge [sflag:s18], $0x80  }
0x2f: {  	[sflag:s18] =	ssyncset.done $0x0  }
0x30: {  	[sflag:s18] =	ssyncadd.s32 $0xFFFFFF80  }
0x31: {  	v33 =	vld [tilespmem:$0xE400];
	_ =	sdelay $0x4  }
0x32: {  	[tilespmem:v0+s19+$0x0] =	vst.idx.msk $0xffff, v33  }
0x33: {  	v33 =	vld [tilespmem:$0x10400];
	_ =	sdelay $0x4  }
0x34: {  	[tilespmem:v10+s19+$0x0] =	vst.idx.msk $0xffff, v33  }
0x35: {  	v33 =	vld [tilespmem:$0x12400];
	_ =	sdelay $0x4  }
0x36: {  	[tilespmem:v11+s19+$0x0] =	vst.idx.msk $0xffff, v33  }
0x37: {  	v33 =	vld [tilespmem:$0xE410];
	_ =	sdelay $0x4  }
0x38: {  	[tilespmem:v12+s19+$0x0] =	vst.idx.msk $0xffff, v33  }
0x39: {  	v33 =	vld [tilespmem:$0x10410];
	_ =	sdelay $0x4  }
0x3a: {  	[tilespmem:v13+s19+$0x0] =	vst.idx.msk $0xffff, v33  }
0x3b: {  	v33 =	vld [tilespmem:$0x12410];
	_ =	sdelay $0x4  }
0x3c: {  	[tilespmem:v14+s19+$0x0] =	vst.idx.msk $0xffff, v33  }
0x3d: {  	v33 =	vld [tilespmem:$0xE420];
	_ =	sdelay $0x4  }
0x3e: {  	[tilespmem:v15+s19+$0x0] =	vst.idx.msk $0xffff, v33  }
0x3f: {  	v33 =	vld [tilespmem:$0x10420];
	_ =	sdelay $0x4  }
0x40: {  	[tilespmem:v16+s19+$0x0] =	vst.idx.msk $0xffff, v33  }
0x41: {  	v33 =	vld [tilespmem:$0x12420];
	_ =	sdelay $0x4  }
0x42: {  	[tilespmem:v17+s19+$0x0] =	vst.idx.msk $0xffff, v33  }
0x43: {  	v33 =	vld [tilespmem:$0xE430];
	_ =	sdelay $0x4  }
0x44: {  	[tilespmem:v18+s19+$0x0] =	vst.idx.msk $0xffff, v33  }
0x45: {  	v33 =	vld [tilespmem:$0x10430];
	_ =	sdelay $0x4  }
0x46: {  	[tilespmem:v19+s19+$0x0] =	vst.idx.msk $0xffff, v33  }
0x47: {  	v33 =	vld [tilespmem:$0x12430];
	_ =	sdelay $0x4  }
0x48: {  	[tilespmem:v20+s19+$0x0] =	vst.idx.msk $0xffff, v33  }
0x49: {  	v33 =	vld [tilespmem:$0xE440];
	_ =	sdelay $0x4  }
0x4a: {  	[tilespmem:v21+s19+$0x0] =	vst.idx.msk $0xffff, v33  }
0x4b: {  	v33 =	vld [tilespmem:$0x10440];
	_ =	sdelay $0x4  }
0x4c: {  	[tilespmem:v22+s19+$0x0] =	vst.idx.msk $0xffff, v33  }
0x4d: {  	v33 =	vld [tilespmem:$0x12440];
	_ =	sdelay $0x4  }
0x4e: {  	[tilespmem:v23+s19+$0x0] =	vst.idx.msk $0xffff, v33  }
0x4f: {  	v33 =	vld [tilespmem:$0xE450];
	_ =	sdelay $0x4  }
0x50: {  	[tilespmem:v24+s19+$0x0] =	vst.idx.msk $0xffff, v33  }
0x51: {  	v33 =	vld [tilespmem:$0x10450];
	_ =	sdelay $0x4  }
0x52: {  	[tilespmem:v25+s19+$0x0] =	vst.idx.msk $0xffff, v33  }
0x53: {  	v33 =	vld [tilespmem:$0x12450];
	_ =	sdelay $0x4  }
0x54: {  	[tilespmem:v26+s19+$0x0] =	vst.idx.msk $0xffff, v33  }
0x55: {  	v33 =	vld [tilespmem:$0xE460];
	_ =	sdelay $0x4  }
0x56: {  	[tilespmem:v27+s19+$0x0] =	vst.idx.msk $0xffff, v33  }
0x57: {  	v33 =	vld [tilespmem:$0x10460];
	_ =	sdelay $0x4  }
0x58: {  	[tilespmem:v28+s19+$0x0] =	vst.idx.msk $0xffff, v33  }
0x59: {  	v33 =	vld [tilespmem:$0x12460];
	_ =	sdelay $0x4  }
0x5a: {  	[tilespmem:v29+s19+$0x0] =	vst.idx.msk $0xffff, v33  }
0x5b: {  	v33 =	vld [tilespmem:$0xE470];
	_ =	sdelay $0x4  }
0x5c: {  	[tilespmem:v30+s19+$0x0] =	vst.idx.msk $0xffff, v33  }
0x5d: {  	v33 =	vld [tilespmem:$0x10470];
	_ =	sdelay $0x4  }
0x5e: {  	[tilespmem:v31+s19+$0x0] =	vst.idx.msk $0xffff, v33  }
0x5f: {  	v33 =	vld [tilespmem:$0x12470];
	_ =	sdelay $0x4  }
0x60: {  	[tilespmem:v32+s19+$0x0] =	vst.idx.msk $0xffff, v33  }
0x61: {  	[spmem:s4] =	stream.indirect.scatter.add.f32 [tilespmem:s19], [sflag:$0x5], $0x8, s23, s28, $0xb8;
	[tilespmem:$0x15400] =	vst v63  }
0x62: {  	_ =	swait.ge [sflag:s18], $0x400  }
0x63: {  	[sflag:s18] =	ssyncset.done $0x0  }
0x64: {  	[sflag:s18] =	ssyncadd.s32 $0xFFFFFC00  }
.LBB2_10:
0x65: {  	[bflag:$0x0] =	sbarrier.arrive $0xFFFF  }
0x66: {  	s3 =	rddreg [dreg:$0x6]  }
0x67: {  	[hbm:s3], [sflag:s10] =	dma.local [spmem:s17], $0x1880  }
0x68: {  	_ =	swait.ge [sflag:s18], $0x1880  }
0x69: {  	s0 =	sadd.s32 $0x1, s0;
	s15 =	rddreg [dreg:$0x7]  }
0x6a: {  	p2 =	sne.s32 s0, s15  }
.Ltmp1:
0x6b: {  	_ = 	snop;
	(pc) =	sbr.rel @!p2 .LBB2_11-.Ltmp1, $3  }
0x6c: {  	_ =	sdelay $0x1  }
0x6d: {  	[sflag:s18] =	ssyncset.done $0x0  }
0x6e: {  	[sflag:s18] =	ssyncadd.s32 $0xFFFFE780  }
.LBB2_1:
0x6f: {  	s3 =	rddreg [dreg:$0x5]  }
0x70: {  	[spmem:s17], [sflag:s10] =	dma.local [hbm:s3], $0x1880  }
0x71: {  	_ =	swait.ge [sflag:s18], $0x1880  }
0x72: {  	[sflag:s18] =	ssyncset.done $0x0  }
0x73: {  	[sflag:s18] =	ssyncadd.s32 $0xFFFFE780  }
0x74: {  	[bflag:$0x0] =	sbarrier.arrive $0xFFFF  }
0x75: {  	[tilespmem:v1+s19+$0x0] =	vst.idx.msk $0xffff, v2  }
0x76: {  	[tilespmem:v3+s19+$0x0] =	vst.idx.msk $0xffff, v2  }
0x77: {  	[tilespmem:v4+s19+$0x0] =	vst.idx.msk $0xffff, v2  }
0x78: {  	[tilespmem:v5+s19+$0x0] =	vst.idx.msk $0xffff, v2  }
0x79: {  	[tilespmem:v6+s19+$0x0] =	vst.idx.msk $0xffff, v2  }
0x7a: {  	[tilespmem:v7+s19+$0x0] =	vst.idx.msk $0xffff, v2  }
0x7b: {  	[tilespmem:v8+s19+$0x0] =	vst.idx.msk $0xffff, v2  }
0x7c: {  	[tilespmem:v9+s19+$0x0] =	vst.idx.msk $0xffff, v2  }
0x7d: {  	[tilespmem:v1+s20+$0x0] =	vst.idx.msk $0xffff, v2  }
0x7e: {  	[tilespmem:v3+s20+$0x0] =	vst.idx.msk $0xffff, v2  }
0x7f: {  	[tilespmem:v4+s20+$0x0] =	vst.idx.msk $0xffff, v2  }
0x80: {  	[tilespmem:v5+s20+$0x0] =	vst.idx.msk $0xffff, v2  }
0x81: {  	[tilespmem:v6+s20+$0x0] =	vst.idx.msk $0xffff, v2  }
0x82: {  	[tilespmem:v7+s20+$0x0] =	vst.idx.msk $0xffff, v2  }
0x83: {  	[tilespmem:v8+s20+$0x0] =	vst.idx.msk $0xffff, v2  }
0x84: {  	[tilespmem:v9+s20+$0x0] =	vst.idx.msk $0xffff, v2  }
0x85: {  	[tilespmem:v1+s21+$0x0] =	vst.idx.msk $0xffff, v2  }
0x86: {  	[tilespmem:v3+s21+$0x0] =	vst.idx.msk $0xffff, v2  }
0x87: {  	[tilespmem:v4+s21+$0x0] =	vst.idx.msk $0xffff, v2  }
0x88: {  	[tilespmem:v5+s21+$0x0] =	vst.idx.msk $0xffff, v2  }
0x89: {  	[tilespmem:v6+s21+$0x0] =	vst.idx.msk $0xffff, v2  }
0x8a: {  	[tilespmem:v7+s21+$0x0] =	vst.idx.msk $0xffff, v2  }
0x8b: {  	[tilespmem:v8+s21+$0x0] =	vst.idx.msk $0xffff, v2  }
0x8c: {  	[tilespmem:v9+s21+$0x0] =	vst.idx.msk $0xffff, v2  }
0x8d: {  	[tilespmem:v1+s22+$0x0] =	vst.idx.msk $0xffff, v2  }
0x8e: {  	[tilespmem:v3+s22+$0x0] =	vst.idx.msk $0xffff, v2  }
0x8f: {  	[tilespmem:v4+s22+$0x0] =	vst.idx.msk $0xffff, v2  }
.Ltmp2:
0x90: {  	[tilespmem:v5+s22+$0x0] =	vst.idx.msk $0xffff, v2;
	(pc) =	sbr.rel @p0 .LBB2_5-.Ltmp2, $4  }
0x91: {  	[tilespmem:v6+s22+$0x0] =	vst.idx.msk $0xffff, v2  }
0x92: {  	[tilespmem:v7+s22+$0x0] =	vst.idx.msk $0xffff, v2  }
0x93: {  	[tilespmem:v8+s22+$0x0] =	vst.idx.msk $0xffff, v2  }
0x94: {  	s3 =	simm.s32 $0x0;
	[tilespmem:v9+s22+$0x0] =	vst.idx.msk $0xffff, v2  }
.LBB2_2:
0x95: {  	s8 =	sshll.u32 s3, $0xD  }
0x96: {  	s8 =	sadd.s32 s12, s8  }
0x97: {  	s14 =	sshrl.u32 s8, $0x3  }
0x98: {  	s8 =	simm.s32 $0x0;
	s15 =	sadd.s32 s2, s14  }
0x99: {  	[tilespmem:s23], [sflag:$0x5] =	stream.linear.gather [hbm4b:s15+s8], $0x2000, $0x38;
	[tilespmem:$0x15400] =	vst v63  }
0x9a: {  	_ =	swait.ge [sflag:s18], $0x2000  }
0x9b: {  	[sflag:s18] =	ssyncset.done $0x0  }
0x9c: {  	s15 =	sadd.s32 s6, s14;
	[sflag:s18] =	ssyncadd.s32 $0xFFFFE000  }
0x9d: {  	[tilespmem:s24], [sflag:$0x5] =	stream.linear.gather [hbm4b:s15+s8], $0x2000, $0x38;
	[tilespmem:$0x15400] =	vst v63  }
0x9e: {  	_ =	swait.ge [sflag:s18], $0x2000  }
0x9f: {  	[sflag:s18] =	ssyncset.done $0x0  }
0xa0: {  	s15 =	sadd.s32 s7, s14;
	[sflag:s18] =	ssyncadd.s32 $0xFFFFE000  }
0xa1: {  	[tilespmem:s25], [sflag:$0x5] =	stream.linear.gather [hbm4b:s15+s8], $0x2000, $0x38;
	[tilespmem:$0x15400] =	vst v63  }
0xa2: {  	_ =	swait.ge [sflag:s18], $0x2000  }
0xa3: {  	[sflag:s18] =	ssyncset.done $0x0  }
0xa4: {  	s14 =	sadd.s32 s1, s14;
	[sflag:s18] =	ssyncadd.s32 $0xFFFFE000  }
0xa5: {  	[tilespmem:s26], [sflag:$0x5] =	stream.linear.gather [hbm4b:s14+s8], $0x2000, $0x38;
	[tilespmem:$0x15400] =	vst v63  }
0xa6: {  	_ =	swait.ge [sflag:s18], $0x2000  }
0xa7: {  	[sflag:s18] =	ssyncset.done $0x0  }
0xa8: {  	[sflag:s18] =	ssyncadd.s32 $0xFFFFE000  }
.LBB2_3:
0xa9: {  	p2 =	seq.s32 s8, $0x0  }
0xaa: {  	s14 =	simm.s32 @!p2 $0x1  }
0xab: {  	_ =	swait.ge @!p2 [sflag:s14], $0x400  }
0xac: {  	[sflag:s14] =	ssyncset.done @!p2 $0x0  }
0xad: {  	[sflag:s14] =	ssyncadd.s32 @!p2 $0xFFFFFC00;
	s14 =	sshra.s32 s8, $0x2  }
0xae: {  	v33 =	vld [tilespmem:s14+$0xE400];
	_ =	sdelay $0x4  }
0xaf: {  	[tilespmem:v0+s19+$0x0] =	vst.idx.msk $0xffff, v33  }
0xb0: {  	v33 =	vld [tilespmem:s14+$0x10400];
	_ =	sdelay $0x4  }
0xb1: {  	[tilespmem:v10+s19+$0x0] =	vst.idx.msk $0xffff, v33  }
0xb2: {  	v33 =	vld [tilespmem:s14+$0x12400];
	_ =	sdelay $0x4  }
0xb3: {  	[tilespmem:v11+s19+$0x0] =	vst.idx.msk $0xffff, v33  }
0xb4: {  	v33 =	vld [tilespmem:s14+$0xE410];
	_ =	sdelay $0x4  }
0xb5: {  	[tilespmem:v12+s19+$0x0] =	vst.idx.msk $0xffff, v33  }
0xb6: {  	v33 =	vld [tilespmem:s14+$0x10410];
	_ =	sdelay $0x4  }
0xb7: {  	[tilespmem:v13+s19+$0x0] =	vst.idx.msk $0xffff, v33  }
0xb8: {  	v33 =	vld [tilespmem:s14+$0x12410];
	_ =	sdelay $0x4  }
0xb9: {  	[tilespmem:v14+s19+$0x0] =	vst.idx.msk $0xffff, v33  }
0xba: {  	v33 =	vld [tilespmem:s14+$0xE420];
	_ =	sdelay $0x4  }
0xbb: {  	[tilespmem:v15+s19+$0x0] =	vst.idx.msk $0xffff, v33  }
0xbc: {  	v33 =	vld [tilespmem:s14+$0x10420];
	_ =	sdelay $0x4  }
0xbd: {  	[tilespmem:v16+s19+$0x0] =	vst.idx.msk $0xffff, v33  }
0xbe: {  	v33 =	vld [tilespmem:s14+$0x12420];
	_ =	sdelay $0x4  }
0xbf: {  	[tilespmem:v17+s19+$0x0] =	vst.idx.msk $0xffff, v33  }
0xc0: {  	v33 =	vld [tilespmem:s14+$0xE430];
	_ =	sdelay $0x4  }
0xc1: {  	[tilespmem:v18+s19+$0x0] =	vst.idx.msk $0xffff, v33  }
0xc2: {  	v33 =	vld [tilespmem:s14+$0x10430];
	_ =	sdelay $0x4  }
0xc3: {  	[tilespmem:v19+s19+$0x0] =	vst.idx.msk $0xffff, v33  }
0xc4: {  	v33 =	vld [tilespmem:s14+$0x12430];
	_ =	sdelay $0x4  }
0xc5: {  	[tilespmem:v20+s19+$0x0] =	vst.idx.msk $0xffff, v33  }
0xc6: {  	v33 =	vld [tilespmem:s14+$0xE440];
	_ =	sdelay $0x4  }
0xc7: {  	[tilespmem:v21+s19+$0x0] =	vst.idx.msk $0xffff, v33  }
0xc8: {  	v33 =	vld [tilespmem:s14+$0x10440];
	_ =	sdelay $0x4  }
0xc9: {  	[tilespmem:v22+s19+$0x0] =	vst.idx.msk $0xffff, v33  }
0xca: {  	v33 =	vld [tilespmem:s14+$0x12440];
	_ =	sdelay $0x4  }
0xcb: {  	[tilespmem:v23+s19+$0x0] =	vst.idx.msk $0xffff, v33  }
0xcc: {  	v33 =	vld [tilespmem:s14+$0xE450];
	_ =	sdelay $0x4  }
0xcd: {  	[tilespmem:v24+s19+$0x0] =	vst.idx.msk $0xffff, v33  }
0xce: {  	v33 =	vld [tilespmem:s14+$0x10450];
	_ =	sdelay $0x4  }
0xcf: {  	[tilespmem:v25+s19+$0x0] =	vst.idx.msk $0xffff, v33  }
0xd0: {  	v33 =	vld [tilespmem:s14+$0x12450];
	_ =	sdelay $0x4  }
0xd1: {  	[tilespmem:v26+s19+$0x0] =	vst.idx.msk $0xffff, v33  }
0xd2: {  	v33 =	vld [tilespmem:s14+$0xE460];
	_ =	sdelay $0x4  }
0xd3: {  	[tilespmem:v27+s19+$0x0] =	vst.idx.msk $0xffff, v33  }
0xd4: {  	v33 =	vld [tilespmem:s14+$0x10460];
	_ =	sdelay $0x4  }
0xd5: {  	[tilespmem:v28+s19+$0x0] =	vst.idx.msk $0xffff, v33  }
0xd6: {  	v33 =	vld [tilespmem:s14+$0x12460];
	_ =	sdelay $0x4  }
0xd7: {  	[tilespmem:v29+s19+$0x0] =	vst.idx.msk $0xffff, v33  }
0xd8: {  	v33 =	vld [tilespmem:s14+$0xE470];
	_ =	sdelay $0x4  }
0xd9: {  	[tilespmem:v30+s19+$0x0] =	vst.idx.msk $0xffff, v33  }
0xda: {  	v33 =	vld [tilespmem:s14+$0x10470];
	_ =	sdelay $0x4  }
0xdb: {  	[tilespmem:v31+s19+$0x0] =	vst.idx.msk $0xffff, v33  }
0xdc: {  	v33 =	vld [tilespmem:s14+$0x12470];
	_ =	sdelay $0x4  }
0xdd: {  	s15 =	sadd.s32 $0xC400, s14;
	[tilespmem:v32+s19+$0x0] =	vst.idx.msk $0xffff, v33  }
0xde: {  	[spmem:s4] =	stream.indirect.scatter.add.f32 [tilespmem:s19], [sflag:$0x1], $0x8, s15, s28, $0xb8;
	[tilespmem:$0x15400] =	vst v63  }
0xdf: {  	s15 =	simm.s32 @!p2 $0x2  }
0xe0: {  	_ =	swait.ge @!p2 [sflag:s15], $0x400  }
0xe1: {  	[sflag:s15] =	ssyncset.done @!p2 $0x0  }
0xe2: {  	[sflag:s15] =	ssyncadd.s32 @!p2 $0xFFFFFC00  }
0xe3: {  	v61 =	vld [tilespmem:s14+$0xE480];
	_ =	sdelay $0x4  }
0xe4: {  	[tilespmem:v0+s20+$0x0] =	vst.idx.msk $0xffff, v61  }
0xe5: {  	v33 =	vld [tilespmem:s14+$0x10480];
	_ =	sdelay $0x4  }
0xe6: {  	[tilespmem:v10+s20+$0x0] =	vst.idx.msk $0xffff, v33  }
0xe7: {  	v33 =	vld [tilespmem:s14+$0x12480];
	_ =	sdelay $0x4  }
0xe8: {  	[tilespmem:v11+s20+$0x0] =	vst.idx.msk $0xffff, v33  }
0xe9: {  	v33 =	vld [tilespmem:s14+$0xE490];
	_ =	sdelay $0x4  }
0xea: {  	[tilespmem:v12+s20+$0x0] =	vst.idx.msk $0xffff, v33  }
0xeb: {  	v33 =	vld [tilespmem:s14+$0x10490];
	_ =	sdelay $0x4  }
0xec: {  	[tilespmem:v13+s20+$0x0] =	vst.idx.msk $0xffff, v33  }
0xed: {  	v33 =	vld [tilespmem:s14+$0x12490];
	_ =	sdelay $0x4  }
0xee: {  	[tilespmem:v14+s20+$0x0] =	vst.idx.msk $0xffff, v33  }
0xef: {  	v33 =	vld [tilespmem:s14+$0xE4A0];
	_ =	sdelay $0x4  }
0xf0: {  	[tilespmem:v15+s20+$0x0] =	vst.idx.msk $0xffff, v33  }
0xf1: {  	v33 =	vld [tilespmem:s14+$0x104A0];
	_ =	sdelay $0x4  }
0xf2: {  	[tilespmem:v16+s20+$0x0] =	vst.idx.msk $0xffff, v33  }
0xf3: {  	v33 =	vld [tilespmem:s14+$0x124A0];
	_ =	sdelay $0x4  }
0xf4: {  	[tilespmem:v17+s20+$0x0] =	vst.idx.msk $0xffff, v33  }
0xf5: {  	v33 =	vld [tilespmem:s14+$0xE4B0];
	_ =	sdelay $0x4  }
0xf6: {  	[tilespmem:v18+s20+$0x0] =	vst.idx.msk $0xffff, v33  }
0xf7: {  	v33 =	vld [tilespmem:s14+$0x104B0];
	_ =	sdelay $0x4  }
0xf8: {  	[tilespmem:v19+s20+$0x0] =	vst.idx.msk $0xffff, v33  }
0xf9: {  	v33 =	vld [tilespmem:s14+$0x124B0];
	_ =	sdelay $0x4  }
0xfa: {  	[tilespmem:v20+s20+$0x0] =	vst.idx.msk $0xffff, v33  }
0xfb: {  	v33 =	vld [tilespmem:s14+$0xE4C0];
	_ =	sdelay $0x4  }
0xfc: {  	[tilespmem:v21+s20+$0x0] =	vst.idx.msk $0xffff, v33  }
0xfd: {  	v33 =	vld [tilespmem:s14+$0x104C0];
	_ =	sdelay $0x4  }
0xfe: {  	[tilespmem:v22+s20+$0x0] =	vst.idx.msk $0xffff, v33  }
0xff: {  	v33 =	vld [tilespmem:s14+$0x124C0];
	_ =	sdelay $0x4  }
0x100: {  	[tilespmem:v23+s20+$0x0] =	vst.idx.msk $0xffff, v33  }
0x101: {  	v33 =	vld [tilespmem:s14+$0xE4D0];
	_ =	sdelay $0x4  }
0x102: {  	[tilespmem:v24+s20+$0x0] =	vst.idx.msk $0xffff, v33  }
0x103: {  	v33 =	vld [tilespmem:s14+$0x104D0];
	_ =	sdelay $0x4  }
0x104: {  	[tilespmem:v25+s20+$0x0] =	vst.idx.msk $0xffff, v33  }
0x105: {  	v33 =	vld [tilespmem:s14+$0x124D0];
	_ =	sdelay $0x4  }
0x106: {  	[tilespmem:v26+s20+$0x0] =	vst.idx.msk $0xffff, v33  }
0x107: {  	v33 =	vld [tilespmem:s14+$0xE4E0];
	_ =	sdelay $0x4  }
0x108: {  	[tilespmem:v27+s20+$0x0] =	vst.idx.msk $0xffff, v33  }
0x109: {  	v33 =	vld [tilespmem:s14+$0x104E0];
	_ =	sdelay $0x4  }
0x10a: {  	[tilespmem:v28+s20+$0x0] =	vst.idx.msk $0xffff, v33  }
0x10b: {  	v33 =	vld [tilespmem:s14+$0x124E0];
	_ =	sdelay $0x4  }
0x10c: {  	[tilespmem:v29+s20+$0x0] =	vst.idx.msk $0xffff, v33  }
0x10d: {  	v33 =	vld [tilespmem:s14+$0xE4F0];
	_ =	sdelay $0x4  }
0x10e: {  	[tilespmem:v30+s20+$0x0] =	vst.idx.msk $0xffff, v33  }
0x10f: {  	v33 =	vld [tilespmem:s14+$0x104F0];
	_ =	sdelay $0x4  }
0x110: {  	[tilespmem:v31+s20+$0x0] =	vst.idx.msk $0xffff, v33  }
0x111: {  	v33 =	vld [tilespmem:s14+$0x124F0];
	_ =	sdelay $0x4  }
0x112: {  	s15 =	sadd.s32 $0xC480, s14;
	[tilespmem:v32+s20+$0x0] =	vst.idx.msk $0xffff, v33  }
0x113: {  	[spmem:s4] =	stream.indirect.scatter.add.f32 [tilespmem:s20], [sflag:$0x2], $0x8, s15, s28, $0xb8;
	[tilespmem:$0x15400] =	vst v63  }
0x114: {  	s15 =	simm.s32 @!p2 $0x3  }
0x115: {  	_ =	swait.ge @!p2 [sflag:s15], $0x400  }
0x116: {  	[sflag:s15] =	ssyncset.done @!p2 $0x0  }
0x117: {  	[sflag:s15] =	ssyncadd.s32 @!p2 $0xFFFFFC00  }
0x118: {  	v62 =	vld [tilespmem:s14+$0xE500];
	_ =	sdelay $0x4  }
0x119: {  	[tilespmem:v0+s21+$0x0] =	vst.idx.msk $0xffff, v62  }
0x11a: {  	v33 =	vld [tilespmem:s14+$0x10500];
	_ =	sdelay $0x4  }
0x11b: {  	[tilespmem:v10+s21+$0x0] =	vst.idx.msk $0xffff, v33  }
0x11c: {  	v33 =	vld [tilespmem:s14+$0x12500];
	_ =	sdelay $0x4  }
0x11d: {  	[tilespmem:v11+s21+$0x0] =	vst.idx.msk $0xffff, v33  }
0x11e: {  	v33 =	vld [tilespmem:s14+$0xE510];
	_ =	sdelay $0x4  }
0x11f: {  	[tilespmem:v12+s21+$0x0] =	vst.idx.msk $0xffff, v33  }
0x120: {  	v33 =	vld [tilespmem:s14+$0x10510];
	_ =	sdelay $0x4  }
0x121: {  	[tilespmem:v13+s21+$0x0] =	vst.idx.msk $0xffff, v33  }
0x122: {  	v33 =	vld [tilespmem:s14+$0x12510];
	_ =	sdelay $0x4  }
0x123: {  	[tilespmem:v14+s21+$0x0] =	vst.idx.msk $0xffff, v33  }
0x124: {  	v33 =	vld [tilespmem:s14+$0xE520];
	_ =	sdelay $0x4  }
0x125: {  	[tilespmem:v15+s21+$0x0] =	vst.idx.msk $0xffff, v33  }
0x126: {  	v33 =	vld [tilespmem:s14+$0x10520];
	_ =	sdelay $0x4  }
0x127: {  	[tilespmem:v16+s21+$0x0] =	vst.idx.msk $0xffff, v33  }
0x128: {  	v33 =	vld [tilespmem:s14+$0x12520];
	_ =	sdelay $0x4  }
0x129: {  	[tilespmem:v17+s21+$0x0] =	vst.idx.msk $0xffff, v33  }
0x12a: {  	v33 =	vld [tilespmem:s14+$0xE530];
	_ =	sdelay $0x4  }
0x12b: {  	[tilespmem:v18+s21+$0x0] =	vst.idx.msk $0xffff, v33  }
0x12c: {  	v33 =	vld [tilespmem:s14+$0x10530];
	_ =	sdelay $0x4  }
0x12d: {  	[tilespmem:v19+s21+$0x0] =	vst.idx.msk $0xffff, v33  }
0x12e: {  	v33 =	vld [tilespmem:s14+$0x12530];
	_ =	sdelay $0x4  }
0x12f: {  	[tilespmem:v20+s21+$0x0] =	vst.idx.msk $0xffff, v33  }
0x130: {  	v33 =	vld [tilespmem:s14+$0xE540];
	_ =	sdelay $0x4  }
0x131: {  	[tilespmem:v21+s21+$0x0] =	vst.idx.msk $0xffff, v33  }
0x132: {  	v33 =	vld [tilespmem:s14+$0x10540];
	_ =	sdelay $0x4  }
0x133: {  	[tilespmem:v22+s21+$0x0] =	vst.idx.msk $0xffff, v33  }
0x134: {  	v33 =	vld [tilespmem:s14+$0x12540];
	_ =	sdelay $0x4  }
0x135: {  	[tilespmem:v23+s21+$0x0] =	vst.idx.msk $0xffff, v33  }
0x136: {  	v33 =	vld [tilespmem:s14+$0xE550];
	_ =	sdelay $0x4  }
0x137: {  	[tilespmem:v24+s21+$0x0] =	vst.idx.msk $0xffff, v33  }
0x138: {  	v33 =	vld [tilespmem:s14+$0x10550];
	_ =	sdelay $0x4  }
0x139: {  	[tilespmem:v25+s21+$0x0] =	vst.idx.msk $0xffff, v33  }
0x13a: {  	v33 =	vld [tilespmem:s14+$0x12550];
	_ =	sdelay $0x4  }
0x13b: {  	[tilespmem:v26+s21+$0x0] =	vst.idx.msk $0xffff, v33  }
0x13c: {  	v33 =	vld [tilespmem:s14+$0xE560];
	_ =	sdelay $0x4  }
0x13d: {  	[tilespmem:v27+s21+$0x0] =	vst.idx.msk $0xffff, v33  }
0x13e: {  	v33 =	vld [tilespmem:s14+$0x10560];
	_ =	sdelay $0x4  }
0x13f: {  	[tilespmem:v28+s21+$0x0] =	vst.idx.msk $0xffff, v33  }
0x140: {  	v33 =	vld [tilespmem:s14+$0x12560];
	_ =	sdelay $0x4  }
0x141: {  	[tilespmem:v29+s21+$0x0] =	vst.idx.msk $0xffff, v33  }
0x142: {  	v33 =	vld [tilespmem:s14+$0xE570];
	_ =	sdelay $0x4  }
0x143: {  	[tilespmem:v30+s21+$0x0] =	vst.idx.msk $0xffff, v33  }
0x144: {  	v33 =	vld [tilespmem:s14+$0x10570];
	_ =	sdelay $0x4  }
0x145: {  	[tilespmem:v31+s21+$0x0] =	vst.idx.msk $0xffff, v33  }
0x146: {  	v33 =	vld [tilespmem:s14+$0x12570];
	_ =	sdelay $0x4  }
0x147: {  	s15 =	sadd.s32 $0xC500, s14;
	[tilespmem:v32+s21+$0x0] =	vst.idx.msk $0xffff, v33  }
0x148: {  	[spmem:s4] =	stream.indirect.scatter.add.f32 [tilespmem:s21], [sflag:$0x3], $0x8, s15, s28, $0xb8;
	[tilespmem:$0x15400] =	vst v63  }
0x149: {  	s15 =	simm.s32 @!p2 $0x4  }
0x14a: {  	_ =	swait.ge @!p2 [sflag:s15], $0x400  }
0x14b: {  	[sflag:s15] =	ssyncset.done @!p2 $0x0  }
0x14c: {  	[sflag:s15] =	ssyncadd.s32 @!p2 $0xFFFFFC00  }
0x14d: {  	v63 =	vld [tilespmem:s14+$0xE580];
	_ =	sdelay $0x4  }
0x14e: {  	[tilespmem:v0+s22+$0x0] =	vst.idx.msk $0xffff, v63  }
0x14f: {  	v33 =	vld [tilespmem:s14+$0x10580];
	_ =	sdelay $0x4  }
0x150: {  	[tilespmem:v10+s22+$0x0] =	vst.idx.msk $0xffff, v33  }
0x151: {  	v33 =	vld [tilespmem:s14+$0x12580];
	_ =	sdelay $0x4  }
0x152: {  	[tilespmem:v11+s22+$0x0] =	vst.idx.msk $0xffff, v33  }
0x153: {  	v33 =	vld [tilespmem:s14+$0xE590];
	_ =	sdelay $0x4  }
0x154: {  	[tilespmem:v12+s22+$0x0] =	vst.idx.msk $0xffff, v33  }
0x155: {  	v33 =	vld [tilespmem:s14+$0x10590];
	_ =	sdelay $0x4  }
0x156: {  	[tilespmem:v13+s22+$0x0] =	vst.idx.msk $0xffff, v33  }
0x157: {  	v33 =	vld [tilespmem:s14+$0x12590];
	_ =	sdelay $0x4  }
0x158: {  	[tilespmem:v14+s22+$0x0] =	vst.idx.msk $0xffff, v33  }
0x159: {  	v33 =	vld [tilespmem:s14+$0xE5A0];
	_ =	sdelay $0x4  }
0x15a: {  	[tilespmem:v15+s22+$0x0] =	vst.idx.msk $0xffff, v33  }
0x15b: {  	v33 =	vld [tilespmem:s14+$0x105A0];
	_ =	sdelay $0x4  }
0x15c: {  	[tilespmem:v16+s22+$0x0] =	vst.idx.msk $0xffff, v33  }
0x15d: {  	v33 =	vld [tilespmem:s14+$0x125A0];
	_ =	sdelay $0x4  }
0x15e: {  	[tilespmem:v17+s22+$0x0] =	vst.idx.msk $0xffff, v33  }
0x15f: {  	v33 =	vld [tilespmem:s14+$0xE5B0];
	_ =	sdelay $0x4  }
0x160: {  	[tilespmem:v18+s22+$0x0] =	vst.idx.msk $0xffff, v33  }
0x161: {  	v33 =	vld [tilespmem:s14+$0x105B0];
	_ =	sdelay $0x4  }
0x162: {  	[tilespmem:v19+s22+$0x0] =	vst.idx.msk $0xffff, v33  }
0x163: {  	v33 =	vld [tilespmem:s14+$0x125B0];
	_ =	sdelay $0x4  }
0x164: {  	[tilespmem:v20+s22+$0x0] =	vst.idx.msk $0xffff, v33  }
0x165: {  	v33 =	vld [tilespmem:s14+$0xE5C0];
	_ =	sdelay $0x4  }
0x166: {  	[tilespmem:v21+s22+$0x0] =	vst.idx.msk $0xffff, v33  }
0x167: {  	v33 =	vld [tilespmem:s14+$0x105C0];
	_ =	sdelay $0x4  }
0x168: {  	[tilespmem:v22+s22+$0x0] =	vst.idx.msk $0xffff, v33  }
0x169: {  	v33 =	vld [tilespmem:s14+$0x125C0];
	_ =	sdelay $0x4  }
0x16a: {  	[tilespmem:v23+s22+$0x0] =	vst.idx.msk $0xffff, v33  }
0x16b: {  	v33 =	vld [tilespmem:s14+$0xE5D0];
	_ =	sdelay $0x4  }
0x16c: {  	[tilespmem:v24+s22+$0x0] =	vst.idx.msk $0xffff, v33  }
0x16d: {  	v33 =	vld [tilespmem:s14+$0x105D0];
	_ =	sdelay $0x4  }
0x16e: {  	[tilespmem:v25+s22+$0x0] =	vst.idx.msk $0xffff, v33  }
0x16f: {  	v33 =	vld [tilespmem:s14+$0x125D0];
	_ =	sdelay $0x4  }
0x170: {  	[tilespmem:v26+s22+$0x0] =	vst.idx.msk $0xffff, v33  }
0x171: {  	v33 =	vld [tilespmem:s14+$0xE5E0];
	_ =	sdelay $0x4  }
0x172: {  	[tilespmem:v27+s22+$0x0] =	vst.idx.msk $0xffff, v33  }
0x173: {  	v33 =	vld [tilespmem:s14+$0x105E0];
	_ =	sdelay $0x4  }
0x174: {  	[tilespmem:v28+s22+$0x0] =	vst.idx.msk $0xffff, v33  }
0x175: {  	v33 =	vld [tilespmem:s14+$0x125E0];
	_ =	sdelay $0x4  }
0x176: {  	[tilespmem:v29+s22+$0x0] =	vst.idx.msk $0xffff, v33  }
0x177: {  	v33 =	vld [tilespmem:s14+$0xE5F0];
	_ =	sdelay $0x4  }
0x178: {  	[tilespmem:v30+s22+$0x0] =	vst.idx.msk $0xffff, v33  }
0x179: {  	v33 =	vld [tilespmem:s14+$0x105F0];
	_ =	sdelay $0x4  }
0x17a: {  	[tilespmem:v31+s22+$0x0] =	vst.idx.msk $0xffff, v33  }
0x17b: {  	s8 =	sadd.s32 $0x800, s8;
	v33 =	vld [tilespmem:s14+$0x125F0]  }
0x17c: {  	p2 =	sne.s32 s8, $0x8000  }
.Ltmp3:
0x17d: {  	_ = 	snop;
	(pc) =	sbr.rel @p2 .LBB2_3-.Ltmp3, $3  }
0x17e: {  	_ =	sdelay $0x1  }
0x17f: {  	s14 =	sadd.s32 $0xC580, s14;
	[tilespmem:v32+s22+$0x0] =	vst.idx.msk $0xffff, v33  }
0x180: {  	[spmem:s4] =	stream.indirect.scatter.add.f32 [tilespmem:s22], [sflag:$0x4], $0x8, s14, s28, $0xb8;
	[tilespmem:$0x15400] =	vst v63  }
0x181: {  	_ =	swait.ge [sflag:s11], $0x400  }
0x182: {  	[sflag:s11] =	ssyncset.done $0x0  }
0x183: {  	[sflag:s11] =	ssyncadd.s32 $0xFFFFFC00  }
0x184: {  	_ =	swait.ge [sflag:s29], $0x400  }
0x185: {  	[sflag:s29] =	ssyncset.done $0x0  }
0x186: {  	s3 =	sadd.s32 $0x1, s3;
	[sflag:s29] =	ssyncadd.s32 $0xFFFFFC00  }
0x187: {  	p2 =	sne.s32 s3, s9;
	_ =	swait.ge [sflag:s30], $0x400  }
.Ltmp4:
0x188: {  	[sflag:s30] =	ssyncset.done $0x0;
	(pc) =	sbr.rel @p2 .LBB2_2-.Ltmp4, $4  }
0x189: {  	[sflag:s30] =	ssyncadd.s32 $0xFFFFFC00  }
0x18a: {  	_ =	swait.ge [sflag:s31], $0x400  }
0x18b: {  	[sflag:s31] =	ssyncset.done $0x0  }
0x18c: {  	[sflag:s31] =	ssyncadd.s32 $0xFFFFFC00  }
.LBB2_5:
.Ltmp5:
0x18d: {  	(pc) =	sbr.rel @p1 .LBB2_10-.Ltmp5, $2  }
0x18e: {  	_ =	sdelay $0x2  }
0x18f: {  	s3 =	simm.s32 $0x0  }
0x190: {  	s3 =	sadd.s32 $0x1, s3  }
0x191: {  	p3 =	slt.s32 s3, s13  }
.Ltmp6:
0x192: {  	_ = 	snop;
	(pc) =	sbr.rel @!p3 .LBB2_9-.Ltmp6, $2  }
0x193: {  	_ =	sdelay $0x2  }
0x194: {  	s14 =	sand.u32 $0x1FFFFFF0, s16;
	p2 =	por $0x0, $0x0  }
0x195: {  	s8 =	sadd.s32 s2, s14  }
0x196: {  	[tilespmem:s23], [sflag:$0x5] =	stream.linear.gather [hbm4b:s8+s5], $0x80, $0x38;
	[tilespmem:$0x15400] =	vst v63  }
0x197: {  	_ =	swait.ge [sflag:s18], $0x80  }
0x198: {  	[sflag:s18] =	ssyncset.done $0x0  }
0x199: {  	s15 =	sadd.s32 s6, s14;
	[sflag:s18] =	ssyncadd.s32 $0xFFFFFF80  }
0x19a: {  	[tilespmem:s24], [sflag:$0x5] =	stream.linear.gather [hbm4b:s15+s5], $0x80, $0x38;
	[tilespmem:$0x15400] =	vst v63  }
0x19b: {  	_ =	swait.ge [sflag:s18], $0x80  }
0x19c: {  	[sflag:s18] =	ssyncset.done $0x0  }
0x19d: {  	s15 =	sadd.s32 s7, s14;
	[sflag:s18] =	ssyncadd.s32 $0xFFFFFF80  }
0x19e: {  	[tilespmem:s25], [sflag:$0x5] =	stream.linear.gather [hbm4b:s15+s5], $0x80, $0x38;
	[tilespmem:$0x15400] =	vst v63  }
0x19f: {  	_ =	swait.ge [sflag:s18], $0x80  }
0x1a0: {  	[sflag:s18] =	ssyncset.done $0x0  }
0x1a1: {  	s15 =	sadd.s32 s1, s14;
	[sflag:s18] =	ssyncadd.s32 $0xFFFFFF80  }
0x1a2: {  	[tilespmem:s26], [sflag:$0x5] =	stream.linear.gather [hbm4b:s15+s5], $0x80, $0x38;
	[tilespmem:$0x15400] =	vst v63  }
0x1a3: {  	_ =	swait.ge [sflag:s18], $0x80  }
0x1a4: {  	[sflag:s18] =	ssyncset.done $0x0  }
0x1a5: {  	[sflag:s18] =	ssyncadd.s32 $0xFFFFFF80  }
0x1a6: {  	v33 =	vld [tilespmem:$0xE400];
	_ =	sdelay $0x4  }
0x1a7: {  	[tilespmem:v0+s19+$0x0] =	vst.idx.msk $0xffff, v33  }
0x1a8: {  	v33 =	vld [tilespmem:$0x10400];
	_ =	sdelay $0x4  }
0x1a9: {  	[tilespmem:v10+s19+$0x0] =	vst.idx.msk $0xffff, v33  }
0x1aa: {  	v33 =	vld [tilespmem:$0x12400];
	_ =	sdelay $0x4  }
0x1ab: {  	[tilespmem:v11+s19+$0x0] =	vst.idx.msk $0xffff, v33  }
0x1ac: {  	v33 =	vld [tilespmem:$0xE410];
	_ =	sdelay $0x4  }
0x1ad: {  	[tilespmem:v12+s19+$0x0] =	vst.idx.msk $0xffff, v33  }
0x1ae: {  	v33 =	vld [tilespmem:$0x10410];
	_ =	sdelay $0x4  }
0x1af: {  	[tilespmem:v13+s19+$0x0] =	vst.idx.msk $0xffff, v33  }
0x1b0: {  	v33 =	vld [tilespmem:$0x12410];
	_ =	sdelay $0x4  }
0x1b1: {  	[tilespmem:v14+s19+$0x0] =	vst.idx.msk $0xffff, v33  }
0x1b2: {  	v33 =	vld [tilespmem:$0xE420];
	_ =	sdelay $0x4  }
0x1b3: {  	[tilespmem:v15+s19+$0x0] =	vst.idx.msk $0xffff, v33  }
0x1b4: {  	v33 =	vld [tilespmem:$0x10420];
	_ =	sdelay $0x4  }
0x1b5: {  	[tilespmem:v16+s19+$0x0] =	vst.idx.msk $0xffff, v33  }
0x1b6: {  	v33 =	vld [tilespmem:$0x12420];
	_ =	sdelay $0x4  }
0x1b7: {  	[tilespmem:v17+s19+$0x0] =	vst.idx.msk $0xffff, v33  }
0x1b8: {  	v33 =	vld [tilespmem:$0xE430];
	_ =	sdelay $0x4  }
0x1b9: {  	[tilespmem:v18+s19+$0x0] =	vst.idx.msk $0xffff, v33  }
0x1ba: {  	v33 =	vld [tilespmem:$0x10430];
	_ =	sdelay $0x4  }
0x1bb: {  	[tilespmem:v19+s19+$0x0] =	vst.idx.msk $0xffff, v33  }
0x1bc: {  	v33 =	vld [tilespmem:$0x12430];
	_ =	sdelay $0x4  }
0x1bd: {  	[tilespmem:v20+s19+$0x0] =	vst.idx.msk $0xffff, v33  }
0x1be: {  	v33 =	vld [tilespmem:$0xE440];
	_ =	sdelay $0x4  }
0x1bf: {  	[tilespmem:v21+s19+$0x0] =	vst.idx.msk $0xffff, v33  }
0x1c0: {  	v33 =	vld [tilespmem:$0x10440];
	_ =	sdelay $0x4  }
0x1c1: {  	[tilespmem:v22+s19+$0x0] =	vst.idx.msk $0xffff, v33  }
0x1c2: {  	v33 =	vld [tilespmem:$0x12440];
	_ =	sdelay $0x4  }
0x1c3: {  	[tilespmem:v23+s19+$0x0] =	vst.idx.msk $0xffff, v33  }
0x1c4: {  	v33 =	vld [tilespmem:$0xE450];
	_ =	sdelay $0x4  }
0x1c5: {  	[tilespmem:v24+s19+$0x0] =	vst.idx.msk $0xffff, v33  }
0x1c6: {  	v33 =	vld [tilespmem:$0x10450];
	_ =	sdelay $0x4  }
0x1c7: {  	[tilespmem:v25+s19+$0x0] =	vst.idx.msk $0xffff, v33  }
0x1c8: {  	v33 =	vld [tilespmem:$0x12450];
	_ =	sdelay $0x4  }
0x1c9: {  	[tilespmem:v26+s19+$0x0] =	vst.idx.msk $0xffff, v33  }
0x1ca: {  	v33 =	vld [tilespmem:$0xE460];
	_ =	sdelay $0x4  }
0x1cb: {  	[tilespmem:v27+s19+$0x0] =	vst.idx.msk $0xffff, v33  }
0x1cc: {  	v33 =	vld [tilespmem:$0x10460];
	_ =	sdelay $0x4  }
0x1cd: {  	[tilespmem:v28+s19+$0x0] =	vst.idx.msk $0xffff, v33  }
0x1ce: {  	v33 =	vld [tilespmem:$0x12460];
	_ =	sdelay $0x4  }
0x1cf: {  	[tilespmem:v29+s19+$0x0] =	vst.idx.msk $0xffff, v33  }
0x1d0: {  	v33 =	vld [tilespmem:$0xE470];
	_ =	sdelay $0x4  }
0x1d1: {  	[tilespmem:v30+s19+$0x0] =	vst.idx.msk $0xffff, v33  }
0x1d2: {  	v33 =	vld [tilespmem:$0x10470];
	_ =	sdelay $0x4  }
0x1d3: {  	[tilespmem:v31+s19+$0x0] =	vst.idx.msk $0xffff, v33  }
0x1d4: {  	v33 =	vld [tilespmem:$0x12470];
	_ =	sdelay $0x1  }
0x1d5: {  	s3 =	sadd.s32 $0x1, s3  }
0x1d6: {  	p3 =	slt.s32 s3, s13  }
.Ltmp7:
0x1d7: {  	_ = 	snop;
	(pc) =	sbr.rel @!p3 .LBB2_9-.Ltmp7, $4  }
0x1d8: {  	[tilespmem:v32+s19+$0x0] =	vst.idx.msk $0xffff, v33  }
0x1d9: {  	[spmem:s4] =	stream.indirect.scatter.add.f32 [tilespmem:s19], [sflag:$0x5], $0x8, s23, s28, $0xb8;
	[tilespmem:$0x15400] =	vst v63  }
0x1da: {  	s8 =	sadd.s32 $0x10, s16;
	_ =	swait.ge [sflag:s18], $0x400  }
0x1db: {  	p2 =	por $0x1, $0x1;
	s14 =	sand.u32 $0x1FFFFFF0, s8;
	[sflag:s18] =	ssyncset.done $0x0  }
.LBB2_8:
0x1dc: {  	s3 =	sadd.s32 $0x1, s3;
	s15 =	sadd.s32 s2, s14;
	[sflag:s18] =	ssyncadd.s32 $0xFFFFFC00  }
0x1dd: {  	[tilespmem:s23], [sflag:$0x5] =	stream.linear.gather [hbm4b:s15+s5], $0x80, $0x38;
	[tilespmem:$0x15400] =	vst v63  }
0x1de: {  	p3 =	slt.s32 s3, s13;
	_ =	swait.ge [sflag:s18], $0x80  }
0x1df: {  	[sflag:s18] =	ssyncset.done $0x0  }
0x1e0: {  	s15 =	sadd.s32 s6, s14;
	[sflag:s18] =	ssyncadd.s32 $0xFFFFFF80  }
0x1e1: {  	[tilespmem:s24], [sflag:$0x5] =	stream.linear.gather [hbm4b:s15+s5], $0x80, $0x38;
	[tilespmem:$0x15400] =	vst v63  }
0x1e2: {  	_ =	swait.ge [sflag:s18], $0x80  }
0x1e3: {  	[sflag:s18] =	ssyncset.done $0x0  }
0x1e4: {  	s15 =	sadd.s32 s7, s14;
	[sflag:s18] =	ssyncadd.s32 $0xFFFFFF80  }
0x1e5: {  	[tilespmem:s25], [sflag:$0x5] =	stream.linear.gather [hbm4b:s15+s5], $0x80, $0x38;
	[tilespmem:$0x15400] =	vst v63  }
0x1e6: {  	_ =	swait.ge [sflag:s18], $0x80  }
0x1e7: {  	[sflag:s18] =	ssyncset.done $0x0  }
0x1e8: {  	s14 =	sadd.s32 s1, s14;
	[sflag:s18] =	ssyncadd.s32 $0xFFFFFF80  }
0x1e9: {  	[tilespmem:s26], [sflag:$0x5] =	stream.linear.gather [hbm4b:s14+s5], $0x80, $0x38;
	[tilespmem:$0x15400] =	vst v63  }
0x1ea: {  	_ =	swait.ge [sflag:s18], $0x80  }
0x1eb: {  	[sflag:s18] =	ssyncset.done $0x0  }
0x1ec: {  	[sflag:s18] =	ssyncadd.s32 $0xFFFFFF80  }
0x1ed: {  	v33 =	vld [tilespmem:$0xE400];
	_ =	sdelay $0x4  }
0x1ee: {  	[tilespmem:v0+s19+$0x0] =	vst.idx.msk $0xffff, v33  }
0x1ef: {  	v33 =	vld [tilespmem:$0x10400];
	_ =	sdelay $0x4  }
0x1f0: {  	[tilespmem:v10+s19+$0x0] =	vst.idx.msk $0xffff, v33  }
0x1f1: {  	v33 =	vld [tilespmem:$0x12400];
	_ =	sdelay $0x4  }
0x1f2: {  	[tilespmem:v11+s19+$0x0] =	vst.idx.msk $0xffff, v33  }
0x1f3: {  	v33 =	vld [tilespmem:$0xE410];
	_ =	sdelay $0x4  }
0x1f4: {  	[tilespmem:v12+s19+$0x0] =	vst.idx.msk $0xffff, v33  }
0x1f5: {  	v33 =	vld [tilespmem:$0x10410];
	_ =	sdelay $0x4  }
0x1f6: {  	[tilespmem:v13+s19+$0x0] =	vst.idx.msk $0xffff, v33  }
0x1f7: {  	v33 =	vld [tilespmem:$0x12410];
	_ =	sdelay $0x4  }
0x1f8: {  	[tilespmem:v14+s19+$0x0] =	vst.idx.msk $0xffff, v33  }
0x1f9: {  	v33 =	vld [tilespmem:$0xE420];
	_ =	sdelay $0x4  }
0x1fa: {  	[tilespmem:v15+s19+$0x0] =	vst.idx.msk $0xffff, v33  }
0x1fb: {  	v33 =	vld [tilespmem:$0x10420];
	_ =	sdelay $0x4  }
0x1fc: {  	[tilespmem:v16+s19+$0x0] =	vst.idx.msk $0xffff, v33  }
0x1fd: {  	v33 =	vld [tilespmem:$0x12420];
	_ =	sdelay $0x4  }
0x1fe: {  	[tilespmem:v17+s19+$0x0] =	vst.idx.msk $0xffff, v33  }
0x1ff: {  	v33 =	vld [tilespmem:$0xE430];
	_ =	sdelay $0x4  }
0x200: {  	[tilespmem:v18+s19+$0x0] =	vst.idx.msk $0xffff, v33  }
0x201: {  	v33 =	vld [tilespmem:$0x10430];
	_ =	sdelay $0x4  }
0x202: {  	[tilespmem:v19+s19+$0x0] =	vst.idx.msk $0xffff, v33  }
0x203: {  	v33 =	vld [tilespmem:$0x12430];
	_ =	sdelay $0x4  }
0x204: {  	[tilespmem:v20+s19+$0x0] =	vst.idx.msk $0xffff, v33  }
0x205: {  	v33 =	vld [tilespmem:$0xE440];
	_ =	sdelay $0x4  }
0x206: {  	[tilespmem:v21+s19+$0x0] =	vst.idx.msk $0xffff, v33  }
0x207: {  	v33 =	vld [tilespmem:$0x10440];
	_ =	sdelay $0x4  }
0x208: {  	[tilespmem:v22+s19+$0x0] =	vst.idx.msk $0xffff, v33  }
0x209: {  	v33 =	vld [tilespmem:$0x12440];
	_ =	sdelay $0x4  }
0x20a: {  	[tilespmem:v23+s19+$0x0] =	vst.idx.msk $0xffff, v33  }
0x20b: {  	v33 =	vld [tilespmem:$0xE450];
	_ =	sdelay $0x4  }
0x20c: {  	[tilespmem:v24+s19+$0x0] =	vst.idx.msk $0xffff, v33  }
0x20d: {  	v33 =	vld [tilespmem:$0x10450];
	_ =	sdelay $0x4  }
0x20e: {  	[tilespmem:v25+s19+$0x0] =	vst.idx.msk $0xffff, v33  }
0x20f: {  	v33 =	vld [tilespmem:$0x12450];
	_ =	sdelay $0x4  }
0x210: {  	[tilespmem:v26+s19+$0x0] =	vst.idx.msk $0xffff, v33  }
0x211: {  	v33 =	vld [tilespmem:$0xE460];
	_ =	sdelay $0x4  }
0x212: {  	[tilespmem:v27+s19+$0x0] =	vst.idx.msk $0xffff, v33  }
0x213: {  	v33 =	vld [tilespmem:$0x10460];
	_ =	sdelay $0x4  }
0x214: {  	[tilespmem:v28+s19+$0x0] =	vst.idx.msk $0xffff, v33  }
0x215: {  	v33 =	vld [tilespmem:$0x12460];
	_ =	sdelay $0x4  }
0x216: {  	[tilespmem:v29+s19+$0x0] =	vst.idx.msk $0xffff, v33  }
0x217: {  	v33 =	vld [tilespmem:$0xE470];
	_ =	sdelay $0x4  }
0x218: {  	[tilespmem:v30+s19+$0x0] =	vst.idx.msk $0xffff, v33  }
0x219: {  	v33 =	vld [tilespmem:$0x10470];
	_ =	sdelay $0x4  }
0x21a: {  	[tilespmem:v31+s19+$0x0] =	vst.idx.msk $0xffff, v33  }
0x21b: {  	v33 =	vld [tilespmem:$0x12470];
	_ =	sdelay $0x3  }
.Ltmp8:
0x21c: {  	(pc) =	sbr.rel @p3 .LBB2_8-.Ltmp8, $4  }
0x21d: {  	[tilespmem:v32+s19+$0x0] =	vst.idx.msk $0xffff, v33  }
0x21e: {  	[spmem:s4] =	stream.indirect.scatter.add.f32 [tilespmem:s19], [sflag:$0x5], $0x8, s23, s28, $0xb8;
	[tilespmem:$0x15400] =	vst v63  }
0x21f: {  	s8 =	sadd.s32 $0x10, s8;
	_ =	swait.ge [sflag:s18], $0x400  }
0x220: {  	s14 =	sand.u32 $0x1FFFFFF0, s8;
	[sflag:s18] =	ssyncset.done $0x0  }
.Ltmp9:
0x221: {  	_ = 	snop;
	(pc) =	sbr.rel .LBB2_9-.Ltmp9, $1  }
0x222: {  	_ =	sdelay $0x3  }
.LBB2_11:
0x223: {  	_ =	sfence.sel $0x180000  }
0x224: {  	[bflag:$0x0] =	sbarrier.arrive $0xFFFF  }
0x225: {  	_ =	strace $0x90000047  }
0x226: {  	s0 =	stileid.u32;
	[bflag:$0x2] =	sbarrier.arrive $0xFFFF  }
0x227: {  	p0 =	sne.s32 s0, $0x0;
	s0 =	rddreg [dreg:$0x4]  }
0x228: {  	s0 =	sadd.s32 @!p0 $0x100000, s0  }
0x229: {  	[sflag:s0] =	ssyncadd.tile.s32 @!p0 $0x1;
	_ =	shalt  }
.Lfunc_end2:
_tile_overlayer_lowered:
.L_overlay_start_2:
0x22a: {  	(tag) =	ssettag $0x2  }
0x22b: {  	s0 =	rddreg [dreg:$0x0];
	s2 =	stileid.u32  }
0x22c: {  	s1 =	rddreg [dreg:$0x1];
	p0 =	sne.s32 s2, $0x0  }
0x22d: {  	s3 =	rddreg [dreg:$0x2];
	[bflag:$0x3] =	sbarrier.arrive $0xFFFF;
	s2 =	simm.s32 @!p0 $0x1C05  }
0x22e: {  	[timem:s3], [sflag:s2] =	dma.local @!p0 [hbm:s0], s1  }
0x22f: {  	s0 =	simm.s32 @!p0 $0x5  }
0x230: {  	_ =	swait.ge @!p0 [sflag:s0], s1  }
0x231: {  	s1 =	ssub.s32 @!p0 $0x0, s1;
	[sflag:s0] =	ssyncset.done @!p0 $0x0  }
0x232: {  	[sflag:s0] =	ssyncadd.s32 @!p0 s1  }
0x233: {  	[bflag:$0x3] =	sbarrier.arrive $0xFFFF  }
0x234: {  	_ =	shalt  }

// kernel: kernel.7.cloned.1.call-start
scs
__scs_entry_jumppad:
0x0: {  	(pc) =	sbr.rel $0x88, $3  }
0x1: {  	(tag) =	ssettag $0x0;
	lr =	simm.s32 $0x1  }
0x2: {  	[smem:$0x3F9F] =	sst lr;
	_ =	strace $0xD0000000  }
0x3: {  	_ = 	snop  }
0x4: {  	_ = 	snop  }
0x5: {  	_ = 	snop  }
0x6: {  	_ = 	snop  }
0x7: {  	_ = 	snop  }
__scs_overlays_trampoline_lowered:
0x8: {  	[smem:$0x3FAE] =	sst s0  }
0x9: {  	[smem:$0x3FAF] =	sst s1  }
0xa: {  	[smem:$0x3FB0] =	sst s2  }
0xb: {  	[smem:$0x3FB1] =	sst s3  }
0xc: {  	[smem:$0x3FB2] =	sst s4  }
0xd: {  	[smem:$0x3FB3] =	sst s5  }
0xe: {  	[smem:$0x3FB4] =	sst s6  }
0xf: {  	[smem:$0x3FB5] =	sst s7  }
0x10: {  	[smem:$0x3FB6] =	sst s8  }
0x11: {  	[smem:$0x3FB7] =	sst s9;
	s0 =	simm.s32 @!p0 $0x0  }
0x12: {  	s1 =	sld [smem:$0x3F9D];
	s0 =	simm.s32 @p0 $0x1  }
0x13: {  	[smem:$0x3FB8] =	sst s0;
	s0 =	simm.s32 @!p1 $0x0  }
0x14: {  	s2 =	sld [smem:$0x3F9C];
	s0 =	simm.s32 @p1 $0x1  }
0x15: {  	[smem:$0x3FB9] =	sst s0;
	s0 =	simm.s32 @!p2 $0x0  }
0x16: {  	s3 =	sld [smem:$0x3FDB];
	s0 =	simm.s32 @p2 $0x1  }
0x17: {  	s4 =	simm.s32 $0x1BF5;
	[smem:$0x3FBB] =	sst s0  }
0x18: {  	s0 =	sld [smem:$0x3F9E];
	_ =	swait.ge [sflag:s4], $0x0  }
0x19: {  	s7 =	sld [smem:$0x3F9F]  }
0x1a: {  	s8 =	sadd.s32 $0xFFFFE003, lr  }
0x1b: {  	s9 =	sadd.s32 $0xFFFFFEF7, lr;
	s5 =	simm.s32 $0xFFFFFFFF;
	p2 =	slt.u32 s8, $0xFFFFF086  }
0x1c: {  	p1 =	slt.u32 s9, $0xF7A;
	s5 =	simm.s32 @!p2 $0x0  }
0x1d: {  	s5 =	simm.s32 @p1 $0x1;
	p0 =	seq.s32 s7, s2  }
0x1e: {  	s7 =	smul.u32 @!p0 $0xF7A, s2;
	p2 =	seq.s32 @!p0 s5, $0x0  }
0x1f: {  	s9 =	smul.u32 $0xF7A, s1;
	s8 =	simm.s32 @!p0 $0x1BF5;
	p2 =	por !p2, p0  }
0x20: {  	[sflag:s8] =	ssyncset.s32 @!p0 $0xFFFFF086;
	s6 =	sadd.s32 @!p0 s3, s7;
	s7 =	simm.s32 @!p0 $0x108  }
0x21: {  	s3 =	sadd.s32 s3, s9;
	s6 =	sadd.s32 @!p0 $0x88, s6;
	s7 =	simm.s32 @p2 $0x1082  }
0x22: {  	[simem:s7], [sflag:s8] =	dma.local @!p0 [hbm:s6], $0xF7A  }
0x23: {  	s9 =	sor.u32 $0xD0000000, s2;
	s6 =	simm.s32 $0x108;
	_ =	swait.ge @!p0 [sflag:s8], $0x0  }
0x24: {  	s3 =	sadd.s32 $0x88, s3;
	s6 =	simm.s32 @!p1 $0x1082;
	[sflag:s4] =	ssyncset.s32 $0xFFFFF086  }
0x25: {  	[simem:s6], [sflag:s4] =	dma.local [hbm:s3], $0xF7A  }
0x26: {  	[smem:$0x3F9F] =	sst s1;
	(tag) =	ssettag s2;
	_ =	strace s9  }
0x27: {  	s1 =	sld [smem:$0x3FAF]  }
0x28: {  	s2 =	sld [smem:$0x3FB0]  }
0x29: {  	s4 =	sld [smem:$0x3FB2]  }
0x2a: {  	p0 =	seq.s32 s5, $0x0;
	s5 =	sld [smem:$0x3FB3]  }
0x2b: {  	s6 =	sld [smem:$0x3FB4]  }
0x2c: {  	s7 =	sld [smem:$0x3FB5]  }
0x2d: {  	s3 =	simm.s32 $0x108;
	s8 =	sld [smem:$0x3FB6]  }
0x2e: {  	s3 =	simm.s32 @!p0 $0x1082;
	s9 =	sld [smem:$0x3FB7]  }
0x2f: {  	lr =	sadd.s32 s0, s3;
	s0 =	sld [smem:$0x3FAE]  }
0x30: {  	s3 =	sld [smem:$0x3FB1]  }
0x31: {  	[smem:$0x3FBA] =	sst s10  }
0x32: {  	s10 =	sld [smem:$0x3FB8];
	_ =	sdelay $0x3  }
0x33: {  	p0 =	seq.s32 s10, $0x1;
	s10 =	sld [smem:$0x3FBA];
	_ =	sdelay $0x3  }
0x34: {  	[smem:$0x3FBA] =	sst s10  }
0x35: {  	s10 =	sld [smem:$0x3FB9];
	_ =	sdelay $0x3  }
0x36: {  	p1 =	seq.s32 s10, $0x1;
	s10 =	sld [smem:$0x3FBA];
	_ =	sdelay $0x3  }
0x37: {  	[smem:$0x3FBA] =	sst s10  }
0x38: {  	s10 =	sld [smem:$0x3FBB]  }
0x39: {  	_ = 	snop;
	(pc) =	sbr.ind lr, $3  }
0x3a: {  	_ = 	snop  }
0x3b: {  	_ = 	snop  }
0x3c: {  	p2 =	seq.s32 s10, $0x1;
	s10 =	sld [smem:$0x3FBA]  }
0x3d: {  	_ =	shalt  }
0x3e: {  	_ =	shalt  }
0x3f: {  	_ =	shalt  }
0x40: {  	_ =	shalt  }
0x41: {  	_ =	shalt  }
0x42: {  	_ =	shalt  }
0x43: {  	_ =	shalt  }
0x44: {  	_ =	shalt  }
0x45: {  	_ =	shalt  }
0x46: {  	_ =	shalt  }
0x47: {  	_ =	shalt  }
0x48: {  	_ =	shalt  }
0x49: {  	_ =	shalt  }
0x4a: {  	_ =	shalt  }
0x4b: {  	_ =	shalt  }
0x4c: {  	_ =	shalt  }
0x4d: {  	_ =	shalt  }
0x4e: {  	_ =	shalt  }
0x4f: {  	_ =	shalt  }
0x50: {  	_ =	shalt  }
0x51: {  	_ =	shalt  }
0x52: {  	_ =	shalt  }
0x53: {  	_ =	shalt  }
0x54: {  	_ =	shalt  }
0x55: {  	_ =	shalt  }
0x56: {  	_ =	shalt  }
0x57: {  	_ =	shalt  }
0x58: {  	_ =	shalt  }
0x59: {  	_ =	shalt  }
0x5a: {  	_ =	shalt  }
0x5b: {  	_ =	shalt  }
0x5c: {  	_ =	shalt  }
0x5d: {  	_ =	shalt  }
0x5e: {  	_ =	shalt  }
0x5f: {  	_ =	shalt  }
0x60: {  	_ =	shalt  }
0x61: {  	_ =	shalt  }
0x62: {  	_ =	shalt  }
0x63: {  	_ =	shalt  }
0x64: {  	_ =	shalt  }
0x65: {  	_ =	shalt  }
0x66: {  	_ =	shalt  }
0x67: {  	_ =	shalt  }
0x68: {  	_ =	shalt  }
0x69: {  	_ =	shalt  }
0x6a: {  	_ =	shalt  }
0x6b: {  	_ =	shalt  }
0x6c: {  	_ =	shalt  }
0x6d: {  	_ =	shalt  }
0x6e: {  	_ =	shalt  }
0x6f: {  	_ =	shalt  }
0x70: {  	_ =	shalt  }
0x71: {  	_ =	shalt  }
0x72: {  	_ =	shalt  }
0x73: {  	_ =	shalt  }
0x74: {  	_ =	shalt  }
0x75: {  	_ =	shalt  }
0x76: {  	_ =	shalt  }
0x77: {  	_ =	shalt  }
0x78: {  	_ =	shalt  }
0x79: {  	_ =	shalt  }
0x7a: {  	_ =	shalt  }
0x7b: {  	_ =	shalt  }
0x7c: {  	_ =	shalt  }
0x7d: {  	_ =	shalt  }
0x7e: {  	_ =	shalt  }
0x7f: {  	_ =	shalt  }
0x80: {  	_ =	shalt  }
0x81: {  	_ =	shalt  }
0x82: {  	_ =	shalt  }
0x83: {  	_ =	shalt  }
0x84: {  	_ =	shalt  }
0x85: {  	_ =	shalt  }
0x86: {  	_ =	shalt  }
0x87: {  	_ =	shalt  }
.Lfunc_end0:
.L_simem_size_0:
called_computation.1_lowered:
.L_overlay_start_0:
0x88: {  	s2 =	sld [smem:$0x3FD9]  }
0x89: {  	s3 =	sld [smem:$0x3FFE];
	_ =	sdelay $0x1  }
0x8a: {  	s1 =	srdreg.scid  }
0x8b: {  	s0 =	sand.u32 $0x1, s1  }
0x8c: {  	s17 =	sshll.u32 s0, $0xA;
	s2 =	sadd.s32 s3, s2  }
0x8d: {  	s2 =	sadd.s32 s2, s17  }
0x8e: {  	[smem:$0x3FC6] =	sst s2  }
0x8f: {  	_ = 	snop  }
0x90: {  	s2 =	sld [smem:$0x3FC8]  }
0x91: {  	s18 =	sld [smem:$0x3FD0];
	(tm) =	ssettm $0x1  }
0x92: {  	s4 =	sld [smem:$0x3FFB];
	_ =	sdelay $0x3  }
0x93: {  	_ =	strace s4  }
0x94: {  	s4 =	sld [smem:$0x3FFC];
	_ =	sdelay $0x3  }
0x95: {  	_ =	strace s4  }
0x96: {  	s4 =	sld [smem:$0x3FFD];
	_ =	sdelay $0x3  }
0x97: {  	_ =	strace s4  }
0x98: {  	_ =	strace $0x8FFFFFFF  }
0x99: {  	s19 =	sld [smem:$0x3FDB];
	_ =	sdelay $0x1  }
0x9a: {  	s5 =	simm.s32 $_scs_section_size  }
0x9b: {  	s6 =	simm.s32 $_size__tile_overlayer_lowered;
	s7 =	simm.s32 $_tile_overlayer_lowered  }
0x9c: {  	s22 =	simm.s32 $0x1BFF;
	s21 =	sshll.u32 s7, $0x1;
	s4 =	sadd.s32 s5, s19  }
0x9d: {  	s8 =	simm.s32 $0x0;
	s20 =	sshll.u32 s6, $0x1;
	s6 =	sadd.s32 s21, s4  }
0x9e: {  	[timem:s8], [sflag:s22] =	dma.local [hbm:s6], s20  }
0x9f: {  	_ =	swait.ge [sflag:s22], s20  }
0xa0: {  	s5 =	ssub.s32 $0x0, s20;
	[sflag:s22] =	ssyncset.done $0x0  }
0xa1: {  	[sflag:s22] =	ssyncadd.s32 s5;
	_ =	sdelay $0x1  }
0xa2: {  	s23 =	simm.s32 $0x1B8B  }
0xa3: {  	_ =	swait.ge [sflag:s23], $0x1  }
0xa4: {  	[sflag:s23] =	ssyncset.done $0x0  }
0xa5: {  	s25 =	simm.s32 $0x1B8E;
	s24 =	sld [smem:$0x3FFE];
	[sflag:s23] =	ssyncadd.s32 $0xFFFFFFFF  }
0xa6: {  	s26 =	simm.s32 $execute0_lowered;
	[smem:$0x3FD2] =	sst s25  }
0xa7: {  	s6 =	sshll.u32 s26, $0x1;
	_ =	strace $0x80000049;
	[dreg:$0x1] =	wrdreg $0xFFFFFFFF  }
0xa8: {  	s28 =	simm.s32 $_size_execute0_lowered;
	s4 =	sadd.s32 s4, s6;
	[dreg:$0x0] =	wrdreg $0x0  }
0xa9: {  	s6 =	sshll.u32 s28, $0x1;
	[dreg:$0x2] =	wrdreg s4  }
0xaa: {  	[dreg:$0x3] =	wrdreg s6  }
0xab: {  	[dreg:$0x4] =	wrdreg $0xC0  }
0xac: {  	_ =	task [dreg:s8], $0x5FFFF  }
0xad: {  	[dreg:$0x1] =	wrdreg $0xFFFFFFFF  }
0xae: {  	[dreg:$0x0] =	wrdreg $0x60  }
0xaf: {  	[dreg:$0x2] =	wrdreg s24  }
0xb0: {  	[dreg:$0x3] =	wrdreg s18  }
0xb1: {  	[dreg:$0x4] =	wrdreg s2  }
0xb2: {  	[dreg:$0x5] =	wrdreg $0x9  }
0xb3: {  	_ =	task.clear_ibuf [dreg:s8], $0x6FFFF;
	_ =	strace $0x90000049  }
0xb4: {  	s29 =	simm.s32 $0x9;
	_ =	strace $0x8000004B  }
0xb5: {  	_ =	swait.ge [sflag:s29], $0x1  }
0xb6: {  	[sflag:s29] =	ssyncadd.s32 $0xFFFFFFFF  }
0xb7: {  	_ =	strace $0x9000004B  }
0xb8: {  	_ =	sfence  }
0xb9: {  	s30 =	sld [smem:$0x0];
	_ =	sdelay $0x2  }
0xba: {  	s31 =	sshll.u32 s1, $0xD;
	s1 =	sshrl.u32 s1, $0x2  }
0xbb: {  	s3 =	sand.u32 $0x4000, s31;
	s1 =	sadd.s32 s1, s30  }
0xbc: {  	s0 =	sor.u32 s3, s0;
	s1 =	sshll.u32 s1, $0x11  }
0xbd: {  	s0 =	sor.u32 s1, s0  }
0xbe: {  	s0 =	sadd.s32 $0x8F2B, s0  }
0xbf: {  	[sflag:s0] =	ssyncadd.remote.s32 $0x1  }
0xc0: {  	_ =	sfence.sel $0xFFFF  }
0xc1: {  	[dreg:$0x0] =	wrdreg $0xFFFFFFFF;
	(pc) =	sbr.abs _section_cstart, $3  }
0xc2: {  	[dreg:$0x1] =	wrdreg $0xFFFFFFFF  }
0xc3: {  	_ =	task.clear_ibuf [dreg:s8], $0x2FFFF;
	_ =	strace $0x9FFFFFFF  }
0xc4: {  	(tm) =	ssettm $0x7FFFFFFF  }
0xc5: {  	_ =	shalt  }
tec
execute0_lowered:
.L_overlay_start_1:
0x0: {  	(tag) =	ssettag $0x1  }
0x1: {  	s0 =	srdreg.scid  }
0x2: {  	s2 =	sand.u32 $0x1, s0  }
0x3: {  	s1 =	stileid.u32;
	s0 =	sshll.u32 s2, $0x4  }
0x4: {  	s0 =	sor.u32 s1, s0  }
0x5: {  	s0 =	smul.u32 $0x61A8, s0;
	_ =	sdelay $0x1  }
0x6: {  	s3 =	sadd.s32 $0x61A8, s0  }
0x7: {  	s1 =	sshrl.u32 s0, $0x5;
	s0 =	sshrl.u32 s3, $0x5  }
0x8: {  	s4 =	ssub.s32 s0, s1  }
0x9: {  	s5 =	sadd.s32 $0x3F, s4  }
0xa: {  	s6 =	sshll.u32 s5, $0x10  }
0xb: {  	s7 =	sand.u32 $0x3F, s5;
	s6 =	sshra.s32 s6, $0x1F  }
0xc: {  	p0 =	slt.s32 s4, $0xFFFFFFC2;
	p1 =	sne.s32 s7, $0x0;
	s6 =	sand.u32 $0x3F, s6  }
0xd: {  	p0 =	por !p0, !p1;
	s30 =	sadd.s32 s6, s5  }
0xe: {  	p0 =	por !p0, !p0;
	s6 =	simm.s32 $0x1;
	s5 =	sshll.u32 s30, $0x10  }
0xf: {  	s6 =	simm.s32 @!p0 $0x0;
	s31 =	sshra.s32 s5, $0x16  }
0x10: {  	s6 =	ssub.s32 s31, s6  }
0x11: {  	p0 =	slt.s32 s6, $0x1  }
.Ltmp0:
0x12: {  	_ = 	snop;
	(pc) =	sbr.rel @p0 .LBB2_20-.Ltmp0, $4  }
0x13: {  	_ = 	snop  }
0x14: {  	s3 =	rddreg [dreg:$0x0];
	s5 =	simm.s32 $0x0  }
0x15: {  	[smem:$0x7FF] =	sst s5  }
0x16: {  	s4 =	rddreg [dreg:$0x2];
	s7 =	simm.s32 $0x1;
	_ =	strace $0x8000004A  }
0x17: {  	v2 =	vlaneseq.u32  }
0x18: {  	v0 =	vmul.u32 $0x8, v2  }
0x19: {  	v1 =	vshrl.u32 v2, $0x3  }
0x1a: {  	v2 =	vand.u32 $0x7, v2;
	v1 =	vmul.u32 $0x8, v1;
	v3 =	vor.u32 $0x3, v0  }
0x1b: {  	s8 =	sadd.s32 $0x62A00, s3;
	s9 =	sadd.s32 $0x10DE00, s3;
	v4 =	vor.u32 $0x1, v0;
	v5 =	vor.u32 $0x2, v0;
	v6 =	vor.u32 $0x83, v0  }
0x1c: {  	s10 =	sadd.s32 $0xE00, s3;
	s11 =	sadd.s32 $0x16FA00, s3;
	v7 =	vor.u32 $0x80, v0;
	v8 =	vor.u32 $0x81, v0;
	v9 =	vor.u32 $0x82, v0  }
0x1d: {  	s2 =	ssub.s32 $0x2, s2;
	s12 =	sadd.s32 $0xDCE00, s3;
	s13 =	sadd.s32 $0x1D1600, s3;
	v10 =	vor.u32 $0x103, v0;
	v11 =	vor.u32 $0x100, v0;
	v12 =	vor.u32 $0x101, v0  }
0x1e: {  	s14 =	sadd.s32 $0xFFFFFFC0, s0;
	s15 =	sadd.s32 $0xF5600, s3;
	s17 =	simm.s32 $0x3;
	v13 =	vor.u32 $0x102, v0;
	v14 =	vor.u32 $0x183, v0;
	v15 =	vor.u32 $0x180, v0  }
0x1f: {  	s18 =	simm.s32 $0x2000;
	s19 =	simm.s32 $0x4000;
	s20 =	simm.s32 $0x6000;
	v16 =	vor.u32 $0x181, v0;
	v17 =	vor.u32 $0x182, v0;
	v18 =	vor.u32 $0x203, v0  }
.Ltmp1:
0x20: {  	s21 =	simm.s32 $0xE000;
	s22 =	simm.s32 $0x12000;
	v19 =	vor.u32 $0x200, v0;
	v20 =	vor.u32 $0x201, v0;
	v31 =	vor.u32 $0x380, v0;
	(pc) =	sbr.rel .LBB2_2-.Ltmp1, $4  }
0x21: {  	s23 =	simm.s32 $0x8000;
	s24 =	simm.s32 $0xA000;
	s16 =	sshrl.u32 s2, $0x1;
	v21 =	vor.u32 $0x202, v0;
	v22 =	vor.u32 $0x283, v0;
	v23 =	vor.u32 $0x280, v0  }
0x22: {  	s25 =	simm.s32 $0xC000;
	s26 =	simm.s32 $0x80;
	s31 =	ssub.s32 s2, s16;
	v24 =	vor.u32 $0x281, v0;
	v25 =	vor.u32 $0x282, v0;
	v32 =	vor.u32 $0x381, v0  }
0x23: {  	s28 =	simm.s32 $0x16000;
	s29 =	simm.s32 $0x16400;
	s0 =	smax.u32 s31, $0x1;
	v26 =	vor.u32 $0x303, v0;
	v27 =	vor.u32 $0x300, v0;
	v28 =	vor.u32 $0x301, v0  }
0x24: {  	s30 =	simm.s32 $0x2;
	s2 =	simm.s32 $0x0;
	v29 =	vor.u32 $0x302, v0;
	v30 =	vor.u32 $0x383, v0;
	v33 =	vor.u32 $0x382, v0;
	[dreg:$0x4] =	wrdreg s0  }
.LBB2_19:
0x25: {  	s2 =	rddreg [dreg:$0x5]  }
0x26: {  	s0 =	rddreg [dreg:$0x4];
	s2 =	sadd.s32 $0x1, s2  }
0x27: {  	p0 =	sne.s32 s2, s0  }
.Ltmp2:
0x28: {  	_ = 	snop;
	(pc) =	sbr.rel @!p0 .LBB2_20-.Ltmp2, $1  }
0x29: {  	_ =	sdelay $0x3  }
.LBB2_2:
.Ltmp3:
0x2a: {  	(pc) =	sbr.rel .LBB2_3-.Ltmp3, $2  }
0x2b: {  	_ =	sdelay $0x2  }
0x2c: {  	[dreg:$0x5] =	wrdreg s2;
	s3 =	simm.s32 $0x0  }
.LBB2_17:
0x2d: {  	_ = 	snop  }
0x2e: {  	v37 =	vadd.f32 v38, v37;
	_ =	sdelay $0x1  }
0x2f: {  	v37 =	vmax.f32 v37, $1.000000000e+00  }
0x30: {  	v60 =	vld.idx.msk [tilespmem:v31+s28+$0x0], $0xffff;
	(erf) = vrcp.f32 v37  }
0x31: {  	v61 =	vld.idx.msk [tilespmem:v31+s29+$0x0], $0xffff  }
0x32: {  	v39 =	vld.idx.msk [tilespmem:v32+s28+$0x0], $0xffff  }
0x33: {  	v40 =	vld.idx.msk [tilespmem:v33+s29+$0x0], $0xffff  }
0x34: {  	v41 =	vld.idx.msk [tilespmem:v33+s28+$0x0], $0xffff  }
0x35: {  	v42 =	vld.idx.msk [tilespmem:v32+s29+$0x0], $0xffff;
	_ =	sdelay $0x2  }
0x36: {  	v37 =	vadd.f32 v61, v60  }
0x37: {  	v62 =	vadd.f32 v40, v41;
	v63 =	vpop (erf)  }
0x38: {  	v39 =	vadd.f32 v42, v39;
	v37 =	vmul.f32 v63, v37  }
0x39: {  	v38 =	vmul.f32 v62, v63  }
0x3a: {  	v39 =	vmul.f32 v39, v63;
	v34 =	vsub.f32 v34, v37  }
0x3b: {  	v36 =	vsub.f32 v36, v38  }
0x3c: {  	v35 =	vsub.f32 v35, v39;
	[tilespmem:s16+$0x8070] =	vst v34  }
0x3d: {  	[tilespmem:s16+$0xC070] =	vst v36  }
0x3e: {  	[tilespmem:s16+$0xA070] =	vst v35  }
.LBB2_18:
0x3f: {  	s2 =	sadd.s32 s9, s0  }
0x40: {  	[hbm4b:s2+s5] =	stream.linear.scatter [tilespmem:s23], [sflag:$0x3], $0x2000, $0x38;
	[tilespmem:$0x16800] =	vst v63  }
0x41: {  	_ =	swait.ge [sflag:s17], $0x2000  }
0x42: {  	[sflag:s17] =	ssyncset.done $0x0  }
0x43: {  	s16 =	sadd.s32 s11, s0;
	[sflag:s17] =	ssyncadd.s32 $0xFFFFE000  }
0x44: {  	[hbm4b:s16+s5] =	stream.linear.scatter [tilespmem:s24], [sflag:$0x3], $0x2000, $0x38;
	[tilespmem:$0x16800] =	vst v63  }
0x45: {  	s3 =	sadd.s32 $0x1, s3;
	_ =	swait.ge [sflag:s17], $0x2000  }
0x46: {  	p0 =	sne.s32 s3, s6;
	[sflag:s17] =	ssyncset.done $0x0  }
.Ltmp4:
0x47: {  	s31 =	sadd.s32 s13, s0;
	[sflag:s17] =	ssyncadd.s32 $0xFFFFE000;
	(pc) =	sbr.rel @!p0 .LBB2_19-.Ltmp4, $4  }
0x48: {  	[hbm4b:s31+s5] =	stream.linear.scatter [tilespmem:s25], [sflag:$0x3], $0x2000, $0x38;
	[tilespmem:$0x16800] =	vst v63  }
0x49: {  	_ =	swait.ge [sflag:s17], $0x2000  }
0x4a: {  	[sflag:s17] =	ssyncset.done $0x0  }
0x4b: {  	[sflag:s17] =	ssyncadd.s32 $0xFFFFE000  }
.LBB2_3:
0x4c: {  	s0 =	sshll.u32 s3, $0x6  }
0x4d: {  	s0 =	sadd.s32 s1, s0  }
0x4e: {  	s2 =	smov.u32 s14;
	p0 =	slt.s32 s0, s14  }
0x4f: {  	s2 =	smov.u32 @p0 s0  }
0x50: {  	s0 =	sshll.u32 s2, $0x4  }
0x51: {  	s0 =	sand.u32 $0x1FFFFFF0, s0  }
0x52: {  	s16 =	sadd.s32 s4, s0  }
0x53: {  	[tilespmem:s5], [sflag:$0x3] =	stream.linear.gather [hbm4b:s16+s5], $0x2000, $0x38;
	[tilespmem:$0x16800] =	vst v63  }
0x54: {  	_ =	swait.ge [sflag:s17], $0x2000  }
0x55: {  	[sflag:s17] =	ssyncset.done $0x0  }
0x56: {  	s16 =	sadd.s32 s8, s0;
	[sflag:s17] =	ssyncadd.s32 $0xFFFFE000  }
0x57: {  	[tilespmem:s18], [sflag:$0x3] =	stream.linear.gather [hbm4b:s16+s5], $0x2000, $0x38;
	[tilespmem:$0x16800] =	vst v63  }
0x58: {  	_ =	swait.ge [sflag:s17], $0x2000  }
0x59: {  	[sflag:s17] =	ssyncset.done $0x0  }
0x5a: {  	s16 =	sadd.s32 s10, s0;
	[sflag:s17] =	ssyncadd.s32 $0xFFFFE000  }
0x5b: {  	[tilespmem:s19], [sflag:$0x3] =	stream.linear.gather [hbm4b:s16+s5], $0x2000, $0x38;
	[tilespmem:$0x16800] =	vst v63  }
0x5c: {  	_ =	swait.ge [sflag:s17], $0x2000  }
0x5d: {  	[sflag:s17] =	ssyncset.done $0x0  }
0x5e: {  	[sflag:s17] =	ssyncadd.s32 $0xFFFFE000  }
0x5f: {  	s16 =	rddreg [dreg:$0x1]  }
0x60: {  	s2 =	sadd.s32 s16, s0  }
0x61: {  	[tilespmem:s20], [sflag:$0x3] =	stream.linear.gather [hbm4b:s2+s5], $0x2000, $0x38;
	[tilespmem:$0x16800] =	vst v63  }
0x62: {  	_ =	swait.ge [sflag:s17], $0x2000  }
0x63: {  	[sflag:s17] =	ssyncset.done $0x0  }
0x64: {  	[sflag:s17] =	ssyncadd.s32 $0xFFFFE000  }
0x65: {  	v34 =	vld [tilespmem:$0x0];
	_ =	sdelay $0x1  }
0x66: {  	v35 =	vld [tilespmem:$0x1FF0];
	_ =	sdelay $0x2  }
0x67: {  	(v2sf) =	vpush v34, $0x0;
	_ =	sdelay $0x1  }
0x68: {  	(v2sf) =	vpush v35, $0xF;
	_ =	sdelay $0xc  }
0x69: {  	s2 =	spop (v2sf)  }
0x6a: {  	p0 =	slt.s32 s2, $0x18000  }
0x6b: {  	s16 =	spop (v2sf);
	s2 =	simm.s32 @!p0 $0x18000  }
0x6c: {  	s31 =	ssub.s32 s16, s2  }
0x6d: {  	s16 =	sadd.s32 $0x1, s31  }
0x6e: {  	p0 =	sgt.s32 s16, $0x800  }
.Ltmp5:
0x6f: {  	_ = 	snop;
	(pc) =	sbr.rel @p0 .LBB2_15-.Ltmp5, $1  }
0x70: {  	_ =	sdelay $0x3  }
0x71: {  	s16 =	sand.u32 $0x1FFFFFFF, s2  }
0x72: {  	s18 =	smov.u32 s4;
	s4 =	sadd.s32 s12, s16;
	s16 =	simm.s32 $0x0  }
0x73: {  	[tilespmem:s21], [sflag:$0x3] =	stream.linear.gather [hbm4b:s4+s16], $0x4000, $0x38;
	[tilespmem:$0x16800] =	vst v63  }
0x74: {  	s4 =	sadd.s32 $0x18800, s2;
	_ =	swait.ge [sflag:s17], $0x4000  }
0x75: {  	s4 =	sand.u32 $0x1FFFFFFF, s4;
	[sflag:s17] =	ssyncset.done $0x0  }
0x76: {  	s4 =	sadd.s32 s12, s4;
	[sflag:s17] =	ssyncadd.s32 $0xFFFFC000  }
0x77: {  	[tilespmem:s22], [sflag:$0x3] =	stream.linear.gather [hbm4b:s4+s16], $0x4000, $0x38;
	[tilespmem:$0x16800] =	vst v63  }
0x78: {  	s4 =	sadd.s32 $0x2, s31;
	s31 =	sand.u32 $0x1, s31  }
0x79: {  	p0 =	slt.s32 s4, $0x1;
	p1 =	seq.s32 s31, $0x1  }
0x7a: {  	s31 =	sshrl.u32 s4, $0x1F;
	p0 =	por !p0, !p1  }
0x7b: {  	s4 =	sadd.s32 s31, s4;
	s31 =	simm.s32 $0x1;
	p0 =	por !p0, !p0  }
0x7c: {  	s4 =	sshra.s32 s4, $0x1;
	s31 =	simm.s32 @!p0 $0x0  }
0x7d: {  	s31 =	ssub.s32 s4, s31  }
0x7e: {  	p0 =	sgt.s32 s31, $0x0  }
.Ltmp6:
0x7f: {  	_ = 	snop;
	(pc) =	sbr.rel @!p0 .LBB2_5-.Ltmp6, $4  }
0x80: {  	_ = 	snop  }
0x81: {  	_ =	swait.ge [sflag:s17], $0x4000  }
0x82: {  	[sflag:s17] =	ssyncset.done $0x0  }
0x83: {  	[sflag:s17] =	ssyncadd.s32 $0xFFFFC000  }
0x84: {  	v34 =	vmov s16  }
0x85: {  	p1 =	seq.s32 s31, $0x1;
	v34 =	vshll.u32 v34, $0x3  }
.Ltmp7:
0x86: {  	v35 =	vor.u32 v1, v34;
	(pc) =	sbr.rel @p1 .LBB2_9-.Ltmp7, $2  }
0x87: {  	v34 =	vor.u32 v2, v35;
	_ =	sdelay $0x2  }
0x88: {  	s31 =	sadd.s32 $0xFFFFFFFF, s31;
	p0 =	por $0x0, $0x0  }
0x89: {  	_ =	sdelay $0x3  }
0x8a: {  	v36 =	vld.idx.msk [tilespmem:v34+s21+$0x0], $0xffff  }
0x8b: {  	v37 =	vld.idx.msk [tilespmem:v34+s22+$0x0], $0xffff;
	_ =	sdelay $0x2  }
0x8c: {  	v35 =	vor.u32 $0x3, v35;
	_ =	sdelay $0x1  }
0x8d: {  	v37 =	vadd.f32 v37, v36;
	_ =	sdelay $0x1  }
0x8e: {  	[tilespmem:v34+s21+$0x0] =	vst.idx.msk $0xffff, v37  }
0x8f: {  	v35 =	vld.idx.msk [tilespmem:v35+s21+$0x0], $0xffff;
	_ =	sdelay $0x4  }
0x90: {  	v35 =	vmax.f32 v35, $1.000000000e+00  }
0x91: {  	(erf) = vrcp.f32 v35;
	_ =	sdelay $0x4  }
0x92: {  	p1 =	seq.s32 s31, $0x1  }
.Ltmp8:
0x93: {  	s16 =	simm.s32 $0x2;
	(pc) =	sbr.rel @p1 .LBB2_11-.Ltmp8, $4  }
0x94: {  	v63 =	vmov s16  }
0x95: {  	v35 =	vshll.u32 v63, $0x3  }
0x96: {  	v35 =	vor.u32 v1, v35;
	v38 =	vpop (erf)  }
0x97: {  	s31 =	sadd.s32 $0xFFFFFFFF, s31;
	p0 =	por $0x1, $0x1;
	v36 =	vor.u32 v2, v35;
	v37 =	vmul.f32 v38, v37  }
.LBB2_12:
0x98: {  	p1 =	seq.s32 s31, $0x1;
	s31 =	sadd.s32 $0xFFFFFFFF, s31  }
0x99: {  	[tilespmem:v34+s21+$0x0] =	vst.idx.msk $0xffff, v37;
	v34 =	vmov v36  }
0x9a: {  	v37 =	vld.idx.msk [tilespmem:v36+s21+$0x0], $0xffff  }
0x9b: {  	v36 =	vld.idx.msk [tilespmem:v36+s22+$0x0], $0xffff;
	_ =	sdelay $0x2  }
0x9c: {  	v35 =	vor.u32 $0x3, v35;
	_ =	sdelay $0x2  }
0x9d: {  	v37 =	vadd.f32 v36, v37;
	_ =	sdelay $0x1  }
0x9e: {  	[tilespmem:v34+s21+$0x0] =	vst.idx.msk $0xffff, v37  }
0x9f: {  	v35 =	vld.idx.msk [tilespmem:v35+s21+$0x0], $0xffff;
	_ =	sdelay $0x5  }
0xa0: {  	v35 =	vmax.f32 v35, $1.000000000e+00  }
0xa1: {  	(erf) = vrcp.f32 v35;
	_ =	sdelay $0x3  }
0xa2: {  	s16 =	sadd.s32 $0x2, s16  }
0xa3: {  	v35 =	vmov s16  }
.Ltmp9:
0xa4: {  	v35 =	vshll.u32 v35, $0x3;
	(pc) =	sbr.rel @!p1 .LBB2_12-.Ltmp9, $4  }
0xa5: {  	v35 =	vor.u32 v1, v35  }
0xa6: {  	v36 =	vor.u32 v2, v35  }
0xa7: {  	v38 =	vpop (erf)  }
0xa8: {  	v37 =	vmul.f32 v38, v37  }
0xa9: {  	v38 =	vmov v34;
	v34 =	vmov v36  }
.LBB2_14:
0xaa: {  	_ =	sdelay $0x3  }
0xab: {  	[tilespmem:v38+s21+$0x0] =	vst.idx.msk @p0 $0xffff, v37  }
0xac: {  	v36 =	vld.idx.msk [tilespmem:v34+s21+$0x0], $0xffff  }
0xad: {  	v37 =	vld.idx.msk [tilespmem:v34+s22+$0x0], $0xffff;
	_ =	sdelay $0x2  }
0xae: {  	v35 =	vor.u32 $0x3, v35;
	_ =	sdelay $0x1  }
0xaf: {  	v36 =	vadd.f32 v37, v36;
	_ =	sdelay $0x1  }
0xb0: {  	[tilespmem:v34+s21+$0x0] =	vst.idx.msk $0xffff, v36  }
0xb1: {  	v35 =	vld.idx.msk [tilespmem:v35+s21+$0x0], $0xffff;
	_ =	sdelay $0x4  }
0xb2: {  	v35 =	vmax.f32 v35, $1.000000000e+00  }
0xb3: {  	(erf) = vrcp.f32 v35;
	_ =	sdelay $0x8  }
0xb4: {  	v35 =	vpop (erf)  }
0xb5: {  	v35 =	vmul.f32 v35, v36;
	_ =	sdelay $0x1  }
0xb6: {  	[tilespmem:v34+s21+$0x0] =	vst.idx.msk $0xffff, v35  }
.LBB2_5:
0xb7: {  	s16 =	simm.s32 $0x0  }
0xb8: {  	v35 =	vld [tilespmem:s16+$0x0];
	_ =	sdelay $0x3  }
0xb9: {  	v34 =	vmov s2  }
0xba: {  	v35 =	vsub.s32 v35, v34  }
0xbb: {  	v35 =	vshll.u32 v35, $0x3;
	_ =	sdelay $0x3  }
0xbc: {  	v37 =	vld [tilespmem:s16+$0x2000]  }
0xbd: {  	v36 =	vld.idx.msk [tilespmem:v35+s21+$0x0], $0xffff;
	_ =	sdelay $0x2  }
0xbe: {  	v38 =	vor.u32 $0x1, v35;
	_ =	sdelay $0x1  }
0xbf: {  	v36 =	vsub.f32 v37, v36;
	_ =	sdelay $0x1  }
0xc0: {  	v51 =	vld [tilespmem:s16+$0x4000];
	[tilespmem:s16+$0x8000] =	vst v36  }
0xc1: {  	v36 =	vld.idx.msk [tilespmem:v38+s21+$0x0], $0xffff;
	_ =	sdelay $0x2  }
0xc2: {  	v35 =	vor.u32 $0x2, v35;
	_ =	sdelay $0x1  }
0xc3: {  	v52 =	vld [tilespmem:s16+$0x10];
	v36 =	vsub.f32 v51, v36;
	_ =	sdelay $0x1  }
0xc4: {  	v53 =	vld [tilespmem:s16+$0x6000];
	[tilespmem:s16+$0xA000] =	vst v36  }
0xc5: {  	v35 =	vld.idx.msk [tilespmem:v35+s21+$0x0], $0xffff;
	_ =	sdelay $0x1  }
0xc6: {  	v37 =	vsub.s32 v52, v34  }
0xc7: {  	v37 =	vshll.u32 v37, $0x3;
	_ =	sdelay $0x1  }
0xc8: {  	v35 =	vsub.f32 v53, v35;
	_ =	sdelay $0x1  }
0xc9: {  	v54 =	vld [tilespmem:s16+$0x2010];
	[tilespmem:s16+$0xC000] =	vst v35  }
0xca: {  	v35 =	vld.idx.msk [tilespmem:v37+s21+$0x0], $0xffff;
	_ =	sdelay $0x2  }
0xcb: {  	v55 =	vor.u32 $0x1, v37;
	_ =	sdelay $0x1  }
0xcc: {  	v35 =	vsub.f32 v54, v35;
	_ =	sdelay $0x1  }
0xcd: {  	v56 =	vld [tilespmem:s16+$0x4010];
	[tilespmem:s16+$0x8010] =	vst v35  }
0xce: {  	v35 =	vld.idx.msk [tilespmem:v55+s21+$0x0], $0xffff;
	_ =	sdelay $0x2  }
0xcf: {  	v37 =	vor.u32 $0x2, v37;
	_ =	sdelay $0x1  }
0xd0: {  	v57 =	vld [tilespmem:s16+$0x20];
	v35 =	vsub.f32 v56, v35;
	_ =	sdelay $0x1  }
0xd1: {  	v58 =	vld [tilespmem:s16+$0x6010];
	[tilespmem:s16+$0xA010] =	vst v35  }
0xd2: {  	v35 =	vld.idx.msk [tilespmem:v37+s21+$0x0], $0xffff;
	_ =	sdelay $0x1  }
0xd3: {  	v36 =	vsub.s32 v57, v34  }
0xd4: {  	v36 =	vshll.u32 v36, $0x3;
	_ =	sdelay $0x1  }
0xd5: {  	v35 =	vsub.f32 v58, v35;
	_ =	sdelay $0x1  }
0xd6: {  	v59 =	vld [tilespmem:s16+$0x2020];
	[tilespmem:s16+$0xC010] =	vst v35  }
0xd7: {  	v35 =	vld.idx.msk [tilespmem:v36+s21+$0x0], $0xffff;
	_ =	sdelay $0x2  }
0xd8: {  	v60 =	vor.u32 $0x1, v36;
	_ =	sdelay $0x1  }
0xd9: {  	v35 =	vsub.f32 v59, v35;
	_ =	sdelay $0x1  }
0xda: {  	v61 =	vld [tilespmem:s16+$0x4020];
	[tilespmem:s16+$0x8020] =	vst v35  }
0xdb: {  	v35 =	vld.idx.msk [tilespmem:v60+s21+$0x0], $0xffff;
	_ =	sdelay $0x2  }
0xdc: {  	v36 =	vor.u32 $0x2, v36;
	_ =	sdelay $0x1  }
0xdd: {  	v62 =	vld [tilespmem:s16+$0x30];
	v35 =	vsub.f32 v61, v35;
	_ =	sdelay $0x1  }
0xde: {  	v63 =	vld [tilespmem:s16+$0x6020];
	[tilespmem:s16+$0xA020] =	vst v35  }
0xdf: {  	v35 =	vld.idx.msk [tilespmem:v36+s21+$0x0], $0xffff;
	_ =	sdelay $0x1  }
0xe0: {  	v37 =	vsub.s32 v62, v34  }
0xe1: {  	v37 =	vshll.u32 v37, $0x3;
	_ =	sdelay $0x1  }
0xe2: {  	v35 =	vsub.f32 v63, v35;
	_ =	sdelay $0x1  }
0xe3: {  	v40 =	vld [tilespmem:s16+$0x2030];
	[tilespmem:s16+$0xC020] =	vst v35  }
0xe4: {  	v35 =	vld.idx.msk [tilespmem:v37+s21+$0x0], $0xffff;
	_ =	sdelay $0x2  }
0xe5: {  	v41 =	vor.u32 $0x1, v37;
	_ =	sdelay $0x1  }
0xe6: {  	v35 =	vsub.f32 v40, v35;
	_ =	sdelay $0x1  }
0xe7: {  	v42 =	vld [tilespmem:s16+$0x4030];
	[tilespmem:s16+$0x8030] =	vst v35  }
0xe8: {  	v35 =	vld.idx.msk [tilespmem:v41+s21+$0x0], $0xffff;
	_ =	sdelay $0x2  }
0xe9: {  	v37 =	vor.u32 $0x2, v37;
	_ =	sdelay $0x1  }
0xea: {  	v43 =	vld [tilespmem:s16+$0x40];
	v35 =	vsub.f32 v42, v35;
	_ =	sdelay $0x1  }
0xeb: {  	v44 =	vld [tilespmem:s16+$0x6030];
	[tilespmem:s16+$0xA030] =	vst v35  }
0xec: {  	v35 =	vld.idx.msk [tilespmem:v37+s21+$0x0], $0xffff;
	_ =	sdelay $0x1  }
0xed: {  	v36 =	vsub.s32 v43, v34  }
0xee: {  	v36 =	vshll.u32 v36, $0x3;
	_ =	sdelay $0x1  }
0xef: {  	v35 =	vsub.f32 v44, v35;
	_ =	sdelay $0x1  }
0xf0: {  	v45 =	vld [tilespmem:s16+$0x2040];
	[tilespmem:s16+$0xC030] =	vst v35  }
0xf1: {  	v35 =	vld.idx.msk [tilespmem:v36+s21+$0x0], $0xffff;
	_ =	sdelay $0x2  }
0xf2: {  	v46 =	vor.u32 $0x1, v36;
	_ =	sdelay $0x1  }
0xf3: {  	v35 =	vsub.f32 v45, v35;
	_ =	sdelay $0x1  }
0xf4: {  	v47 =	vld [tilespmem:s16+$0x4040];
	[tilespmem:s16+$0x8040] =	vst v35  }
0xf5: {  	v35 =	vld.idx.msk [tilespmem:v46+s21+$0x0], $0xffff;
	_ =	sdelay $0x2  }
0xf6: {  	v36 =	vor.u32 $0x2, v36;
	_ =	sdelay $0x1  }
0xf7: {  	v48 =	vld [tilespmem:s16+$0x50];
	v35 =	vsub.f32 v47, v35;
	_ =	sdelay $0x1  }
0xf8: {  	v49 =	vld [tilespmem:s16+$0x6040];
	[tilespmem:s16+$0xA040] =	vst v35  }
0xf9: {  	v35 =	vld.idx.msk [tilespmem:v36+s21+$0x0], $0xffff;
	_ =	sdelay $0x1  }
0xfa: {  	v37 =	vsub.s32 v48, v34  }
0xfb: {  	v37 =	vshll.u32 v37, $0x3;
	_ =	sdelay $0x1  }
0xfc: {  	v35 =	vsub.f32 v49, v35;
	_ =	sdelay $0x1  }
0xfd: {  	v50 =	vld [tilespmem:s16+$0x2050];
	[tilespmem:s16+$0xC040] =	vst v35  }
0xfe: {  	v35 =	vld.idx.msk [tilespmem:v37+s21+$0x0], $0xffff;
	_ =	sdelay $0x2  }
0xff: {  	v51 =	vor.u32 $0x1, v37;
	_ =	sdelay $0x1  }
0x100: {  	v35 =	vsub.f32 v50, v35;
	_ =	sdelay $0x1  }
0x101: {  	v52 =	vld [tilespmem:s16+$0x4050];
	[tilespmem:s16+$0x8050] =	vst v35  }
0x102: {  	v35 =	vld.idx.msk [tilespmem:v51+s21+$0x0], $0xffff;
	_ =	sdelay $0x2  }
0x103: {  	v37 =	vor.u32 $0x2, v37;
	_ =	sdelay $0x1  }
0x104: {  	v53 =	vld [tilespmem:s16+$0x60];
	v35 =	vsub.f32 v52, v35;
	_ =	sdelay $0x1  }
0x105: {  	v54 =	vld [tilespmem:s16+$0x6050];
	[tilespmem:s16+$0xA050] =	vst v35  }
0x106: {  	v35 =	vld.idx.msk [tilespmem:v37+s21+$0x0], $0xffff;
	_ =	sdelay $0x1  }
0x107: {  	v36 =	vsub.s32 v53, v34  }
0x108: {  	v36 =	vshll.u32 v36, $0x3;
	_ =	sdelay $0x1  }
0x109: {  	v35 =	vsub.f32 v54, v35;
	_ =	sdelay $0x1  }
0x10a: {  	v55 =	vld [tilespmem:s16+$0x2060];
	[tilespmem:s16+$0xC050] =	vst v35  }
0x10b: {  	v35 =	vld.idx.msk [tilespmem:v36+s21+$0x0], $0xffff;
	_ =	sdelay $0x2  }
0x10c: {  	v56 =	vor.u32 $0x1, v36;
	_ =	sdelay $0x1  }
0x10d: {  	v35 =	vsub.f32 v55, v35;
	_ =	sdelay $0x1  }
0x10e: {  	v57 =	vld [tilespmem:s16+$0x4060];
	[tilespmem:s16+$0x8060] =	vst v35  }
0x10f: {  	v35 =	vld.idx.msk [tilespmem:v56+s21+$0x0], $0xffff;
	_ =	sdelay $0x2  }
0x110: {  	v36 =	vor.u32 $0x2, v36;
	_ =	sdelay $0x1  }
0x111: {  	v58 =	vld [tilespmem:s16+$0x70];
	v35 =	vsub.f32 v57, v35;
	_ =	sdelay $0x1  }
0x112: {  	v59 =	vld [tilespmem:s16+$0x6060];
	[tilespmem:s16+$0xA060] =	vst v35  }
0x113: {  	v35 =	vld.idx.msk [tilespmem:v36+s21+$0x0], $0xffff;
	_ =	sdelay $0x1  }
0x114: {  	v37 =	vsub.s32 v58, v34  }
0x115: {  	v37 =	vshll.u32 v37, $0x3;
	_ =	sdelay $0x1  }
0x116: {  	v35 =	vsub.f32 v59, v35;
	_ =	sdelay $0x1  }
0x117: {  	v60 =	vld [tilespmem:s16+$0x2070];
	[tilespmem:s16+$0xC060] =	vst v35  }
0x118: {  	v35 =	vld.idx.msk [tilespmem:v37+s21+$0x0], $0xffff;
	_ =	sdelay $0x2  }
0x119: {  	v61 =	vor.u32 $0x1, v37;
	_ =	sdelay $0x1  }
0x11a: {  	v35 =	vsub.f32 v60, v35;
	_ =	sdelay $0x1  }
0x11b: {  	v63 =	vld [tilespmem:s16+$0x4070];
	[tilespmem:s16+$0x8070] =	vst v35  }
0x11c: {  	v62 =	vld.idx.msk [tilespmem:v61+s21+$0x0], $0xffff;
	_ =	sdelay $0x2  }
0x11d: {  	v35 =	vor.u32 $0x2, v37;
	_ =	sdelay $0x1  }
0x11e: {  	s2 =	simm.s32 $0x80;
	s31 =	simm.s32 $0x400;
	s4 =	smov.u32 s18;
	v36 =	vsub.f32 v63, v62  }
.LBB2_6:
0x11f: {  	p0 =	seq.s32 s31, $0x7E00;
	v37 =	vld [tilespmem:s2+$0x0]  }
0x120: {  	[tilespmem:s16+$0xA070] =	vst v36  }
0x121: {  	v35 =	vld.idx.msk [tilespmem:v35+s21+$0x0], $0xffff  }
0x122: {  	v36 =	vld [tilespmem:s16+$0x6070];
	_ =	sdelay $0x1  }
0x123: {  	v37 =	vsub.s32 v37, v34  }
0x124: {  	v37 =	vshll.u32 v37, $0x3;
	_ =	sdelay $0x1  }
0x125: {  	v35 =	vsub.f32 v36, v35;
	_ =	sdelay $0x1  }
0x126: {  	[tilespmem:s16+$0xC070] =	vst v35;
	s16 =	smov.u32 s2  }
0x127: {  	v35 =	vld.idx.msk [tilespmem:v37+s21+$0x0], $0xffff  }
0x128: {  	v36 =	vld [tilespmem:s16+$0x2000];
	_ =	sdelay $0x2  }
0x129: {  	v38 =	vor.u32 $0x1, v37;
	_ =	sdelay $0x1  }
0x12a: {  	v35 =	vsub.f32 v36, v35;
	_ =	sdelay $0x1  }
0x12b: {  	[tilespmem:s16+$0x8000] =	vst v35  }
0x12c: {  	v35 =	vld.idx.msk [tilespmem:v38+s21+$0x0], $0xffff  }
0x12d: {  	v36 =	vld [tilespmem:s16+$0x4000];
	_ =	sdelay $0x2  }
0x12e: {  	v37 =	vor.u32 $0x2, v37;
	_ =	sdelay $0x1  }
0x12f: {  	v35 =	vsub.f32 v36, v35  }
0x130: {  	v36 =	vld [tilespmem:s16+$0x10]  }
0x131: {  	[tilespmem:s16+$0xA000] =	vst v35  }
0x132: {  	v35 =	vld.idx.msk [tilespmem:v37+s21+$0x0], $0xffff  }
0x133: {  	v37 =	vld [tilespmem:s16+$0x6000];
	_ =	sdelay $0x1  }
0x134: {  	v36 =	vsub.s32 v36, v34  }
0x135: {  	v36 =	vshll.u32 v36, $0x3;
	_ =	sdelay $0x1  }
0x136: {  	v35 =	vsub.f32 v37, v35;
	_ =	sdelay $0x1  }
0x137: {  	[tilespmem:s16+$0xC000] =	vst v35  }
0x138: {  	v35 =	vld.idx.msk [tilespmem:v36+s21+$0x0], $0xffff  }
0x139: {  	v37 =	vld [tilespmem:s16+$0x2010];
	_ =	sdelay $0x2  }
0x13a: {  	v38 =	vor.u32 $0x1, v36;
	_ =	sdelay $0x1  }
0x13b: {  	v35 =	vsub.f32 v37, v35;
	_ =	sdelay $0x1  }
0x13c: {  	[tilespmem:s16+$0x8010] =	vst v35  }
0x13d: {  	v35 =	vld.idx.msk [tilespmem:v38+s21+$0x0], $0xffff  }
0x13e: {  	v37 =	vld [tilespmem:s16+$0x4010];
	_ =	sdelay $0x2  }
0x13f: {  	v36 =	vor.u32 $0x2, v36;
	_ =	sdelay $0x1  }
0x140: {  	v35 =	vsub.f32 v37, v35  }
0x141: {  	v37 =	vld [tilespmem:s16+$0x20]  }
0x142: {  	[tilespmem:s16+$0xA010] =	vst v35  }
0x143: {  	v35 =	vld.idx.msk [tilespmem:v36+s21+$0x0], $0xffff  }
0x144: {  	v36 =	vld [tilespmem:s16+$0x6010];
	_ =	sdelay $0x1  }
0x145: {  	v37 =	vsub.s32 v37, v34  }
0x146: {  	v37 =	vshll.u32 v37, $0x3;
	_ =	sdelay $0x1  }
0x147: {  	v35 =	vsub.f32 v36, v35;
	_ =	sdelay $0x1  }
0x148: {  	[tilespmem:s16+$0xC010] =	vst v35  }
0x149: {  	v35 =	vld.idx.msk [tilespmem:v37+s21+$0x0], $0xffff  }
0x14a: {  	v36 =	vld [tilespmem:s16+$0x2020];
	_ =	sdelay $0x2  }
0x14b: {  	v38 =	vor.u32 $0x1, v37;
	_ =	sdelay $0x1  }
0x14c: {  	v35 =	vsub.f32 v36, v35;
	_ =	sdelay $0x1  }
0x14d: {  	[tilespmem:s16+$0x8020] =	vst v35  }
0x14e: {  	v35 =	vld.idx.msk [tilespmem:v38+s21+$0x0], $0xffff  }
0x14f: {  	v36 =	vld [tilespmem:s16+$0x4020];
	_ =	sdelay $0x2  }
0x150: {  	v37 =	vor.u32 $0x2, v37;
	_ =	sdelay $0x1  }
0x151: {  	v35 =	vsub.f32 v36, v35  }
0x152: {  	v36 =	vld [tilespmem:s16+$0x30]  }
0x153: {  	[tilespmem:s16+$0xA020] =	vst v35  }
0x154: {  	v35 =	vld.idx.msk [tilespmem:v37+s21+$0x0], $0xffff  }
0x155: {  	v37 =	vld [tilespmem:s16+$0x6020];
	_ =	sdelay $0x1  }
0x156: {  	v36 =	vsub.s32 v36, v34  }
0x157: {  	v36 =	vshll.u32 v36, $0x3;
	_ =	sdelay $0x1  }
0x158: {  	v35 =	vsub.f32 v37, v35;
	_ =	sdelay $0x1  }
0x159: {  	[tilespmem:s16+$0xC020] =	vst v35  }
0x15a: {  	v35 =	vld.idx.msk [tilespmem:v36+s21+$0x0], $0xffff  }
0x15b: {  	v37 =	vld [tilespmem:s16+$0x2030];
	_ =	sdelay $0x2  }
0x15c: {  	v38 =	vor.u32 $0x1, v36;
	_ =	sdelay $0x1  }
0x15d: {  	v35 =	vsub.f32 v37, v35;
	_ =	sdelay $0x1  }
0x15e: {  	[tilespmem:s16+$0x8030] =	vst v35  }
0x15f: {  	v35 =	vld.idx.msk [tilespmem:v38+s21+$0x0], $0xffff  }
0x160: {  	v37 =	vld [tilespmem:s16+$0x4030];
	_ =	sdelay $0x2  }
0x161: {  	v36 =	vor.u32 $0x2, v36;
	_ =	sdelay $0x1  }
0x162: {  	v35 =	vsub.f32 v37, v35  }
0x163: {  	v37 =	vld [tilespmem:s16+$0x40]  }
0x164: {  	[tilespmem:s16+$0xA030] =	vst v35  }
0x165: {  	v35 =	vld.idx.msk [tilespmem:v36+s21+$0x0], $0xffff  }
0x166: {  	v36 =	vld [tilespmem:s16+$0x6030];
	_ =	sdelay $0x1  }
0x167: {  	v37 =	vsub.s32 v37, v34  }
0x168: {  	v37 =	vshll.u32 v37, $0x3;
	_ =	sdelay $0x1  }
0x169: {  	v35 =	vsub.f32 v36, v35;
	_ =	sdelay $0x1  }
0x16a: {  	[tilespmem:s16+$0xC030] =	vst v35  }
0x16b: {  	v35 =	vld.idx.msk [tilespmem:v37+s21+$0x0], $0xffff  }
0x16c: {  	v36 =	vld [tilespmem:s16+$0x2040];
	_ =	sdelay $0x2  }
0x16d: {  	v38 =	vor.u32 $0x1, v37;
	_ =	sdelay $0x1  }
0x16e: {  	v35 =	vsub.f32 v36, v35;
	_ =	sdelay $0x1  }
0x16f: {  	[tilespmem:s16+$0x8040] =	vst v35  }
0x170: {  	v35 =	vld.idx.msk [tilespmem:v38+s21+$0x0], $0xffff  }
0x171: {  	v36 =	vld [tilespmem:s16+$0x4040];
	_ =	sdelay $0x2  }
0x172: {  	v37 =	vor.u32 $0x2, v37;
	_ =	sdelay $0x1  }
0x173: {  	v35 =	vsub.f32 v36, v35  }
0x174: {  	v36 =	vld [tilespmem:s16+$0x50]  }
0x175: {  	[tilespmem:s16+$0xA040] =	vst v35  }
0x176: {  	v35 =	vld.idx.msk [tilespmem:v37+s21+$0x0], $0xffff  }
0x177: {  	v37 =	vld [tilespmem:s16+$0x6040];
	_ =	sdelay $0x1  }
0x178: {  	v36 =	vsub.s32 v36, v34  }
0x179: {  	v36 =	vshll.u32 v36, $0x3;
	_ =	sdelay $0x1  }
0x17a: {  	v35 =	vsub.f32 v37, v35;
	_ =	sdelay $0x1  }
0x17b: {  	[tilespmem:s16+$0xC040] =	vst v35  }
0x17c: {  	v35 =	vld.idx.msk [tilespmem:v36+s21+$0x0], $0xffff  }
0x17d: {  	v37 =	vld [tilespmem:s16+$0x2050];
	_ =	sdelay $0x2  }
0x17e: {  	v38 =	vor.u32 $0x1, v36;
	_ =	sdelay $0x1  }
0x17f: {  	v35 =	vsub.f32 v37, v35;
	_ =	sdelay $0x1  }
0x180: {  	[tilespmem:s16+$0x8050] =	vst v35  }
0x181: {  	v35 =	vld.idx.msk [tilespmem:v38+s21+$0x0], $0xffff  }
0x182: {  	v37 =	vld [tilespmem:s16+$0x4050];
	_ =	sdelay $0x2  }
0x183: {  	v36 =	vor.u32 $0x2, v36;
	_ =	sdelay $0x1  }
0x184: {  	v35 =	vsub.f32 v37, v35  }
0x185: {  	v37 =	vld [tilespmem:s16+$0x60]  }
0x186: {  	[tilespmem:s16+$0xA050] =	vst v35  }
0x187: {  	v35 =	vld.idx.msk [tilespmem:v36+s21+$0x0], $0xffff  }
0x188: {  	v36 =	vld [tilespmem:s16+$0x6050];
	_ =	sdelay $0x1  }
0x189: {  	v37 =	vsub.s32 v37, v34  }
0x18a: {  	v37 =	vshll.u32 v37, $0x3;
	_ =	sdelay $0x1  }
0x18b: {  	v35 =	vsub.f32 v36, v35;
	_ =	sdelay $0x1  }
0x18c: {  	[tilespmem:s16+$0xC050] =	vst v35  }
0x18d: {  	v35 =	vld.idx.msk [tilespmem:v37+s21+$0x0], $0xffff  }
0x18e: {  	v36 =	vld [tilespmem:s16+$0x2060];
	_ =	sdelay $0x2  }
0x18f: {  	v38 =	vor.u32 $0x1, v37;
	_ =	sdelay $0x1  }
0x190: {  	v35 =	vsub.f32 v36, v35;
	_ =	sdelay $0x1  }
0x191: {  	[tilespmem:s16+$0x8060] =	vst v35  }
0x192: {  	v35 =	vld.idx.msk [tilespmem:v38+s21+$0x0], $0xffff  }
0x193: {  	v36 =	vld [tilespmem:s16+$0x4060];
	_ =	sdelay $0x2  }
0x194: {  	v37 =	vor.u32 $0x2, v37;
	_ =	sdelay $0x1  }
0x195: {  	v35 =	vsub.f32 v36, v35  }
0x196: {  	v36 =	vld [tilespmem:s16+$0x70]  }
0x197: {  	[tilespmem:s16+$0xA060] =	vst v35  }
0x198: {  	v35 =	vld.idx.msk [tilespmem:v37+s21+$0x0], $0xffff  }
0x199: {  	v37 =	vld [tilespmem:s16+$0x6060];
	_ =	sdelay $0x1  }
0x19a: {  	v36 =	vsub.s32 v36, v34  }
0x19b: {  	v36 =	vshll.u32 v36, $0x3;
	_ =	sdelay $0x1  }
0x19c: {  	v35 =	vsub.f32 v37, v35;
	_ =	sdelay $0x1  }
0x19d: {  	[tilespmem:s16+$0xC060] =	vst v35  }
0x19e: {  	v35 =	vld.idx.msk [tilespmem:v36+s21+$0x0], $0xffff  }
0x19f: {  	v37 =	vld [tilespmem:s16+$0x2070];
	_ =	sdelay $0x2  }
0x1a0: {  	v38 =	vor.u32 $0x1, v36;
	_ =	sdelay $0x1  }
0x1a1: {  	v35 =	vsub.f32 v37, v35;
	_ =	sdelay $0x1  }
0x1a2: {  	[tilespmem:s16+$0x8070] =	vst v35  }
0x1a3: {  	v37 =	vld.idx.msk [tilespmem:v38+s21+$0x0], $0xffff  }
0x1a4: {  	v38 =	vld [tilespmem:s16+$0x4070]  }
.Ltmp10:
0x1a5: {  	(pc) =	sbr.rel @!p0 .LBB2_6-.Ltmp10, $3  }
0x1a6: {  	_ = 	snop  }
0x1a7: {  	v35 =	vor.u32 $0x2, v36;
	_ =	sdelay $0x1  }
0x1a8: {  	s2 =	sshra.s32 s31, $0x2;
	s31 =	sadd.s32 $0x200, s31;
	v36 =	vsub.f32 v38, v37  }
0x1a9: {  	_ =	sdelay $0x1  }
0x1aa: {  	v37 =	vld [tilespmem:s2+$0x0]  }
0x1ab: {  	v48 =	vld [tilespmem:s16+$0x6070];
	[tilespmem:s16+$0xA070] =	vst v36  }
0x1ac: {  	v35 =	vld.idx.msk [tilespmem:v35+s21+$0x0], $0xffff;
	_ =	sdelay $0x2  }
0x1ad: {  	v37 =	vsub.s32 v37, v34  }
0x1ae: {  	v37 =	vshll.u32 v37, $0x3  }
0x1af: {  	v35 =	vsub.f32 v48, v35;
	_ =	sdelay $0x1  }
0x1b0: {  	[tilespmem:s16+$0xC070] =	vst v35  }
0x1b1: {  	v49 =	vld [tilespmem:s2+$0x2000]  }
0x1b2: {  	v35 =	vld.idx.msk [tilespmem:v37+s21+$0x0], $0xffff;
	_ =	sdelay $0x2  }
0x1b3: {  	v38 =	vor.u32 $0x1, v37;
	_ =	sdelay $0x1  }
0x1b4: {  	v35 =	vsub.f32 v49, v35;
	_ =	sdelay $0x1  }
0x1b5: {  	v50 =	vld [tilespmem:s2+$0x4000];
	[tilespmem:s2+$0x8000] =	vst v35  }
0x1b6: {  	v35 =	vld.idx.msk [tilespmem:v38+s21+$0x0], $0xffff;
	_ =	sdelay $0x2  }
0x1b7: {  	v37 =	vor.u32 $0x2, v37;
	_ =	sdelay $0x1  }
0x1b8: {  	v51 =	vld [tilespmem:s2+$0x10];
	v35 =	vsub.f32 v50, v35;
	_ =	sdelay $0x1  }
0x1b9: {  	v52 =	vld [tilespmem:s2+$0x6000];
	[tilespmem:s2+$0xA000] =	vst v35  }
0x1ba: {  	v35 =	vld.idx.msk [tilespmem:v37+s21+$0x0], $0xffff;
	_ =	sdelay $0x1  }
0x1bb: {  	v36 =	vsub.s32 v51, v34  }
0x1bc: {  	v36 =	vshll.u32 v36, $0x3;
	_ =	sdelay $0x1  }
0x1bd: {  	v35 =	vsub.f32 v52, v35;
	_ =	sdelay $0x1  }
0x1be: {  	v53 =	vld [tilespmem:s2+$0x2010];
	[tilespmem:s2+$0xC000] =	vst v35  }
0x1bf: {  	v35 =	vld.idx.msk [tilespmem:v36+s21+$0x0], $0xffff;
	_ =	sdelay $0x2  }
0x1c0: {  	v54 =	vor.u32 $0x1, v36;
	_ =	sdelay $0x1  }
0x1c1: {  	v35 =	vsub.f32 v53, v35;
	_ =	sdelay $0x1  }
0x1c2: {  	v55 =	vld [tilespmem:s2+$0x4010];
	[tilespmem:s2+$0x8010] =	vst v35  }
0x1c3: {  	v35 =	vld.idx.msk [tilespmem:v54+s21+$0x0], $0xffff;
	_ =	sdelay $0x2  }
0x1c4: {  	v36 =	vor.u32 $0x2, v36;
	_ =	sdelay $0x1  }
0x1c5: {  	v56 =	vld [tilespmem:s2+$0x20];
	v35 =	vsub.f32 v55, v35;
	_ =	sdelay $0x1  }
0x1c6: {  	v57 =	vld [tilespmem:s2+$0x6010];
	[tilespmem:s2+$0xA010] =	vst v35  }
0x1c7: {  	v35 =	vld.idx.msk [tilespmem:v36+s21+$0x0], $0xffff;
	_ =	sdelay $0x1  }
0x1c8: {  	v37 =	vsub.s32 v56, v34  }
0x1c9: {  	v37 =	vshll.u32 v37, $0x3;
	_ =	sdelay $0x1  }
0x1ca: {  	v35 =	vsub.f32 v57, v35;
	_ =	sdelay $0x1  }
0x1cb: {  	v58 =	vld [tilespmem:s2+$0x2020];
	[tilespmem:s2+$0xC010] =	vst v35  }
0x1cc: {  	v35 =	vld.idx.msk [tilespmem:v37+s21+$0x0], $0xffff;
	_ =	sdelay $0x2  }
0x1cd: {  	v59 =	vor.u32 $0x1, v37;
	_ =	sdelay $0x1  }
0x1ce: {  	v35 =	vsub.f32 v58, v35;
	_ =	sdelay $0x1  }
0x1cf: {  	v60 =	vld [tilespmem:s2+$0x4020];
	[tilespmem:s2+$0x8020] =	vst v35  }
0x1d0: {  	v35 =	vld.idx.msk [tilespmem:v59+s21+$0x0], $0xffff;
	_ =	sdelay $0x2  }
0x1d1: {  	v37 =	vor.u32 $0x2, v37;
	_ =	sdelay $0x1  }
0x1d2: {  	v61 =	vld [tilespmem:s2+$0x30];
	v35 =	vsub.f32 v60, v35;
	_ =	sdelay $0x1  }
0x1d3: {  	v62 =	vld [tilespmem:s2+$0x6020];
	[tilespmem:s2+$0xA020] =	vst v35  }
0x1d4: {  	v35 =	vld.idx.msk [tilespmem:v37+s21+$0x0], $0xffff;
	_ =	sdelay $0x1  }
0x1d5: {  	v36 =	vsub.s32 v61, v34  }
0x1d6: {  	v36 =	vshll.u32 v36, $0x3;
	_ =	sdelay $0x1  }
0x1d7: {  	v35 =	vsub.f32 v62, v35;
	_ =	sdelay $0x1  }
0x1d8: {  	v63 =	vld [tilespmem:s2+$0x2030];
	[tilespmem:s2+$0xC020] =	vst v35  }
0x1d9: {  	v35 =	vld.idx.msk [tilespmem:v36+s21+$0x0], $0xffff;
	_ =	sdelay $0x2  }
0x1da: {  	v40 =	vor.u32 $0x1, v36;
	_ =	sdelay $0x1  }
0x1db: {  	v35 =	vsub.f32 v63, v35;
	_ =	sdelay $0x1  }
0x1dc: {  	v41 =	vld [tilespmem:s2+$0x4030];
	[tilespmem:s2+$0x8030] =	vst v35  }
0x1dd: {  	v35 =	vld.idx.msk [tilespmem:v40+s21+$0x0], $0xffff;
	_ =	sdelay $0x2  }
0x1de: {  	v36 =	vor.u32 $0x2, v36;
	_ =	sdelay $0x1  }
0x1df: {  	v42 =	vld [tilespmem:s2+$0x40];
	v35 =	vsub.f32 v41, v35;
	_ =	sdelay $0x1  }
0x1e0: {  	v43 =	vld [tilespmem:s2+$0x6030];
	[tilespmem:s2+$0xA030] =	vst v35  }
0x1e1: {  	v35 =	vld.idx.msk [tilespmem:v36+s21+$0x0], $0xffff;
	_ =	sdelay $0x1  }
0x1e2: {  	v37 =	vsub.s32 v42, v34  }
0x1e3: {  	v37 =	vshll.u32 v37, $0x3;
	_ =	sdelay $0x1  }
0x1e4: {  	v35 =	vsub.f32 v43, v35;
	_ =	sdelay $0x1  }
0x1e5: {  	v44 =	vld [tilespmem:s2+$0x2040];
	[tilespmem:s2+$0xC030] =	vst v35  }
0x1e6: {  	v35 =	vld.idx.msk [tilespmem:v37+s21+$0x0], $0xffff;
	_ =	sdelay $0x2  }
0x1e7: {  	v45 =	vor.u32 $0x1, v37;
	_ =	sdelay $0x1  }
0x1e8: {  	v35 =	vsub.f32 v44, v35;
	_ =	sdelay $0x1  }
0x1e9: {  	v46 =	vld [tilespmem:s2+$0x4040];
	[tilespmem:s2+$0x8040] =	vst v35  }
0x1ea: {  	v35 =	vld.idx.msk [tilespmem:v45+s21+$0x0], $0xffff;
	_ =	sdelay $0x2  }
0x1eb: {  	v37 =	vor.u32 $0x2, v37;
	_ =	sdelay $0x1  }
0x1ec: {  	v47 =	vld [tilespmem:s2+$0x50];
	v35 =	vsub.f32 v46, v35;
	_ =	sdelay $0x1  }
0x1ed: {  	v48 =	vld [tilespmem:s2+$0x6040];
	[tilespmem:s2+$0xA040] =	vst v35  }
0x1ee: {  	v35 =	vld.idx.msk [tilespmem:v37+s21+$0x0], $0xffff;
	_ =	sdelay $0x1  }
0x1ef: {  	v36 =	vsub.s32 v47, v34  }
0x1f0: {  	v36 =	vshll.u32 v36, $0x3;
	_ =	sdelay $0x1  }
0x1f1: {  	v35 =	vsub.f32 v48, v35;
	_ =	sdelay $0x1  }
0x1f2: {  	v49 =	vld [tilespmem:s2+$0x2050];
	[tilespmem:s2+$0xC040] =	vst v35  }
0x1f3: {  	v35 =	vld.idx.msk [tilespmem:v36+s21+$0x0], $0xffff;
	_ =	sdelay $0x2  }
0x1f4: {  	v50 =	vor.u32 $0x1, v36;
	_ =	sdelay $0x1  }
0x1f5: {  	v35 =	vsub.f32 v49, v35;
	_ =	sdelay $0x1  }
0x1f6: {  	v51 =	vld [tilespmem:s2+$0x4050];
	[tilespmem:s2+$0x8050] =	vst v35  }
0x1f7: {  	v35 =	vld.idx.msk [tilespmem:v50+s21+$0x0], $0xffff;
	_ =	sdelay $0x2  }
0x1f8: {  	v36 =	vor.u32 $0x2, v36;
	_ =	sdelay $0x1  }
0x1f9: {  	v52 =	vld [tilespmem:s2+$0x60];
	v35 =	vsub.f32 v51, v35;
	_ =	sdelay $0x1  }
0x1fa: {  	v53 =	vld [tilespmem:s2+$0x6050];
	[tilespmem:s2+$0xA050] =	vst v35  }
0x1fb: {  	v35 =	vld.idx.msk [tilespmem:v36+s21+$0x0], $0xffff;
	_ =	sdelay $0x1  }
0x1fc: {  	v37 =	vsub.s32 v52, v34  }
0x1fd: {  	v37 =	vshll.u32 v37, $0x3;
	_ =	sdelay $0x1  }
0x1fe: {  	v35 =	vsub.f32 v53, v35;
	_ =	sdelay $0x1  }
0x1ff: {  	v54 =	vld [tilespmem:s2+$0x2060];
	[tilespmem:s2+$0xC050] =	vst v35  }
0x200: {  	v35 =	vld.idx.msk [tilespmem:v37+s21+$0x0], $0xffff;
	_ =	sdelay $0x2  }
0x201: {  	v55 =	vor.u32 $0x1, v37;
	_ =	sdelay $0x1  }
0x202: {  	v35 =	vsub.f32 v54, v35;
	_ =	sdelay $0x1  }
0x203: {  	v56 =	vld [tilespmem:s2+$0x4060];
	[tilespmem:s2+$0x8060] =	vst v35  }
0x204: {  	v35 =	vld.idx.msk [tilespmem:v55+s21+$0x0], $0xffff;
	_ =	sdelay $0x2  }
0x205: {  	v37 =	vor.u32 $0x2, v37;
	_ =	sdelay $0x1  }
0x206: {  	v57 =	vld [tilespmem:s2+$0x70];
	v35 =	vsub.f32 v56, v35;
	_ =	sdelay $0x1  }
0x207: {  	v58 =	vld [tilespmem:s2+$0x6060];
	[tilespmem:s2+$0xA060] =	vst v35  }
0x208: {  	v35 =	vld.idx.msk [tilespmem:v37+s21+$0x0], $0xffff;
	_ =	sdelay $0x1  }
0x209: {  	v59 =	vsub.s32 v57, v34  }
0x20a: {  	v34 =	vshll.u32 v59, $0x3;
	_ =	sdelay $0x1  }
0x20b: {  	v35 =	vsub.f32 v58, v35;
	_ =	sdelay $0x1  }
0x20c: {  	v60 =	vld [tilespmem:s2+$0x2070];
	[tilespmem:s2+$0xC060] =	vst v35  }
0x20d: {  	v35 =	vld.idx.msk [tilespmem:v34+s21+$0x0], $0xffff;
	_ =	sdelay $0x2  }
0x20e: {  	v61 =	vor.u32 $0x1, v34;
	_ =	sdelay $0x1  }
0x20f: {  	v35 =	vsub.f32 v60, v35;
	_ =	sdelay $0x1  }
0x210: {  	v62 =	vld [tilespmem:s2+$0x4070];
	[tilespmem:s2+$0x8070] =	vst v35  }
0x211: {  	v35 =	vld.idx.msk [tilespmem:v61+s21+$0x0], $0xffff;
	_ =	sdelay $0x2  }
0x212: {  	v34 =	vor.u32 $0x2, v34;
	_ =	sdelay $0x1  }
0x213: {  	v35 =	vsub.f32 v62, v35;
	_ =	sdelay $0x1  }
0x214: {  	v63 =	vld [tilespmem:s2+$0x6070];
	[tilespmem:s2+$0xA070] =	vst v35  }
0x215: {  	v34 =	vld.idx.msk [tilespmem:v34+s21+$0x0], $0xffff;
	_ =	sdelay $0x2  }
.Ltmp11:
0x216: {  	_ = 	snop;
	(pc) =	sbr.rel .LBB2_18-.Ltmp11, $3  }
0x217: {  	_ = 	snop  }
0x218: {  	v34 =	vsub.f32 v63, v34;
	_ =	sdelay $0x1  }
0x219: {  	s18 =	simm.s32 $0x2000;
	[tilespmem:s2+$0xC070] =	vst v34  }
.LBB2_15:
0x21a: {  	s16 =	simm.s32 $0x0  }
0x21b: {  	[tilespmem:s28], [sflag:$0x1] =	stream.indirect.gather [hbm4b:s12+s26], $0x8, s16, s26, $0xb8;
	[tilespmem:$0x16800] =	vst v63  }
0x21c: {  	_ = 	snop  }
0x21d: {  	[tilespmem:s29], [sflag:$0x2] =	stream.indirect.gather [hbm4b:s15+s26], $0x8, s16, s26, $0xb8;
	[tilespmem:$0x16800] =	vst v63  }
0x21e: {  	_ =	swait.ge [sflag:s7], $0x400  }
0x21f: {  	[sflag:s7] =	ssyncset.done $0x0  }
0x220: {  	[sflag:s7] =	ssyncadd.s32 $0xFFFFFC00  }
0x221: {  	_ =	swait.ge [sflag:s30], $0x400  }
0x222: {  	[sflag:s30] =	ssyncset.done $0x0  }
0x223: {  	[sflag:s30] =	ssyncadd.s32 $0xFFFFFC00  }
0x224: {  	v34 =	vld.idx.msk [tilespmem:v3+s28+$0x0], $0xffff  }
0x225: {  	v35 =	vld.idx.msk [tilespmem:v3+s29+$0x0], $0xffff;
	_ =	sdelay $0x4  }
0x226: {  	v34 =	vadd.f32 v35, v34;
	_ =	sdelay $0x1  }
0x227: {  	v34 =	vmax.f32 v34, $1.000000000e+00  }
0x228: {  	v55 =	vld.idx.msk [tilespmem:v5+s29+$0x0], $0xffff;
	(erf) = vrcp.f32 v34  }
0x229: {  	v39 =	vld.idx.msk [tilespmem:v5+s28+$0x0], $0xffff  }
0x22a: {  	v43 =	vld.idx.msk [tilespmem:v0+s29+$0x0], $0xffff  }
0x22b: {  	v56 =	vld.idx.msk [tilespmem:v0+s28+$0x0], $0xffff  }
0x22c: {  	v40 =	vld.idx.msk [tilespmem:v4+s29+$0x0], $0xffff  }
0x22d: {  	v44 =	vld.idx.msk [tilespmem:v4+s28+$0x0], $0xffff;
	_ =	sdelay $0x1  }
0x22e: {  	v36 =	vld [tilespmem:s16+$0x2000]  }
0x22f: {  	v38 =	vld [tilespmem:s16+$0x6000];
	v34 =	vadd.f32 v43, v56  }
0x230: {  	v37 =	vld [tilespmem:s16+$0x4000];
	v35 =	vadd.f32 v55, v39;
	v51 =	vpop (erf)  }
0x231: {  	v40 =	vadd.f32 v40, v44;
	v34 =	vmul.f32 v51, v34  }
0x232: {  	v35 =	vmul.f32 v35, v51  }
0x233: {  	v57 =	vmul.f32 v40, v51;
	v34 =	vsub.f32 v36, v34  }
0x234: {  	v35 =	vsub.f32 v38, v35  }
0x235: {  	v58 =	vsub.f32 v37, v57;
	[tilespmem:s16+$0x8000] =	vst v34  }
0x236: {  	[tilespmem:s16+$0xC000] =	vst v35  }
0x237: {  	[tilespmem:s16+$0xA000] =	vst v58  }
0x238: {  	v34 =	vld.idx.msk [tilespmem:v6+s28+$0x0], $0xffff  }
0x239: {  	v35 =	vld.idx.msk [tilespmem:v6+s29+$0x0], $0xffff;
	_ =	sdelay $0x4  }
0x23a: {  	v34 =	vadd.f32 v35, v34;
	_ =	sdelay $0x1  }
0x23b: {  	v34 =	vmax.f32 v34, $1.000000000e+00  }
0x23c: {  	v59 =	vld.idx.msk [tilespmem:v9+s29+$0x0], $0xffff;
	(erf) = vrcp.f32 v34  }
0x23d: {  	v63 =	vld.idx.msk [tilespmem:v8+s29+$0x0], $0xffff  }
0x23e: {  	v60 =	vld.idx.msk [tilespmem:v7+s29+$0x0], $0xffff  }
0x23f: {  	v61 =	vld.idx.msk [tilespmem:v7+s28+$0x0], $0xffff  }
0x240: {  	v62 =	vld.idx.msk [tilespmem:v9+s28+$0x0], $0xffff  }
0x241: {  	v55 =	vld.idx.msk [tilespmem:v8+s28+$0x0], $0xffff;
	_ =	sdelay $0x1  }
0x242: {  	v41 =	vld [tilespmem:s16+$0x2010]  }
0x243: {  	v45 =	vld [tilespmem:s16+$0x6010];
	v36 =	vadd.f32 v60, v61  }
0x244: {  	v42 =	vld [tilespmem:s16+$0x4010];
	v35 =	vadd.f32 v59, v62;
	v56 =	vpop (erf)  }
0x245: {  	v55 =	vadd.f32 v63, v55;
	v36 =	vmul.f32 v56, v36  }
0x246: {  	v57 =	vmul.f32 v35, v56  }
0x247: {  	v55 =	vmul.f32 v55, v56;
	v41 =	vsub.f32 v41, v36  }
0x248: {  	v45 =	vsub.f32 v45, v57  }
0x249: {  	v42 =	vsub.f32 v42, v55;
	[tilespmem:s16+$0x8010] =	vst v41  }
0x24a: {  	[tilespmem:s16+$0xC010] =	vst v45  }
0x24b: {  	[tilespmem:s16+$0xA010] =	vst v42  }
0x24c: {  	v41 =	vld.idx.msk [tilespmem:v10+s28+$0x0], $0xffff  }
0x24d: {  	v42 =	vld.idx.msk [tilespmem:v10+s29+$0x0], $0xffff;
	_ =	sdelay $0x4  }
0x24e: {  	v41 =	vadd.f32 v42, v41;
	_ =	sdelay $0x1  }
0x24f: {  	v41 =	vmax.f32 v41, $1.000000000e+00  }
0x250: {  	v63 =	vld.idx.msk [tilespmem:v13+s29+$0x0], $0xffff;
	(erf) = vrcp.f32 v41  }
0x251: {  	v45 =	vld.idx.msk [tilespmem:v11+s29+$0x0], $0xffff  }
0x252: {  	v60 =	vld.idx.msk [tilespmem:v11+s28+$0x0], $0xffff  }
0x253: {  	v61 =	vld.idx.msk [tilespmem:v13+s28+$0x0], $0xffff  }
0x254: {  	v62 =	vld.idx.msk [tilespmem:v12+s28+$0x0], $0xffff  }
0x255: {  	v41 =	vld.idx.msk [tilespmem:v12+s29+$0x0], $0xffff;
	_ =	sdelay $0x1  }
0x256: {  	v46 =	vld [tilespmem:s16+$0x2020]  }
0x257: {  	v48 =	vld [tilespmem:s16+$0x6020];
	v45 =	vadd.f32 v45, v60  }
0x258: {  	v47 =	vld [tilespmem:s16+$0x4020];
	v42 =	vadd.f32 v63, v61;
	v63 =	vpop (erf)  }
0x259: {  	v41 =	vadd.f32 v41, v62;
	v45 =	vmul.f32 v63, v45  }
0x25a: {  	v42 =	vmul.f32 v42, v63  }
0x25b: {  	v41 =	vmul.f32 v41, v63;
	v45 =	vsub.f32 v46, v45  }
0x25c: {  	v42 =	vsub.f32 v48, v42  }
0x25d: {  	v41 =	vsub.f32 v47, v41;
	[tilespmem:s16+$0x8020] =	vst v45  }
0x25e: {  	[tilespmem:s16+$0xC020] =	vst v42  }
0x25f: {  	[tilespmem:s16+$0xA020] =	vst v41  }
0x260: {  	v41 =	vld.idx.msk [tilespmem:v14+s28+$0x0], $0xffff  }
0x261: {  	v42 =	vld.idx.msk [tilespmem:v14+s29+$0x0], $0xffff;
	_ =	sdelay $0x4  }
0x262: {  	v41 =	vadd.f32 v42, v41;
	_ =	sdelay $0x1  }
0x263: {  	v41 =	vmax.f32 v41, $1.000000000e+00  }
0x264: {  	v58 =	vld.idx.msk [tilespmem:v17+s29+$0x0], $0xffff;
	(erf) = vrcp.f32 v41  }
0x265: {  	v59 =	vld.idx.msk [tilespmem:v16+s29+$0x0], $0xffff  }
0x266: {  	v45 =	vld.idx.msk [tilespmem:v15+s29+$0x0], $0xffff  }
0x267: {  	v60 =	vld.idx.msk [tilespmem:v15+s28+$0x0], $0xffff  }
0x268: {  	v61 =	vld.idx.msk [tilespmem:v17+s28+$0x0], $0xffff  }
0x269: {  	v62 =	vld.idx.msk [tilespmem:v16+s28+$0x0], $0xffff;
	_ =	sdelay $0x1  }
0x26a: {  	v49 =	vld [tilespmem:s16+$0x2030]  }
0x26b: {  	v50 =	vld [tilespmem:s16+$0x6030];
	v45 =	vadd.f32 v45, v60  }
0x26c: {  	v43 =	vld [tilespmem:s16+$0x4030];
	v42 =	vadd.f32 v58, v61;
	v63 =	vpop (erf)  }
0x26d: {  	v41 =	vadd.f32 v59, v62;
	v45 =	vmul.f32 v63, v45  }
0x26e: {  	v42 =	vmul.f32 v42, v63  }
0x26f: {  	v41 =	vmul.f32 v41, v63;
	v45 =	vsub.f32 v49, v45  }
0x270: {  	v42 =	vsub.f32 v50, v42  }
0x271: {  	v41 =	vsub.f32 v43, v41;
	[tilespmem:s16+$0x8030] =	vst v45  }
0x272: {  	[tilespmem:s16+$0xC030] =	vst v42  }
0x273: {  	[tilespmem:s16+$0xA030] =	vst v41  }
0x274: {  	v41 =	vld.idx.msk [tilespmem:v18+s28+$0x0], $0xffff  }
0x275: {  	v42 =	vld.idx.msk [tilespmem:v18+s29+$0x0], $0xffff;
	_ =	sdelay $0x4  }
0x276: {  	v41 =	vadd.f32 v42, v41;
	_ =	sdelay $0x1  }
0x277: {  	v41 =	vmax.f32 v41, $1.000000000e+00  }
0x278: {  	v55 =	vld.idx.msk [tilespmem:v19+s28+$0x0], $0xffff;
	(erf) = vrcp.f32 v41  }
0x279: {  	v56 =	vld.idx.msk [tilespmem:v19+s29+$0x0], $0xffff  }
0x27a: {  	v57 =	vld.idx.msk [tilespmem:v20+s28+$0x0], $0xffff  }
0x27b: {  	v45 =	vld.idx.msk [tilespmem:v21+s29+$0x0], $0xffff  }
0x27c: {  	v58 =	vld.idx.msk [tilespmem:v21+s28+$0x0], $0xffff  }
0x27d: {  	v59 =	vld.idx.msk [tilespmem:v20+s29+$0x0], $0xffff;
	_ =	sdelay $0x1  }
0x27e: {  	v52 =	vld [tilespmem:s16+$0x2040]  }
0x27f: {  	v44 =	vld [tilespmem:s16+$0x6040];
	v41 =	vadd.f32 v56, v55  }
0x280: {  	v53 =	vld [tilespmem:s16+$0x4040];
	v60 =	vadd.f32 v45, v58;
	v61 =	vpop (erf)  }
0x281: {  	v43 =	vadd.f32 v59, v57;
	v41 =	vmul.f32 v61, v41  }
0x282: {  	v42 =	vmul.f32 v60, v61  }
0x283: {  	v43 =	vmul.f32 v43, v61;
	v41 =	vsub.f32 v52, v41  }
0x284: {  	v42 =	vsub.f32 v44, v42  }
0x285: {  	v43 =	vsub.f32 v53, v43;
	[tilespmem:s16+$0x8040] =	vst v41  }
0x286: {  	[tilespmem:s16+$0xC040] =	vst v42  }
0x287: {  	[tilespmem:s16+$0xA040] =	vst v43  }
0x288: {  	v41 =	vld.idx.msk [tilespmem:v22+s28+$0x0], $0xffff  }
0x289: {  	v42 =	vld.idx.msk [tilespmem:v22+s29+$0x0], $0xffff;
	_ =	sdelay $0x4  }
0x28a: {  	v41 =	vadd.f32 v42, v41;
	_ =	sdelay $0x1  }
0x28b: {  	v41 =	vmax.f32 v41, $1.000000000e+00  }
0x28c: {  	v62 =	vld.idx.msk [tilespmem:v23+s28+$0x0], $0xffff;
	(erf) = vrcp.f32 v41  }
0x28d: {  	v63 =	vld.idx.msk [tilespmem:v23+s29+$0x0], $0xffff  }
0x28e: {  	v43 =	vld.idx.msk [tilespmem:v24+s28+$0x0], $0xffff  }
0x28f: {  	v48 =	vld.idx.msk [tilespmem:v25+s28+$0x0], $0xffff  }
0x290: {  	v49 =	vld.idx.msk [tilespmem:v25+s29+$0x0], $0xffff  }
0x291: {  	v50 =	vld.idx.msk [tilespmem:v24+s29+$0x0], $0xffff;
	_ =	sdelay $0x1  }
0x292: {  	v39 =	vld [tilespmem:s16+$0x2050]  }
0x293: {  	v54 =	vld [tilespmem:s16+$0x6050];
	v41 =	vadd.f32 v63, v62  }
0x294: {  	v51 =	vld [tilespmem:s16+$0x4050];
	v52 =	vadd.f32 v49, v48;
	v53 =	vpop (erf)  }
0x295: {  	v43 =	vadd.f32 v50, v43;
	v41 =	vmul.f32 v53, v41  }
0x296: {  	v42 =	vmul.f32 v52, v53  }
0x297: {  	v43 =	vmul.f32 v43, v53;
	v39 =	vsub.f32 v39, v41  }
0x298: {  	v54 =	vsub.f32 v54, v42  }
0x299: {  	v55 =	vsub.f32 v51, v43;
	[tilespmem:s16+$0x8050] =	vst v39  }
0x29a: {  	[tilespmem:s16+$0xC050] =	vst v54  }
0x29b: {  	[tilespmem:s16+$0xA050] =	vst v55  }
0x29c: {  	v39 =	vld.idx.msk [tilespmem:v26+s28+$0x0], $0xffff  }
0x29d: {  	v41 =	vld.idx.msk [tilespmem:v26+s29+$0x0], $0xffff;
	_ =	sdelay $0x4  }
0x29e: {  	v39 =	vadd.f32 v41, v39;
	_ =	sdelay $0x1  }
0x29f: {  	v39 =	vmax.f32 v39, $1.000000000e+00  }
0x2a0: {  	v56 =	vld.idx.msk [tilespmem:v27+s28+$0x0], $0xffff;
	(erf) = vrcp.f32 v39  }
0x2a1: {  	v57 =	vld.idx.msk [tilespmem:v27+s29+$0x0], $0xffff  }
0x2a2: {  	v42 =	vld.idx.msk [tilespmem:v28+s28+$0x0], $0xffff  }
0x2a3: {  	v58 =	vld.idx.msk [tilespmem:v29+s29+$0x0], $0xffff  }
0x2a4: {  	v59 =	vld.idx.msk [tilespmem:v29+s28+$0x0], $0xffff  }
0x2a5: {  	v60 =	vld.idx.msk [tilespmem:v28+s29+$0x0], $0xffff;
	_ =	sdelay $0x1  }
0x2a6: {  	v37 =	vld [tilespmem:s16+$0x2060]  }
0x2a7: {  	v40 =	vld [tilespmem:s16+$0x6060];
	v39 =	vadd.f32 v57, v56  }
0x2a8: {  	v38 =	vld [tilespmem:s16+$0x4060];
	v61 =	vadd.f32 v58, v59;
	v62 =	vpop (erf)  }
0x2a9: {  	v42 =	vadd.f32 v60, v42;
	v39 =	vmul.f32 v62, v39  }
0x2aa: {  	v41 =	vmul.f32 v61, v62  }
0x2ab: {  	v42 =	vmul.f32 v42, v62;
	v37 =	vsub.f32 v37, v39  }
0x2ac: {  	v63 =	vsub.f32 v40, v41  }
0x2ad: {  	v34 =	vld [tilespmem:s16+$0x2070];
	v38 =	vsub.f32 v38, v42;
	[tilespmem:s16+$0x8060] =	vst v37  }
0x2ae: {  	v35 =	vld [tilespmem:s16+$0x4070];
	[tilespmem:s16+$0xC060] =	vst v63  }
0x2af: {  	v36 =	vld [tilespmem:s16+$0x6070];
	[tilespmem:s16+$0xA060] =	vst v38  }
0x2b0: {  	v37 =	vld.idx.msk [tilespmem:v30+s28+$0x0], $0xffff  }
0x2b1: {  	s31 =	simm.s32 $0x200;
	v38 =	vld.idx.msk [tilespmem:v30+s29+$0x0], $0xffff  }
.LBB2_16:
0x2b2: {  	p0 =	sne.s32 s31, $0x7E00;
	v39 =	vld.idx.msk [tilespmem:v31+s28+$0x0], $0xffff;
	s2 =	smov.u32 s31;
	s31 =	sadd.s32 $0x200, s31  }
0x2b3: {  	v40 =	vld.idx.msk [tilespmem:v31+s29+$0x0], $0xffff  }
0x2b4: {  	v41 =	vld.idx.msk [tilespmem:v32+s28+$0x0], $0xffff  }
0x2b5: {  	v42 =	vld.idx.msk [tilespmem:v32+s29+$0x0], $0xffff  }
0x2b6: {  	v43 =	vld.idx.msk [tilespmem:v33+s29+$0x0], $0xffff  }
0x2b7: {  	v37 =	vadd.f32 v38, v37;
	v38 =	vld.idx.msk [tilespmem:v33+s28+$0x0], $0xffff;
	_ =	sdelay $0x1  }
0x2b8: {  	v37 =	vmax.f32 v37, $1.000000000e+00;
	v39 =	vadd.f32 v40, v39  }
0x2b9: {  	(erf) = vrcp.f32 v37  }
0x2ba: {  	v37 =	vadd.f32 v42, v41;
	_ =	sdelay $0x6  }
0x2bb: {  	v38 =	vadd.f32 v43, v38  }
0x2bc: {  	v40 =	vpop (erf)  }
0x2bd: {  	v39 =	vmul.f32 v40, v39;
	v37 =	vmul.f32 v37, v40  }
0x2be: {  	v38 =	vmul.f32 v38, v40  }
0x2bf: {  	v34 =	vsub.f32 v34, v39;
	v35 =	vsub.f32 v35, v37  }
0x2c0: {  	v36 =	vsub.f32 v36, v38  }
0x2c1: {  	[tilespmem:s16+$0x8070] =	vst v34  }
0x2c2: {  	[tilespmem:s16+$0xC070] =	vst v36  }
0x2c3: {  	[tilespmem:s16+$0xA070] =	vst v35;
	s16 =	sshra.s32 s2, $0x2  }
0x2c4: {  	[tilespmem:s28], [sflag:$0x1] =	stream.indirect.gather [hbm4b:s12+s26], $0x8, s16, s26, $0xb8;
	[tilespmem:$0x16800] =	vst v63  }
0x2c5: {  	_ = 	snop  }
0x2c6: {  	[tilespmem:s29], [sflag:$0x2] =	stream.indirect.gather [hbm4b:s15+s26], $0x8, s16, s26, $0xb8;
	[tilespmem:$0x16800] =	vst v63  }
0x2c7: {  	_ =	swait.ge [sflag:s7], $0x400  }
0x2c8: {  	[sflag:s7] =	ssyncset.done $0x0  }
0x2c9: {  	[sflag:s7] =	ssyncadd.s32 $0xFFFFFC00  }
0x2ca: {  	_ =	swait.ge [sflag:s30], $0x400  }
0x2cb: {  	[sflag:s30] =	ssyncset.done $0x0  }
0x2cc: {  	[sflag:s30] =	ssyncadd.s32 $0xFFFFFC00  }
0x2cd: {  	v34 =	vld.idx.msk [tilespmem:v3+s28+$0x0], $0xffff  }
0x2ce: {  	v35 =	vld.idx.msk [tilespmem:v3+s29+$0x0], $0xffff  }
0x2cf: {  	v36 =	vld [tilespmem:s16+$0x2000]  }
0x2d0: {  	v37 =	vld [tilespmem:s16+$0x4000]  }
0x2d1: {  	v38 =	vld [tilespmem:s16+$0x6000]  }
0x2d2: {  	v52 =	vld [tilespmem:s16+$0x2010]  }
0x2d3: {  	v53 =	vld [tilespmem:s16+$0x4010]  }
0x2d4: {  	v34 =	vadd.f32 v35, v34;
	v35 =	vld.idx.msk [tilespmem:v5+s29+$0x0], $0xffff  }
0x2d5: {  	v39 =	vld.idx.msk [tilespmem:v5+s28+$0x0], $0xffff  }
0x2d6: {  	v34 =	vmax.f32 v34, $1.000000000e+00;
	v40 =	vld.idx.msk [tilespmem:v4+s29+$0x0], $0xffff  }
0x2d7: {  	v41 =	vld.idx.msk [tilespmem:v0+s29+$0x0], $0xffff;
	(erf) = vrcp.f32 v34  }
0x2d8: {  	v34 =	vld.idx.msk [tilespmem:v0+s28+$0x0], $0xffff  }
0x2d9: {  	v42 =	vld.idx.msk [tilespmem:v4+s28+$0x0], $0xffff  }
0x2da: {  	v54 =	vld [tilespmem:s16+$0x6010]  }
0x2db: {  	v49 =	vld [tilespmem:s16+$0x2020]  }
0x2dc: {  	v50 =	vld [tilespmem:s16+$0x4020]  }
0x2dd: {  	v51 =	vld [tilespmem:s16+$0x6020]  }
0x2de: {  	v34 =	vadd.f32 v41, v34;
	v46 =	vld [tilespmem:s16+$0x2030]  }
0x2df: {  	v35 =	vadd.f32 v35, v39;
	v40 =	vadd.f32 v40, v42;
	v47 =	vld [tilespmem:s16+$0x4030]  }
0x2e0: {  	v48 =	vld [tilespmem:s16+$0x6030];
	v39 =	vpop (erf)  }
0x2e1: {  	v34 =	vmul.f32 v39, v34;
	v40 =	vmul.f32 v40, v39;
	v43 =	vld [tilespmem:s16+$0x2040]  }
0x2e2: {  	v35 =	vmul.f32 v35, v39;
	v44 =	vld [tilespmem:s16+$0x4040]  }
0x2e3: {  	v34 =	vsub.f32 v36, v34;
	v36 =	vsub.f32 v37, v40;
	v45 =	vld [tilespmem:s16+$0x6040]  }
0x2e4: {  	v35 =	vsub.f32 v38, v35;
	v40 =	vld [tilespmem:s16+$0x2050]  }
0x2e5: {  	[tilespmem:s16+$0x8000] =	vst v34;
	v41 =	vld [tilespmem:s16+$0x4050]  }
0x2e6: {  	[tilespmem:s16+$0xC000] =	vst v35;
	v42 =	vld [tilespmem:s16+$0x6050]  }
0x2e7: {  	[tilespmem:s16+$0xA000] =	vst v36;
	v37 =	vld [tilespmem:s16+$0x2060]  }
0x2e8: {  	v55 =	vld.idx.msk [tilespmem:v6+s28+$0x0], $0xffff  }
0x2e9: {  	v56 =	vld.idx.msk [tilespmem:v6+s29+$0x0], $0xffff  }
0x2ea: {  	v38 =	vld [tilespmem:s16+$0x4060]  }
0x2eb: {  	v39 =	vld [tilespmem:s16+$0x6060]  }
0x2ec: {  	v34 =	vld [tilespmem:s16+$0x2070]  }
0x2ed: {  	v35 =	vld [tilespmem:s16+$0x4070]  }
0x2ee: {  	v36 =	vld [tilespmem:s16+$0x6070]  }
0x2ef: {  	v55 =	vadd.f32 v56, v55  }
0x2f0: {  	v56 =	vld.idx.msk [tilespmem:v9+s29+$0x0], $0xffff  }
0x2f1: {  	v55 =	vmax.f32 v55, $1.000000000e+00;
	v57 =	vld.idx.msk [tilespmem:v8+s29+$0x0], $0xffff  }
0x2f2: {  	v58 =	vld.idx.msk [tilespmem:v8+s28+$0x0], $0xffff;
	(erf) = vrcp.f32 v55  }
0x2f3: {  	v55 =	vld.idx.msk [tilespmem:v7+s29+$0x0], $0xffff  }
0x2f4: {  	v59 =	vld.idx.msk [tilespmem:v7+s28+$0x0], $0xffff  }
0x2f5: {  	v60 =	vld.idx.msk [tilespmem:v9+s28+$0x0], $0xffff;
	_ =	sdelay $0x2  }
0x2f6: {  	v57 =	vadd.f32 v57, v58;
	_ =	sdelay $0x1  }
0x2f7: {  	v55 =	vadd.f32 v55, v59  }
0x2f8: {  	v56 =	vadd.f32 v56, v60;
	v58 =	vpop (erf)  }
0x2f9: {  	v55 =	vmul.f32 v58, v55;
	v57 =	vmul.f32 v57, v58  }
0x2fa: {  	v56 =	vmul.f32 v56, v58  }
0x2fb: {  	v52 =	vsub.f32 v52, v55;
	v53 =	vsub.f32 v53, v57  }
0x2fc: {  	v54 =	vsub.f32 v54, v56  }
0x2fd: {  	[tilespmem:s16+$0x8010] =	vst v52  }
0x2fe: {  	[tilespmem:s16+$0xC010] =	vst v54  }
0x2ff: {  	[tilespmem:s16+$0xA010] =	vst v53  }
0x300: {  	v52 =	vld.idx.msk [tilespmem:v10+s28+$0x0], $0xffff  }
0x301: {  	v53 =	vld.idx.msk [tilespmem:v10+s29+$0x0], $0xffff;
	_ =	sdelay $0x5  }
0x302: {  	v52 =	vadd.f32 v53, v52  }
0x303: {  	v53 =	vld.idx.msk [tilespmem:v13+s29+$0x0], $0xffff  }
0x304: {  	v52 =	vmax.f32 v52, $1.000000000e+00;
	v54 =	vld.idx.msk [tilespmem:v12+s29+$0x0], $0xffff  }
0x305: {  	v55 =	vld.idx.msk [tilespmem:v12+s28+$0x0], $0xffff;
	(erf) = vrcp.f32 v52  }
0x306: {  	v52 =	vld.idx.msk [tilespmem:v11+s29+$0x0], $0xffff  }
0x307: {  	v56 =	vld.idx.msk [tilespmem:v11+s28+$0x0], $0xffff  }
0x308: {  	v57 =	vld.idx.msk [tilespmem:v13+s28+$0x0], $0xffff;
	_ =	sdelay $0x2  }
0x309: {  	v54 =	vadd.f32 v54, v55;
	_ =	sdelay $0x1  }
0x30a: {  	v52 =	vadd.f32 v52, v56  }
0x30b: {  	v53 =	vadd.f32 v53, v57;
	v55 =	vpop (erf)  }
0x30c: {  	v52 =	vmul.f32 v55, v52;
	v54 =	vmul.f32 v54, v55  }
0x30d: {  	v53 =	vmul.f32 v53, v55  }
0x30e: {  	v49 =	vsub.f32 v49, v52;
	v50 =	vsub.f32 v50, v54  }
0x30f: {  	v51 =	vsub.f32 v51, v53  }
0x310: {  	[tilespmem:s16+$0x8020] =	vst v49  }
0x311: {  	[tilespmem:s16+$0xC020] =	vst v51  }
0x312: {  	[tilespmem:s16+$0xA020] =	vst v50  }
0x313: {  	v49 =	vld.idx.msk [tilespmem:v14+s28+$0x0], $0xffff  }
0x314: {  	v50 =	vld.idx.msk [tilespmem:v14+s29+$0x0], $0xffff;
	_ =	sdelay $0x5  }
0x315: {  	v49 =	vadd.f32 v50, v49  }
0x316: {  	v50 =	vld.idx.msk [tilespmem:v17+s29+$0x0], $0xffff  }
0x317: {  	v49 =	vmax.f32 v49, $1.000000000e+00;
	v51 =	vld.idx.msk [tilespmem:v16+s29+$0x0], $0xffff  }
0x318: {  	v52 =	vld.idx.msk [tilespmem:v16+s28+$0x0], $0xffff;
	(erf) = vrcp.f32 v49  }
0x319: {  	v49 =	vld.idx.msk [tilespmem:v15+s29+$0x0], $0xffff  }
0x31a: {  	v53 =	vld.idx.msk [tilespmem:v15+s28+$0x0], $0xffff  }
0x31b: {  	v54 =	vld.idx.msk [tilespmem:v17+s28+$0x0], $0xffff;
	_ =	sdelay $0x2  }
0x31c: {  	v51 =	vadd.f32 v51, v52;
	_ =	sdelay $0x1  }
0x31d: {  	v49 =	vadd.f32 v49, v53  }
0x31e: {  	v50 =	vadd.f32 v50, v54;
	v52 =	vpop (erf)  }
0x31f: {  	v49 =	vmul.f32 v52, v49;
	v51 =	vmul.f32 v51, v52  }
0x320: {  	v50 =	vmul.f32 v50, v52  }
0x321: {  	v46 =	vsub.f32 v46, v49;
	v47 =	vsub.f32 v47, v51  }
0x322: {  	v48 =	vsub.f32 v48, v50  }
0x323: {  	[tilespmem:s16+$0x8030] =	vst v46  }
0x324: {  	[tilespmem:s16+$0xC030] =	vst v48  }
0x325: {  	[tilespmem:s16+$0xA030] =	vst v47  }
0x326: {  	v46 =	vld.idx.msk [tilespmem:v18+s28+$0x0], $0xffff  }
0x327: {  	v47 =	vld.idx.msk [tilespmem:v18+s29+$0x0], $0xffff  }
0x328: {  	v48 =	vld.idx.msk [tilespmem:v19+s28+$0x0], $0xffff  }
0x329: {  	v49 =	vld.idx.msk [tilespmem:v19+s29+$0x0], $0xffff  }
0x32a: {  	v50 =	vld.idx.msk [tilespmem:v20+s28+$0x0], $0xffff  }
0x32b: {  	v51 =	vld.idx.msk [tilespmem:v20+s29+$0x0], $0xffff  }
0x32c: {  	v52 =	vld.idx.msk [tilespmem:v21+s29+$0x0], $0xffff  }
0x32d: {  	v46 =	vadd.f32 v47, v46;
	v47 =	vld.idx.msk [tilespmem:v21+s28+$0x0], $0xffff;
	_ =	sdelay $0x1  }
0x32e: {  	v46 =	vmax.f32 v46, $1.000000000e+00;
	v48 =	vadd.f32 v49, v48  }
0x32f: {  	(erf) = vrcp.f32 v46  }
0x330: {  	v46 =	vadd.f32 v51, v50;
	_ =	sdelay $0x6  }
0x331: {  	v47 =	vadd.f32 v52, v47  }
0x332: {  	v49 =	vpop (erf)  }
0x333: {  	v48 =	vmul.f32 v49, v48;
	v46 =	vmul.f32 v46, v49  }
0x334: {  	v47 =	vmul.f32 v47, v49  }
0x335: {  	v43 =	vsub.f32 v43, v48;
	v44 =	vsub.f32 v44, v46  }
0x336: {  	v45 =	vsub.f32 v45, v47  }
0x337: {  	[tilespmem:s16+$0x8040] =	vst v43  }
0x338: {  	[tilespmem:s16+$0xC040] =	vst v45  }
0x339: {  	[tilespmem:s16+$0xA040] =	vst v44  }
0x33a: {  	v43 =	vld.idx.msk [tilespmem:v22+s28+$0x0], $0xffff  }
0x33b: {  	v44 =	vld.idx.msk [tilespmem:v22+s29+$0x0], $0xffff  }
0x33c: {  	v45 =	vld.idx.msk [tilespmem:v23+s28+$0x0], $0xffff  }
0x33d: {  	v46 =	vld.idx.msk [tilespmem:v23+s29+$0x0], $0xffff  }
0x33e: {  	v47 =	vld.idx.msk [tilespmem:v24+s28+$0x0], $0xffff  }
0x33f: {  	v48 =	vld.idx.msk [tilespmem:v24+s29+$0x0], $0xffff  }
0x340: {  	v49 =	vld.idx.msk [tilespmem:v25+s28+$0x0], $0xffff  }
0x341: {  	v43 =	vadd.f32 v44, v43;
	v44 =	vld.idx.msk [tilespmem:v25+s29+$0x0], $0xffff;
	_ =	sdelay $0x1  }
0x342: {  	v43 =	vmax.f32 v43, $1.000000000e+00;
	v45 =	vadd.f32 v46, v45  }
0x343: {  	(erf) = vrcp.f32 v43  }
0x344: {  	v43 =	vadd.f32 v48, v47;
	_ =	sdelay $0x1  }
0x345: {  	v44 =	vadd.f32 v44, v49;
	_ =	sdelay $0x5  }
0x346: {  	v46 =	vpop (erf)  }
0x347: {  	v45 =	vmul.f32 v46, v45;
	v43 =	vmul.f32 v43, v46  }
0x348: {  	v44 =	vmul.f32 v44, v46  }
0x349: {  	v40 =	vsub.f32 v40, v45;
	v41 =	vsub.f32 v41, v43  }
0x34a: {  	v42 =	vsub.f32 v42, v44  }
0x34b: {  	[tilespmem:s16+$0x8050] =	vst v40  }
0x34c: {  	[tilespmem:s16+$0xC050] =	vst v42  }
0x34d: {  	[tilespmem:s16+$0xA050] =	vst v41  }
0x34e: {  	v40 =	vld.idx.msk [tilespmem:v26+s28+$0x0], $0xffff  }
0x34f: {  	v41 =	vld.idx.msk [tilespmem:v26+s29+$0x0], $0xffff  }
0x350: {  	v42 =	vld.idx.msk [tilespmem:v27+s28+$0x0], $0xffff  }
0x351: {  	v43 =	vld.idx.msk [tilespmem:v27+s29+$0x0], $0xffff  }
0x352: {  	v44 =	vld.idx.msk [tilespmem:v28+s28+$0x0], $0xffff  }
0x353: {  	v45 =	vld.idx.msk [tilespmem:v28+s29+$0x0], $0xffff  }
0x354: {  	v46 =	vld.idx.msk [tilespmem:v29+s29+$0x0], $0xffff  }
0x355: {  	v40 =	vadd.f32 v41, v40;
	v41 =	vld.idx.msk [tilespmem:v29+s28+$0x0], $0xffff;
	_ =	sdelay $0x1  }
0x356: {  	v40 =	vmax.f32 v40, $1.000000000e+00;
	v42 =	vadd.f32 v43, v42  }
0x357: {  	(erf) = vrcp.f32 v40  }
0x358: {  	v40 =	vadd.f32 v45, v44;
	_ =	sdelay $0x6  }
0x359: {  	v41 =	vadd.f32 v46, v41  }
0x35a: {  	v43 =	vpop (erf)  }
0x35b: {  	v42 =	vmul.f32 v43, v42;
	v40 =	vmul.f32 v40, v43  }
0x35c: {  	v41 =	vmul.f32 v41, v43  }
0x35d: {  	v37 =	vsub.f32 v37, v42;
	v38 =	vsub.f32 v38, v40  }
0x35e: {  	v39 =	vsub.f32 v39, v41  }
.Ltmp12:
0x35f: {  	[tilespmem:s16+$0x8060] =	vst v37;
	(pc) =	sbr.rel @p0 .LBB2_16-.Ltmp12, $4  }
0x360: {  	[tilespmem:s16+$0xC060] =	vst v39  }
0x361: {  	[tilespmem:s16+$0xA060] =	vst v38  }
0x362: {  	v37 =	vld.idx.msk [tilespmem:v30+s28+$0x0], $0xffff  }
0x363: {  	v38 =	vld.idx.msk [tilespmem:v30+s29+$0x0], $0xffff  }
.Ltmp13:
0x364: {  	_ = 	snop;
	(pc) =	sbr.rel .LBB2_17-.Ltmp13, $1  }
0x365: {  	_ =	sdelay $0x3  }
.LBB2_9:
.Ltmp14:
0x366: {  	(pc) =	sbr.rel .LBB2_14-.Ltmp14, $2  }
0x367: {  	_ =	sdelay $0x2  }
0x368: {  	_ = 	snop  }
.LBB2_11:
.Ltmp15:
0x369: {  	(pc) =	sbr.rel .LBB2_14-.Ltmp15, $2  }
0x36a: {  	_ =	sdelay $0x2  }
0x36b: {  	v38 =	vmov v34;
	v34 =	vmov v36  }
.LBB2_20:
0x36c: {  	_ =	sfence.sel $0x180000  }
0x36d: {  	[bflag:$0x0] =	sbarrier.arrive $0xFFFF  }
0x36e: {  	_ =	strace $0x9000004A  }
0x36f: {  	s0 =	stileid.u32;
	[bflag:$0x2] =	sbarrier.arrive $0xFFFF  }
0x370: {  	p0 =	sne.s32 s0, $0x0;
	s0 =	rddreg [dreg:$0x3]  }
0x371: {  	s0 =	sadd.s32 @!p0 $0x100000, s0  }
0x372: {  	[sflag:s0] =	ssyncadd.tile.s32 @!p0 $0x1;
	_ =	shalt  }
.Lfunc_end2:
_tile_overlayer_lowered:
.L_overlay_start_2:
0x373: {  	(tag) =	ssettag $0x2  }
0x374: {  	s0 =	rddreg [dreg:$0x0];
	s2 =	stileid.u32  }
0x375: {  	s1 =	rddreg [dreg:$0x1];
	p0 =	sne.s32 s2, $0x0  }
0x376: {  	s3 =	rddreg [dreg:$0x2];
	[bflag:$0x3] =	sbarrier.arrive $0xFFFF;
	s2 =	simm.s32 @!p0 $0x1C03  }
0x377: {  	[timem:s3], [sflag:s2] =	dma.local @!p0 [hbm:s0], s1  }
0x378: {  	s0 =	simm.s32 @!p0 $0x3  }
0x379: {  	_ =	swait.ge @!p0 [sflag:s0], s1  }
0x37a: {  	s1 =	ssub.s32 @!p0 $0x0, s1;
	[sflag:s0] =	ssyncset.done @!p0 $0x0  }
0x37b: {  	[sflag:s0] =	ssyncadd.s32 @!p0 s1  }
0x37c: {  	[bflag:$0x3] =	sbarrier.arrive $0xFFFF  }
0x37d: {  	_ =	shalt  }

</sc_bundles>
